<compile_context>
chip_gen: v7x
topology: tpu7x:2x2x1
jax: 0.10.2.dev20260603
libtpu: 0.0.44.dev20260713+nightly
codegen_flags: <defaults>
</compile_context>

<pallas_src>
import functools

import jax
import jax.numpy as jnp
from jax import lax
from jax.experimental import pallas as pl
from jax.experimental.pallas import tpu as pltpu
from jax.experimental.pallas import tpu_sc as plsc

N = 10000
E = 320000
D = 128
DH = D // 2
EPS = 1e-5

NC = 2
NS = 16

CHUNK = 80
EDGES_PER_TILE = E // NS
CHUNKS_PER_TILE = EDGES_PER_TILE // CHUNK

ACH = 128
ECHUNK = 320
ROWS_A = E // ECHUNK
BASE_A = ROWS_A // NS
AMAX = BASE_A + 1

ROWS_MAIN = 624
TAIL_BASE = ROWS_MAIN * NS
TAIL = N - TAIL_BASE
ROWS_STAGE = 104

_MESH = plsc.VectorSubcoreMesh(
    core_axis_name="c", subcore_axis_name="s", num_cores=NC, num_subcores=NS
)


def _rows_copy(src, dst, s, stage, tailbuf):
    base = pl.multiple_of(s * ROWS_MAIN, 8)
    pltpu.sync_copy(src.at[pl.ds(base, ROWS_MAIN)], stage)
    pltpu.sync_copy(stage, dst.at[pl.ds(base, ROWS_MAIN)])

    @pl.when(s == NS - 1)
    def _():
        pltpu.sync_copy(src.at[pl.ds(TAIL_BASE, TAIL)],
                        tailbuf.at[pl.ds(0, TAIL)])
        pltpu.sync_copy(tailbuf.at[pl.ds(0, TAIL)],
                        dst.at[pl.ds(TAIL_BASE, TAIL)])


@functools.partial(
    pl.kernel,
    out_type=(jax.ShapeDtypeStruct((N,), jnp.float32),
              jax.ShapeDtypeStruct((N,), jnp.float32)),
    mesh=_MESH,
    compiler_params=pltpu.CompilerParams(use_tc_tiling_on_sc=False),
    scratch_types=[
        pltpu.VMEM((CHUNKS_PER_TILE, CHUNK), jnp.int32),
        pltpu.VMEM((CHUNK,), jnp.float32),
        pltpu.VMEM((ROWS_MAIN,), jnp.float32),
        pltpu.VMEM((TAIL,), jnp.float32),
        pltpu.VMEM_SHARED((N,), jnp.float32),
        pltpu.SemaphoreType.DMA,
    ],
)
def _sc_count(edge_hbm, zeros_hbm, cs_out, cd_out, ibuf, ones_v,
              stage, tailbuf, cnt_sh, sem):
    c = lax.axis_index("c")
    s = lax.axis_index("s")
    _rows_copy(zeros_hbm, cnt_sh, s, stage, tailbuf)
    for i in range(CHUNK // 16):
        ones_v[pl.ds(i * 16, 16)] = jnp.full((16,), 1.0, jnp.float32)
    rbase = s * CHUNKS_PER_TILE

    pltpu.sync_copy(edge_hbm.at[c].at[pl.ds(rbase, CHUNKS_PER_TILE)], ibuf)
    plsc.subcore_barrier()

    k = 10

    def group(g, _):
        for b in range(k):
            pltpu.async_copy(ones_v, cnt_sh.at[ibuf.at[g * k + b]], sem,
                             add=True)
        for b in range(k):
            pltpu.make_async_copy(
                ones_v, cnt_sh.at[ibuf.at[g * k + b]], sem).wait()
        return ()

    lax.fori_loop(0, CHUNKS_PER_TILE // k, group, ())

    plsc.subcore_barrier()

    @pl.when(c == 0)
    def _():
        _rows_copy(cnt_sh, cs_out, s, stage, tailbuf)

    @pl.when(c == 1)
    def _():
        _rows_copy(cnt_sh, cd_out, s, stage, tailbuf)


def _make_agg(dh):
    @functools.partial(
        pl.kernel,
        out_type=jax.ShapeDtypeStruct((N, 2 * dh), jnp.float32),
        mesh=_MESH,
        compiler_params=pltpu.CompilerParams(use_tc_tiling_on_sc=False),
        scratch_types=[
            pltpu.VMEM((AMAX, ECHUNK), jnp.int32),
            pltpu.VMEM((AMAX, ECHUNK), jnp.int32),
            [pltpu.VMEM((ECHUNK, dh), jnp.float32) for _ in range(2)],
            pltpu.VMEM((ROWS_STAGE, dh), jnp.float32),
            pltpu.VMEM_SHARED((N, dh), jnp.float32),
            pltpu.SemaphoreType.DMA,
            pltpu.SemaphoreType.DMA,
        ],
    )
    def agg(q_hbm, gsrc_hbm, gdst_hbm, zeros_hbm, out_hbm, sbuf, dbuf, rows,
            stage, acc_sh, semg, sems):
        c = lax.axis_index("c")
        s = lax.axis_index("s")

        pltpu.sync_copy(zeros_hbm.at[pl.ds(0, ROWS_STAGE)], stage)
        for j in range(ROWS_MAIN // ROWS_STAGE):
            pltpu.sync_copy(
                stage, acc_sh.at[pl.ds(s * ROWS_MAIN + j * ROWS_STAGE,
                                       ROWS_STAGE)])

        @pl.when(s == NS - 1)
        def _():
            pltpu.sync_copy(stage.at[pl.ds(0, TAIL)],
                            acc_sh.at[pl.ds(TAIL_BASE, TAIL)])

        cnt = BASE_A + jnp.where(s < ROWS_A - BASE_A * NS, 1, 0)
        rbase = s * BASE_A + jnp.minimum(s, ROWS_A - BASE_A * NS)
        src_hbm = gsrc_hbm.at[c]
        dst_hbm = gdst_hbm
        pltpu.sync_copy(src_hbm.at[pl.ds(rbase, BASE_A)],
                        sbuf.at[pl.ds(0, BASE_A)])
        pltpu.sync_copy(dst_hbm.at[pl.ds(rbase, BASE_A)],
                        dbuf.at[pl.ds(0, BASE_A)])

        @pl.when(cnt == AMAX)
        def _():
            pltpu.sync_copy(src_hbm.at[pl.ds(rbase + BASE_A, 1)],
                            sbuf.at[pl.ds(BASE_A, 1)])
            pltpu.sync_copy(dst_hbm.at[pl.ds(rbase + BASE_A, 1)],
                            dbuf.at[pl.ds(BASE_A, 1)])

        plsc.subcore_barrier()

        myq = q_hbm
        NB = 2

        for t in range(NB - 1):
            pltpu.async_copy(myq.at[sbuf.at[t]], rows[t], semg)

        def group(g, _):
            for b in range(NB):
                t = NB * g + b

                @pl.when(t < cnt)
                def _():
                    pltpu.make_async_copy(
                        myq.at[sbuf.at[t]], rows[b], semg).wait()
                    pltpu.async_copy(rows[b], acc_sh.at[dbuf.at[t]], sems,
                                     add=True)

                @pl.when((t >= 1) & (t <= cnt))
                def _():
                    pltpu.make_async_copy(
                        rows[(b + NB - 1) % NB],
                        acc_sh.at[dbuf.at[t - 1]], sems).wait()

                @pl.when(t + NB - 1 < cnt)
                def _():
                    pltpu.async_copy(
                        myq.at[sbuf.at[t + NB - 1]], rows[(b + NB - 1) % NB],
                        semg)
            return ()

        lax.fori_loop(0, (AMAX + NB) // NB, group, ())
        plsc.subcore_barrier()

        cd0 = c * dh
        for j in range(ROWS_MAIN // ROWS_STAGE):
            base = s * ROWS_MAIN + j * ROWS_STAGE
            pltpu.sync_copy(acc_sh.at[pl.ds(base, ROWS_STAGE)], stage)
            pltpu.sync_copy(stage, out_hbm.at[pl.ds(base, ROWS_STAGE),
                                              pl.ds(cd0, dh)])

        @pl.when(s == NS - 1)
        def _():
            pltpu.sync_copy(acc_sh.at[pl.ds(TAIL_BASE, TAIL)],
                            rows[0].at[pl.ds(0, TAIL)])
            pltpu.sync_copy(rows[0].at[pl.ds(0, TAIL)],
                            out_hbm.at[pl.ds(TAIL_BASE, TAIL),
                                       pl.ds(cd0, dh)])

    return agg


_sc_agg = _make_agg(DH)
_sc_agg_narrow = _make_agg(32)


def _inv_sqrt_deg(cnt_ref):
    return lax.rsqrt(jnp.maximum(cnt_ref[...], 1.0)).reshape(N, 1)


def _split_store(q_ref, h):
    q_ref[...] = h


def _packed_concat(g_ref):
    return g_ref[...]


def _tc_first_body(feat_ref, w_ref, co_ref, q_ref):
    inv_out = _inv_sqrt_deg(co_ref)
    h = jnp.dot(feat_ref[...], w_ref[...],
                preferred_element_type=jnp.float32) * inv_out
    _split_store(q_ref, h)


def _tc_mid_body(g_ref, co_ref, ci_ref, gamma_ref, beta_ref, w_ref, q_ref, *,
                 matmul):
    inv_in = _inv_sqrt_deg(ci_ref)
    inv_out = _inv_sqrt_deg(co_ref)
    g = _packed_concat(g_ref)
    z = g * inv_in
    m = jnp.mean(z, axis=0, keepdims=True)
    d = z - m
    v = jnp.mean(d * d, axis=0, keepdims=True)
    h = d * lax.rsqrt(v + EPS) * gamma_ref[...] + beta_ref[...]
    h = jnp.maximum(h, 0.0)
    if matmul:
        h = jnp.dot(h, w_ref[...], preferred_element_type=jnp.float32)
    _split_store(q_ref, h * inv_out)


def _tc_last_body(g_ref, ci_ref, b_ref, out_ref):
    inv_in = _inv_sqrt_deg(ci_ref)
    g = _packed_concat(g_ref)
    z = g * inv_in
    out_ref[...] = z[:, :40] + b_ref[...]


_SPLIT = jax.ShapeDtypeStruct((N, D), jnp.float32)
_SPLIT32 = jax.ShapeDtypeStruct((N, 64), jnp.float32)

_tc_first = pl.pallas_call(_tc_first_body, out_shape=_SPLIT)

_tc_mid = pl.pallas_call(
    functools.partial(_tc_mid_body, matmul=True), out_shape=_SPLIT)

_tc_mid_narrow = pl.pallas_call(
    functools.partial(_tc_mid_body, matmul=True), out_shape=_SPLIT32)

_tc_last = pl.pallas_call(
    _tc_last_body, out_shape=jax.ShapeDtypeStruct((N, 40), jnp.float32))


def kernel(feat, edge_index, W0, W1, W2, b2, gamma0, beta0, gamma1, beta1):
    edge80 = edge_index.reshape(NC, E // CHUNK, CHUNK)
    src1 = edge_index[0]
    gsrc = jnp.stack([src1 * 2, src1 * 2 + 1]).reshape(NC, ROWS_A, ECHUNK)
    gdst = edge_index[1].reshape(ROWS_A, ECHUNK)
    zeros1 = jnp.zeros((N,), jnp.float32)
    zerosH = jnp.zeros((N, DH), jnp.float32)
    zerosQ = jnp.zeros((N, 32), jnp.float32)
    W2pad = jnp.pad(W2, ((0, 0), (0, 64 - W2.shape[1])))

    co, ci = _sc_count(edge80, zeros1)
    q0 = _tc_first(feat, W0, co)
    g0 = _sc_agg(q0.reshape(2 * N, DH), gsrc, gdst, zerosH)
    q1 = _tc_mid(g0, co, ci, gamma0, beta0, W1)
    g1 = _sc_agg(q1.reshape(2 * N, DH), gsrc, gdst, zerosH)
    y2 = _tc_mid_narrow(g1, co, ci, gamma1, beta1, W2pad)
    g2 = _sc_agg_narrow(y2.reshape(2 * N, 32), gsrc, gdst, zerosQ)
    out = _tc_last(g2, ci, b2)
    return out

# --- scband reference (transcript-rebuilt; emitter-appended) ---
"""Pipeline reference for scband-gcn-41154376630597 (READ-ONLY COPY).

The authoritative reference and input builder live on the scoring server;
editing this copy changes nothing except your own understanding.
"""

import jax, jax.numpy as jnp
import numpy as np

N = 10000
E = 320000
D_IN = 128
D_HID = 128
N_CLASSES = 40
EPS = 1e-5


def setup_inputs(seed: int = 0) -> dict:
    key = jax.random.key(seed)
    ks = jax.random.split(key, 6)
    feat = jax.random.normal(ks[0], (N, D_IN), dtype=jnp.float32)
    edge_index = jax.random.randint(ks[1], (2, E), 0, N, dtype=jnp.int32)
    W0 = jax.random.normal(ks[2], (D_IN, D_HID), dtype=jnp.float32) / jnp.sqrt(D_IN)
    W1 = jax.random.normal(ks[3], (D_HID, D_HID), dtype=jnp.float32) / jnp.sqrt(D_HID)
    W2 = jax.random.normal(ks[4], (D_HID, N_CLASSES), dtype=jnp.float32) / jnp.sqrt(D_HID)
    b2 = jnp.zeros((N_CLASSES,), dtype=jnp.float32)
    gamma0 = jnp.ones((D_HID,), dtype=jnp.float32)
    beta0 = jnp.zeros((D_HID,), dtype=jnp.float32)
    gamma1 = jnp.ones((D_HID,), dtype=jnp.float32)
    beta1 = jnp.zeros((D_HID,), dtype=jnp.float32)
    return {"feat": feat, "edge_index": edge_index, "W0": W0, "W1": W1, "W2": W2,
            "b2": b2, "gamma0": gamma0, "beta0": beta0, "gamma1": gamma1, "beta1": beta1}


def _graph_conv(h, src, dst, inv_sqrt_out, inv_sqrt_in, W, b=None):
    # DGL GraphConv with norm='both': D_dst^{-1/2} A D_src^{-1/2} X W (+ b)
    h = h * inv_sqrt_out[:, None]
    msg = jnp.take(h, src, axis=0)
    agg = jax.ops.segment_sum(msg, dst, num_segments=N)
    agg = agg * inv_sqrt_in[:, None]
    out = agg @ W
    if b is not None:
        out = out + b
    return out


def _batch_norm(h, gamma, beta):
    mean = jnp.mean(h, axis=0)
    var = jnp.var(h, axis=0)
    return (h - mean) / jnp.sqrt(var + EPS) * gamma + beta


def reference(feat, edge_index, W0, W1, W2, b2, gamma0, beta0, gamma1, beta1):
    src = edge_index[0]
    dst = edge_index[1]
    deg_out = jnp.clip(jnp.bincount(src, length=N), 1).astype(jnp.float32)
    deg_in = jnp.clip(jnp.bincount(dst, length=N), 1).astype(jnp.float32)
    inv_sqrt_out = deg_out ** -0.5
    inv_sqrt_in = deg_in ** -0.5
    h = feat  # input_drop / dropout are identity in eval mode
    # layer 0
    h = _graph_conv(h, src, dst, inv_sqrt_out, inv_sqrt_in, W0, None)
    h = _batch_norm(h, gamma0, beta0)
    h = jax.nn.relu(h)
    # layer 1
    h = _graph_conv(h, src, dst, inv_sqrt_out, inv_sqrt_in, W1, None)
    h = _batch_norm(h, gamma1, beta1)
    h = jax.nn.relu(h)
    # layer 2 (bias on final layer)
    h = _graph_conv(h, src, dst, inv_sqrt_out, inv_sqrt_in, W2, b2)
    return h

if __name__ == "__main__":
    import jax
    _d = setup_inputs()
    print(jax.jit(kernel)(*tuple(_d.values())))

</pallas_src>

<mosaic_0001>
#map = affine_map<(d0, d1) -> (0, 0)>
#map1 = affine_map<(d0, d1) -> (0, 0, 0)>
module attributes {stable_mosaic.version = 14 : i64} {
  func.func @agg(%arg0: i32, %arg1: i32, %arg2: memref<20000x64xf32, #tpu.memory_space<hbm>>, %arg3: memref<2x1000x320xi32, #tpu.memory_space<hbm>>, %arg4: memref<1000x320xi32, #tpu.memory_space<hbm>>, %arg5: memref<10000x64xf32, #tpu.memory_space<hbm>>, %arg6: memref<10000x128xf32, #tpu.memory_space<hbm>>, %arg7: memref<63x320xi32, #tpu.memory_space<vmem>>, %arg8: memref<63x320xi32, #tpu.memory_space<vmem>>, %arg9: memref<320x64xf32, #tpu.memory_space<vmem>>, %arg10: memref<320x64xf32, #tpu.memory_space<vmem>>, %arg11: memref<104x64xf32, #tpu.memory_space<vmem>>, %arg12: memref<10000x64xf32, #tpu.memory_space<vmem_shared>>, %arg13: memref<!tpu.dma_semaphore, #tpu.memory_space<semaphore_mem>>, %arg14: memref<!tpu.dma_semaphore, #tpu.memory_space<semaphore_mem>>) attributes {dimension_semantics = [#tpu.dimension_semantics<core_parallel>, #tpu.dimension_semantics<subcore_parallel>], iteration_bounds = array<i64: 2, 16>, scalar_prefetch = 0 : i64, scratch_operands = 8 : i64, tpu.core_type = #tpu.core_type<sc_vector_subcore>, window_params = [{transform_indices = #map}, {transform_indices = #map1}, {transform_indices = #map}, {transform_indices = #map}, {transform_indices = #map}]} {
    "tpu.region"() ({
      %run_scoped3A = tpu.sem_alloc : memref<!tpu.dma_semaphore, #tpu.memory_space<semaphore_mem>>
      %dma_start3A_79 = arith.constant 0 : i32
      %dma_start3A_80 = arith.constant 0 : i32
      %dma_start3A_81 = tpu.memref_slice %arg5[%dma_start3A_79, %dma_start3A_80] : memref<10000x64xf32, #tpu.memory_space<hbm>> -> memref<104x64xf32, #tpu.memory_space<hbm>>
      %dma_start3A_82 = arith.constant 0 : i32
      %dma_start3A_83 = arith.constant 0 : i32
      %dma_start3A_84 = tpu.memref_slice %arg5[%dma_start3A_82, %dma_start3A_83] : memref<10000x64xf32, #tpu.memory_space<hbm>> -> memref<104x64xf32, #tpu.memory_space<hbm>>
      tpu.enqueue_dma source(%dma_start3A_84 : memref<104x64xf32, #tpu.memory_space<hbm>>) target(%arg11 : memref<104x64xf32, #tpu.memory_space<vmem>>) target_semaphore(%run_scoped3A : memref<!tpu.dma_semaphore, #tpu.memory_space<semaphore_mem>>)
      %dma_wait3A = arith.constant 0 : i32
      %dma_wait3A_85 = arith.constant 0 : i32
      %dma_wait3A_86 = tpu.memref_slice %arg5[%dma_wait3A, %dma_wait3A_85] : memref<10000x64xf32, #tpu.memory_space<hbm>> -> memref<104x64xf32, #tpu.memory_space<hbm>>
      %dma_wait3A_87 = arith.constant 0 : i32
      %dma_wait3A_88 = arith.constant 0 : i32
      %dma_wait3A_89 = tpu.memref_slice %arg5[%dma_wait3A_87, %dma_wait3A_88] : memref<10000x64xf32, #tpu.memory_space<hbm>> -> memref<104x64xf32, #tpu.memory_space<hbm>>
      tpu.wait_dma2 semaphore(%run_scoped3A : memref<!tpu.dma_semaphore, #tpu.memory_space<semaphore_mem>>) src(%dma_wait3A_89 : memref<104x64xf32, #tpu.memory_space<hbm>>) dst(%arg11 : memref<104x64xf32, #tpu.memory_space<vmem>>)
      tpu.yield
    }) : () -> ()
    %mul3A = arith.constant 624 : i32
    %mul3A_0 = arith.muli %arg1, %mul3A : i32
    %add3A = arith.constant 0 : i32
    %add3A_1 = arith.addi %mul3A_0, %add3A : i32
    "tpu.region"() ({
      %run_scoped3A = tpu.sem_alloc : memref<!tpu.dma_semaphore, #tpu.memory_space<semaphore_mem>>
      %dma_start3A_79 = arith.constant 0 : i32
      %dma_start3A_80 = tpu.memref_slice %arg12[%add3A_1, %dma_start3A_79] : memref<10000x64xf32, #tpu.memory_space<vmem_shared>> -> memref<104x64xf32, #tpu.memory_space<vmem_shared>>
      %dma_start3A_81 = arith.constant 0 : i32
      %dma_start3A_82 = tpu.memref_slice %arg12[%add3A_1, %dma_start3A_81] : memref<10000x64xf32, #tpu.memory_space<vmem_shared>> -> memref<104x64xf32, #tpu.memory_space<vmem_shared>>
      tpu.enqueue_dma source(%arg11 : memref<104x64xf32, #tpu.memory_space<vmem>>) target(%dma_start3A_82 : memref<104x64xf32, #tpu.memory_space<vmem_shared>>) target_semaphore(%run_scoped3A : memref<!tpu.dma_semaphore, #tpu.memory_space<semaphore_mem>>)
      %dma_wait3A = arith.constant 0 : i32
      %dma_wait3A_83 = tpu.memref_slice %arg12[%add3A_1, %dma_wait3A] : memref<10000x64xf32, #tpu.memory_space<vmem_shared>> -> memref<104x64xf32, #tpu.memory_space<vmem_shared>>
      %dma_wait3A_84 = arith.constant 0 : i32
      %dma_wait3A_85 = tpu.memref_slice %arg12[%add3A_1, %dma_wait3A_84] : memref<10000x64xf32, #tpu.memory_space<vmem_shared>> -> memref<104x64xf32, #tpu.memory_space<vmem_shared>>
      tpu.wait_dma2 semaphore(%run_scoped3A : memref<!tpu.dma_semaphore, #tpu.memory_space<semaphore_mem>>) src(%arg11 : memref<104x64xf32, #tpu.memory_space<vmem>>) dst(%dma_wait3A_85 : memref<104x64xf32, #tpu.memory_space<vmem_shared>>)
      tpu.yield
    }) : () -> ()
    %mul3A_2 = arith.constant 624 : i32
    %mul3A_3 = arith.muli %arg1, %mul3A_2 : i32
    %add3A_4 = arith.constant 104 : i32
    %add3A_5 = arith.addi %mul3A_3, %add3A_4 : i32
    "tpu.region"() ({
      %run_scoped3A = tpu.sem_alloc : memref<!tpu.dma_semaphore, #tpu.memory_space<semaphore_mem>>
      %dma_start3A_79 = arith.constant 0 : i32
      %dma_start3A_80 = tpu.memref_slice %arg12[%add3A_5, %dma_start3A_79] : memref<10000x64xf32, #tpu.memory_space<vmem_shared>> -> memref<104x64xf32, #tpu.memory_space<vmem_shared>>
      %dma_start3A_81 = arith.constant 0 : i32
      %dma_start3A_82 = tpu.memref_slice %arg12[%add3A_5, %dma_start3A_81] : memref<10000x64xf32, #tpu.memory_space<vmem_shared>> -> memref<104x64xf32, #tpu.memory_space<vmem_shared>>
      tpu.enqueue_dma source(%arg11 : memref<104x64xf32, #tpu.memory_space<vmem>>) target(%dma_start3A_82 : memref<104x64xf32, #tpu.memory_space<vmem_shared>>) target_semaphore(%run_scoped3A : memref<!tpu.dma_semaphore, #tpu.memory_space<semaphore_mem>>)
      %dma_wait3A = arith.constant 0 : i32
      %dma_wait3A_83 = tpu.memref_slice %arg12[%add3A_5, %dma_wait3A] : memref<10000x64xf32, #tpu.memory_space<vmem_shared>> -> memref<104x64xf32, #tpu.memory_space<vmem_shared>>
      %dma_wait3A_84 = arith.constant 0 : i32
      %dma_wait3A_85 = tpu.memref_slice %arg12[%add3A_5, %dma_wait3A_84] : memref<10000x64xf32, #tpu.memory_space<vmem_shared>> -> memref<104x64xf32, #tpu.memory_space<vmem_shared>>
      tpu.wait_dma2 semaphore(%run_scoped3A : memref<!tpu.dma_semaphore, #tpu.memory_space<semaphore_mem>>) src(%arg11 : memref<104x64xf32, #tpu.memory_space<vmem>>) dst(%dma_wait3A_85 : memref<104x64xf32, #tpu.memory_space<vmem_shared>>)
      tpu.yield
    }) : () -> ()
    %mul3A_6 = arith.constant 624 : i32
    %mul3A_7 = arith.muli %arg1, %mul3A_6 : i32
    %add3A_8 = arith.constant 208 : i32
    %add3A_9 = arith.addi %mul3A_7, %add3A_8 : i32
    "tpu.region"() ({
      %run_scoped3A = tpu.sem_alloc : memref<!tpu.dma_semaphore, #tpu.memory_space<semaphore_mem>>
      %dma_start3A_79 = arith.constant 0 : i32
      %dma_start3A_80 = tpu.memref_slice %arg12[%add3A_9, %dma_start3A_79] : memref<10000x64xf32, #tpu.memory_space<vmem_shared>> -> memref<104x64xf32, #tpu.memory_space<vmem_shared>>
      %dma_start3A_81 = arith.constant 0 : i32
      %dma_start3A_82 = tpu.memref_slice %arg12[%add3A_9, %dma_start3A_81] : memref<10000x64xf32, #tpu.memory_space<vmem_shared>> -> memref<104x64xf32, #tpu.memory_space<vmem_shared>>
      tpu.enqueue_dma source(%arg11 : memref<104x64xf32, #tpu.memory_space<vmem>>) target(%dma_start3A_82 : memref<104x64xf32, #tpu.memory_space<vmem_shared>>) target_semaphore(%run_scoped3A : memref<!tpu.dma_semaphore, #tpu.memory_space<semaphore_mem>>)
      %dma_wait3A = arith.constant 0 : i32
      %dma_wait3A_83 = tpu.memref_slice %arg12[%add3A_9, %dma_wait3A] : memref<10000x64xf32, #tpu.memory_space<vmem_shared>> -> memref<104x64xf32, #tpu.memory_space<vmem_shared>>
      %dma_wait3A_84 = arith.constant 0 : i32
      %dma_wait3A_85 = tpu.memref_slice %arg12[%add3A_9, %dma_wait3A_84] : memref<10000x64xf32, #tpu.memory_space<vmem_shared>> -> memref<104x64xf32, #tpu.memory_space<vmem_shared>>
      tpu.wait_dma2 semaphore(%run_scoped3A : memref<!tpu.dma_semaphore, #tpu.memory_space<semaphore_mem>>) src(%arg11 : memref<104x64xf32, #tpu.memory_space<vmem>>) dst(%dma_wait3A_85 : memref<104x64xf32, #tpu.memory_space<vmem_shared>>)
      tpu.yield
    }) : () -> ()
    %mul3A_10 = arith.constant 624 : i32
    %mul3A_11 = arith.muli %arg1, %mul3A_10 : i32
    %add3A_12 = arith.constant 312 : i32
    %add3A_13 = arith.addi %mul3A_11, %add3A_12 : i32
    "tpu.region"() ({
      %run_scoped3A = tpu.sem_alloc : memref<!tpu.dma_semaphore, #tpu.memory_space<semaphore_mem>>
      %dma_start3A_79 = arith.constant 0 : i32
      %dma_start3A_80 = tpu.memref_slice %arg12[%add3A_13, %dma_start3A_79] : memref<10000x64xf32, #tpu.memory_space<vmem_shared>> -> memref<104x64xf32, #tpu.memory_space<vmem_shared>>
      %dma_start3A_81 = arith.constant 0 : i32
      %dma_start3A_82 = tpu.memref_slice %arg12[%add3A_13, %dma_start3A_81] : memref<10000x64xf32, #tpu.memory_space<vmem_shared>> -> memref<104x64xf32, #tpu.memory_space<vmem_shared>>
      tpu.enqueue_dma source(%arg11 : memref<104x64xf32, #tpu.memory_space<vmem>>) target(%dma_start3A_82 : memref<104x64xf32, #tpu.memory_space<vmem_shared>>) target_semaphore(%run_scoped3A : memref<!tpu.dma_semaphore, #tpu.memory_space<semaphore_mem>>)
      %dma_wait3A = arith.constant 0 : i32
      %dma_wait3A_83 = tpu.memref_slice %arg12[%add3A_13, %dma_wait3A] : memref<10000x64xf32, #tpu.memory_space<vmem_shared>> -> memref<104x64xf32, #tpu.memory_space<vmem_shared>>
      %dma_wait3A_84 = arith.constant 0 : i32
      %dma_wait3A_85 = tpu.memref_slice %arg12[%add3A_13, %dma_wait3A_84] : memref<10000x64xf32, #tpu.memory_space<vmem_shared>> -> memref<104x64xf32, #tpu.memory_space<vmem_shared>>
      tpu.wait_dma2 semaphore(%run_scoped3A : memref<!tpu.dma_semaphore, #tpu.memory_space<semaphore_mem>>) src(%arg11 : memref<104x64xf32, #tpu.memory_space<vmem>>) dst(%dma_wait3A_85 : memref<104x64xf32, #tpu.memory_space<vmem_shared>>)
      tpu.yield
    }) : () -> ()
    %mul3A_14 = arith.constant 624 : i32
    %mul3A_15 = arith.muli %arg1, %mul3A_14 : i32
    %add3A_16 = arith.constant 416 : i32
    %add3A_17 = arith.addi %mul3A_15, %add3A_16 : i32
    "tpu.region"() ({
      %run_scoped3A = tpu.sem_alloc : memref<!tpu.dma_semaphore, #tpu.memory_space<semaphore_mem>>
      %dma_start3A_79 = arith.constant 0 : i32
      %dma_start3A_80 = tpu.memref_slice %arg12[%add3A_17, %dma_start3A_79] : memref<10000x64xf32, #tpu.memory_space<vmem_shared>> -> memref<104x64xf32, #tpu.memory_space<vmem_shared>>
      %dma_start3A_81 = arith.constant 0 : i32
      %dma_start3A_82 = tpu.memref_slice %arg12[%add3A_17, %dma_start3A_81] : memref<10000x64xf32, #tpu.memory_space<vmem_shared>> -> memref<104x64xf32, #tpu.memory_space<vmem_shared>>
      tpu.enqueue_dma source(%arg11 : memref<104x64xf32, #tpu.memory_space<vmem>>) target(%dma_start3A_82 : memref<104x64xf32, #tpu.memory_space<vmem_shared>>) target_semaphore(%run_scoped3A : memref<!tpu.dma_semaphore, #tpu.memory_space<semaphore_mem>>)
      %dma_wait3A = arith.constant 0 : i32
      %dma_wait3A_83 = tpu.memref_slice %arg12[%add3A_17, %dma_wait3A] : memref<10000x64xf32, #tpu.memory_space<vmem_shared>> -> memref<104x64xf32, #tpu.memory_space<vmem_shared>>
      %dma_wait3A_84 = arith.constant 0 : i32
      %dma_wait3A_85 = tpu.memref_slice %arg12[%add3A_17, %dma_wait3A_84] : memref<10000x64xf32, #tpu.memory_space<vmem_shared>> -> memref<104x64xf32, #tpu.memory_space<vmem_shared>>
      tpu.wait_dma2 semaphore(%run_scoped3A : memref<!tpu.dma_semaphore, #tpu.memory_space<semaphore_mem>>) src(%arg11 : memref<104x64xf32, #tpu.memory_space<vmem>>) dst(%dma_wait3A_85 : memref<104x64xf32, #tpu.memory_space<vmem_shared>>)
      tpu.yield
    }) : () -> ()
    %mul3A_18 = arith.constant 624 : i32
    %mul3A_19 = arith.muli %arg1, %mul3A_18 : i32
    %add3A_20 = arith.constant 520 : i32
    %add3A_21 = arith.addi %mul3A_19, %add3A_20 : i32
    "tpu.region"() ({
      %run_scoped3A = tpu.sem_alloc : memref<!tpu.dma_semaphore, #tpu.memory_space<semaphore_mem>>
      %dma_start3A_79 = arith.constant 0 : i32
      %dma_start3A_80 = tpu.memref_slice %arg12[%add3A_21, %dma_start3A_79] : memref<10000x64xf32, #tpu.memory_space<vmem_shared>> -> memref<104x64xf32, #tpu.memory_space<vmem_shared>>
      %dma_start3A_81 = arith.constant 0 : i32
      %dma_start3A_82 = tpu.memref_slice %arg12[%add3A_21, %dma_start3A_81] : memref<10000x64xf32, #tpu.memory_space<vmem_shared>> -> memref<104x64xf32, #tpu.memory_space<vmem_shared>>
      tpu.enqueue_dma source(%arg11 : memref<104x64xf32, #tpu.memory_space<vmem>>) target(%dma_start3A_82 : memref<104x64xf32, #tpu.memory_space<vmem_shared>>) target_semaphore(%run_scoped3A : memref<!tpu.dma_semaphore, #tpu.memory_space<semaphore_mem>>)
      %dma_wait3A = arith.constant 0 : i32
      %dma_wait3A_83 = tpu.memref_slice %arg12[%add3A_21, %dma_wait3A] : memref<10000x64xf32, #tpu.memory_space<vmem_shared>> -> memref<104x64xf32, #tpu.memory_space<vmem_shared>>
      %dma_wait3A_84 = arith.constant 0 : i32
      %dma_wait3A_85 = tpu.memref_slice %arg12[%add3A_21, %dma_wait3A_84] : memref<10000x64xf32, #tpu.memory_space<vmem_shared>> -> memref<104x64xf32, #tpu.memory_space<vmem_shared>>
      tpu.wait_dma2 semaphore(%run_scoped3A : memref<!tpu.dma_semaphore, #tpu.memory_space<semaphore_mem>>) src(%arg11 : memref<104x64xf32, #tpu.memory_space<vmem>>) dst(%dma_wait3A_85 : memref<104x64xf32, #tpu.memory_space<vmem_shared>>)
      tpu.yield
    }) : () -> ()
    %eq3A = arith.constant 15 : i32
    %eq3A_22 = arith.cmpi eq, %arg1, %eq3A : i32
    %convert_element_type3A = arith.extui %eq3A_22 : i1 to i32
    %cond3A = arith.constant 0 : i32
    %cond3A_23 = arith.cmpi ne, %convert_element_type3A, %cond3A : i32
    scf.if %cond3A_23 {
      "tpu.region"() ({
        %run_scoped3A = tpu.sem_alloc : memref<!tpu.dma_semaphore, #tpu.memory_space<semaphore_mem>>
        %dma_start3A_79 = arith.constant 0 : i32
        %dma_start3A_80 = arith.constant 0 : i32
        %dma_start3A_81 = tpu.memref_slice %arg11[%dma_start3A_79, %dma_start3A_80] : memref<104x64xf32, #tpu.memory_space<vmem>> -> memref<16x64xf32, #tpu.memory_space<vmem>>
        %dma_start3A_82 = arith.constant 9984 : i32
        %dma_start3A_83 = arith.constant 0 : i32
        %dma_start3A_84 = tpu.memref_slice %arg12[%dma_start3A_82, %dma_start3A_83] : memref<10000x64xf32, #tpu.memory_space<vmem_shared>> -> memref<16x64xf32, #tpu.memory_space<vmem_shared>>
        %dma_start3A_85 = arith.constant 9984 : i32
        %dma_start3A_86 = arith.constant 0 : i32
        %dma_start3A_87 = tpu.memref_slice %arg12[%dma_start3A_85, %dma_start3A_86] : memref<10000x64xf32, #tpu.memory_space<vmem_shared>> -> memref<16x64xf32, #tpu.memory_space<vmem_shared>>
        %dma_start3A_88 = arith.constant 0 : i32
        %dma_start3A_89 = arith.constant 0 : i32
        %dma_start3A_90 = tpu.memref_slice %arg11[%dma_start3A_88, %dma_start3A_89] : memref<104x64xf32, #tpu.memory_space<vmem>> -> memref<16x64xf32, #tpu.memory_space<vmem>>
        tpu.enqueue_dma source(%dma_start3A_90 : memref<16x64xf32, #tpu.memory_space<vmem>>) target(%dma_start3A_87 : memref<16x64xf32, #tpu.memory_space<vmem_shared>>) target_semaphore(%run_scoped3A : memref<!tpu.dma_semaphore, #tpu.memory_space<semaphore_mem>>)
        %dma_wait3A = arith.constant 0 : i32
        %dma_wait3A_91 = arith.constant 0 : i32
        %dma_wait3A_92 = tpu.memref_slice %arg11[%dma_wait3A, %dma_wait3A_91] : memref<104x64xf32, #tpu.memory_space<vmem>> -> memref<16x64xf32, #tpu.memory_space<vmem>>
        %dma_wait3A_93 = arith.constant 9984 : i32
        %dma_wait3A_94 = arith.constant 0 : i32
        %dma_wait3A_95 = tpu.memref_slice %arg12[%dma_wait3A_93, %dma_wait3A_94] : memref<10000x64xf32, #tpu.memory_space<vmem_shared>> -> memref<16x64xf32, #tpu.memory_space<vmem_shared>>
        %dma_wait3A_96 = arith.constant 9984 : i32
        %dma_wait3A_97 = arith.constant 0 : i32
        %dma_wait3A_98 = tpu.memref_slice %arg12[%dma_wait3A_96, %dma_wait3A_97] : memref<10000x64xf32, #tpu.memory_space<vmem_shared>> -> memref<16x64xf32, #tpu.memory_space<vmem_shared>>
        %dma_wait3A_99 = arith.constant 0 : i32
        %dma_wait3A_100 = arith.constant 0 : i32
        %dma_wait3A_101 = tpu.memref_slice %arg11[%dma_wait3A_99, %dma_wait3A_100] : memref<104x64xf32, #tpu.memory_space<vmem>> -> memref<16x64xf32, #tpu.memory_space<vmem>>
        tpu.wait_dma2 semaphore(%run_scoped3A : memref<!tpu.dma_semaphore, #tpu.memory_space<semaphore_mem>>) src(%dma_wait3A_101 : memref<16x64xf32, #tpu.memory_space<vmem>>) dst(%dma_wait3A_98 : memref<16x64xf32, #tpu.memory_space<vmem_shared>>)
        tpu.yield
      }) : () -> ()
    } else {
    }
    %lt3A = arith.constant 8 : i32
    %lt3A_24 = arith.cmpi slt, %arg1, %lt3A : i32
    %jit3A = arith.constant 1 : i32
    %jit3A_25 = arith.constant 0 : i32
    %select_n3A = arith.select %lt3A_24, %jit3A, %jit3A_25 : i32
    %add3A_26 = arith.constant 62 : i32
    %add3A_27 = arith.addi %add3A_26, %select_n3A : i32
    %mul3A_28 = arith.constant 62 : i32
    %mul3A_29 = arith.muli %arg1, %mul3A_28 : i32
    %min3A = arith.constant 8 : i32
    %min3A_30 = arith.minsi %arg1, %min3A : i32
    %add3A_31 = arith.addi %mul3A_29, %min3A_30 : i32
    "tpu.region"() ({
      %run_scoped3A = tpu.sem_alloc : memref<!tpu.dma_semaphore, #tpu.memory_space<semaphore_mem>>
      %dma_start3A_79 = arith.constant 0 : i32
      %dma_start3A_80 = arith.constant 0 : i32
      %dma_start3A_81 = tpu.memref_slice %arg7[%dma_start3A_79, %dma_start3A_80] : memref<63x320xi32, #tpu.memory_space<vmem>> -> memref<62x320xi32, #tpu.memory_space<vmem>>
      %dma_start3A_82 = arith.constant 0 : i32
      %dma_start3A_83 = arith.constant 0 : i32
      %dma_start3A_84 = tpu.memref_slice %arg3[%arg0, %dma_start3A_82, %dma_start3A_83] : memref<2x1000x320xi32, #tpu.memory_space<hbm>> -> memref<1x1000x320xi32, #tpu.memory_space<hbm>>
      %dma_start3A_85 = tpu.memref_squeeze %dma_start3A_84 : memref<1x1000x320xi32, #tpu.memory_space<hbm>> -> memref<1000x320xi32, #tpu.memory_space<hbm>>
      %dma_start3A_86 = arith.constant 0 : i32
      %dma_start3A_87 = tpu.memref_slice %dma_start3A_85[%add3A_31, %dma_start3A_86] : memref<1000x320xi32, #tpu.memory_space<hbm>> -> memref<62x320xi32, #tpu.memory_space<hbm>>
      %dma_start3A_88 = arith.constant 0 : i32
      %dma_start3A_89 = arith.constant 0 : i32
      %dma_start3A_90 = tpu.memref_slice %arg7[%dma_start3A_88, %dma_start3A_89] : memref<63x320xi32, #tpu.memory_space<vmem>> -> memref<62x320xi32, #tpu.memory_space<vmem>>
      %dma_start3A_91 = arith.constant 0 : i32
      %dma_start3A_92 = arith.constant 0 : i32
      %dma_start3A_93 = tpu.memref_slice %arg3[%arg0, %dma_start3A_91, %dma_start3A_92] : memref<2x1000x320xi32, #tpu.memory_space<hbm>> -> memref<1x1000x320xi32, #tpu.memory_space<hbm>>
      %dma_start3A_94 = tpu.memref_squeeze %dma_start3A_93 : memref<1x1000x320xi32, #tpu.memory_space<hbm>> -> memref<1000x320xi32, #tpu.memory_space<hbm>>
      %dma_start3A_95 = arith.constant 0 : i32
      %dma_start3A_96 = tpu.memref_slice %dma_start3A_94[%add3A_31, %dma_start3A_95] : memref<1000x320xi32, #tpu.memory_space<hbm>> -> memref<62x320xi32, #tpu.memory_space<hbm>>
      tpu.enqueue_dma source(%dma_start3A_96 : memref<62x320xi32, #tpu.memory_space<hbm>>) target(%dma_start3A_90 : memref<62x320xi32, #tpu.memory_space<vmem>>) target_semaphore(%run_scoped3A : memref<!tpu.dma_semaphore, #tpu.memory_space<semaphore_mem>>)
      %dma_wait3A = arith.constant 0 : i32
      %dma_wait3A_97 = arith.constant 0 : i32
      %dma_wait3A_98 = tpu.memref_slice %arg7[%dma_wait3A, %dma_wait3A_97] : memref<63x320xi32, #tpu.memory_space<vmem>> -> memref<62x320xi32, #tpu.memory_space<vmem>>
      %dma_wait3A_99 = arith.constant 0 : i32
      %dma_wait3A_100 = arith.constant 0 : i32
      %dma_wait3A_101 = tpu.memref_slice %arg3[%arg0, %dma_wait3A_99, %dma_wait3A_100] : memref<2x1000x320xi32, #tpu.memory_space<hbm>> -> memref<1x1000x320xi32, #tpu.memory_space<hbm>>
      %dma_wait3A_102 = tpu.memref_squeeze %dma_wait3A_101 : memref<1x1000x320xi32, #tpu.memory_space<hbm>> -> memref<1000x320xi32, #tpu.memory_space<hbm>>
      %dma_wait3A_103 = arith.constant 0 : i32
      %dma_wait3A_104 = tpu.memref_slice %dma_wait3A_102[%add3A_31, %dma_wait3A_103] : memref<1000x320xi32, #tpu.memory_space<hbm>> -> memref<62x320xi32, #tpu.memory_space<hbm>>
      %dma_wait3A_105 = arith.constant 0 : i32
      %dma_wait3A_106 = arith.constant 0 : i32
      %dma_wait3A_107 = tpu.memref_slice %arg7[%dma_wait3A_105, %dma_wait3A_106] : memref<63x320xi32, #tpu.memory_space<vmem>> -> memref<62x320xi32, #tpu.memory_space<vmem>>
      %dma_wait3A_108 = arith.constant 0 : i32
      %dma_wait3A_109 = arith.constant 0 : i32
      %dma_wait3A_110 = tpu.memref_slice %arg3[%arg0, %dma_wait3A_108, %dma_wait3A_109] : memref<2x1000x320xi32, #tpu.memory_space<hbm>> -> memref<1x1000x320xi32, #tpu.memory_space<hbm>>
      %dma_wait3A_111 = tpu.memref_squeeze %dma_wait3A_110 : memref<1x1000x320xi32, #tpu.memory_space<hbm>> -> memref<1000x320xi32, #tpu.memory_space<hbm>>
      %dma_wait3A_112 = arith.constant 0 : i32
      %dma_wait3A_113 = tpu.memref_slice %dma_wait3A_111[%add3A_31, %dma_wait3A_112] : memref<1000x320xi32, #tpu.memory_space<hbm>> -> memref<62x320xi32, #tpu.memory_space<hbm>>
      tpu.wait_dma2 semaphore(%run_scoped3A : memref<!tpu.dma_semaphore, #tpu.memory_space<semaphore_mem>>) src(%dma_wait3A_113 : memref<62x320xi32, #tpu.memory_space<hbm>>) dst(%dma_wait3A_107 : memref<62x320xi32, #tpu.memory_space<vmem>>)
      tpu.yield
    }) : () -> ()
    "tpu.region"() ({
      %run_scoped3A = tpu.sem_alloc : memref<!tpu.dma_semaphore, #tpu.memory_space<semaphore_mem>>
      %dma_start3A_79 = arith.constant 0 : i32
      %dma_start3A_80 = arith.constant 0 : i32
      %dma_start3A_81 = tpu.memref_slice %arg8[%dma_start3A_79, %dma_start3A_80] : memref<63x320xi32, #tpu.memory_space<vmem>> -> memref<62x320xi32, #tpu.memory_space<vmem>>
      %dma_start3A_82 = arith.constant 0 : i32
      %dma_start3A_83 = tpu.memref_slice %arg4[%add3A_31, %dma_start3A_82] : memref<1000x320xi32, #tpu.memory_space<hbm>> -> memref<62x320xi32, #tpu.memory_space<hbm>>
      %dma_start3A_84 = arith.constant 0 : i32
      %dma_start3A_85 = arith.constant 0 : i32
      %dma_start3A_86 = tpu.memref_slice %arg8[%dma_start3A_84, %dma_start3A_85] : memref<63x320xi32, #tpu.memory_space<vmem>> -> memref<62x320xi32, #tpu.memory_space<vmem>>
      %dma_start3A_87 = arith.constant 0 : i32
      %dma_start3A_88 = tpu.memref_slice %arg4[%add3A_31, %dma_start3A_87] : memref<1000x320xi32, #tpu.memory_space<hbm>> -> memref<62x320xi32, #tpu.memory_space<hbm>>
      tpu.enqueue_dma source(%dma_start3A_88 : memref<62x320xi32, #tpu.memory_space<hbm>>) target(%dma_start3A_86 : memref<62x320xi32, #tpu.memory_space<vmem>>) target_semaphore(%run_scoped3A : memref<!tpu.dma_semaphore, #tpu.memory_space<semaphore_mem>>)
      %dma_wait3A = arith.constant 0 : i32
      %dma_wait3A_89 = arith.constant 0 : i32
      %dma_wait3A_90 = tpu.memref_slice %arg8[%dma_wait3A, %dma_wait3A_89] : memref<63x320xi32, #tpu.memory_space<vmem>> -> memref<62x320xi32, #tpu.memory_space<vmem>>
      %dma_wait3A_91 = arith.constant 0 : i32
      %dma_wait3A_92 = tpu.memref_slice %arg4[%add3A_31, %dma_wait3A_91] : memref<1000x320xi32, #tpu.memory_space<hbm>> -> memref<62x320xi32, #tpu.memory_space<hbm>>
      %dma_wait3A_93 = arith.constant 0 : i32
      %dma_wait3A_94 = arith.constant 0 : i32
      %dma_wait3A_95 = tpu.memref_slice %arg8[%dma_wait3A_93, %dma_wait3A_94] : memref<63x320xi32, #tpu.memory_space<vmem>> -> memref<62x320xi32, #tpu.memory_space<vmem>>
      %dma_wait3A_96 = arith.constant 0 : i32
      %dma_wait3A_97 = tpu.memref_slice %arg4[%add3A_31, %dma_wait3A_96] : memref<1000x320xi32, #tpu.memory_space<hbm>> -> memref<62x320xi32, #tpu.memory_space<hbm>>
      tpu.wait_dma2 semaphore(%run_scoped3A : memref<!tpu.dma_semaphore, #tpu.memory_space<semaphore_mem>>) src(%dma_wait3A_97 : memref<62x320xi32, #tpu.memory_space<hbm>>) dst(%dma_wait3A_95 : memref<62x320xi32, #tpu.memory_space<vmem>>)
      tpu.yield
    }) : () -> ()
    %eq3A_32 = arith.constant 63 : i32
    %eq3A_33 = arith.cmpi eq, %add3A_27, %eq3A_32 : i32
    %convert_element_type3A_34 = arith.extui %eq3A_33 : i1 to i32
    %cond3A_35 = arith.constant 0 : i32
    %cond3A_36 = arith.cmpi ne, %convert_element_type3A_34, %cond3A_35 : i32
    scf.if %cond3A_36 {
      %add3A_79 = arith.constant 62 : i32
      %add3A_80 = arith.addi %add3A_31, %add3A_79 : i32
      "tpu.region"() ({
        %run_scoped3A = tpu.sem_alloc : memref<!tpu.dma_semaphore, #tpu.memory_space<semaphore_mem>>
        %dma_start3A_83 = arith.constant 62 : i32
        %dma_start3A_84 = arith.constant 0 : i32
        %dma_start3A_85 = tpu.memref_slice %arg7[%dma_start3A_83, %dma_start3A_84] : memref<63x320xi32, #tpu.memory_space<vmem>> -> memref<1x320xi32, #tpu.memory_space<vmem>>
        %dma_start3A_86 = arith.constant 0 : i32
        %dma_start3A_87 = arith.constant 0 : i32
        %dma_start3A_88 = tpu.memref_slice %arg3[%arg0, %dma_start3A_86, %dma_start3A_87] : memref<2x1000x320xi32, #tpu.memory_space<hbm>> -> memref<1x1000x320xi32, #tpu.memory_space<hbm>>
        %dma_start3A_89 = tpu.memref_squeeze %dma_start3A_88 : memref<1x1000x320xi32, #tpu.memory_space<hbm>> -> memref<1000x320xi32, #tpu.memory_space<hbm>>
        %dma_start3A_90 = arith.constant 0 : i32
        %dma_start3A_91 = tpu.memref_slice %dma_start3A_89[%add3A_80, %dma_start3A_90] : memref<1000x320xi32, #tpu.memory_space<hbm>> -> memref<1x320xi32, #tpu.memory_space<hbm>>
        %dma_start3A_92 = arith.constant 62 : i32
        %dma_start3A_93 = arith.constant 0 : i32
        %dma_start3A_94 = tpu.memref_slice %arg7[%dma_start3A_92, %dma_start3A_93] : memref<63x320xi32, #tpu.memory_space<vmem>> -> memref<1x320xi32, #tpu.memory_space<vmem>>
        %dma_start3A_95 = arith.constant 0 : i32
        %dma_start3A_96 = arith.constant 0 : i32
        %dma_start3A_97 = tpu.memref_slice %arg3[%arg0, %dma_start3A_95, %dma_start3A_96] : memref<2x1000x320xi32, #tpu.memory_space<hbm>> -> memref<1x1000x320xi32, #tpu.memory_space<hbm>>
        %dma_start3A_98 = tpu.memref_squeeze %dma_start3A_97 : memref<1x1000x320xi32, #tpu.memory_space<hbm>> -> memref<1000x320xi32, #tpu.memory_space<hbm>>
        %dma_start3A_99 = arith.constant 0 : i32
        %dma_start3A_100 = tpu.memref_slice %dma_start3A_98[%add3A_80, %dma_start3A_99] : memref<1000x320xi32, #tpu.memory_space<hbm>> -> memref<1x320xi32, #tpu.memory_space<hbm>>
        tpu.enqueue_dma source(%dma_start3A_100 : memref<1x320xi32, #tpu.memory_space<hbm>>) target(%dma_start3A_94 : memref<1x320xi32, #tpu.memory_space<vmem>>) target_semaphore(%run_scoped3A : memref<!tpu.dma_semaphore, #tpu.memory_space<semaphore_mem>>)
        %dma_wait3A = arith.constant 62 : i32
        %dma_wait3A_101 = arith.constant 0 : i32
        %dma_wait3A_102 = tpu.memref_slice %arg7[%dma_wait3A, %dma_wait3A_101] : memref<63x320xi32, #tpu.memory_space<vmem>> -> memref<1x320xi32, #tpu.memory_space<vmem>>
        %dma_wait3A_103 = arith.constant 0 : i32
        %dma_wait3A_104 = arith.constant 0 : i32
        %dma_wait3A_105 = tpu.memref_slice %arg3[%arg0, %dma_wait3A_103, %dma_wait3A_104] : memref<2x1000x320xi32, #tpu.memory_space<hbm>> -> memref<1x1000x320xi32, #tpu.memory_space<hbm>>
        %dma_wait3A_106 = tpu.memref_squeeze %dma_wait3A_105 : memref<1x1000x320xi32, #tpu.memory_space<hbm>> -> memref<1000x320xi32, #tpu.memory_space<hbm>>
        %dma_wait3A_107 = arith.constant 0 : i32
        %dma_wait3A_108 = tpu.memref_slice %dma_wait3A_106[%add3A_80, %dma_wait3A_107] : memref<1000x320xi32, #tpu.memory_space<hbm>> -> memref<1x320xi32, #tpu.memory_space<hbm>>
        %dma_wait3A_109 = arith.constant 62 : i32
        %dma_wait3A_110 = arith.constant 0 : i32
        %dma_wait3A_111 = tpu.memref_slice %arg7[%dma_wait3A_109, %dma_wait3A_110] : memref<63x320xi32, #tpu.memory_space<vmem>> -> memref<1x320xi32, #tpu.memory_space<vmem>>
        %dma_wait3A_112 = arith.constant 0 : i32
        %dma_wait3A_113 = arith.constant 0 : i32
        %dma_wait3A_114 = tpu.memref_slice %arg3[%arg0, %dma_wait3A_112, %dma_wait3A_113] : memref<2x1000x320xi32, #tpu.memory_space<hbm>> -> memref<1x1000x320xi32, #tpu.memory_space<hbm>>
        %dma_wait3A_115 = tpu.memref_squeeze %dma_wait3A_114 : memref<1x1000x320xi32, #tpu.memory_space<hbm>> -> memref<1000x320xi32, #tpu.memory_space<hbm>>
        %dma_wait3A_116 = arith.constant 0 : i32
        %dma_wait3A_117 = tpu.memref_slice %dma_wait3A_115[%add3A_80, %dma_wait3A_116] : memref<1000x320xi32, #tpu.memory_space<hbm>> -> memref<1x320xi32, #tpu.memory_space<hbm>>
        tpu.wait_dma2 semaphore(%run_scoped3A : memref<!tpu.dma_semaphore, #tpu.memory_space<semaphore_mem>>) src(%dma_wait3A_117 : memref<1x320xi32, #tpu.memory_space<hbm>>) dst(%dma_wait3A_111 : memref<1x320xi32, #tpu.memory_space<vmem>>)
        tpu.yield
      }) : () -> ()
      %add3A_81 = arith.constant 62 : i32
      %add3A_82 = arith.addi %add3A_31, %add3A_81 : i32
      "tpu.region"() ({
        %run_scoped3A = tpu.sem_alloc : memref<!tpu.dma_semaphore, #tpu.memory_space<semaphore_mem>>
        %dma_start3A_83 = arith.constant 62 : i32
        %dma_start3A_84 = arith.constant 0 : i32
        %dma_start3A_85 = tpu.memref_slice %arg8[%dma_start3A_83, %dma_start3A_84] : memref<63x320xi32, #tpu.memory_space<vmem>> -> memref<1x320xi32, #tpu.memory_space<vmem>>
        %dma_start3A_86 = arith.constant 0 : i32
        %dma_start3A_87 = tpu.memref_slice %arg4[%add3A_82, %dma_start3A_86] : memref<1000x320xi32, #tpu.memory_space<hbm>> -> memref<1x320xi32, #tpu.memory_space<hbm>>
        %dma_start3A_88 = arith.constant 62 : i32
        %dma_start3A_89 = arith.constant 0 : i32
        %dma_start3A_90 = tpu.memref_slice %arg8[%dma_start3A_88, %dma_start3A_89] : memref<63x320xi32, #tpu.memory_space<vmem>> -> memref<1x320xi32, #tpu.memory_space<vmem>>
        %dma_start3A_91 = arith.constant 0 : i32
        %dma_start3A_92 = tpu.memref_slice %arg4[%add3A_82, %dma_start3A_91] : memref<1000x320xi32, #tpu.memory_space<hbm>> -> memref<1x320xi32, #tpu.memory_space<hbm>>
        tpu.enqueue_dma source(%dma_start3A_92 : memref<1x320xi32, #tpu.memory_space<hbm>>) target(%dma_start3A_90 : memref<1x320xi32, #tpu.memory_space<vmem>>) target_semaphore(%run_scoped3A : memref<!tpu.dma_semaphore, #tpu.memory_space<semaphore_mem>>)
        %dma_wait3A = arith.constant 62 : i32
        %dma_wait3A_93 = arith.constant 0 : i32
        %dma_wait3A_94 = tpu.memref_slice %arg8[%dma_wait3A, %dma_wait3A_93] : memref<63x320xi32, #tpu.memory_space<vmem>> -> memref<1x320xi32, #tpu.memory_space<vmem>>
        %dma_wait3A_95 = arith.constant 0 : i32
        %dma_wait3A_96 = tpu.memref_slice %arg4[%add3A_82, %dma_wait3A_95] : memref<1000x320xi32, #tpu.memory_space<hbm>> -> memref<1x320xi32, #tpu.memory_space<hbm>>
        %dma_wait3A_97 = arith.constant 62 : i32
        %dma_wait3A_98 = arith.constant 0 : i32
        %dma_wait3A_99 = tpu.memref_slice %arg8[%dma_wait3A_97, %dma_wait3A_98] : memref<63x320xi32, #tpu.memory_space<vmem>> -> memref<1x320xi32, #tpu.memory_space<vmem>>
        %dma_wait3A_100 = arith.constant 0 : i32
        %dma_wait3A_101 = tpu.memref_slice %arg4[%add3A_82, %dma_wait3A_100] : memref<1000x320xi32, #tpu.memory_space<hbm>> -> memref<1x320xi32, #tpu.memory_space<hbm>>
        tpu.wait_dma2 semaphore(%run_scoped3A : memref<!tpu.dma_semaphore, #tpu.memory_space<semaphore_mem>>) src(%dma_wait3A_101 : memref<1x320xi32, #tpu.memory_space<hbm>>) dst(%dma_wait3A_99 : memref<1x320xi32, #tpu.memory_space<vmem>>)
        tpu.yield
      }) : () -> ()
    } else {
    }
    %barrier3A = arith.constant 0 : index
    tpu.barrier barrier_id(%barrier3A)
    %dma_start3A = arith.constant 0 : i32
    %dma_start3A_37 = arith.constant 0 : i32
    %dma_start3A_38 = tpu.memref_slice %arg7[%dma_start3A, %dma_start3A_37] : memref<63x320xi32, #tpu.memory_space<vmem>> -> memref<1x320xi32, #tpu.memory_space<vmem>>
    %dma_start3A_39 = tpu.memref_squeeze %dma_start3A_38 : memref<1x320xi32, #tpu.memory_space<vmem>> -> memref<320xi32, #tpu.memory_space<vmem>>
    %dma_start3A_40 = arith.constant 0 : i32
    %dma_start3A_41 = arith.constant 0 : i32
    %dma_start3A_42 = tpu.memref_slice %arg2[%dma_start3A_40, %dma_start3A_41] : memref<20000x64xf32, #tpu.memory_space<hbm>> -> memref<20000x64xf32, #tpu.memory_space<hbm>>
    tpu.enqueue_indirect_dma source(%dma_start3A_42 : memref<20000x64xf32, #tpu.memory_space<hbm>>) target(%arg9 : memref<320x64xf32, #tpu.memory_space<vmem>>) offsets(%dma_start3A_39 : memref<320xi32, #tpu.memory_space<vmem>>) semaphore(%arg13 : memref<!tpu.dma_semaphore, #tpu.memory_space<semaphore_mem>>)
    %scan3A = arith.constant 0 : i32
    %scan3A_43 = arith.constant 32 : i32
    %scan3A_44 = arith.addi %scan3A, %scan3A_43 : i32
    %scan3A_45 = arith.constant 1 : i32
    scf.for %scan3A_79 = %scan3A to %scan3A_44 step %scan3A_45  : i32 {
      %mul3A_80 = arith.constant 2 : i32
      %mul3A_81 = arith.muli %mul3A_80, %scan3A_79 : i32
      %add3A_82 = arith.constant 0 : i32
      %add3A_83 = arith.addi %mul3A_81, %add3A_82 : i32
      %lt3A_84 = arith.cmpi slt, %add3A_83, %add3A_27 : i32
      %convert_element_type3A_85 = arith.extui %lt3A_84 : i1 to i32
      %cond3A_86 = arith.constant 0 : i32
      %cond3A_87 = arith.cmpi ne, %convert_element_type3A_85, %cond3A_86 : i32
      scf.if %cond3A_87 {
        %dma_wait3A = arith.constant 0 : i32
        %dma_wait3A_122 = tpu.memref_slice %arg7[%add3A_83, %dma_wait3A] : memref<63x320xi32, #tpu.memory_space<vmem>> -> memref<1x320xi32, #tpu.memory_space<vmem>>
        %dma_wait3A_123 = tpu.memref_squeeze %dma_wait3A_122 : memref<1x320xi32, #tpu.memory_space<vmem>> -> memref<320xi32, #tpu.memory_space<vmem>>
        %dma_wait3A_124 = arith.constant 0 : i32
        %dma_wait3A_125 = arith.constant 0 : i32
        %dma_wait3A_126 = tpu.memref_slice %arg2[%dma_wait3A_124, %dma_wait3A_125] : memref<20000x64xf32, #tpu.memory_space<hbm>> -> memref<20000x64xf32, #tpu.memory_space<hbm>>
        tpu.wait_indirect_dma semaphore(%arg13 : memref<!tpu.dma_semaphore, #tpu.memory_space<semaphore_mem>>) src(%dma_wait3A_126 : memref<20000x64xf32, #tpu.memory_space<hbm>>) dst(%arg9 : memref<320x64xf32, #tpu.memory_space<vmem>>)
        %dma_start3A_127 = arith.constant 0 : i32
        %dma_start3A_128 = tpu.memref_slice %arg8[%add3A_83, %dma_start3A_127] : memref<63x320xi32, #tpu.memory_space<vmem>> -> memref<1x320xi32, #tpu.memory_space<vmem>>
        %dma_start3A_129 = tpu.memref_squeeze %dma_start3A_128 : memref<1x320xi32, #tpu.memory_space<vmem>> -> memref<320xi32, #tpu.memory_space<vmem>>
        %dma_start3A_130 = arith.constant 0 : i32
        %dma_start3A_131 = arith.constant 0 : i32
        %dma_start3A_132 = tpu.memref_slice %arg12[%dma_start3A_130, %dma_start3A_131] : memref<10000x64xf32, #tpu.memory_space<vmem_shared>> -> memref<10000x64xf32, #tpu.memory_space<vmem_shared>>
        tpu.enqueue_indirect_dma source(%arg9 : memref<320x64xf32, #tpu.memory_space<vmem>>) target(%dma_start3A_132 : memref<10000x64xf32, #tpu.memory_space<vmem_shared>>) offsets(%dma_start3A_129 : memref<320xi32, #tpu.memory_space<vmem>>) semaphore(%arg14 : memref<!tpu.dma_semaphore, #tpu.memory_space<semaphore_mem>>) {add = true}
      } else {
      }
      %ge3A = arith.constant 1 : i32
      %ge3A_88 = arith.cmpi sge, %add3A_83, %ge3A : i32
      %le3A = arith.cmpi sle, %add3A_83, %add3A_27 : i32
      %and3A = arith.andi %ge3A_88, %le3A : i1
      %convert_element_type3A_89 = arith.extui %and3A : i1 to i32
      %cond3A_90 = arith.constant 0 : i32
      %cond3A_91 = arith.cmpi ne, %convert_element_type3A_89, %cond3A_90 : i32
      scf.if %cond3A_91 {
        %sub3A_122 = arith.constant 1 : i32
        %sub3A_123 = arith.subi %add3A_83, %sub3A_122 : i32
        %dma_wait3A = arith.constant 0 : i32
        %dma_wait3A_124 = tpu.memref_slice %arg8[%sub3A_123, %dma_wait3A] : memref<63x320xi32, #tpu.memory_space<vmem>> -> memref<1x320xi32, #tpu.memory_space<vmem>>
        %dma_wait3A_125 = tpu.memref_squeeze %dma_wait3A_124 : memref<1x320xi32, #tpu.memory_space<vmem>> -> memref<320xi32, #tpu.memory_space<vmem>>
        %dma_wait3A_126 = arith.constant 0 : i32
        %dma_wait3A_127 = arith.constant 0 : i32
        %dma_wait3A_128 = tpu.memref_slice %arg12[%dma_wait3A_126, %dma_wait3A_127] : memref<10000x64xf32, #tpu.memory_space<vmem_shared>> -> memref<10000x64xf32, #tpu.memory_space<vmem_shared>>
        tpu.wait_indirect_dma semaphore(%arg14 : memref<!tpu.dma_semaphore, #tpu.memory_space<semaphore_mem>>) src(%arg10 : memref<320x64xf32, #tpu.memory_space<vmem>>) dst(%dma_wait3A_128 : memref<10000x64xf32, #tpu.memory_space<vmem_shared>>)
      } else {
      }
      %add3A_92 = arith.constant 2 : i32
      %add3A_93 = arith.addi %add3A_83, %add3A_92 : i32
      %sub3A = arith.constant 1 : i32
      %sub3A_94 = arith.subi %add3A_93, %sub3A : i32
      %lt3A_95 = arith.cmpi slt, %sub3A_94, %add3A_27 : i32
      %convert_element_type3A_96 = arith.extui %lt3A_95 : i1 to i32
      %cond3A_97 = arith.constant 0 : i32
      %cond3A_98 = arith.cmpi ne, %convert_element_type3A_96, %cond3A_97 : i32
      scf.if %cond3A_98 {
        %add3A_122 = arith.constant 2 : i32
        %add3A_123 = arith.addi %add3A_83, %add3A_122 : i32
        %sub3A_124 = arith.constant 1 : i32
        %sub3A_125 = arith.subi %add3A_123, %sub3A_124 : i32
        %dma_start3A_126 = arith.constant 0 : i32
        %dma_start3A_127 = tpu.memref_slice %arg7[%sub3A_125, %dma_start3A_126] : memref<63x320xi32, #tpu.memory_space<vmem>> -> memref<1x320xi32, #tpu.memory_space<vmem>>
        %dma_start3A_128 = tpu.memref_squeeze %dma_start3A_127 : memref<1x320xi32, #tpu.memory_space<vmem>> -> memref<320xi32, #tpu.memory_space<vmem>>
        %dma_start3A_129 = arith.constant 0 : i32
        %dma_start3A_130 = arith.constant 0 : i32
        %dma_start3A_131 = tpu.memref_slice %arg2[%dma_start3A_129, %dma_start3A_130] : memref<20000x64xf32, #tpu.memory_space<hbm>> -> memref<20000x64xf32, #tpu.memory_space<hbm>>
        tpu.enqueue_indirect_dma source(%dma_start3A_131 : memref<20000x64xf32, #tpu.memory_space<hbm>>) target(%arg10 : memref<320x64xf32, #tpu.memory_space<vmem>>) offsets(%dma_start3A_128 : memref<320xi32, #tpu.memory_space<vmem>>) semaphore(%arg13 : memref<!tpu.dma_semaphore, #tpu.memory_space<semaphore_mem>>)
      } else {
      }
      %mul3A_99 = arith.constant 2 : i32
      %mul3A_100 = arith.muli %mul3A_99, %scan3A_79 : i32
      %add3A_101 = arith.constant 1 : i32
      %add3A_102 = arith.addi %mul3A_100, %add3A_101 : i32
      %lt3A_103 = arith.cmpi slt, %add3A_102, %add3A_27 : i32
      %convert_element_type3A_104 = arith.extui %lt3A_103 : i1 to i32
      %cond3A_105 = arith.constant 0 : i32
      %cond3A_106 = arith.cmpi ne, %convert_element_type3A_104, %cond3A_105 : i32
      scf.if %cond3A_106 {
        %dma_wait3A = arith.constant 0 : i32
        %dma_wait3A_122 = tpu.memref_slice %arg7[%add3A_102, %dma_wait3A] : memref<63x320xi32, #tpu.memory_space<vmem>> -> memref<1x320xi32, #tpu.memory_space<vmem>>
        %dma_wait3A_123 = tpu.memref_squeeze %dma_wait3A_122 : memref<1x320xi32, #tpu.memory_space<vmem>> -> memref<320xi32, #tpu.memory_space<vmem>>
        %dma_wait3A_124 = arith.constant 0 : i32
        %dma_wait3A_125 = arith.constant 0 : i32
        %dma_wait3A_126 = tpu.memref_slice %arg2[%dma_wait3A_124, %dma_wait3A_125] : memref<20000x64xf32, #tpu.memory_space<hbm>> -> memref<20000x64xf32, #tpu.memory_space<hbm>>
        tpu.wait_indirect_dma semaphore(%arg13 : memref<!tpu.dma_semaphore, #tpu.memory_space<semaphore_mem>>) src(%dma_wait3A_126 : memref<20000x64xf32, #tpu.memory_space<hbm>>) dst(%arg10 : memref<320x64xf32, #tpu.memory_space<vmem>>)
        %dma_start3A_127 = arith.constant 0 : i32
        %dma_start3A_128 = tpu.memref_slice %arg8[%add3A_102, %dma_start3A_127] : memref<63x320xi32, #tpu.memory_space<vmem>> -> memref<1x320xi32, #tpu.memory_space<vmem>>
        %dma_start3A_129 = tpu.memref_squeeze %dma_start3A_128 : memref<1x320xi32, #tpu.memory_space<vmem>> -> memref<320xi32, #tpu.memory_space<vmem>>
        %dma_start3A_130 = arith.constant 0 : i32
        %dma_start3A_131 = arith.constant 0 : i32
        %dma_start3A_132 = tpu.memref_slice %arg12[%dma_start3A_130, %dma_start3A_131] : memref<10000x64xf32, #tpu.memory_space<vmem_shared>> -> memref<10000x64xf32, #tpu.memory_space<vmem_shared>>
        tpu.enqueue_indirect_dma source(%arg10 : memref<320x64xf32, #tpu.memory_space<vmem>>) target(%dma_start3A_132 : memref<10000x64xf32, #tpu.memory_space<vmem_shared>>) offsets(%dma_start3A_129 : memref<320xi32, #tpu.memory_space<vmem>>) semaphore(%arg14 : memref<!tpu.dma_semaphore, #tpu.memory_space<semaphore_mem>>) {add = true}
      } else {
      }
      %ge3A_107 = arith.constant 1 : i32
      %ge3A_108 = arith.cmpi sge, %add3A_102, %ge3A_107 : i32
      %le3A_109 = arith.cmpi sle, %add3A_102, %add3A_27 : i32
      %and3A_110 = arith.andi %ge3A_108, %le3A_109 : i1
      %convert_element_type3A_111 = arith.extui %and3A_110 : i1 to i32
      %cond3A_112 = arith.constant 0 : i32
      %cond3A_113 = arith.cmpi ne, %convert_element_type3A_111, %cond3A_112 : i32
      scf.if %cond3A_113 {
        %sub3A_122 = arith.constant 1 : i32
        %sub3A_123 = arith.subi %add3A_102, %sub3A_122 : i32
        %dma_wait3A = arith.constant 0 : i32
        %dma_wait3A_124 = tpu.memref_slice %arg8[%sub3A_123, %dma_wait3A] : memref<63x320xi32, #tpu.memory_space<vmem>> -> memref<1x320xi32, #tpu.memory_space<vmem>>
        %dma_wait3A_125 = tpu.memref_squeeze %dma_wait3A_124 : memref<1x320xi32, #tpu.memory_space<vmem>> -> memref<320xi32, #tpu.memory_space<vmem>>
        %dma_wait3A_126 = arith.constant 0 : i32
        %dma_wait3A_127 = arith.constant 0 : i32
        %dma_wait3A_128 = tpu.memref_slice %arg12[%dma_wait3A_126, %dma_wait3A_127] : memref<10000x64xf32, #tpu.memory_space<vmem_shared>> -> memref<10000x64xf32, #tpu.memory_space<vmem_shared>>
        tpu.wait_indirect_dma semaphore(%arg14 : memref<!tpu.dma_semaphore, #tpu.memory_space<semaphore_mem>>) src(%arg9 : memref<320x64xf32, #tpu.memory_space<vmem>>) dst(%dma_wait3A_128 : memref<10000x64xf32, #tpu.memory_space<vmem_shared>>)
      } else {
      }
      %add3A_114 = arith.constant 2 : i32
      %add3A_115 = arith.addi %add3A_102, %add3A_114 : i32
      %sub3A_116 = arith.constant 1 : i32
      %sub3A_117 = arith.subi %add3A_115, %sub3A_116 : i32
      %lt3A_118 = arith.cmpi slt, %sub3A_117, %add3A_27 : i32
      %convert_element_type3A_119 = arith.extui %lt3A_118 : i1 to i32
      %cond3A_120 = arith.constant 0 : i32
      %cond3A_121 = arith.cmpi ne, %convert_element_type3A_119, %cond3A_120 : i32
      scf.if %cond3A_121 {
        %add3A_122 = arith.constant 2 : i32
        %add3A_123 = arith.addi %add3A_102, %add3A_122 : i32
        %sub3A_124 = arith.constant 1 : i32
        %sub3A_125 = arith.subi %add3A_123, %sub3A_124 : i32
        %dma_start3A_126 = arith.constant 0 : i32
        %dma_start3A_127 = tpu.memref_slice %arg7[%sub3A_125, %dma_start3A_126] : memref<63x320xi32, #tpu.memory_space<vmem>> -> memref<1x320xi32, #tpu.memory_space<vmem>>
        %dma_start3A_128 = tpu.memref_squeeze %dma_start3A_127 : memref<1x320xi32, #tpu.memory_space<vmem>> -> memref<320xi32, #tpu.memory_space<vmem>>
        %dma_start3A_129 = arith.constant 0 : i32
        %dma_start3A_130 = arith.constant 0 : i32
        %dma_start3A_131 = tpu.memref_slice %arg2[%dma_start3A_129, %dma_start3A_130] : memref<20000x64xf32, #tpu.memory_space<hbm>> -> memref<20000x64xf32, #tpu.memory_space<hbm>>
        tpu.enqueue_indirect_dma source(%dma_start3A_131 : memref<20000x64xf32, #tpu.memory_space<hbm>>) target(%arg9 : memref<320x64xf32, #tpu.memory_space<vmem>>) offsets(%dma_start3A_128 : memref<320xi32, #tpu.memory_space<vmem>>) semaphore(%arg13 : memref<!tpu.dma_semaphore, #tpu.memory_space<semaphore_mem>>)
      } else {
      }
    }
    %scan3A_46 = arith.constant 32 : i32
    %barrier3A_47 = arith.constant 0 : index
    tpu.barrier barrier_id(%barrier3A_47)
    %mul3A_48 = arith.constant 64 : i32
    %mul3A_49 = arith.muli %arg0, %mul3A_48 : i32
    %mul3A_50 = arith.constant 624 : i32
    %mul3A_51 = arith.muli %arg1, %mul3A_50 : i32
    %add3A_52 = arith.constant 0 : i32
    %add3A_53 = arith.addi %mul3A_51, %add3A_52 : i32
    "tpu.region"() ({
      %run_scoped3A = tpu.sem_alloc : memref<!tpu.dma_semaphore, #tpu.memory_space<semaphore_mem>>
      %dma_start3A_79 = arith.constant 0 : i32
      %dma_start3A_80 = tpu.memref_slice %arg12[%add3A_53, %dma_start3A_79] : memref<10000x64xf32, #tpu.memory_space<vmem_shared>> -> memref<104x64xf32, #tpu.memory_space<vmem_shared>>
      %dma_start3A_81 = arith.constant 0 : i32
      %dma_start3A_82 = tpu.memref_slice %arg12[%add3A_53, %dma_start3A_81] : memref<10000x64xf32, #tpu.memory_space<vmem_shared>> -> memref<104x64xf32, #tpu.memory_space<vmem_shared>>
      tpu.enqueue_dma source(%dma_start3A_82 : memref<104x64xf32, #tpu.memory_space<vmem_shared>>) target(%arg11 : memref<104x64xf32, #tpu.memory_space<vmem>>) target_semaphore(%run_scoped3A : memref<!tpu.dma_semaphore, #tpu.memory_space<semaphore_mem>>)
      %dma_wait3A = arith.constant 0 : i32
      %dma_wait3A_83 = tpu.memref_slice %arg12[%add3A_53, %dma_wait3A] : memref<10000x64xf32, #tpu.memory_space<vmem_shared>> -> memref<104x64xf32, #tpu.memory_space<vmem_shared>>
      %dma_wait3A_84 = arith.constant 0 : i32
      %dma_wait3A_85 = tpu.memref_slice %arg12[%add3A_53, %dma_wait3A_84] : memref<10000x64xf32, #tpu.memory_space<vmem_shared>> -> memref<104x64xf32, #tpu.memory_space<vmem_shared>>
      tpu.wait_dma2 semaphore(%run_scoped3A : memref<!tpu.dma_semaphore, #tpu.memory_space<semaphore_mem>>) src(%dma_wait3A_85 : memref<104x64xf32, #tpu.memory_space<vmem_shared>>) dst(%arg11 : memref<104x64xf32, #tpu.memory_space<vmem>>)
      tpu.yield
    }) : () -> ()
    "tpu.region"() ({
      %run_scoped3A = tpu.sem_alloc : memref<!tpu.dma_semaphore, #tpu.memory_space<semaphore_mem>>
      %dma_start3A_79 = tpu.memref_slice %arg6[%add3A_53, %mul3A_49] : memref<10000x128xf32, #tpu.memory_space<hbm>> -> memref<104x64xf32, #tpu.memory_space<hbm>>
      %dma_start3A_80 = tpu.memref_slice %arg6[%add3A_53, %mul3A_49] : memref<10000x128xf32, #tpu.memory_space<hbm>> -> memref<104x64xf32, #tpu.memory_space<hbm>>
      tpu.enqueue_dma source(%arg11 : memref<104x64xf32, #tpu.memory_space<vmem>>) target(%dma_start3A_80 : memref<104x64xf32, #tpu.memory_space<hbm>>) target_semaphore(%run_scoped3A : memref<!tpu.dma_semaphore, #tpu.memory_space<semaphore_mem>>)
      %dma_wait3A = tpu.memref_slice %arg6[%add3A_53, %mul3A_49] : memref<10000x128xf32, #tpu.memory_space<hbm>> -> memref<104x64xf32, #tpu.memory_space<hbm>>
      %dma_wait3A_81 = tpu.memref_slice %arg6[%add3A_53, %mul3A_49] : memref<10000x128xf32, #tpu.memory_space<hbm>> -> memref<104x64xf32, #tpu.memory_space<hbm>>
      tpu.wait_dma2 semaphore(%run_scoped3A : memref<!tpu.dma_semaphore, #tpu.memory_space<semaphore_mem>>) src(%arg11 : memref<104x64xf32, #tpu.memory_space<vmem>>) dst(%dma_wait3A_81 : memref<104x64xf32, #tpu.memory_space<hbm>>)
      tpu.yield
    }) : () -> ()
    %mul3A_54 = arith.constant 624 : i32
    %mul3A_55 = arith.muli %arg1, %mul3A_54 : i32
    %add3A_56 = arith.constant 104 : i32
    %add3A_57 = arith.addi %mul3A_55, %add3A_56 : i32
    "tpu.region"() ({
      %run_scoped3A = tpu.sem_alloc : memref<!tpu.dma_semaphore, #tpu.memory_space<semaphore_mem>>
      %dma_start3A_79 = arith.constant 0 : i32
      %dma_start3A_80 = tpu.memref_slice %arg12[%add3A_57, %dma_start3A_79] : memref<10000x64xf32, #tpu.memory_space<vmem_shared>> -> memref<104x64xf32, #tpu.memory_space<vmem_shared>>
      %dma_start3A_81 = arith.constant 0 : i32
      %dma_start3A_82 = tpu.memref_slice %arg12[%add3A_57, %dma_start3A_81] : memref<10000x64xf32, #tpu.memory_space<vmem_shared>> -> memref<104x64xf32, #tpu.memory_space<vmem_shared>>
      tpu.enqueue_dma source(%dma_start3A_82 : memref<104x64xf32, #tpu.memory_space<vmem_shared>>) target(%arg11 : memref<104x64xf32, #tpu.memory_space<vmem>>) target_semaphore(%run_scoped3A : memref<!tpu.dma_semaphore, #tpu.memory_space<semaphore_mem>>)
      %dma_wait3A = arith.constant 0 : i32
      %dma_wait3A_83 = tpu.memref_slice %arg12[%add3A_57, %dma_wait3A] : memref<10000x64xf32, #tpu.memory_space<vmem_shared>> -> memref<104x64xf32, #tpu.memory_space<vmem_shared>>
      %dma_wait3A_84 = arith.constant 0 : i32
      %dma_wait3A_85 = tpu.memref_slice %arg12[%add3A_57, %dma_wait3A_84] : memref<10000x64xf32, #tpu.memory_space<vmem_shared>> -> memref<104x64xf32, #tpu.memory_space<vmem_shared>>
      tpu.wait_dma2 semaphore(%run_scoped3A : memref<!tpu.dma_semaphore, #tpu.memory_space<semaphore_mem>>) src(%dma_wait3A_85 : memref<104x64xf32, #tpu.memory_space<vmem_shared>>) dst(%arg11 : memref<104x64xf32, #tpu.memory_space<vmem>>)
      tpu.yield
    }) : () -> ()
    "tpu.region"() ({
      %run_scoped3A = tpu.sem_alloc : memref<!tpu.dma_semaphore, #tpu.memory_space<semaphore_mem>>
      %dma_start3A_79 = tpu.memref_slice %arg6[%add3A_57, %mul3A_49] : memref<10000x128xf32, #tpu.memory_space<hbm>> -> memref<104x64xf32, #tpu.memory_space<hbm>>
      %dma_start3A_80 = tpu.memref_slice %arg6[%add3A_57, %mul3A_49] : memref<10000x128xf32, #tpu.memory_space<hbm>> -> memref<104x64xf32, #tpu.memory_space<hbm>>
      tpu.enqueue_dma source(%arg11 : memref<104x64xf32, #tpu.memory_space<vmem>>) target(%dma_start3A_80 : memref<104x64xf32, #tpu.memory_space<hbm>>) target_semaphore(%run_scoped3A : memref<!tpu.dma_semaphore, #tpu.memory_space<semaphore_mem>>)
      %dma_wait3A = tpu.memref_slice %arg6[%add3A_57, %mul3A_49] : memref<10000x128xf32, #tpu.memory_space<hbm>> -> memref<104x64xf32, #tpu.memory_space<hbm>>
      %dma_wait3A_81 = tpu.memref_slice %arg6[%add3A_57, %mul3A_49] : memref<10000x128xf32, #tpu.memory_space<hbm>> -> memref<104x64xf32, #tpu.memory_space<hbm>>
      tpu.wait_dma2 semaphore(%run_scoped3A : memref<!tpu.dma_semaphore, #tpu.memory_space<semaphore_mem>>) src(%arg11 : memref<104x64xf32, #tpu.memory_space<vmem>>) dst(%dma_wait3A_81 : memref<104x64xf32, #tpu.memory_space<hbm>>)
      tpu.yield
    }) : () -> ()
    %mul3A_58 = arith.constant 624 : i32
    %mul3A_59 = arith.muli %arg1, %mul3A_58 : i32
    %add3A_60 = arith.constant 208 : i32
    %add3A_61 = arith.addi %mul3A_59, %add3A_60 : i32
    "tpu.region"() ({
      %run_scoped3A = tpu.sem_alloc : memref<!tpu.dma_semaphore, #tpu.memory_space<semaphore_mem>>
      %dma_start3A_79 = arith.constant 0 : i32
      %dma_start3A_80 = tpu.memref_slice %arg12[%add3A_61, %dma_start3A_79] : memref<10000x64xf32, #tpu.memory_space<vmem_shared>> -> memref<104x64xf32, #tpu.memory_space<vmem_shared>>
      %dma_start3A_81 = arith.constant 0 : i32
      %dma_start3A_82 = tpu.memref_slice %arg12[%add3A_61, %dma_start3A_81] : memref<10000x64xf32, #tpu.memory_space<vmem_shared>> -> memref<104x64xf32, #tpu.memory_space<vmem_shared>>
      tpu.enqueue_dma source(%dma_start3A_82 : memref<104x64xf32, #tpu.memory_space<vmem_shared>>) target(%arg11 : memref<104x64xf32, #tpu.memory_space<vmem>>) target_semaphore(%run_scoped3A : memref<!tpu.dma_semaphore, #tpu.memory_space<semaphore_mem>>)
      %dma_wait3A = arith.constant 0 : i32
      %dma_wait3A_83 = tpu.memref_slice %arg12[%add3A_61, %dma_wait3A] : memref<10000x64xf32, #tpu.memory_space<vmem_shared>> -> memref<104x64xf32, #tpu.memory_space<vmem_shared>>
      %dma_wait3A_84 = arith.constant 0 : i32
      %dma_wait3A_85 = tpu.memref_slice %arg12[%add3A_61, %dma_wait3A_84] : memref<10000x64xf32, #tpu.memory_space<vmem_shared>> -> memref<104x64xf32, #tpu.memory_space<vmem_shared>>
      tpu.wait_dma2 semaphore(%run_scoped3A : memref<!tpu.dma_semaphore, #tpu.memory_space<semaphore_mem>>) src(%dma_wait3A_85 : memref<104x64xf32, #tpu.memory_space<vmem_shared>>) dst(%arg11 : memref<104x64xf32, #tpu.memory_space<vmem>>)
      tpu.yield
    }) : () -> ()
    "tpu.region"() ({
      %run_scoped3A = tpu.sem_alloc : memref<!tpu.dma_semaphore, #tpu.memory_space<semaphore_mem>>
      %dma_start3A_79 = tpu.memref_slice %arg6[%add3A_61, %mul3A_49] : memref<10000x128xf32, #tpu.memory_space<hbm>> -> memref<104x64xf32, #tpu.memory_space<hbm>>
      %dma_start3A_80 = tpu.memref_slice %arg6[%add3A_61, %mul3A_49] : memref<10000x128xf32, #tpu.memory_space<hbm>> -> memref<104x64xf32, #tpu.memory_space<hbm>>
      tpu.enqueue_dma source(%arg11 : memref<104x64xf32, #tpu.memory_space<vmem>>) target(%dma_start3A_80 : memref<104x64xf32, #tpu.memory_space<hbm>>) target_semaphore(%run_scoped3A : memref<!tpu.dma_semaphore, #tpu.memory_space<semaphore_mem>>)
      %dma_wait3A = tpu.memref_slice %arg6[%add3A_61, %mul3A_49] : memref<10000x128xf32, #tpu.memory_space<hbm>> -> memref<104x64xf32, #tpu.memory_space<hbm>>
      %dma_wait3A_81 = tpu.memref_slice %arg6[%add3A_61, %mul3A_49] : memref<10000x128xf32, #tpu.memory_space<hbm>> -> memref<104x64xf32, #tpu.memory_space<hbm>>
      tpu.wait_dma2 semaphore(%run_scoped3A : memref<!tpu.dma_semaphore, #tpu.memory_space<semaphore_mem>>) src(%arg11 : memref<104x64xf32, #tpu.memory_space<vmem>>) dst(%dma_wait3A_81 : memref<104x64xf32, #tpu.memory_space<hbm>>)
      tpu.yield
    }) : () -> ()
    %mul3A_62 = arith.constant 624 : i32
    %mul3A_63 = arith.muli %arg1, %mul3A_62 : i32
    %add3A_64 = arith.constant 312 : i32
    %add3A_65 = arith.addi %mul3A_63, %add3A_64 : i32
    "tpu.region"() ({
      %run_scoped3A = tpu.sem_alloc : memref<!tpu.dma_semaphore, #tpu.memory_space<semaphore_mem>>
      %dma_start3A_79 = arith.constant 0 : i32
      %dma_start3A_80 = tpu.memref_slice %arg12[%add3A_65, %dma_start3A_79] : memref<10000x64xf32, #tpu.memory_space<vmem_shared>> -> memref<104x64xf32, #tpu.memory_space<vmem_shared>>
      %dma_start3A_81 = arith.constant 0 : i32
      %dma_start3A_82 = tpu.memref_slice %arg12[%add3A_65, %dma_start3A_81] : memref<10000x64xf32, #tpu.memory_space<vmem_shared>> -> memref<104x64xf32, #tpu.memory_space<vmem_shared>>
      tpu.enqueue_dma source(%dma_start3A_82 : memref<104x64xf32, #tpu.memory_space<vmem_shared>>) target(%arg11 : memref<104x64xf32, #tpu.memory_space<vmem>>) target_semaphore(%run_scoped3A : memref<!tpu.dma_semaphore, #tpu.memory_space<semaphore_mem>>)
      %dma_wait3A = arith.constant 0 : i32
      %dma_wait3A_83 = tpu.memref_slice %arg12[%add3A_65, %dma_wait3A] : memref<10000x64xf32, #tpu.memory_space<vmem_shared>> -> memref<104x64xf32, #tpu.memory_space<vmem_shared>>
      %dma_wait3A_84 = arith.constant 0 : i32
      %dma_wait3A_85 = tpu.memref_slice %arg12[%add3A_65, %dma_wait3A_84] : memref<10000x64xf32, #tpu.memory_space<vmem_shared>> -> memref<104x64xf32, #tpu.memory_space<vmem_shared>>
      tpu.wait_dma2 semaphore(%run_scoped3A : memref<!tpu.dma_semaphore, #tpu.memory_space<semaphore_mem>>) src(%dma_wait3A_85 : memref<104x64xf32, #tpu.memory_space<vmem_shared>>) dst(%arg11 : memref<104x64xf32, #tpu.memory_space<vmem>>)
      tpu.yield
    }) : () -> ()
    "tpu.region"() ({
      %run_scoped3A = tpu.sem_alloc : memref<!tpu.dma_semaphore, #tpu.memory_space<semaphore_mem>>
      %dma_start3A_79 = tpu.memref_slice %arg6[%add3A_65, %mul3A_49] : memref<10000x128xf32, #tpu.memory_space<hbm>> -> memref<104x64xf32, #tpu.memory_space<hbm>>
      %dma_start3A_80 = tpu.memref_slice %arg6[%add3A_65, %mul3A_49] : memref<10000x128xf32, #tpu.memory_space<hbm>> -> memref<104x64xf32, #tpu.memory_space<hbm>>
      tpu.enqueue_dma source(%arg11 : memref<104x64xf32, #tpu.memory_space<vmem>>) target(%dma_start3A_80 : memref<104x64xf32, #tpu.memory_space<hbm>>) target_semaphore(%run_scoped3A : memref<!tpu.dma_semaphore, #tpu.memory_space<semaphore_mem>>)
      %dma_wait3A = tpu.memref_slice %arg6[%add3A_65, %mul3A_49] : memref<10000x128xf32, #tpu.memory_space<hbm>> -> memref<104x64xf32, #tpu.memory_space<hbm>>
      %dma_wait3A_81 = tpu.memref_slice %arg6[%add3A_65, %mul3A_49] : memref<10000x128xf32, #tpu.memory_space<hbm>> -> memref<104x64xf32, #tpu.memory_space<hbm>>
      tpu.wait_dma2 semaphore(%run_scoped3A : memref<!tpu.dma_semaphore, #tpu.memory_space<semaphore_mem>>) src(%arg11 : memref<104x64xf32, #tpu.memory_space<vmem>>) dst(%dma_wait3A_81 : memref<104x64xf32, #tpu.memory_space<hbm>>)
      tpu.yield
    }) : () -> ()
    %mul3A_66 = arith.constant 624 : i32
    %mul3A_67 = arith.muli %arg1, %mul3A_66 : i32
    %add3A_68 = arith.constant 416 : i32
    %add3A_69 = arith.addi %mul3A_67, %add3A_68 : i32
    "tpu.region"() ({
      %run_scoped3A = tpu.sem_alloc : memref<!tpu.dma_semaphore, #tpu.memory_space<semaphore_mem>>
      %dma_start3A_79 = arith.constant 0 : i32
      %dma_start3A_80 = tpu.memref_slice %arg12[%add3A_69, %dma_start3A_79] : memref<10000x64xf32, #tpu.memory_space<vmem_shared>> -> memref<104x64xf32, #tpu.memory_space<vmem_shared>>
      %dma_start3A_81 = arith.constant 0 : i32
      %dma_start3A_82 = tpu.memref_slice %arg12[%add3A_69, %dma_start3A_81] : memref<10000x64xf32, #tpu.memory_space<vmem_shared>> -> memref<104x64xf32, #tpu.memory_space<vmem_shared>>
      tpu.enqueue_dma source(%dma_start3A_82 : memref<104x64xf32, #tpu.memory_space<vmem_shared>>) target(%arg11 : memref<104x64xf32, #tpu.memory_space<vmem>>) target_semaphore(%run_scoped3A : memref<!tpu.dma_semaphore, #tpu.memory_space<semaphore_mem>>)
      %dma_wait3A = arith.constant 0 : i32
      %dma_wait3A_83 = tpu.memref_slice %arg12[%add3A_69, %dma_wait3A] : memref<10000x64xf32, #tpu.memory_space<vmem_shared>> -> memref<104x64xf32, #tpu.memory_space<vmem_shared>>
      %dma_wait3A_84 = arith.constant 0 : i32
      %dma_wait3A_85 = tpu.memref_slice %arg12[%add3A_69, %dma_wait3A_84] : memref<10000x64xf32, #tpu.memory_space<vmem_shared>> -> memref<104x64xf32, #tpu.memory_space<vmem_shared>>
      tpu.wait_dma2 semaphore(%run_scoped3A : memref<!tpu.dma_semaphore, #tpu.memory_space<semaphore_mem>>) src(%dma_wait3A_85 : memref<104x64xf32, #tpu.memory_space<vmem_shared>>) dst(%arg11 : memref<104x64xf32, #tpu.memory_space<vmem>>)
      tpu.yield
    }) : () -> ()
    "tpu.region"() ({
      %run_scoped3A = tpu.sem_alloc : memref<!tpu.dma_semaphore, #tpu.memory_space<semaphore_mem>>
      %dma_start3A_79 = tpu.memref_slice %arg6[%add3A_69, %mul3A_49] : memref<10000x128xf32, #tpu.memory_space<hbm>> -> memref<104x64xf32, #tpu.memory_space<hbm>>
      %dma_start3A_80 = tpu.memref_slice %arg6[%add3A_69, %mul3A_49] : memref<10000x128xf32, #tpu.memory_space<hbm>> -> memref<104x64xf32, #tpu.memory_space<hbm>>
      tpu.enqueue_dma source(%arg11 : memref<104x64xf32, #tpu.memory_space<vmem>>) target(%dma_start3A_80 : memref<104x64xf32, #tpu.memory_space<hbm>>) target_semaphore(%run_scoped3A : memref<!tpu.dma_semaphore, #tpu.memory_space<semaphore_mem>>)
      %dma_wait3A = tpu.memref_slice %arg6[%add3A_69, %mul3A_49] : memref<10000x128xf32, #tpu.memory_space<hbm>> -> memref<104x64xf32, #tpu.memory_space<hbm>>
      %dma_wait3A_81 = tpu.memref_slice %arg6[%add3A_69, %mul3A_49] : memref<10000x128xf32, #tpu.memory_space<hbm>> -> memref<104x64xf32, #tpu.memory_space<hbm>>
      tpu.wait_dma2 semaphore(%run_scoped3A : memref<!tpu.dma_semaphore, #tpu.memory_space<semaphore_mem>>) src(%arg11 : memref<104x64xf32, #tpu.memory_space<vmem>>) dst(%dma_wait3A_81 : memref<104x64xf32, #tpu.memory_space<hbm>>)
      tpu.yield
    }) : () -> ()
    %mul3A_70 = arith.constant 624 : i32
    %mul3A_71 = arith.muli %arg1, %mul3A_70 : i32
    %add3A_72 = arith.constant 520 : i32
    %add3A_73 = arith.addi %mul3A_71, %add3A_72 : i32
    "tpu.region"() ({
      %run_scoped3A = tpu.sem_alloc : memref<!tpu.dma_semaphore, #tpu.memory_space<semaphore_mem>>
      %dma_start3A_79 = arith.constant 0 : i32
      %dma_start3A_80 = tpu.memref_slice %arg12[%add3A_73, %dma_start3A_79] : memref<10000x64xf32, #tpu.memory_space<vmem_shared>> -> memref<104x64xf32, #tpu.memory_space<vmem_shared>>
      %dma_start3A_81 = arith.constant 0 : i32
      %dma_start3A_82 = tpu.memref_slice %arg12[%add3A_73, %dma_start3A_81] : memref<10000x64xf32, #tpu.memory_space<vmem_shared>> -> memref<104x64xf32, #tpu.memory_space<vmem_shared>>
      tpu.enqueue_dma source(%dma_start3A_82 : memref<104x64xf32, #tpu.memory_space<vmem_shared>>) target(%arg11 : memref<104x64xf32, #tpu.memory_space<vmem>>) target_semaphore(%run_scoped3A : memref<!tpu.dma_semaphore, #tpu.memory_space<semaphore_mem>>)
      %dma_wait3A = arith.constant 0 : i32
      %dma_wait3A_83 = tpu.memref_slice %arg12[%add3A_73, %dma_wait3A] : memref<10000x64xf32, #tpu.memory_space<vmem_shared>> -> memref<104x64xf32, #tpu.memory_space<vmem_shared>>
      %dma_wait3A_84 = arith.constant 0 : i32
      %dma_wait3A_85 = tpu.memref_slice %arg12[%add3A_73, %dma_wait3A_84] : memref<10000x64xf32, #tpu.memory_space<vmem_shared>> -> memref<104x64xf32, #tpu.memory_space<vmem_shared>>
      tpu.wait_dma2 semaphore(%run_scoped3A : memref<!tpu.dma_semaphore, #tpu.memory_space<semaphore_mem>>) src(%dma_wait3A_85 : memref<104x64xf32, #tpu.memory_space<vmem_shared>>) dst(%arg11 : memref<104x64xf32, #tpu.memory_space<vmem>>)
      tpu.yield
    }) : () -> ()
    "tpu.region"() ({
      %run_scoped3A = tpu.sem_alloc : memref<!tpu.dma_semaphore, #tpu.memory_space<semaphore_mem>>
      %dma_start3A_79 = tpu.memref_slice %arg6[%add3A_73, %mul3A_49] : memref<10000x128xf32, #tpu.memory_space<hbm>> -> memref<104x64xf32, #tpu.memory_space<hbm>>
      %dma_start3A_80 = tpu.memref_slice %arg6[%add3A_73, %mul3A_49] : memref<10000x128xf32, #tpu.memory_space<hbm>> -> memref<104x64xf32, #tpu.memory_space<hbm>>
      tpu.enqueue_dma source(%arg11 : memref<104x64xf32, #tpu.memory_space<vmem>>) target(%dma_start3A_80 : memref<104x64xf32, #tpu.memory_space<hbm>>) target_semaphore(%run_scoped3A : memref<!tpu.dma_semaphore, #tpu.memory_space<semaphore_mem>>)
      %dma_wait3A = tpu.memref_slice %arg6[%add3A_73, %mul3A_49] : memref<10000x128xf32, #tpu.memory_space<hbm>> -> memref<104x64xf32, #tpu.memory_space<hbm>>
      %dma_wait3A_81 = tpu.memref_slice %arg6[%add3A_73, %mul3A_49] : memref<10000x128xf32, #tpu.memory_space<hbm>> -> memref<104x64xf32, #tpu.memory_space<hbm>>
      tpu.wait_dma2 semaphore(%run_scoped3A : memref<!tpu.dma_semaphore, #tpu.memory_space<semaphore_mem>>) src(%arg11 : memref<104x64xf32, #tpu.memory_space<vmem>>) dst(%dma_wait3A_81 : memref<104x64xf32, #tpu.memory_space<hbm>>)
      tpu.yield
    }) : () -> ()
    %eq3A_74 = arith.constant 15 : i32
    %eq3A_75 = arith.cmpi eq, %arg1, %eq3A_74 : i32
    %convert_element_type3A_76 = arith.extui %eq3A_75 : i1 to i32
    %cond3A_77 = arith.constant 0 : i32
    %cond3A_78 = arith.cmpi ne, %convert_element_type3A_76, %cond3A_77 : i32
    scf.if %cond3A_78 {
      "tpu.region"() ({
        %run_scoped3A = tpu.sem_alloc : memref<!tpu.dma_semaphore, #tpu.memory_space<semaphore_mem>>
        %dma_start3A_79 = arith.constant 0 : i32
        %dma_start3A_80 = arith.constant 0 : i32
        %dma_start3A_81 = tpu.memref_slice %arg9[%dma_start3A_79, %dma_start3A_80] : memref<320x64xf32, #tpu.memory_space<vmem>> -> memref<16x64xf32, #tpu.memory_space<vmem>>
        %dma_start3A_82 = arith.constant 9984 : i32
        %dma_start3A_83 = arith.constant 0 : i32
        %dma_start3A_84 = tpu.memref_slice %arg12[%dma_start3A_82, %dma_start3A_83] : memref<10000x64xf32, #tpu.memory_space<vmem_shared>> -> memref<16x64xf32, #tpu.memory_space<vmem_shared>>
        %dma_start3A_85 = arith.constant 0 : i32
        %dma_start3A_86 = arith.constant 0 : i32
        %dma_start3A_87 = tpu.memref_slice %arg9[%dma_start3A_85, %dma_start3A_86] : memref<320x64xf32, #tpu.memory_space<vmem>> -> memref<16x64xf32, #tpu.memory_space<vmem>>
        %dma_start3A_88 = arith.constant 9984 : i32
        %dma_start3A_89 = arith.constant 0 : i32
        %dma_start3A_90 = tpu.memref_slice %arg12[%dma_start3A_88, %dma_start3A_89] : memref<10000x64xf32, #tpu.memory_space<vmem_shared>> -> memref<16x64xf32, #tpu.memory_space<vmem_shared>>
        tpu.enqueue_dma source(%dma_start3A_90 : memref<16x64xf32, #tpu.memory_space<vmem_shared>>) target(%dma_start3A_87 : memref<16x64xf32, #tpu.memory_space<vmem>>) target_semaphore(%run_scoped3A : memref<!tpu.dma_semaphore, #tpu.memory_space<semaphore_mem>>)
        %dma_wait3A = arith.constant 0 : i32
        %dma_wait3A_91 = arith.constant 0 : i32
        %dma_wait3A_92 = tpu.memref_slice %arg9[%dma_wait3A, %dma_wait3A_91] : memref<320x64xf32, #tpu.memory_space<vmem>> -> memref<16x64xf32, #tpu.memory_space<vmem>>
        %dma_wait3A_93 = arith.constant 9984 : i32
        %dma_wait3A_94 = arith.constant 0 : i32
        %dma_wait3A_95 = tpu.memref_slice %arg12[%dma_wait3A_93, %dma_wait3A_94] : memref<10000x64xf32, #tpu.memory_space<vmem_shared>> -> memref<16x64xf32, #tpu.memory_space<vmem_shared>>
        %dma_wait3A_96 = arith.constant 0 : i32
        %dma_wait3A_97 = arith.constant 0 : i32
        %dma_wait3A_98 = tpu.memref_slice %arg9[%dma_wait3A_96, %dma_wait3A_97] : memref<320x64xf32, #tpu.memory_space<vmem>> -> memref<16x64xf32, #tpu.memory_space<vmem>>
        %dma_wait3A_99 = arith.constant 9984 : i32
        %dma_wait3A_100 = arith.constant 0 : i32
        %dma_wait3A_101 = tpu.memref_slice %arg12[%dma_wait3A_99, %dma_wait3A_100] : memref<10000x64xf32, #tpu.memory_space<vmem_shared>> -> memref<16x64xf32, #tpu.memory_space<vmem_shared>>
        tpu.wait_dma2 semaphore(%run_scoped3A : memref<!tpu.dma_semaphore, #tpu.memory_space<semaphore_mem>>) src(%dma_wait3A_101 : memref<16x64xf32, #tpu.memory_space<vmem_shared>>) dst(%dma_wait3A_98 : memref<16x64xf32, #tpu.memory_space<vmem>>)
        tpu.yield
      }) : () -> ()
      "tpu.region"() ({
        %run_scoped3A = tpu.sem_alloc : memref<!tpu.dma_semaphore, #tpu.memory_space<semaphore_mem>>
        %dma_start3A_79 = arith.constant 0 : i32
        %dma_start3A_80 = arith.constant 0 : i32
        %dma_start3A_81 = tpu.memref_slice %arg9[%dma_start3A_79, %dma_start3A_80] : memref<320x64xf32, #tpu.memory_space<vmem>> -> memref<16x64xf32, #tpu.memory_space<vmem>>
        %dma_start3A_82 = arith.constant 9984 : i32
        %dma_start3A_83 = tpu.memref_slice %arg6[%dma_start3A_82, %mul3A_49] : memref<10000x128xf32, #tpu.memory_space<hbm>> -> memref<16x64xf32, #tpu.memory_space<hbm>>
        %dma_start3A_84 = arith.constant 9984 : i32
        %dma_start3A_85 = tpu.memref_slice %arg6[%dma_start3A_84, %mul3A_49] : memref<10000x128xf32, #tpu.memory_space<hbm>> -> memref<16x64xf32, #tpu.memory_space<hbm>>
        %dma_start3A_86 = arith.constant 0 : i32
        %dma_start3A_87 = arith.constant 0 : i32
        %dma_start3A_88 = tpu.memref_slice %arg9[%dma_start3A_86, %dma_start3A_87] : memref<320x64xf32, #tpu.memory_space<vmem>> -> memref<16x64xf32, #tpu.memory_space<vmem>>
        tpu.enqueue_dma source(%dma_start3A_88 : memref<16x64xf32, #tpu.memory_space<vmem>>) target(%dma_start3A_85 : memref<16x64xf32, #tpu.memory_space<hbm>>) target_semaphore(%run_scoped3A : memref<!tpu.dma_semaphore, #tpu.memory_space<semaphore_mem>>)
        %dma_wait3A = arith.constant 0 : i32
        %dma_wait3A_89 = arith.constant 0 : i32
        %dma_wait3A_90 = tpu.memref_slice %arg9[%dma_wait3A, %dma_wait3A_89] : memref<320x64xf32, #tpu.memory_space<vmem>> -> memref<16x64xf32, #tpu.memory_space<vmem>>
        %dma_wait3A_91 = arith.constant 9984 : i32
        %dma_wait3A_92 = tpu.memref_slice %arg6[%dma_wait3A_91, %mul3A_49] : memref<10000x128xf32, #tpu.memory_space<hbm>> -> memref<16x64xf32, #tpu.memory_space<hbm>>
        %dma_wait3A_93 = arith.constant 9984 : i32
        %dma_wait3A_94 = tpu.memref_slice %arg6[%dma_wait3A_93, %mul3A_49] : memref<10000x128xf32, #tpu.memory_space<hbm>> -> memref<16x64xf32, #tpu.memory_space<hbm>>
        %dma_wait3A_95 = arith.constant 0 : i32
        %dma_wait3A_96 = arith.constant 0 : i32
        %dma_wait3A_97 = tpu.memref_slice %arg9[%dma_wait3A_95, %dma_wait3A_96] : memref<320x64xf32, #tpu.memory_space<vmem>> -> memref<16x64xf32, #tpu.memory_space<vmem>>
        tpu.wait_dma2 semaphore(%run_scoped3A : memref<!tpu.dma_semaphore, #tpu.memory_space<semaphore_mem>>) src(%dma_wait3A_97 : memref<16x64xf32, #tpu.memory_space<vmem>>) dst(%dma_wait3A_94 : memref<16x64xf32, #tpu.memory_space<hbm>>)
        tpu.yield
      }) : () -> ()
    } else {
    }
    return
  }
}

#map = affine_map<(d0, d1) -> (0, 0, 0)>
#map1 = affine_map<(d0, d1) -> (0)>
module attributes {stable_mosaic.version = 14 : i64} {
  func.func @_sc_count(%arg0: i32, %arg1: i32, %arg2: memref<2x4000x80xi32, #tpu.memory_space<hbm>>, %arg3: memref<10000xf32, #tpu.memory_space<hbm>>, %arg4: memref<10000xf32, #tpu.memory_space<hbm>>, %arg5: memref<10000xf32, #tpu.memory_space<hbm>>, %arg6: memref<250x80xi32, #tpu.memory_space<vmem>>, %arg7: memref<80xf32, #tpu.memory_space<vmem>>, %arg8: memref<624xf32, #tpu.memory_space<vmem>>, %arg9: memref<16xf32, #tpu.memory_space<vmem>>, %arg10: memref<10000xf32, #tpu.memory_space<vmem_shared>>, %arg11: memref<!tpu.dma_semaphore, #tpu.memory_space<semaphore_mem>>) attributes {dimension_semantics = [#tpu.dimension_semantics<core_parallel>, #tpu.dimension_semantics<subcore_parallel>], iteration_bounds = array<i64: 2, 16>, scalar_prefetch = 0 : i64, scratch_operands = 6 : i64, tpu.core_type = #tpu.core_type<sc_vector_subcore>, window_params = [{transform_indices = #map}, {transform_indices = #map1}, {transform_indices = #map1}, {transform_indices = #map1}]} {
    %mul3A = arith.constant 624 : i32
    %mul3A_0 = arith.muli %arg1, %mul3A : i32
    %multiple_of3A = tpu.assume_multiple %mul3A_0, 8 : i32
    "tpu.region"() ({
      %run_scoped3A = tpu.sem_alloc : memref<!tpu.dma_semaphore, #tpu.memory_space<semaphore_mem>>
      %dma_start3A = tpu.memref_slice %arg3[%multiple_of3A] : memref<10000xf32, #tpu.memory_space<hbm>> -> memref<624xf32, #tpu.memory_space<hbm>>
      %dma_start3A_48 = tpu.memref_slice %arg3[%multiple_of3A] : memref<10000xf32, #tpu.memory_space<hbm>> -> memref<624xf32, #tpu.memory_space<hbm>>
      tpu.enqueue_dma source(%dma_start3A_48 : memref<624xf32, #tpu.memory_space<hbm>>) target(%arg8 : memref<624xf32, #tpu.memory_space<vmem>>) target_semaphore(%run_scoped3A : memref<!tpu.dma_semaphore, #tpu.memory_space<semaphore_mem>>)
      %dma_wait3A = tpu.memref_slice %arg3[%multiple_of3A] : memref<10000xf32, #tpu.memory_space<hbm>> -> memref<624xf32, #tpu.memory_space<hbm>>
      %dma_wait3A_49 = tpu.memref_slice %arg3[%multiple_of3A] : memref<10000xf32, #tpu.memory_space<hbm>> -> memref<624xf32, #tpu.memory_space<hbm>>
      tpu.wait_dma2 semaphore(%run_scoped3A : memref<!tpu.dma_semaphore, #tpu.memory_space<semaphore_mem>>) src(%dma_wait3A_49 : memref<624xf32, #tpu.memory_space<hbm>>) dst(%arg8 : memref<624xf32, #tpu.memory_space<vmem>>)
      tpu.yield
    }) : () -> ()
    "tpu.region"() ({
      %run_scoped3A = tpu.sem_alloc : memref<!tpu.dma_semaphore, #tpu.memory_space<semaphore_mem>>
      %dma_start3A = tpu.memref_slice %arg10[%multiple_of3A] : memref<10000xf32, #tpu.memory_space<vmem_shared>> -> memref<624xf32, #tpu.memory_space<vmem_shared>>
      %dma_start3A_48 = tpu.memref_slice %arg10[%multiple_of3A] : memref<10000xf32, #tpu.memory_space<vmem_shared>> -> memref<624xf32, #tpu.memory_space<vmem_shared>>
      tpu.enqueue_dma source(%arg8 : memref<624xf32, #tpu.memory_space<vmem>>) target(%dma_start3A_48 : memref<624xf32, #tpu.memory_space<vmem_shared>>) target_semaphore(%run_scoped3A : memref<!tpu.dma_semaphore, #tpu.memory_space<semaphore_mem>>)
      %dma_wait3A = tpu.memref_slice %arg10[%multiple_of3A] : memref<10000xf32, #tpu.memory_space<vmem_shared>> -> memref<624xf32, #tpu.memory_space<vmem_shared>>
      %dma_wait3A_49 = tpu.memref_slice %arg10[%multiple_of3A] : memref<10000xf32, #tpu.memory_space<vmem_shared>> -> memref<624xf32, #tpu.memory_space<vmem_shared>>
      tpu.wait_dma2 semaphore(%run_scoped3A : memref<!tpu.dma_semaphore, #tpu.memory_space<semaphore_mem>>) src(%arg8 : memref<624xf32, #tpu.memory_space<vmem>>) dst(%dma_wait3A_49 : memref<624xf32, #tpu.memory_space<vmem_shared>>)
      tpu.yield
    }) : () -> ()
    %eq3A = arith.constant 15 : i32
    %eq3A_1 = arith.cmpi eq, %arg1, %eq3A : i32
    %convert_element_type3A = arith.extui %eq3A_1 : i1 to i32
    %cond3A = arith.constant 0 : i32
    %cond3A_2 = arith.cmpi ne, %convert_element_type3A, %cond3A : i32
    scf.if %cond3A_2 {
      "tpu.region"() ({
        %run_scoped3A = tpu.sem_alloc : memref<!tpu.dma_semaphore, #tpu.memory_space<semaphore_mem>>
        %dma_start3A = arith.constant 0 : i32
        %dma_start3A_48 = tpu.memref_slice %arg9[%dma_start3A] : memref<16xf32, #tpu.memory_space<vmem>> -> memref<16xf32, #tpu.memory_space<vmem>>
        %dma_start3A_49 = arith.constant 9984 : i32
        %dma_start3A_50 = tpu.memref_slice %arg3[%dma_start3A_49] : memref<10000xf32, #tpu.memory_space<hbm>> -> memref<16xf32, #tpu.memory_space<hbm>>
        %dma_start3A_51 = arith.constant 0 : i32
        %dma_start3A_52 = tpu.memref_slice %arg9[%dma_start3A_51] : memref<16xf32, #tpu.memory_space<vmem>> -> memref<16xf32, #tpu.memory_space<vmem>>
        %dma_start3A_53 = arith.constant 9984 : i32
        %dma_start3A_54 = tpu.memref_slice %arg3[%dma_start3A_53] : memref<10000xf32, #tpu.memory_space<hbm>> -> memref<16xf32, #tpu.memory_space<hbm>>
        tpu.enqueue_dma source(%dma_start3A_54 : memref<16xf32, #tpu.memory_space<hbm>>) target(%dma_start3A_52 : memref<16xf32, #tpu.memory_space<vmem>>) target_semaphore(%run_scoped3A : memref<!tpu.dma_semaphore, #tpu.memory_space<semaphore_mem>>)
        %dma_wait3A = arith.constant 0 : i32
        %dma_wait3A_55 = tpu.memref_slice %arg9[%dma_wait3A] : memref<16xf32, #tpu.memory_space<vmem>> -> memref<16xf32, #tpu.memory_space<vmem>>
        %dma_wait3A_56 = arith.constant 9984 : i32
        %dma_wait3A_57 = tpu.memref_slice %arg3[%dma_wait3A_56] : memref<10000xf32, #tpu.memory_space<hbm>> -> memref<16xf32, #tpu.memory_space<hbm>>
        %dma_wait3A_58 = arith.constant 0 : i32
        %dma_wait3A_59 = tpu.memref_slice %arg9[%dma_wait3A_58] : memref<16xf32, #tpu.memory_space<vmem>> -> memref<16xf32, #tpu.memory_space<vmem>>
        %dma_wait3A_60 = arith.constant 9984 : i32
        %dma_wait3A_61 = tpu.memref_slice %arg3[%dma_wait3A_60] : memref<10000xf32, #tpu.memory_space<hbm>> -> memref<16xf32, #tpu.memory_space<hbm>>
        tpu.wait_dma2 semaphore(%run_scoped3A : memref<!tpu.dma_semaphore, #tpu.memory_space<semaphore_mem>>) src(%dma_wait3A_61 : memref<16xf32, #tpu.memory_space<hbm>>) dst(%dma_wait3A_59 : memref<16xf32, #tpu.memory_space<vmem>>)
        tpu.yield
      }) : () -> ()
      "tpu.region"() ({
        %run_scoped3A = tpu.sem_alloc : memref<!tpu.dma_semaphore, #tpu.memory_space<semaphore_mem>>
        %dma_start3A = arith.constant 0 : i32
        %dma_start3A_48 = tpu.memref_slice %arg9[%dma_start3A] : memref<16xf32, #tpu.memory_space<vmem>> -> memref<16xf32, #tpu.memory_space<vmem>>
        %dma_start3A_49 = arith.constant 9984 : i32
        %dma_start3A_50 = tpu.memref_slice %arg10[%dma_start3A_49] : memref<10000xf32, #tpu.memory_space<vmem_shared>> -> memref<16xf32, #tpu.memory_space<vmem_shared>>
        %dma_start3A_51 = arith.constant 9984 : i32
        %dma_start3A_52 = tpu.memref_slice %arg10[%dma_start3A_51] : memref<10000xf32, #tpu.memory_space<vmem_shared>> -> memref<16xf32, #tpu.memory_space<vmem_shared>>
        %dma_start3A_53 = arith.constant 0 : i32
        %dma_start3A_54 = tpu.memref_slice %arg9[%dma_start3A_53] : memref<16xf32, #tpu.memory_space<vmem>> -> memref<16xf32, #tpu.memory_space<vmem>>
        tpu.enqueue_dma source(%dma_start3A_54 : memref<16xf32, #tpu.memory_space<vmem>>) target(%dma_start3A_52 : memref<16xf32, #tpu.memory_space<vmem_shared>>) target_semaphore(%run_scoped3A : memref<!tpu.dma_semaphore, #tpu.memory_space<semaphore_mem>>)
        %dma_wait3A = arith.constant 0 : i32
        %dma_wait3A_55 = tpu.memref_slice %arg9[%dma_wait3A] : memref<16xf32, #tpu.memory_space<vmem>> -> memref<16xf32, #tpu.memory_space<vmem>>
        %dma_wait3A_56 = arith.constant 9984 : i32
        %dma_wait3A_57 = tpu.memref_slice %arg10[%dma_wait3A_56] : memref<10000xf32, #tpu.memory_space<vmem_shared>> -> memref<16xf32, #tpu.memory_space<vmem_shared>>
        %dma_wait3A_58 = arith.constant 9984 : i32
        %dma_wait3A_59 = tpu.memref_slice %arg10[%dma_wait3A_58] : memref<10000xf32, #tpu.memory_space<vmem_shared>> -> memref<16xf32, #tpu.memory_space<vmem_shared>>
        %dma_wait3A_60 = arith.constant 0 : i32
        %dma_wait3A_61 = tpu.memref_slice %arg9[%dma_wait3A_60] : memref<16xf32, #tpu.memory_space<vmem>> -> memref<16xf32, #tpu.memory_space<vmem>>
        tpu.wait_dma2 semaphore(%run_scoped3A : memref<!tpu.dma_semaphore, #tpu.memory_space<semaphore_mem>>) src(%dma_wait3A_61 : memref<16xf32, #tpu.memory_space<vmem>>) dst(%dma_wait3A_59 : memref<16xf32, #tpu.memory_space<vmem_shared>>)
        tpu.yield
      }) : () -> ()
    } else {
    }
    %broadcast_in_dim3A = arith.constant 1.000000e+00 : f32
    %broadcast_in_dim3A_3 = vector.broadcast %broadcast_in_dim3A : f32 to vector<16xf32>
    %swap3A = arith.constant 0 : index
    %swap3A_4 = tpu.vector_load %arg7[%swap3A] {strides = array<i32>} : memref<80xf32, #tpu.memory_space<vmem>>, vector<16xf32>,
    %swap3A_5 = vector.shape_cast %swap3A_4 : vector<16xf32> to vector<16xf32>
    %swap3A_6 = vector.shape_cast %broadcast_in_dim3A_3 : vector<16xf32> to vector<16xf32>
    tpu.vector_store %arg7[%swap3A], %swap3A_6 {strides = array<i32>} : memref<80xf32, #tpu.memory_space<vmem>>, vector<16xf32>,
    %broadcast_in_dim3A_7 = arith.constant 1.000000e+00 : f32
    %broadcast_in_dim3A_8 = vector.broadcast %broadcast_in_dim3A_7 : f32 to vector<16xf32>
    %swap3A_9 = arith.constant 16 : index
    %swap3A_10 = tpu.vector_load %arg7[%swap3A_9] {strides = array<i32>} : memref<80xf32, #tpu.memory_space<vmem>>, vector<16xf32>,
    %swap3A_11 = vector.shape_cast %swap3A_10 : vector<16xf32> to vector<16xf32>
    %swap3A_12 = vector.shape_cast %broadcast_in_dim3A_8 : vector<16xf32> to vector<16xf32>
    tpu.vector_store %arg7[%swap3A_9], %swap3A_12 {strides = array<i32>} : memref<80xf32, #tpu.memory_space<vmem>>, vector<16xf32>,
    %broadcast_in_dim3A_13 = arith.constant 1.000000e+00 : f32
    %broadcast_in_dim3A_14 = vector.broadcast %broadcast_in_dim3A_13 : f32 to vector<16xf32>
    %swap3A_15 = arith.constant 32 : index
    %swap3A_16 = tpu.vector_load %arg7[%swap3A_15] {strides = array<i32>} : memref<80xf32, #tpu.memory_space<vmem>>, vector<16xf32>,
    %swap3A_17 = vector.shape_cast %swap3A_16 : vector<16xf32> to vector<16xf32>
    %swap3A_18 = vector.shape_cast %broadcast_in_dim3A_14 : vector<16xf32> to vector<16xf32>
    tpu.vector_store %arg7[%swap3A_15], %swap3A_18 {strides = array<i32>} : memref<80xf32, #tpu.memory_space<vmem>>, vector<16xf32>,
    %broadcast_in_dim3A_19 = arith.constant 1.000000e+00 : f32
    %broadcast_in_dim3A_20 = vector.broadcast %broadcast_in_dim3A_19 : f32 to vector<16xf32>
    %swap3A_21 = arith.constant 48 : index
    %swap3A_22 = tpu.vector_load %arg7[%swap3A_21] {strides = array<i32>} : memref<80xf32, #tpu.memory_space<vmem>>, vector<16xf32>,
    %swap3A_23 = vector.shape_cast %swap3A_22 : vector<16xf32> to vector<16xf32>
    %swap3A_24 = vector.shape_cast %broadcast_in_dim3A_20 : vector<16xf32> to vector<16xf32>
    tpu.vector_store %arg7[%swap3A_21], %swap3A_24 {strides = array<i32>} : memref<80xf32, #tpu.memory_space<vmem>>, vector<16xf32>,
    %broadcast_in_dim3A_25 = arith.constant 1.000000e+00 : f32
    %broadcast_in_dim3A_26 = vector.broadcast %broadcast_in_dim3A_25 : f32 to vector<16xf32>
    %swap3A_27 = arith.constant 64 : index
    %swap3A_28 = tpu.vector_load %arg7[%swap3A_27] {strides = array<i32>} : memref<80xf32, #tpu.memory_space<vmem>>, vector<16xf32>,
    %swap3A_29 = vector.shape_cast %swap3A_28 : vector<16xf32> to vector<16xf32>
    %swap3A_30 = vector.shape_cast %broadcast_in_dim3A_26 : vector<16xf32> to vector<16xf32>
    tpu.vector_store %arg7[%swap3A_27], %swap3A_30 {strides = array<i32>} : memref<80xf32, #tpu.memory_space<vmem>>, vector<16xf32>,
    %mul3A_31 = arith.constant 250 : i32
    %mul3A_32 = arith.muli %arg1, %mul3A_31 : i32
    "tpu.region"() ({
      %run_scoped3A = tpu.sem_alloc : memref<!tpu.dma_semaphore, #tpu.memory_space<semaphore_mem>>
      %dma_start3A = arith.constant 0 : i32
      %dma_start3A_48 = arith.constant 0 : i32
      %dma_start3A_49 = tpu.memref_slice %arg2[%arg0, %dma_start3A, %dma_start3A_48] : memref<2x4000x80xi32, #tpu.memory_space<hbm>> -> memref<1x4000x80xi32, #tpu.memory_space<hbm>>
      %dma_start3A_50 = tpu.memref_squeeze %dma_start3A_49 : memref<1x4000x80xi32, #tpu.memory_space<hbm>> -> memref<4000x80xi32, #tpu.memory_space<hbm>>
      %dma_start3A_51 = arith.constant 0 : i32
      %dma_start3A_52 = tpu.memref_slice %dma_start3A_50[%mul3A_32, %dma_start3A_51] : memref<4000x80xi32, #tpu.memory_space<hbm>> -> memref<250x80xi32, #tpu.memory_space<hbm>>
      %dma_start3A_53 = arith.constant 0 : i32
      %dma_start3A_54 = arith.constant 0 : i32
      %dma_start3A_55 = tpu.memref_slice %arg2[%arg0, %dma_start3A_53, %dma_start3A_54] : memref<2x4000x80xi32, #tpu.memory_space<hbm>> -> memref<1x4000x80xi32, #tpu.memory_space<hbm>>
      %dma_start3A_56 = tpu.memref_squeeze %dma_start3A_55 : memref<1x4000x80xi32, #tpu.memory_space<hbm>> -> memref<4000x80xi32, #tpu.memory_space<hbm>>
      %dma_start3A_57 = arith.constant 0 : i32
      %dma_start3A_58 = tpu.memref_slice %dma_start3A_56[%mul3A_32, %dma_start3A_57] : memref<4000x80xi32, #tpu.memory_space<hbm>> -> memref<250x80xi32, #tpu.memory_space<hbm>>
      tpu.enqueue_dma source(%dma_start3A_58 : memref<250x80xi32, #tpu.memory_space<hbm>>) target(%arg6 : memref<250x80xi32, #tpu.memory_space<vmem>>) target_semaphore(%run_scoped3A : memref<!tpu.dma_semaphore, #tpu.memory_space<semaphore_mem>>)
      %dma_wait3A = arith.constant 0 : i32
      %dma_wait3A_59 = arith.constant 0 : i32
      %dma_wait3A_60 = tpu.memref_slice %arg2[%arg0, %dma_wait3A, %dma_wait3A_59] : memref<2x4000x80xi32, #tpu.memory_space<hbm>> -> memref<1x4000x80xi32, #tpu.memory_space<hbm>>
      %dma_wait3A_61 = tpu.memref_squeeze %dma_wait3A_60 : memref<1x4000x80xi32, #tpu.memory_space<hbm>> -> memref<4000x80xi32, #tpu.memory_space<hbm>>
      %dma_wait3A_62 = arith.constant 0 : i32
      %dma_wait3A_63 = tpu.memref_slice %dma_wait3A_61[%mul3A_32, %dma_wait3A_62] : memref<4000x80xi32, #tpu.memory_space<hbm>> -> memref<250x80xi32, #tpu.memory_space<hbm>>
      %dma_wait3A_64 = arith.constant 0 : i32
      %dma_wait3A_65 = arith.constant 0 : i32
      %dma_wait3A_66 = tpu.memref_slice %arg2[%arg0, %dma_wait3A_64, %dma_wait3A_65] : memref<2x4000x80xi32, #tpu.memory_space<hbm>> -> memref<1x4000x80xi32, #tpu.memory_space<hbm>>
      %dma_wait3A_67 = tpu.memref_squeeze %dma_wait3A_66 : memref<1x4000x80xi32, #tpu.memory_space<hbm>> -> memref<4000x80xi32, #tpu.memory_space<hbm>>
      %dma_wait3A_68 = arith.constant 0 : i32
      %dma_wait3A_69 = tpu.memref_slice %dma_wait3A_67[%mul3A_32, %dma_wait3A_68] : memref<4000x80xi32, #tpu.memory_space<hbm>> -> memref<250x80xi32, #tpu.memory_space<hbm>>
      tpu.wait_dma2 semaphore(%run_scoped3A : memref<!tpu.dma_semaphore, #tpu.memory_space<semaphore_mem>>) src(%dma_wait3A_69 : memref<250x80xi32, #tpu.memory_space<hbm>>) dst(%arg6 : memref<250x80xi32, #tpu.memory_space<vmem>>)
      tpu.yield
    }) : () -> ()
    %barrier3A = arith.constant 0 : index
    tpu.barrier barrier_id(%barrier3A)
    %scan3A = arith.constant 0 : i32
    %scan3A_33 = arith.constant 25 : i32
    %scan3A_34 = arith.addi %scan3A, %scan3A_33 : i32
    %scan3A_35 = arith.constant 1 : i32
    scf.for %scan3A_48 = %scan3A to %scan3A_34 step %scan3A_35  : i32 {
      %mul3A_49 = arith.constant 10 : i32
      %mul3A_50 = arith.muli %scan3A_48, %mul3A_49 : i32
      %add3A = arith.constant 0 : i32
      %add3A_51 = arith.addi %mul3A_50, %add3A : i32
      %dma_start3A = arith.constant 0 : i32
      %dma_start3A_52 = tpu.memref_slice %arg6[%add3A_51, %dma_start3A] : memref<250x80xi32, #tpu.memory_space<vmem>> -> memref<1x80xi32, #tpu.memory_space<vmem>>
      %dma_start3A_53 = tpu.memref_squeeze %dma_start3A_52 : memref<1x80xi32, #tpu.memory_space<vmem>> -> memref<80xi32, #tpu.memory_space<vmem>>
      %dma_start3A_54 = arith.constant 0 : i32
      %dma_start3A_55 = tpu.memref_slice %arg10[%dma_start3A_54] : memref<10000xf32, #tpu.memory_space<vmem_shared>> -> memref<10000xf32, #tpu.memory_space<vmem_shared>>
      tpu.enqueue_indirect_dma source(%arg7 : memref<80xf32, #tpu.memory_space<vmem>>) target(%dma_start3A_55 : memref<10000xf32, #tpu.memory_space<vmem_shared>>) offsets(%dma_start3A_53 : memref<80xi32, #tpu.memory_space<vmem>>) semaphore(%arg11 : memref<!tpu.dma_semaphore, #tpu.memory_space<semaphore_mem>>) {add = true}
      %mul3A_56 = arith.constant 10 : i32
      %mul3A_57 = arith.muli %scan3A_48, %mul3A_56 : i32
      %add3A_58 = arith.constant 1 : i32
      %add3A_59 = arith.addi %mul3A_57, %add3A_58 : i32
      %dma_start3A_60 = arith.constant 0 : i32
      %dma_start3A_61 = tpu.memref_slice %arg6[%add3A_59, %dma_start3A_60] : memref<250x80xi32, #tpu.memory_space<vmem>> -> memref<1x80xi32, #tpu.memory_space<vmem>>
      %dma_start3A_62 = tpu.memref_squeeze %dma_start3A_61 : memref<1x80xi32, #tpu.memory_space<vmem>> -> memref<80xi32, #tpu.memory_space<vmem>>
      %dma_start3A_63 = arith.constant 0 : i32
      %dma_start3A_64 = tpu.memref_slice %arg10[%dma_start3A_63] : memref<10000xf32, #tpu.memory_space<vmem_shared>> -> memref<10000xf32, #tpu.memory_space<vmem_shared>>
      tpu.enqueue_indirect_dma source(%arg7 : memref<80xf32, #tpu.memory_space<vmem>>) target(%dma_start3A_64 : memref<10000xf32, #tpu.memory_space<vmem_shared>>) offsets(%dma_start3A_62 : memref<80xi32, #tpu.memory_space<vmem>>) semaphore(%arg11 : memref<!tpu.dma_semaphore, #tpu.memory_space<semaphore_mem>>) {add = true}
      %mul3A_65 = arith.constant 10 : i32
      %mul3A_66 = arith.muli %scan3A_48, %mul3A_65 : i32
      %add3A_67 = arith.constant 2 : i32
      %add3A_68 = arith.addi %mul3A_66, %add3A_67 : i32
      %dma_start3A_69 = arith.constant 0 : i32
      %dma_start3A_70 = tpu.memref_slice %arg6[%add3A_68, %dma_start3A_69] : memref<250x80xi32, #tpu.memory_space<vmem>> -> memref<1x80xi32, #tpu.memory_space<vmem>>
      %dma_start3A_71 = tpu.memref_squeeze %dma_start3A_70 : memref<1x80xi32, #tpu.memory_space<vmem>> -> memref<80xi32, #tpu.memory_space<vmem>>
      %dma_start3A_72 = arith.constant 0 : i32
      %dma_start3A_73 = tpu.memref_slice %arg10[%dma_start3A_72] : memref<10000xf32, #tpu.memory_space<vmem_shared>> -> memref<10000xf32, #tpu.memory_space<vmem_shared>>
      tpu.enqueue_indirect_dma source(%arg7 : memref<80xf32, #tpu.memory_space<vmem>>) target(%dma_start3A_73 : memref<10000xf32, #tpu.memory_space<vmem_shared>>) offsets(%dma_start3A_71 : memref<80xi32, #tpu.memory_space<vmem>>) semaphore(%arg11 : memref<!tpu.dma_semaphore, #tpu.memory_space<semaphore_mem>>) {add = true}
      %mul3A_74 = arith.constant 10 : i32
      %mul3A_75 = arith.muli %scan3A_48, %mul3A_74 : i32
      %add3A_76 = arith.constant 3 : i32
      %add3A_77 = arith.addi %mul3A_75, %add3A_76 : i32
      %dma_start3A_78 = arith.constant 0 : i32
      %dma_start3A_79 = tpu.memref_slice %arg6[%add3A_77, %dma_start3A_78] : memref<250x80xi32, #tpu.memory_space<vmem>> -> memref<1x80xi32, #tpu.memory_space<vmem>>
      %dma_start3A_80 = tpu.memref_squeeze %dma_start3A_79 : memref<1x80xi32, #tpu.memory_space<vmem>> -> memref<80xi32, #tpu.memory_space<vmem>>
      %dma_start3A_81 = arith.constant 0 : i32
      %dma_start3A_82 = tpu.memref_slice %arg10[%dma_start3A_81] : memref<10000xf32, #tpu.memory_space<vmem_shared>> -> memref<10000xf32, #tpu.memory_space<vmem_shared>>
      tpu.enqueue_indirect_dma source(%arg7 : memref<80xf32, #tpu.memory_space<vmem>>) target(%dma_start3A_82 : memref<10000xf32, #tpu.memory_space<vmem_shared>>) offsets(%dma_start3A_80 : memref<80xi32, #tpu.memory_space<vmem>>) semaphore(%arg11 : memref<!tpu.dma_semaphore, #tpu.memory_space<semaphore_mem>>) {add = true}
      %mul3A_83 = arith.constant 10 : i32
      %mul3A_84 = arith.muli %scan3A_48, %mul3A_83 : i32
      %add3A_85 = arith.constant 4 : i32
      %add3A_86 = arith.addi %mul3A_84, %add3A_85 : i32
      %dma_start3A_87 = arith.constant 0 : i32
      %dma_start3A_88 = tpu.memref_slice %arg6[%add3A_86, %dma_start3A_87] : memref<250x80xi32, #tpu.memory_space<vmem>> -> memref<1x80xi32, #tpu.memory_space<vmem>>
      %dma_start3A_89 = tpu.memref_squeeze %dma_start3A_88 : memref<1x80xi32, #tpu.memory_space<vmem>> -> memref<80xi32, #tpu.memory_space<vmem>>
      %dma_start3A_90 = arith.constant 0 : i32
      %dma_start3A_91 = tpu.memref_slice %arg10[%dma_start3A_90] : memref<10000xf32, #tpu.memory_space<vmem_shared>> -> memref<10000xf32, #tpu.memory_space<vmem_shared>>
      tpu.enqueue_indirect_dma source(%arg7 : memref<80xf32, #tpu.memory_space<vmem>>) target(%dma_start3A_91 : memref<10000xf32, #tpu.memory_space<vmem_shared>>) offsets(%dma_start3A_89 : memref<80xi32, #tpu.memory_space<vmem>>) semaphore(%arg11 : memref<!tpu.dma_semaphore, #tpu.memory_space<semaphore_mem>>) {add = true}
      %mul3A_92 = arith.constant 10 : i32
      %mul3A_93 = arith.muli %scan3A_48, %mul3A_92 : i32
      %add3A_94 = arith.constant 5 : i32
      %add3A_95 = arith.addi %mul3A_93, %add3A_94 : i32
      %dma_start3A_96 = arith.constant 0 : i32
      %dma_start3A_97 = tpu.memref_slice %arg6[%add3A_95, %dma_start3A_96] : memref<250x80xi32, #tpu.memory_space<vmem>> -> memref<1x80xi32, #tpu.memory_space<vmem>>
      %dma_start3A_98 = tpu.memref_squeeze %dma_start3A_97 : memref<1x80xi32, #tpu.memory_space<vmem>> -> memref<80xi32, #tpu.memory_space<vmem>>
      %dma_start3A_99 = arith.constant 0 : i32
      %dma_start3A_100 = tpu.memref_slice %arg10[%dma_start3A_99] : memref<10000xf32, #tpu.memory_space<vmem_shared>> -> memref<10000xf32, #tpu.memory_space<vmem_shared>>
      tpu.enqueue_indirect_dma source(%arg7 : memref<80xf32, #tpu.memory_space<vmem>>) target(%dma_start3A_100 : memref<10000xf32, #tpu.memory_space<vmem_shared>>) offsets(%dma_start3A_98 : memref<80xi32, #tpu.memory_space<vmem>>) semaphore(%arg11 : memref<!tpu.dma_semaphore, #tpu.memory_space<semaphore_mem>>) {add = true}
      %mul3A_101 = arith.constant 10 : i32
      %mul3A_102 = arith.muli %scan3A_48, %mul3A_101 : i32
      %add3A_103 = arith.constant 6 : i32
      %add3A_104 = arith.addi %mul3A_102, %add3A_103 : i32
      %dma_start3A_105 = arith.constant 0 : i32
      %dma_start3A_106 = tpu.memref_slice %arg6[%add3A_104, %dma_start3A_105] : memref<250x80xi32, #tpu.memory_space<vmem>> -> memref<1x80xi32, #tpu.memory_space<vmem>>
      %dma_start3A_107 = tpu.memref_squeeze %dma_start3A_106 : memref<1x80xi32, #tpu.memory_space<vmem>> -> memref<80xi32, #tpu.memory_space<vmem>>
      %dma_start3A_108 = arith.constant 0 : i32
      %dma_start3A_109 = tpu.memref_slice %arg10[%dma_start3A_108] : memref<10000xf32, #tpu.memory_space<vmem_shared>> -> memref<10000xf32, #tpu.memory_space<vmem_shared>>
      tpu.enqueue_indirect_dma source(%arg7 : memref<80xf32, #tpu.memory_space<vmem>>) target(%dma_start3A_109 : memref<10000xf32, #tpu.memory_space<vmem_shared>>) offsets(%dma_start3A_107 : memref<80xi32, #tpu.memory_space<vmem>>) semaphore(%arg11 : memref<!tpu.dma_semaphore, #tpu.memory_space<semaphore_mem>>) {add = true}
      %mul3A_110 = arith.constant 10 : i32
      %mul3A_111 = arith.muli %scan3A_48, %mul3A_110 : i32
      %add3A_112 = arith.constant 7 : i32
      %add3A_113 = arith.addi %mul3A_111, %add3A_112 : i32
      %dma_start3A_114 = arith.constant 0 : i32
      %dma_start3A_115 = tpu.memref_slice %arg6[%add3A_113, %dma_start3A_114] : memref<250x80xi32, #tpu.memory_space<vmem>> -> memref<1x80xi32, #tpu.memory_space<vmem>>
      %dma_start3A_116 = tpu.memref_squeeze %dma_start3A_115 : memref<1x80xi32, #tpu.memory_space<vmem>> -> memref<80xi32, #tpu.memory_space<vmem>>
      %dma_start3A_117 = arith.constant 0 : i32
      %dma_start3A_118 = tpu.memref_slice %arg10[%dma_start3A_117] : memref<10000xf32, #tpu.memory_space<vmem_shared>> -> memref<10000xf32, #tpu.memory_space<vmem_shared>>
      tpu.enqueue_indirect_dma source(%arg7 : memref<80xf32, #tpu.memory_space<vmem>>) target(%dma_start3A_118 : memref<10000xf32, #tpu.memory_space<vmem_shared>>) offsets(%dma_start3A_116 : memref<80xi32, #tpu.memory_space<vmem>>) semaphore(%arg11 : memref<!tpu.dma_semaphore, #tpu.memory_space<semaphore_mem>>) {add = true}
      %mul3A_119 = arith.constant 10 : i32
      %mul3A_120 = arith.muli %scan3A_48, %mul3A_119 : i32
      %add3A_121 = arith.constant 8 : i32
      %add3A_122 = arith.addi %mul3A_120, %add3A_121 : i32
      %dma_start3A_123 = arith.constant 0 : i32
      %dma_start3A_124 = tpu.memref_slice %arg6[%add3A_122, %dma_start3A_123] : memref<250x80xi32, #tpu.memory_space<vmem>> -> memref<1x80xi32, #tpu.memory_space<vmem>>
      %dma_start3A_125 = tpu.memref_squeeze %dma_start3A_124 : memref<1x80xi32, #tpu.memory_space<vmem>> -> memref<80xi32, #tpu.memory_space<vmem>>
      %dma_start3A_126 = arith.constant 0 : i32
      %dma_start3A_127 = tpu.memref_slice %arg10[%dma_start3A_126] : memref<10000xf32, #tpu.memory_space<vmem_shared>> -> memref<10000xf32, #tpu.memory_space<vmem_shared>>
      tpu.enqueue_indirect_dma source(%arg7 : memref<80xf32, #tpu.memory_space<vmem>>) target(%dma_start3A_127 : memref<10000xf32, #tpu.memory_space<vmem_shared>>) offsets(%dma_start3A_125 : memref<80xi32, #tpu.memory_space<vmem>>) semaphore(%arg11 : memref<!tpu.dma_semaphore, #tpu.memory_space<semaphore_mem>>) {add = true}
      %mul3A_128 = arith.constant 10 : i32
      %mul3A_129 = arith.muli %scan3A_48, %mul3A_128 : i32
      %add3A_130 = arith.constant 9 : i32
      %add3A_131 = arith.addi %mul3A_129, %add3A_130 : i32
      %dma_start3A_132 = arith.constant 0 : i32
      %dma_start3A_133 = tpu.memref_slice %arg6[%add3A_131, %dma_start3A_132] : memref<250x80xi32, #tpu.memory_space<vmem>> -> memref<1x80xi32, #tpu.memory_space<vmem>>
      %dma_start3A_134 = tpu.memref_squeeze %dma_start3A_133 : memref<1x80xi32, #tpu.memory_space<vmem>> -> memref<80xi32, #tpu.memory_space<vmem>>
      %dma_start3A_135 = arith.constant 0 : i32
      %dma_start3A_136 = tpu.memref_slice %arg10[%dma_start3A_135] : memref<10000xf32, #tpu.memory_space<vmem_shared>> -> memref<10000xf32, #tpu.memory_space<vmem_shared>>
      tpu.enqueue_indirect_dma source(%arg7 : memref<80xf32, #tpu.memory_space<vmem>>) target(%dma_start3A_136 : memref<10000xf32, #tpu.memory_space<vmem_shared>>) offsets(%dma_start3A_134 : memref<80xi32, #tpu.memory_space<vmem>>) semaphore(%arg11 : memref<!tpu.dma_semaphore, #tpu.memory_space<semaphore_mem>>) {add = true}
      %mul3A_137 = arith.constant 10 : i32
      %mul3A_138 = arith.muli %scan3A_48, %mul3A_137 : i32
      %add3A_139 = arith.constant 0 : i32
      %add3A_140 = arith.addi %mul3A_138, %add3A_139 : i32
      %dma_wait3A = arith.constant 0 : i32
      %dma_wait3A_141 = tpu.memref_slice %arg6[%add3A_140, %dma_wait3A] : memref<250x80xi32, #tpu.memory_space<vmem>> -> memref<1x80xi32, #tpu.memory_space<vmem>>
      %dma_wait3A_142 = tpu.memref_squeeze %dma_wait3A_141 : memref<1x80xi32, #tpu.memory_space<vmem>> -> memref<80xi32, #tpu.memory_space<vmem>>
      %dma_wait3A_143 = arith.constant 0 : i32
      %dma_wait3A_144 = tpu.memref_slice %arg10[%dma_wait3A_143] : memref<10000xf32, #tpu.memory_space<vmem_shared>> -> memref<10000xf32, #tpu.memory_space<vmem_shared>>
      tpu.wait_indirect_dma semaphore(%arg11 : memref<!tpu.dma_semaphore, #tpu.memory_space<semaphore_mem>>) src(%arg7 : memref<80xf32, #tpu.memory_space<vmem>>) dst(%dma_wait3A_144 : memref<10000xf32, #tpu.memory_space<vmem_shared>>)
      %mul3A_145 = arith.constant 10 : i32
      %mul3A_146 = arith.muli %scan3A_48, %mul3A_145 : i32
      %add3A_147 = arith.constant 1 : i32
      %add3A_148 = arith.addi %mul3A_146, %add3A_147 : i32
      %dma_wait3A_149 = arith.constant 0 : i32
      %dma_wait3A_150 = tpu.memref_slice %arg6[%add3A_148, %dma_wait3A_149] : memref<250x80xi32, #tpu.memory_space<vmem>> -> memref<1x80xi32, #tpu.memory_space<vmem>>
      %dma_wait3A_151 = tpu.memref_squeeze %dma_wait3A_150 : memref<1x80xi32, #tpu.memory_space<vmem>> -> memref<80xi32, #tpu.memory_space<vmem>>
      %dma_wait3A_152 = arith.constant 0 : i32
      %dma_wait3A_153 = tpu.memref_slice %arg10[%dma_wait3A_152] : memref<10000xf32, #tpu.memory_space<vmem_shared>> -> memref<10000xf32, #tpu.memory_space<vmem_shared>>
      tpu.wait_indirect_dma semaphore(%arg11 : memref<!tpu.dma_semaphore, #tpu.memory_space<semaphore_mem>>) src(%arg7 : memref<80xf32, #tpu.memory_space<vmem>>) dst(%dma_wait3A_153 : memref<10000xf32, #tpu.memory_space<vmem_shared>>)
      %mul3A_154 = arith.constant 10 : i32
      %mul3A_155 = arith.muli %scan3A_48, %mul3A_154 : i32
      %add3A_156 = arith.constant 2 : i32
      %add3A_157 = arith.addi %mul3A_155, %add3A_156 : i32
      %dma_wait3A_158 = arith.constant 0 : i32
      %dma_wait3A_159 = tpu.memref_slice %arg6[%add3A_157, %dma_wait3A_158] : memref<250x80xi32, #tpu.memory_space<vmem>> -> memref<1x80xi32, #tpu.memory_space<vmem>>
      %dma_wait3A_160 = tpu.memref_squeeze %dma_wait3A_159 : memref<1x80xi32, #tpu.memory_space<vmem>> -> memref<80xi32, #tpu.memory_space<vmem>>
      %dma_wait3A_161 = arith.constant 0 : i32
      %dma_wait3A_162 = tpu.memref_slice %arg10[%dma_wait3A_161] : memref<10000xf32, #tpu.memory_space<vmem_shared>> -> memref<10000xf32, #tpu.memory_space<vmem_shared>>
      tpu.wait_indirect_dma semaphore(%arg11 : memref<!tpu.dma_semaphore, #tpu.memory_space<semaphore_mem>>) src(%arg7 : memref<80xf32, #tpu.memory_space<vmem>>) dst(%dma_wait3A_162 : memref<10000xf32, #tpu.memory_space<vmem_shared>>)
      %mul3A_163 = arith.constant 10 : i32
      %mul3A_164 = arith.muli %scan3A_48, %mul3A_163 : i32
      %add3A_165 = arith.constant 3 : i32
      %add3A_166 = arith.addi %mul3A_164, %add3A_165 : i32
      %dma_wait3A_167 = arith.constant 0 : i32
      %dma_wait3A_168 = tpu.memref_slice %arg6[%add3A_166, %dma_wait3A_167] : memref<250x80xi32, #tpu.memory_space<vmem>> -> memref<1x80xi32, #tpu.memory_space<vmem>>
      %dma_wait3A_169 = tpu.memref_squeeze %dma_wait3A_168 : memref<1x80xi32, #tpu.memory_space<vmem>> -> memref<80xi32, #tpu.memory_space<vmem>>
      %dma_wait3A_170 = arith.constant 0 : i32
      %dma_wait3A_171 = tpu.memref_slice %arg10[%dma_wait3A_170] : memref<10000xf32, #tpu.memory_space<vmem_shared>> -> memref<10000xf32, #tpu.memory_space<vmem_shared>>
      tpu.wait_indirect_dma semaphore(%arg11 : memref<!tpu.dma_semaphore, #tpu.memory_space<semaphore_mem>>) src(%arg7 : memref<80xf32, #tpu.memory_space<vmem>>) dst(%dma_wait3A_171 : memref<10000xf32, #tpu.memory_space<vmem_shared>>)
      %mul3A_172 = arith.constant 10 : i32
      %mul3A_173 = arith.muli %scan3A_48, %mul3A_172 : i32
      %add3A_174 = arith.constant 4 : i32
      %add3A_175 = arith.addi %mul3A_173, %add3A_174 : i32
      %dma_wait3A_176 = arith.constant 0 : i32
      %dma_wait3A_177 = tpu.memref_slice %arg6[%add3A_175, %dma_wait3A_176] : memref<250x80xi32, #tpu.memory_space<vmem>> -> memref<1x80xi32, #tpu.memory_space<vmem>>
      %dma_wait3A_178 = tpu.memref_squeeze %dma_wait3A_177 : memref<1x80xi32, #tpu.memory_space<vmem>> -> memref<80xi32, #tpu.memory_space<vmem>>
      %dma_wait3A_179 = arith.constant 0 : i32
      %dma_wait3A_180 = tpu.memref_slice %arg10[%dma_wait3A_179] : memref<10000xf32, #tpu.memory_space<vmem_shared>> -> memref<10000xf32, #tpu.memory_space<vmem_shared>>
      tpu.wait_indirect_dma semaphore(%arg11 : memref<!tpu.dma_semaphore, #tpu.memory_space<semaphore_mem>>) src(%arg7 : memref<80xf32, #tpu.memory_space<vmem>>) dst(%dma_wait3A_180 : memref<10000xf32, #tpu.memory_space<vmem_shared>>)
      %mul3A_181 = arith.constant 10 : i32
      %mul3A_182 = arith.muli %scan3A_48, %mul3A_181 : i32
      %add3A_183 = arith.constant 5 : i32
      %add3A_184 = arith.addi %mul3A_182, %add3A_183 : i32
      %dma_wait3A_185 = arith.constant 0 : i32
      %dma_wait3A_186 = tpu.memref_slice %arg6[%add3A_184, %dma_wait3A_185] : memref<250x80xi32, #tpu.memory_space<vmem>> -> memref<1x80xi32, #tpu.memory_space<vmem>>
      %dma_wait3A_187 = tpu.memref_squeeze %dma_wait3A_186 : memref<1x80xi32, #tpu.memory_space<vmem>> -> memref<80xi32, #tpu.memory_space<vmem>>
      %dma_wait3A_188 = arith.constant 0 : i32
      %dma_wait3A_189 = tpu.memref_slice %arg10[%dma_wait3A_188] : memref<10000xf32, #tpu.memory_space<vmem_shared>> -> memref<10000xf32, #tpu.memory_space<vmem_shared>>
      tpu.wait_indirect_dma semaphore(%arg11 : memref<!tpu.dma_semaphore, #tpu.memory_space<semaphore_mem>>) src(%arg7 : memref<80xf32, #tpu.memory_space<vmem>>) dst(%dma_wait3A_189 : memref<10000xf32, #tpu.memory_space<vmem_shared>>)
      %mul3A_190 = arith.constant 10 : i32
      %mul3A_191 = arith.muli %scan3A_48, %mul3A_190 : i32
      %add3A_192 = arith.constant 6 : i32
      %add3A_193 = arith.addi %mul3A_191, %add3A_192 : i32
      %dma_wait3A_194 = arith.constant 0 : i32
      %dma_wait3A_195 = tpu.memref_slice %arg6[%add3A_193, %dma_wait3A_194] : memref<250x80xi32, #tpu.memory_space<vmem>> -> memref<1x80xi32, #tpu.memory_space<vmem>>
      %dma_wait3A_196 = tpu.memref_squeeze %dma_wait3A_195 : memref<1x80xi32, #tpu.memory_space<vmem>> -> memref<80xi32, #tpu.memory_space<vmem>>
      %dma_wait3A_197 = arith.constant 0 : i32
      %dma_wait3A_198 = tpu.memref_slice %arg10[%dma_wait3A_197] : memref<10000xf32, #tpu.memory_space<vmem_shared>> -> memref<10000xf32, #tpu.memory_space<vmem_shared>>
      tpu.wait_indirect_dma semaphore(%arg11 : memref<!tpu.dma_semaphore, #tpu.memory_space<semaphore_mem>>) src(%arg7 : memref<80xf32, #tpu.memory_space<vmem>>) dst(%dma_wait3A_198 : memref<10000xf32, #tpu.memory_space<vmem_shared>>)
      %mul3A_199 = arith.constant 10 : i32
      %mul3A_200 = arith.muli %scan3A_48, %mul3A_199 : i32
      %add3A_201 = arith.constant 7 : i32
      %add3A_202 = arith.addi %mul3A_200, %add3A_201 : i32
      %dma_wait3A_203 = arith.constant 0 : i32
      %dma_wait3A_204 = tpu.memref_slice %arg6[%add3A_202, %dma_wait3A_203] : memref<250x80xi32, #tpu.memory_space<vmem>> -> memref<1x80xi32, #tpu.memory_space<vmem>>
      %dma_wait3A_205 = tpu.memref_squeeze %dma_wait3A_204 : memref<1x80xi32, #tpu.memory_space<vmem>> -> memref<80xi32, #tpu.memory_space<vmem>>
      %dma_wait3A_206 = arith.constant 0 : i32
      %dma_wait3A_207 = tpu.memref_slice %arg10[%dma_wait3A_206] : memref<10000xf32, #tpu.memory_space<vmem_shared>> -> memref<10000xf32, #tpu.memory_space<vmem_shared>>
      tpu.wait_indirect_dma semaphore(%arg11 : memref<!tpu.dma_semaphore, #tpu.memory_space<semaphore_mem>>) src(%arg7 : memref<80xf32, #tpu.memory_space<vmem>>) dst(%dma_wait3A_207 : memref<10000xf32, #tpu.memory_space<vmem_shared>>)
      %mul3A_208 = arith.constant 10 : i32
      %mul3A_209 = arith.muli %scan3A_48, %mul3A_208 : i32
      %add3A_210 = arith.constant 8 : i32
      %add3A_211 = arith.addi %mul3A_209, %add3A_210 : i32
      %dma_wait3A_212 = arith.constant 0 : i32
      %dma_wait3A_213 = tpu.memref_slice %arg6[%add3A_211, %dma_wait3A_212] : memref<250x80xi32, #tpu.memory_space<vmem>> -> memref<1x80xi32, #tpu.memory_space<vmem>>
      %dma_wait3A_214 = tpu.memref_squeeze %dma_wait3A_213 : memref<1x80xi32, #tpu.memory_space<vmem>> -> memref<80xi32, #tpu.memory_space<vmem>>
      %dma_wait3A_215 = arith.constant 0 : i32
      %dma_wait3A_216 = tpu.memref_slice %arg10[%dma_wait3A_215] : memref<10000xf32, #tpu.memory_space<vmem_shared>> -> memref<10000xf32, #tpu.memory_space<vmem_shared>>
      tpu.wait_indirect_dma semaphore(%arg11 : memref<!tpu.dma_semaphore, #tpu.memory_space<semaphore_mem>>) src(%arg7 : memref<80xf32, #tpu.memory_space<vmem>>) dst(%dma_wait3A_216 : memref<10000xf32, #tpu.memory_space<vmem_shared>>)
      %mul3A_217 = arith.constant 10 : i32
      %mul3A_218 = arith.muli %scan3A_48, %mul3A_217 : i32
      %add3A_219 = arith.constant 9 : i32
      %add3A_220 = arith.addi %mul3A_218, %add3A_219 : i32
      %dma_wait3A_221 = arith.constant 0 : i32
      %dma_wait3A_222 = tpu.memref_slice %arg6[%add3A_220, %dma_wait3A_221] : memref<250x80xi32, #tpu.memory_space<vmem>> -> memref<1x80xi32, #tpu.memory_space<vmem>>
      %dma_wait3A_223 = tpu.memref_squeeze %dma_wait3A_222 : memref<1x80xi32, #tpu.memory_space<vmem>> -> memref<80xi32, #tpu.memory_space<vmem>>
      %dma_wait3A_224 = arith.constant 0 : i32
      %dma_wait3A_225 = tpu.memref_slice %arg10[%dma_wait3A_224] : memref<10000xf32, #tpu.memory_space<vmem_shared>> -> memref<10000xf32, #tpu.memory_space<vmem_shared>>
      tpu.wait_indirect_dma semaphore(%arg11 : memref<!tpu.dma_semaphore, #tpu.memory_space<semaphore_mem>>) src(%arg7 : memref<80xf32, #tpu.memory_space<vmem>>) dst(%dma_wait3A_225 : memref<10000xf32, #tpu.memory_space<vmem_shared>>)
    }
    %scan3A_36 = arith.constant 25 : i32
    %barrier3A_37 = arith.constant 0 : index
    tpu.barrier barrier_id(%barrier3A_37)
    %eq3A_38 = arith.constant 0 : i32
    %eq3A_39 = arith.cmpi eq, %arg0, %eq3A_38 : i32
    %convert_element_type3A_40 = arith.extui %eq3A_39 : i1 to i32
    %cond3A_41 = arith.constant 0 : i32
    %cond3A_42 = arith.cmpi ne, %convert_element_type3A_40, %cond3A_41 : i32
    scf.if %cond3A_42 {
      %mul3A_48 = arith.constant 624 : i32
      %mul3A_49 = arith.muli %arg1, %mul3A_48 : i32
      %multiple_of3A_50 = tpu.assume_multiple %mul3A_49, 8 : i32
      "tpu.region"() ({
        %run_scoped3A = tpu.sem_alloc : memref<!tpu.dma_semaphore, #tpu.memory_space<semaphore_mem>>
        %dma_start3A = tpu.memref_slice %arg10[%multiple_of3A_50] : memref<10000xf32, #tpu.memory_space<vmem_shared>> -> memref<624xf32, #tpu.memory_space<vmem_shared>>
        %dma_start3A_56 = tpu.memref_slice %arg10[%multiple_of3A_50] : memref<10000xf32, #tpu.memory_space<vmem_shared>> -> memref<624xf32, #tpu.memory_space<vmem_shared>>
        tpu.enqueue_dma source(%dma_start3A_56 : memref<624xf32, #tpu.memory_space<vmem_shared>>) target(%arg8 : memref<624xf32, #tpu.memory_space<vmem>>) target_semaphore(%run_scoped3A : memref<!tpu.dma_semaphore, #tpu.memory_space<semaphore_mem>>)
        %dma_wait3A = tpu.memref_slice %arg10[%multiple_of3A_50] : memref<10000xf32, #tpu.memory_space<vmem_shared>> -> memref<624xf32, #tpu.memory_space<vmem_shared>>
        %dma_wait3A_57 = tpu.memref_slice %arg10[%multiple_of3A_50] : memref<10000xf32, #tpu.memory_space<vmem_shared>> -> memref<624xf32, #tpu.memory_space<vmem_shared>>
        tpu.wait_dma2 semaphore(%run_scoped3A : memref<!tpu.dma_semaphore, #tpu.memory_space<semaphore_mem>>) src(%dma_wait3A_57 : memref<624xf32, #tpu.memory_space<vmem_shared>>) dst(%arg8 : memref<624xf32, #tpu.memory_space<vmem>>)
        tpu.yield
      }) : () -> ()
      "tpu.region"() ({
        %run_scoped3A = tpu.sem_alloc : memref<!tpu.dma_semaphore, #tpu.memory_space<semaphore_mem>>
        %dma_start3A = tpu.memref_slice %arg4[%multiple_of3A_50] : memref<10000xf32, #tpu.memory_space<hbm>> -> memref<624xf32, #tpu.memory_space<hbm>>
        %dma_start3A_56 = tpu.memref_slice %arg4[%multiple_of3A_50] : memref<10000xf32, #tpu.memory_space<hbm>> -> memref<624xf32, #tpu.memory_space<hbm>>
        tpu.enqueue_dma source(%arg8 : memref<624xf32, #tpu.memory_space<vmem>>) target(%dma_start3A_56 : memref<624xf32, #tpu.memory_space<hbm>>) target_semaphore(%run_scoped3A : memref<!tpu.dma_semaphore, #tpu.memory_space<semaphore_mem>>)
        %dma_wait3A = tpu.memref_slice %arg4[%multiple_of3A_50] : memref<10000xf32, #tpu.memory_space<hbm>> -> memref<624xf32, #tpu.memory_space<hbm>>
        %dma_wait3A_57 = tpu.memref_slice %arg4[%multiple_of3A_50] : memref<10000xf32, #tpu.memory_space<hbm>> -> memref<624xf32, #tpu.memory_space<hbm>>
        tpu.wait_dma2 semaphore(%run_scoped3A : memref<!tpu.dma_semaphore, #tpu.memory_space<semaphore_mem>>) src(%arg8 : memref<624xf32, #tpu.memory_space<vmem>>) dst(%dma_wait3A_57 : memref<624xf32, #tpu.memory_space<hbm>>)
        tpu.yield
      }) : () -> ()
      %eq3A_51 = arith.constant 15 : i32
      %eq3A_52 = arith.cmpi eq, %arg1, %eq3A_51 : i32
      %convert_element_type3A_53 = arith.extui %eq3A_52 : i1 to i32
      %cond3A_54 = arith.constant 0 : i32
      %cond3A_55 = arith.cmpi ne, %convert_element_type3A_53, %cond3A_54 : i32
      scf.if %cond3A_55 {
        "tpu.region"() ({
          %run_scoped3A = tpu.sem_alloc : memref<!tpu.dma_semaphore, #tpu.memory_space<semaphore_mem>>
          %dma_start3A = arith.constant 0 : i32
          %dma_start3A_56 = tpu.memref_slice %arg9[%dma_start3A] : memref<16xf32, #tpu.memory_space<vmem>> -> memref<16xf32, #tpu.memory_space<vmem>>
          %dma_start3A_57 = arith.constant 9984 : i32
          %dma_start3A_58 = tpu.memref_slice %arg10[%dma_start3A_57] : memref<10000xf32, #tpu.memory_space<vmem_shared>> -> memref<16xf32, #tpu.memory_space<vmem_shared>>
          %dma_start3A_59 = arith.constant 0 : i32
          %dma_start3A_60 = tpu.memref_slice %arg9[%dma_start3A_59] : memref<16xf32, #tpu.memory_space<vmem>> -> memref<16xf32, #tpu.memory_space<vmem>>
          %dma_start3A_61 = arith.constant 9984 : i32
          %dma_start3A_62 = tpu.memref_slice %arg10[%dma_start3A_61] : memref<10000xf32, #tpu.memory_space<vmem_shared>> -> memref<16xf32, #tpu.memory_space<vmem_shared>>
          tpu.enqueue_dma source(%dma_start3A_62 : memref<16xf32, #tpu.memory_space<vmem_shared>>) target(%dma_start3A_60 : memref<16xf32, #tpu.memory_space<vmem>>) target_semaphore(%run_scoped3A : memref<!tpu.dma_semaphore, #tpu.memory_space<semaphore_mem>>)
          %dma_wait3A = arith.constant 0 : i32
          %dma_wait3A_63 = tpu.memref_slice %arg9[%dma_wait3A] : memref<16xf32, #tpu.memory_space<vmem>> -> memref<16xf32, #tpu.memory_space<vmem>>
          %dma_wait3A_64 = arith.constant 9984 : i32
          %dma_wait3A_65 = tpu.memref_slice %arg10[%dma_wait3A_64] : memref<10000xf32, #tpu.memory_space<vmem_shared>> -> memref<16xf32, #tpu.memory_space<vmem_shared>>
          %dma_wait3A_66 = arith.constant 0 : i32
          %dma_wait3A_67 = tpu.memref_slice %arg9[%dma_wait3A_66] : memref<16xf32, #tpu.memory_space<vmem>> -> memref<16xf32, #tpu.memory_space<vmem>>
          %dma_wait3A_68 = arith.constant 9984 : i32
          %dma_wait3A_69 = tpu.memref_slice %arg10[%dma_wait3A_68] : memref<10000xf32, #tpu.memory_space<vmem_shared>> -> memref<16xf32, #tpu.memory_space<vmem_shared>>
          tpu.wait_dma2 semaphore(%run_scoped3A : memref<!tpu.dma_semaphore, #tpu.memory_space<semaphore_mem>>) src(%dma_wait3A_69 : memref<16xf32, #tpu.memory_space<vmem_shared>>) dst(%dma_wait3A_67 : memref<16xf32, #tpu.memory_space<vmem>>)
          tpu.yield
        }) : () -> ()
        "tpu.region"() ({
          %run_scoped3A = tpu.sem_alloc : memref<!tpu.dma_semaphore, #tpu.memory_space<semaphore_mem>>
          %dma_start3A = arith.constant 0 : i32
          %dma_start3A_56 = tpu.memref_slice %arg9[%dma_start3A] : memref<16xf32, #tpu.memory_space<vmem>> -> memref<16xf32, #tpu.memory_space<vmem>>
          %dma_start3A_57 = arith.constant 9984 : i32
          %dma_start3A_58 = tpu.memref_slice %arg4[%dma_start3A_57] : memref<10000xf32, #tpu.memory_space<hbm>> -> memref<16xf32, #tpu.memory_space<hbm>>
          %dma_start3A_59 = arith.constant 9984 : i32
          %dma_start3A_60 = tpu.memref_slice %arg4[%dma_start3A_59] : memref<10000xf32, #tpu.memory_space<hbm>> -> memref<16xf32, #tpu.memory_space<hbm>>
          %dma_start3A_61 = arith.constant 0 : i32
          %dma_start3A_62 = tpu.memref_slice %arg9[%dma_start3A_61] : memref<16xf32, #tpu.memory_space<vmem>> -> memref<16xf32, #tpu.memory_space<vmem>>
          tpu.enqueue_dma source(%dma_start3A_62 : memref<16xf32, #tpu.memory_space<vmem>>) target(%dma_start3A_60 : memref<16xf32, #tpu.memory_space<hbm>>) target_semaphore(%run_scoped3A : memref<!tpu.dma_semaphore, #tpu.memory_space<semaphore_mem>>)
          %dma_wait3A = arith.constant 0 : i32
          %dma_wait3A_63 = tpu.memref_slice %arg9[%dma_wait3A] : memref<16xf32, #tpu.memory_space<vmem>> -> memref<16xf32, #tpu.memory_space<vmem>>
          %dma_wait3A_64 = arith.constant 9984 : i32
          %dma_wait3A_65 = tpu.memref_slice %arg4[%dma_wait3A_64] : memref<10000xf32, #tpu.memory_space<hbm>> -> memref<16xf32, #tpu.memory_space<hbm>>
          %dma_wait3A_66 = arith.constant 9984 : i32
          %dma_wait3A_67 = tpu.memref_slice %arg4[%dma_wait3A_66] : memref<10000xf32, #tpu.memory_space<hbm>> -> memref<16xf32, #tpu.memory_space<hbm>>
          %dma_wait3A_68 = arith.constant 0 : i32
          %dma_wait3A_69 = tpu.memref_slice %arg9[%dma_wait3A_68] : memref<16xf32, #tpu.memory_space<vmem>> -> memref<16xf32, #tpu.memory_space<vmem>>
          tpu.wait_dma2 semaphore(%run_scoped3A : memref<!tpu.dma_semaphore, #tpu.memory_space<semaphore_mem>>) src(%dma_wait3A_69 : memref<16xf32, #tpu.memory_space<vmem>>) dst(%dma_wait3A_67 : memref<16xf32, #tpu.memory_space<hbm>>)
          tpu.yield
        }) : () -> ()
      } else {
      }
    } else {
    }
    %eq3A_43 = arith.constant 1 : i32
    %eq3A_44 = arith.cmpi eq, %arg0, %eq3A_43 : i32
    %convert_element_type3A_45 = arith.extui %eq3A_44 : i1 to i32
    %cond3A_46 = arith.constant 0 : i32
    %cond3A_47 = arith.cmpi ne, %convert_element_type3A_45, %cond3A_46 : i32
    scf.if %cond3A_47 {
      %mul3A_48 = arith.constant 624 : i32
      %mul3A_49 = arith.muli %arg1, %mul3A_48 : i32
      %multiple_of3A_50 = tpu.assume_multiple %mul3A_49, 8 : i32
      "tpu.region"() ({
        %run_scoped3A = tpu.sem_alloc : memref<!tpu.dma_semaphore, #tpu.memory_space<semaphore_mem>>
        %dma_start3A = tpu.memref_slice %arg10[%multiple_of3A_50] : memref<10000xf32, #tpu.memory_space<vmem_shared>> -> memref<624xf32, #tpu.memory_space<vmem_shared>>
        %dma_start3A_56 = tpu.memref_slice %arg10[%multiple_of3A_50] : memref<10000xf32, #tpu.memory_space<vmem_shared>> -> memref<624xf32, #tpu.memory_space<vmem_shared>>
        tpu.enqueue_dma source(%dma_start3A_56 : memref<624xf32, #tpu.memory_space<vmem_shared>>) target(%arg8 : memref<624xf32, #tpu.memory_space<vmem>>) target_semaphore(%run_scoped3A : memref<!tpu.dma_semaphore, #tpu.memory_space<semaphore_mem>>)
        %dma_wait3A = tpu.memref_slice %arg10[%multiple_of3A_50] : memref<10000xf32, #tpu.memory_space<vmem_shared>> -> memref<624xf32, #tpu.memory_space<vmem_shared>>
        %dma_wait3A_57 = tpu.memref_slice %arg10[%multiple_of3A_50] : memref<10000xf32, #tpu.memory_space<vmem_shared>> -> memref<624xf32, #tpu.memory_space<vmem_shared>>
        tpu.wait_dma2 semaphore(%run_scoped3A : memref<!tpu.dma_semaphore, #tpu.memory_space<semaphore_mem>>) src(%dma_wait3A_57 : memref<624xf32, #tpu.memory_space<vmem_shared>>) dst(%arg8 : memref<624xf32, #tpu.memory_space<vmem>>)
        tpu.yield
      }) : () -> ()
      "tpu.region"() ({
        %run_scoped3A = tpu.sem_alloc : memref<!tpu.dma_semaphore, #tpu.memory_space<semaphore_mem>>
        %dma_start3A = tpu.memref_slice %arg5[%multiple_of3A_50] : memref<10000xf32, #tpu.memory_space<hbm>> -> memref<624xf32, #tpu.memory_space<hbm>>
        %dma_start3A_56 = tpu.memref_slice %arg5[%multiple_of3A_50] : memref<10000xf32, #tpu.memory_space<hbm>> -> memref<624xf32, #tpu.memory_space<hbm>>
        tpu.enqueue_dma source(%arg8 : memref<624xf32, #tpu.memory_space<vmem>>) target(%dma_start3A_56 : memref<624xf32, #tpu.memory_space<hbm>>) target_semaphore(%run_scoped3A : memref<!tpu.dma_semaphore, #tpu.memory_space<semaphore_mem>>)
        %dma_wait3A = tpu.memref_slice %arg5[%multiple_of3A_50] : memref<10000xf32, #tpu.memory_space<hbm>> -> memref<624xf32, #tpu.memory_space<hbm>>
        %dma_wait3A_57 = tpu.memref_slice %arg5[%multiple_of3A_50] : memref<10000xf32, #tpu.memory_space<hbm>> -> memref<624xf32, #tpu.memory_space<hbm>>
        tpu.wait_dma2 semaphore(%run_scoped3A : memref<!tpu.dma_semaphore, #tpu.memory_space<semaphore_mem>>) src(%arg8 : memref<624xf32, #tpu.memory_space<vmem>>) dst(%dma_wait3A_57 : memref<624xf32, #tpu.memory_space<hbm>>)
        tpu.yield
      }) : () -> ()
      %eq3A_51 = arith.constant 15 : i32
      %eq3A_52 = arith.cmpi eq, %arg1, %eq3A_51 : i32
      %convert_element_type3A_53 = arith.extui %eq3A_52 : i1 to i32
      %cond3A_54 = arith.constant 0 : i32
      %cond3A_55 = arith.cmpi ne, %convert_element_type3A_53, %cond3A_54 : i32
      scf.if %cond3A_55 {
        "tpu.region"() ({
          %run_scoped3A = tpu.sem_alloc : memref<!tpu.dma_semaphore, #tpu.memory_space<semaphore_mem>>
          %dma_start3A = arith.constant 0 : i32
          %dma_start3A_56 = tpu.memref_slice %arg9[%dma_start3A] : memref<16xf32, #tpu.memory_space<vmem>> -> memref<16xf32, #tpu.memory_space<vmem>>
          %dma_start3A_57 = arith.constant 9984 : i32
          %dma_start3A_58 = tpu.memref_slice %arg10[%dma_start3A_57] : memref<10000xf32, #tpu.memory_space<vmem_shared>> -> memref<16xf32, #tpu.memory_space<vmem_shared>>
          %dma_start3A_59 = arith.constant 0 : i32
          %dma_start3A_60 = tpu.memref_slice %arg9[%dma_start3A_59] : memref<16xf32, #tpu.memory_space<vmem>> -> memref<16xf32, #tpu.memory_space<vmem>>
          %dma_start3A_61 = arith.constant 9984 : i32
          %dma_start3A_62 = tpu.memref_slice %arg10[%dma_start3A_61] : memref<10000xf32, #tpu.memory_space<vmem_shared>> -> memref<16xf32, #tpu.memory_space<vmem_shared>>
          tpu.enqueue_dma source(%dma_start3A_62 : memref<16xf32, #tpu.memory_space<vmem_shared>>) target(%dma_start3A_60 : memref<16xf32, #tpu.memory_space<vmem>>) target_semaphore(%run_scoped3A : memref<!tpu.dma_semaphore, #tpu.memory_space<semaphore_mem>>)
          %dma_wait3A = arith.constant 0 : i32
          %dma_wait3A_63 = tpu.memref_slice %arg9[%dma_wait3A] : memref<16xf32, #tpu.memory_space<vmem>> -> memref<16xf32, #tpu.memory_space<vmem>>
          %dma_wait3A_64 = arith.constant 9984 : i32
          %dma_wait3A_65 = tpu.memref_slice %arg10[%dma_wait3A_64] : memref<10000xf32, #tpu.memory_space<vmem_shared>> -> memref<16xf32, #tpu.memory_space<vmem_shared>>
          %dma_wait3A_66 = arith.constant 0 : i32
          %dma_wait3A_67 = tpu.memref_slice %arg9[%dma_wait3A_66] : memref<16xf32, #tpu.memory_space<vmem>> -> memref<16xf32, #tpu.memory_space<vmem>>
          %dma_wait3A_68 = arith.constant 9984 : i32
          %dma_wait3A_69 = tpu.memref_slice %arg10[%dma_wait3A_68] : memref<10000xf32, #tpu.memory_space<vmem_shared>> -> memref<16xf32, #tpu.memory_space<vmem_shared>>
          tpu.wait_dma2 semaphore(%run_scoped3A : memref<!tpu.dma_semaphore, #tpu.memory_space<semaphore_mem>>) src(%dma_wait3A_69 : memref<16xf32, #tpu.memory_space<vmem_shared>>) dst(%dma_wait3A_67 : memref<16xf32, #tpu.memory_space<vmem>>)
          tpu.yield
        }) : () -> ()
        "tpu.region"() ({
          %run_scoped3A = tpu.sem_alloc : memref<!tpu.dma_semaphore, #tpu.memory_space<semaphore_mem>>
          %dma_start3A = arith.constant 0 : i32
          %dma_start3A_56 = tpu.memref_slice %arg9[%dma_start3A] : memref<16xf32, #tpu.memory_space<vmem>> -> memref<16xf32, #tpu.memory_space<vmem>>
          %dma_start3A_57 = arith.constant 9984 : i32
          %dma_start3A_58 = tpu.memref_slice %arg5[%dma_start3A_57] : memref<10000xf32, #tpu.memory_space<hbm>> -> memref<16xf32, #tpu.memory_space<hbm>>
          %dma_start3A_59 = arith.constant 9984 : i32
          %dma_start3A_60 = tpu.memref_slice %arg5[%dma_start3A_59] : memref<10000xf32, #tpu.memory_space<hbm>> -> memref<16xf32, #tpu.memory_space<hbm>>
          %dma_start3A_61 = arith.constant 0 : i32
          %dma_start3A_62 = tpu.memref_slice %arg9[%dma_start3A_61] : memref<16xf32, #tpu.memory_space<vmem>> -> memref<16xf32, #tpu.memory_space<vmem>>
          tpu.enqueue_dma source(%dma_start3A_62 : memref<16xf32, #tpu.memory_space<vmem>>) target(%dma_start3A_60 : memref<16xf32, #tpu.memory_space<hbm>>) target_semaphore(%run_scoped3A : memref<!tpu.dma_semaphore, #tpu.memory_space<semaphore_mem>>)
          %dma_wait3A = arith.constant 0 : i32
          %dma_wait3A_63 = tpu.memref_slice %arg9[%dma_wait3A] : memref<16xf32, #tpu.memory_space<vmem>> -> memref<16xf32, #tpu.memory_space<vmem>>
          %dma_wait3A_64 = arith.constant 9984 : i32
          %dma_wait3A_65 = tpu.memref_slice %arg5[%dma_wait3A_64] : memref<10000xf32, #tpu.memory_space<hbm>> -> memref<16xf32, #tpu.memory_space<hbm>>
          %dma_wait3A_66 = arith.constant 9984 : i32
          %dma_wait3A_67 = tpu.memref_slice %arg5[%dma_wait3A_66] : memref<10000xf32, #tpu.memory_space<hbm>> -> memref<16xf32, #tpu.memory_space<hbm>>
          %dma_wait3A_68 = arith.constant 0 : i32
          %dma_wait3A_69 = tpu.memref_slice %arg9[%dma_wait3A_68] : memref<16xf32, #tpu.memory_space<vmem>> -> memref<16xf32, #tpu.memory_space<vmem>>
          tpu.wait_dma2 semaphore(%run_scoped3A : memref<!tpu.dma_semaphore, #tpu.memory_space<semaphore_mem>>) src(%dma_wait3A_69 : memref<16xf32, #tpu.memory_space<vmem>>) dst(%dma_wait3A_67 : memref<16xf32, #tpu.memory_space<hbm>>)
          tpu.yield
        }) : () -> ()
      } else {
      }
    } else {
    }
    return
  }
}

#map = affine_map<(d0, d1) -> (0, 0)>
#map1 = affine_map<(d0, d1) -> (0, 0, 0)>
module attributes {stable_mosaic.version = 14 : i64} {
  func.func @agg(%arg0: i32, %arg1: i32, %arg2: memref<20000x32xf32, #tpu.memory_space<hbm>>, %arg3: memref<2x1000x320xi32, #tpu.memory_space<hbm>>, %arg4: memref<1000x320xi32, #tpu.memory_space<hbm>>, %arg5: memref<10000x32xf32, #tpu.memory_space<hbm>>, %arg6: memref<10000x64xf32, #tpu.memory_space<hbm>>, %arg7: memref<63x320xi32, #tpu.memory_space<vmem>>, %arg8: memref<63x320xi32, #tpu.memory_space<vmem>>, %arg9: memref<320x32xf32, #tpu.memory_space<vmem>>, %arg10: memref<320x32xf32, #tpu.memory_space<vmem>>, %arg11: memref<104x32xf32, #tpu.memory_space<vmem>>, %arg12: memref<10000x32xf32, #tpu.memory_space<vmem_shared>>, %arg13: memref<!tpu.dma_semaphore, #tpu.memory_space<semaphore_mem>>, %arg14: memref<!tpu.dma_semaphore, #tpu.memory_space<semaphore_mem>>) attributes {dimension_semantics = [#tpu.dimension_semantics<core_parallel>, #tpu.dimension_semantics<subcore_parallel>], iteration_bounds = array<i64: 2, 16>, scalar_prefetch = 0 : i64, scratch_operands = 8 : i64, tpu.core_type = #tpu.core_type<sc_vector_subcore>, window_params = [{transform_indices = #map}, {transform_indices = #map1}, {transform_indices = #map}, {transform_indices = #map}, {transform_indices = #map}]} {
    "tpu.region"() ({
      %run_scoped3A = tpu.sem_alloc : memref<!tpu.dma_semaphore, #tpu.memory_space<semaphore_mem>>
      %dma_start3A_79 = arith.constant 0 : i32
      %dma_start3A_80 = arith.constant 0 : i32
      %dma_start3A_81 = tpu.memref_slice %arg5[%dma_start3A_79, %dma_start3A_80] : memref<10000x32xf32, #tpu.memory_space<hbm>> -> memref<104x32xf32, #tpu.memory_space<hbm>>
      %dma_start3A_82 = arith.constant 0 : i32
      %dma_start3A_83 = arith.constant 0 : i32
      %dma_start3A_84 = tpu.memref_slice %arg5[%dma_start3A_82, %dma_start3A_83] : memref<10000x32xf32, #tpu.memory_space<hbm>> -> memref<104x32xf32, #tpu.memory_space<hbm>>
      tpu.enqueue_dma source(%dma_start3A_84 : memref<104x32xf32, #tpu.memory_space<hbm>>) target(%arg11 : memref<104x32xf32, #tpu.memory_space<vmem>>) target_semaphore(%run_scoped3A : memref<!tpu.dma_semaphore, #tpu.memory_space<semaphore_mem>>)
      %dma_wait3A = arith.constant 0 : i32
      %dma_wait3A_85 = arith.constant 0 : i32
      %dma_wait3A_86 = tpu.memref_slice %arg5[%dma_wait3A, %dma_wait3A_85] : memref<10000x32xf32, #tpu.memory_space<hbm>> -> memref<104x32xf32, #tpu.memory_space<hbm>>
      %dma_wait3A_87 = arith.constant 0 : i32
      %dma_wait3A_88 = arith.constant 0 : i32
      %dma_wait3A_89 = tpu.memref_slice %arg5[%dma_wait3A_87, %dma_wait3A_88] : memref<10000x32xf32, #tpu.memory_space<hbm>> -> memref<104x32xf32, #tpu.memory_space<hbm>>
      tpu.wait_dma2 semaphore(%run_scoped3A : memref<!tpu.dma_semaphore, #tpu.memory_space<semaphore_mem>>) src(%dma_wait3A_89 : memref<104x32xf32, #tpu.memory_space<hbm>>) dst(%arg11 : memref<104x32xf32, #tpu.memory_space<vmem>>)
      tpu.yield
    }) : () -> ()
    %mul3A = arith.constant 624 : i32
    %mul3A_0 = arith.muli %arg1, %mul3A : i32
    %add3A = arith.constant 0 : i32
    %add3A_1 = arith.addi %mul3A_0, %add3A : i32
    "tpu.region"() ({
      %run_scoped3A = tpu.sem_alloc : memref<!tpu.dma_semaphore, #tpu.memory_space<semaphore_mem>>
      %dma_start3A_79 = arith.constant 0 : i32
      %dma_start3A_80 = tpu.memref_slice %arg12[%add3A_1, %dma_start3A_79] : memref<10000x32xf32, #tpu.memory_space<vmem_shared>> -> memref<104x32xf32, #tpu.memory_space<vmem_shared>>
      %dma_start3A_81 = arith.constant 0 : i32
      %dma_start3A_82 = tpu.memref_slice %arg12[%add3A_1, %dma_start3A_81] : memref<10000x32xf32, #tpu.memory_space<vmem_shared>> -> memref<104x32xf32, #tpu.memory_space<vmem_shared>>
      tpu.enqueue_dma source(%arg11 : memref<104x32xf32, #tpu.memory_space<vmem>>) target(%dma_start3A_82 : memref<104x32xf32, #tpu.memory_space<vmem_shared>>) target_semaphore(%run_scoped3A : memref<!tpu.dma_semaphore, #tpu.memory_space<semaphore_mem>>)
      %dma_wait3A = arith.constant 0 : i32
      %dma_wait3A_83 = tpu.memref_slice %arg12[%add3A_1, %dma_wait3A] : memref<10000x32xf32, #tpu.memory_space<vmem_shared>> -> memref<104x32xf32, #tpu.memory_space<vmem_shared>>
      %dma_wait3A_84 = arith.constant 0 : i32
      %dma_wait3A_85 = tpu.memref_slice %arg12[%add3A_1, %dma_wait3A_84] : memref<10000x32xf32, #tpu.memory_space<vmem_shared>> -> memref<104x32xf32, #tpu.memory_space<vmem_shared>>
      tpu.wait_dma2 semaphore(%run_scoped3A : memref<!tpu.dma_semaphore, #tpu.memory_space<semaphore_mem>>) src(%arg11 : memref<104x32xf32, #tpu.memory_space<vmem>>) dst(%dma_wait3A_85 : memref<104x32xf32, #tpu.memory_space<vmem_shared>>)
      tpu.yield
    }) : () -> ()
    %mul3A_2 = arith.constant 624 : i32
    %mul3A_3 = arith.muli %arg1, %mul3A_2 : i32
    %add3A_4 = arith.constant 104 : i32
    %add3A_5 = arith.addi %mul3A_3, %add3A_4 : i32
    "tpu.region"() ({
      %run_scoped3A = tpu.sem_alloc : memref<!tpu.dma_semaphore, #tpu.memory_space<semaphore_mem>>
      %dma_start3A_79 = arith.constant 0 : i32
      %dma_start3A_80 = tpu.memref_slice %arg12[%add3A_5, %dma_start3A_79] : memref<10000x32xf32, #tpu.memory_space<vmem_shared>> -> memref<104x32xf32, #tpu.memory_space<vmem_shared>>
      %dma_start3A_81 = arith.constant 0 : i32
      %dma_start3A_82 = tpu.memref_slice %arg12[%add3A_5, %dma_start3A_81] : memref<10000x32xf32, #tpu.memory_space<vmem_shared>> -> memref<104x32xf32, #tpu.memory_space<vmem_shared>>
      tpu.enqueue_dma source(%arg11 : memref<104x32xf32, #tpu.memory_space<vmem>>) target(%dma_start3A_82 : memref<104x32xf32, #tpu.memory_space<vmem_shared>>) target_semaphore(%run_scoped3A : memref<!tpu.dma_semaphore, #tpu.memory_space<semaphore_mem>>)
      %dma_wait3A = arith.constant 0 : i32
      %dma_wait3A_83 = tpu.memref_slice %arg12[%add3A_5, %dma_wait3A] : memref<10000x32xf32, #tpu.memory_space<vmem_shared>> -> memref<104x32xf32, #tpu.memory_space<vmem_shared>>
      %dma_wait3A_84 = arith.constant 0 : i32
      %dma_wait3A_85 = tpu.memref_slice %arg12[%add3A_5, %dma_wait3A_84] : memref<10000x32xf32, #tpu.memory_space<vmem_shared>> -> memref<104x32xf32, #tpu.memory_space<vmem_shared>>
      tpu.wait_dma2 semaphore(%run_scoped3A : memref<!tpu.dma_semaphore, #tpu.memory_space<semaphore_mem>>) src(%arg11 : memref<104x32xf32, #tpu.memory_space<vmem>>) dst(%dma_wait3A_85 : memref<104x32xf32, #tpu.memory_space<vmem_shared>>)
      tpu.yield
    }) : () -> ()
    %mul3A_6 = arith.constant 624 : i32
    %mul3A_7 = arith.muli %arg1, %mul3A_6 : i32
    %add3A_8 = arith.constant 208 : i32
    %add3A_9 = arith.addi %mul3A_7, %add3A_8 : i32
    "tpu.region"() ({
      %run_scoped3A = tpu.sem_alloc : memref<!tpu.dma_semaphore, #tpu.memory_space<semaphore_mem>>
      %dma_start3A_79 = arith.constant 0 : i32
      %dma_start3A_80 = tpu.memref_slice %arg12[%add3A_9, %dma_start3A_79] : memref<10000x32xf32, #tpu.memory_space<vmem_shared>> -> memref<104x32xf32, #tpu.memory_space<vmem_shared>>
      %dma_start3A_81 = arith.constant 0 : i32
      %dma_start3A_82 = tpu.memref_slice %arg12[%add3A_9, %dma_start3A_81] : memref<10000x32xf32, #tpu.memory_space<vmem_shared>> -> memref<104x32xf32, #tpu.memory_space<vmem_shared>>
      tpu.enqueue_dma source(%arg11 : memref<104x32xf32, #tpu.memory_space<vmem>>) target(%dma_start3A_82 : memref<104x32xf32, #tpu.memory_space<vmem_shared>>) target_semaphore(%run_scoped3A : memref<!tpu.dma_semaphore, #tpu.memory_space<semaphore_mem>>)
      %dma_wait3A = arith.constant 0 : i32
      %dma_wait3A_83 = tpu.memref_slice %arg12[%add3A_9, %dma_wait3A] : memref<10000x32xf32, #tpu.memory_space<vmem_shared>> -> memref<104x32xf32, #tpu.memory_space<vmem_shared>>
      %dma_wait3A_84 = arith.constant 0 : i32
      %dma_wait3A_85 = tpu.memref_slice %arg12[%add3A_9, %dma_wait3A_84] : memref<10000x32xf32, #tpu.memory_space<vmem_shared>> -> memref<104x32xf32, #tpu.memory_space<vmem_shared>>
      tpu.wait_dma2 semaphore(%run_scoped3A : memref<!tpu.dma_semaphore, #tpu.memory_space<semaphore_mem>>) src(%arg11 : memref<104x32xf32, #tpu.memory_space<vmem>>) dst(%dma_wait3A_85 : memref<104x32xf32, #tpu.memory_space<vmem_shared>>)
      tpu.yield
    }) : () -> ()
    %mul3A_10 = arith.constant 624 : i32
    %mul3A_11 = arith.muli %arg1, %mul3A_10 : i32
    %add3A_12 = arith.constant 312 : i32
    %add3A_13 = arith.addi %mul3A_11, %add3A_12 : i32
    "tpu.region"() ({
      %run_scoped3A = tpu.sem_alloc : memref<!tpu.dma_semaphore, #tpu.memory_space<semaphore_mem>>
      %dma_start3A_79 = arith.constant 0 : i32
      %dma_start3A_80 = tpu.memref_slice %arg12[%add3A_13, %dma_start3A_79] : memref<10000x32xf32, #tpu.memory_space<vmem_shared>> -> memref<104x32xf32, #tpu.memory_space<vmem_shared>>
      %dma_start3A_81 = arith.constant 0 : i32
      %dma_start3A_82 = tpu.memref_slice %arg12[%add3A_13, %dma_start3A_81] : memref<10000x32xf32, #tpu.memory_space<vmem_shared>> -> memref<104x32xf32, #tpu.memory_space<vmem_shared>>
      tpu.enqueue_dma source(%arg11 : memref<104x32xf32, #tpu.memory_space<vmem>>) target(%dma_start3A_82 : memref<104x32xf32, #tpu.memory_space<vmem_shared>>) target_semaphore(%run_scoped3A : memref<!tpu.dma_semaphore, #tpu.memory_space<semaphore_mem>>)
      %dma_wait3A = arith.constant 0 : i32
      %dma_wait3A_83 = tpu.memref_slice %arg12[%add3A_13, %dma_wait3A] : memref<10000x32xf32, #tpu.memory_space<vmem_shared>> -> memref<104x32xf32, #tpu.memory_space<vmem_shared>>
      %dma_wait3A_84 = arith.constant 0 : i32
      %dma_wait3A_85 = tpu.memref_slice %arg12[%add3A_13, %dma_wait3A_84] : memref<10000x32xf32, #tpu.memory_space<vmem_shared>> -> memref<104x32xf32, #tpu.memory_space<vmem_shared>>
      tpu.wait_dma2 semaphore(%run_scoped3A : memref<!tpu.dma_semaphore, #tpu.memory_space<semaphore_mem>>) src(%arg11 : memref<104x32xf32, #tpu.memory_space<vmem>>) dst(%dma_wait3A_85 : memref<104x32xf32, #tpu.memory_space<vmem_shared>>)
      tpu.yield
    }) : () -> ()
    %mul3A_14 = arith.constant 624 : i32
    %mul3A_15 = arith.muli %arg1, %mul3A_14 : i32
    %add3A_16 = arith.constant 416 : i32
    %add3A_17 = arith.addi %mul3A_15, %add3A_16 : i32
    "tpu.region"() ({
      %run_scoped3A = tpu.sem_alloc : memref<!tpu.dma_semaphore, #tpu.memory_space<semaphore_mem>>
      %dma_start3A_79 = arith.constant 0 : i32
      %dma_start3A_80 = tpu.memref_slice %arg12[%add3A_17, %dma_start3A_79] : memref<10000x32xf32, #tpu.memory_space<vmem_shared>> -> memref<104x32xf32, #tpu.memory_space<vmem_shared>>
      %dma_start3A_81 = arith.constant 0 : i32
      %dma_start3A_82 = tpu.memref_slice %arg12[%add3A_17, %dma_start3A_81] : memref<10000x32xf32, #tpu.memory_space<vmem_shared>> -> memref<104x32xf32, #tpu.memory_space<vmem_shared>>
      tpu.enqueue_dma source(%arg11 : memref<104x32xf32, #tpu.memory_space<vmem>>) target(%dma_start3A_82 : memref<104x32xf32, #tpu.memory_space<vmem_shared>>) target_semaphore(%run_scoped3A : memref<!tpu.dma_semaphore, #tpu.memory_space<semaphore_mem>>)
      %dma_wait3A = arith.constant 0 : i32
      %dma_wait3A_83 = tpu.memref_slice %arg12[%add3A_17, %dma_wait3A] : memref<10000x32xf32, #tpu.memory_space<vmem_shared>> -> memref<104x32xf32, #tpu.memory_space<vmem_shared>>
      %dma_wait3A_84 = arith.constant 0 : i32
      %dma_wait3A_85 = tpu.memref_slice %arg12[%add3A_17, %dma_wait3A_84] : memref<10000x32xf32, #tpu.memory_space<vmem_shared>> -> memref<104x32xf32, #tpu.memory_space<vmem_shared>>
      tpu.wait_dma2 semaphore(%run_scoped3A : memref<!tpu.dma_semaphore, #tpu.memory_space<semaphore_mem>>) src(%arg11 : memref<104x32xf32, #tpu.memory_space<vmem>>) dst(%dma_wait3A_85 : memref<104x32xf32, #tpu.memory_space<vmem_shared>>)
      tpu.yield
    }) : () -> ()
    %mul3A_18 = arith.constant 624 : i32
    %mul3A_19 = arith.muli %arg1, %mul3A_18 : i32
    %add3A_20 = arith.constant 520 : i32
    %add3A_21 = arith.addi %mul3A_19, %add3A_20 : i32
    "tpu.region"() ({
      %run_scoped3A = tpu.sem_alloc : memref<!tpu.dma_semaphore, #tpu.memory_space<semaphore_mem>>
      %dma_start3A_79 = arith.constant 0 : i32
      %dma_start3A_80 = tpu.memref_slice %arg12[%add3A_21, %dma_start3A_79] : memref<10000x32xf32, #tpu.memory_space<vmem_shared>> -> memref<104x32xf32, #tpu.memory_space<vmem_shared>>
      %dma_start3A_81 = arith.constant 0 : i32
      %dma_start3A_82 = tpu.memref_slice %arg12[%add3A_21, %dma_start3A_81] : memref<10000x32xf32, #tpu.memory_space<vmem_shared>> -> memref<104x32xf32, #tpu.memory_space<vmem_shared>>
      tpu.enqueue_dma source(%arg11 : memref<104x32xf32, #tpu.memory_space<vmem>>) target(%dma_start3A_82 : memref<104x32xf32, #tpu.memory_space<vmem_shared>>) target_semaphore(%run_scoped3A : memref<!tpu.dma_semaphore, #tpu.memory_space<semaphore_mem>>)
      %dma_wait3A = arith.constant 0 : i32
      %dma_wait3A_83 = tpu.memref_slice %arg12[%add3A_21, %dma_wait3A] : memref<10000x32xf32, #tpu.memory_space<vmem_shared>> -> memref<104x32xf32, #tpu.memory_space<vmem_shared>>
      %dma_wait3A_84 = arith.constant 0 : i32
      %dma_wait3A_85 = tpu.memref_slice %arg12[%add3A_21, %dma_wait3A_84] : memref<10000x32xf32, #tpu.memory_space<vmem_shared>> -> memref<104x32xf32, #tpu.memory_space<vmem_shared>>
      tpu.wait_dma2 semaphore(%run_scoped3A : memref<!tpu.dma_semaphore, #tpu.memory_space<semaphore_mem>>) src(%arg11 : memref<104x32xf32, #tpu.memory_space<vmem>>) dst(%dma_wait3A_85 : memref<104x32xf32, #tpu.memory_space<vmem_shared>>)
      tpu.yield
    }) : () -> ()
    %eq3A = arith.constant 15 : i32
    %eq3A_22 = arith.cmpi eq, %arg1, %eq3A : i32
    %convert_element_type3A = arith.extui %eq3A_22 : i1 to i32
    %cond3A = arith.constant 0 : i32
    %cond3A_23 = arith.cmpi ne, %convert_element_type3A, %cond3A : i32
    scf.if %cond3A_23 {
      "tpu.region"() ({
        %run_scoped3A = tpu.sem_alloc : memref<!tpu.dma_semaphore, #tpu.memory_space<semaphore_mem>>
        %dma_start3A_79 = arith.constant 0 : i32
        %dma_start3A_80 = arith.constant 0 : i32
        %dma_start3A_81 = tpu.memref_slice %arg11[%dma_start3A_79, %dma_start3A_80] : memref<104x32xf32, #tpu.memory_space<vmem>> -> memref<16x32xf32, #tpu.memory_space<vmem>>
        %dma_start3A_82 = arith.constant 9984 : i32
        %dma_start3A_83 = arith.constant 0 : i32
        %dma_start3A_84 = tpu.memref_slice %arg12[%dma_start3A_82, %dma_start3A_83] : memref<10000x32xf32, #tpu.memory_space<vmem_shared>> -> memref<16x32xf32, #tpu.memory_space<vmem_shared>>
        %dma_start3A_85 = arith.constant 9984 : i32
        %dma_start3A_86 = arith.constant 0 : i32
        %dma_start3A_87 = tpu.memref_slice %arg12[%dma_start3A_85, %dma_start3A_86] : memref<10000x32xf32, #tpu.memory_space<vmem_shared>> -> memref<16x32xf32, #tpu.memory_space<vmem_shared>>
        %dma_start3A_88 = arith.constant 0 : i32
        %dma_start3A_89 = arith.constant 0 : i32
        %dma_start3A_90 = tpu.memref_slice %arg11[%dma_start3A_88, %dma_start3A_89] : memref<104x32xf32, #tpu.memory_space<vmem>> -> memref<16x32xf32, #tpu.memory_space<vmem>>
        tpu.enqueue_dma source(%dma_start3A_90 : memref<16x32xf32, #tpu.memory_space<vmem>>) target(%dma_start3A_87 : memref<16x32xf32, #tpu.memory_space<vmem_shared>>) target_semaphore(%run_scoped3A : memref<!tpu.dma_semaphore, #tpu.memory_space<semaphore_mem>>)
        %dma_wait3A = arith.constant 0 : i32
        %dma_wait3A_91 = arith.constant 0 : i32
        %dma_wait3A_92 = tpu.memref_slice %arg11[%dma_wait3A, %dma_wait3A_91] : memref<104x32xf32, #tpu.memory_space<vmem>> -> memref<16x32xf32, #tpu.memory_space<vmem>>
        %dma_wait3A_93 = arith.constant 9984 : i32
        %dma_wait3A_94 = arith.constant 0 : i32
        %dma_wait3A_95 = tpu.memref_slice %arg12[%dma_wait3A_93, %dma_wait3A_94] : memref<10000x32xf32, #tpu.memory_space<vmem_shared>> -> memref<16x32xf32, #tpu.memory_space<vmem_shared>>
        %dma_wait3A_96 = arith.constant 9984 : i32
        %dma_wait3A_97 = arith.constant 0 : i32
        %dma_wait3A_98 = tpu.memref_slice %arg12[%dma_wait3A_96, %dma_wait3A_97] : memref<10000x32xf32, #tpu.memory_space<vmem_shared>> -> memref<16x32xf32, #tpu.memory_space<vmem_shared>>
        %dma_wait3A_99 = arith.constant 0 : i32
        %dma_wait3A_100 = arith.constant 0 : i32
        %dma_wait3A_101 = tpu.memref_slice %arg11[%dma_wait3A_99, %dma_wait3A_100] : memref<104x32xf32, #tpu.memory_space<vmem>> -> memref<16x32xf32, #tpu.memory_space<vmem>>
        tpu.wait_dma2 semaphore(%run_scoped3A : memref<!tpu.dma_semaphore, #tpu.memory_space<semaphore_mem>>) src(%dma_wait3A_101 : memref<16x32xf32, #tpu.memory_space<vmem>>) dst(%dma_wait3A_98 : memref<16x32xf32, #tpu.memory_space<vmem_shared>>)
        tpu.yield
      }) : () -> ()
    } else {
    }
    %lt3A = arith.constant 8 : i32
    %lt3A_24 = arith.cmpi slt, %arg1, %lt3A : i32
    %jit3A = arith.constant 1 : i32
    %jit3A_25 = arith.constant 0 : i32
    %select_n3A = arith.select %lt3A_24, %jit3A, %jit3A_25 : i32
    %add3A_26 = arith.constant 62 : i32
    %add3A_27 = arith.addi %add3A_26, %select_n3A : i32
    %mul3A_28 = arith.constant 62 : i32
    %mul3A_29 = arith.muli %arg1, %mul3A_28 : i32
    %min3A = arith.constant 8 : i32
    %min3A_30 = arith.minsi %arg1, %min3A : i32
    %add3A_31 = arith.addi %mul3A_29, %min3A_30 : i32
    "tpu.region"() ({
      %run_scoped3A = tpu.sem_alloc : memref<!tpu.dma_semaphore, #tpu.memory_space<semaphore_mem>>
      %dma_start3A_79 = arith.constant 0 : i32
      %dma_start3A_80 = arith.constant 0 : i32
      %dma_start3A_81 = tpu.memref_slice %arg7[%dma_start3A_79, %dma_start3A_80] : memref<63x320xi32, #tpu.memory_space<vmem>> -> memref<62x320xi32, #tpu.memory_space<vmem>>
      %dma_start3A_82 = arith.constant 0 : i32
      %dma_start3A_83 = arith.constant 0 : i32
      %dma_start3A_84 = tpu.memref_slice %arg3[%arg0, %dma_start3A_82, %dma_start3A_83] : memref<2x1000x320xi32, #tpu.memory_space<hbm>> -> memref<1x1000x320xi32, #tpu.memory_space<hbm>>
      %dma_start3A_85 = tpu.memref_squeeze %dma_start3A_84 : memref<1x1000x320xi32, #tpu.memory_space<hbm>> -> memref<1000x320xi32, #tpu.memory_space<hbm>>
      %dma_start3A_86 = arith.constant 0 : i32
      %dma_start3A_87 = tpu.memref_slice %dma_start3A_85[%add3A_31, %dma_start3A_86] : memref<1000x320xi32, #tpu.memory_space<hbm>> -> memref<62x320xi32, #tpu.memory_space<hbm>>
      %dma_start3A_88 = arith.constant 0 : i32
      %dma_start3A_89 = arith.constant 0 : i32
      %dma_start3A_90 = tpu.memref_slice %arg7[%dma_start3A_88, %dma_start3A_89] : memref<63x320xi32, #tpu.memory_space<vmem>> -> memref<62x320xi32, #tpu.memory_space<vmem>>
      %dma_start3A_91 = arith.constant 0 : i32
      %dma_start3A_92 = arith.constant 0 : i32
      %dma_start3A_93 = tpu.memref_slice %arg3[%arg0, %dma_start3A_91, %dma_start3A_92] : memref<2x1000x320xi32, #tpu.memory_space<hbm>> -> memref<1x1000x320xi32, #tpu.memory_space<hbm>>
      %dma_start3A_94 = tpu.memref_squeeze %dma_start3A_93 : memref<1x1000x320xi32, #tpu.memory_space<hbm>> -> memref<1000x320xi32, #tpu.memory_space<hbm>>
      %dma_start3A_95 = arith.constant 0 : i32
      %dma_start3A_96 = tpu.memref_slice %dma_start3A_94[%add3A_31, %dma_start3A_95] : memref<1000x320xi32, #tpu.memory_space<hbm>> -> memref<62x320xi32, #tpu.memory_space<hbm>>
      tpu.enqueue_dma source(%dma_start3A_96 : memref<62x320xi32, #tpu.memory_space<hbm>>) target(%dma_start3A_90 : memref<62x320xi32, #tpu.memory_space<vmem>>) target_semaphore(%run_scoped3A : memref<!tpu.dma_semaphore, #tpu.memory_space<semaphore_mem>>)
      %dma_wait3A = arith.constant 0 : i32
      %dma_wait3A_97 = arith.constant 0 : i32
      %dma_wait3A_98 = tpu.memref_slice %arg7[%dma_wait3A, %dma_wait3A_97] : memref<63x320xi32, #tpu.memory_space<vmem>> -> memref<62x320xi32, #tpu.memory_space<vmem>>
      %dma_wait3A_99 = arith.constant 0 : i32
      %dma_wait3A_100 = arith.constant 0 : i32
      %dma_wait3A_101 = tpu.memref_slice %arg3[%arg0, %dma_wait3A_99, %dma_wait3A_100] : memref<2x1000x320xi32, #tpu.memory_space<hbm>> -> memref<1x1000x320xi32, #tpu.memory_space<hbm>>
      %dma_wait3A_102 = tpu.memref_squeeze %dma_wait3A_101 : memref<1x1000x320xi32, #tpu.memory_space<hbm>> -> memref<1000x320xi32, #tpu.memory_space<hbm>>
      %dma_wait3A_103 = arith.constant 0 : i32
      %dma_wait3A_104 = tpu.memref_slice %dma_wait3A_102[%add3A_31, %dma_wait3A_103] : memref<1000x320xi32, #tpu.memory_space<hbm>> -> memref<62x320xi32, #tpu.memory_space<hbm>>
      %dma_wait3A_105 = arith.constant 0 : i32
      %dma_wait3A_106 = arith.constant 0 : i32
      %dma_wait3A_107 = tpu.memref_slice %arg7[%dma_wait3A_105, %dma_wait3A_106] : memref<63x320xi32, #tpu.memory_space<vmem>> -> memref<62x320xi32, #tpu.memory_space<vmem>>
      %dma_wait3A_108 = arith.constant 0 : i32
      %dma_wait3A_109 = arith.constant 0 : i32
      %dma_wait3A_110 = tpu.memref_slice %arg3[%arg0, %dma_wait3A_108, %dma_wait3A_109] : memref<2x1000x320xi32, #tpu.memory_space<hbm>> -> memref<1x1000x320xi32, #tpu.memory_space<hbm>>
      %dma_wait3A_111 = tpu.memref_squeeze %dma_wait3A_110 : memref<1x1000x320xi32, #tpu.memory_space<hbm>> -> memref<1000x320xi32, #tpu.memory_space<hbm>>
      %dma_wait3A_112 = arith.constant 0 : i32
      %dma_wait3A_113 = tpu.memref_slice %dma_wait3A_111[%add3A_31, %dma_wait3A_112] : memref<1000x320xi32, #tpu.memory_space<hbm>> -> memref<62x320xi32, #tpu.memory_space<hbm>>
      tpu.wait_dma2 semaphore(%run_scoped3A : memref<!tpu.dma_semaphore, #tpu.memory_space<semaphore_mem>>) src(%dma_wait3A_113 : memref<62x320xi32, #tpu.memory_space<hbm>>) dst(%dma_wait3A_107 : memref<62x320xi32, #tpu.memory_space<vmem>>)
      tpu.yield
    }) : () -> ()
    "tpu.region"() ({
      %run_scoped3A = tpu.sem_alloc : memref<!tpu.dma_semaphore, #tpu.memory_space<semaphore_mem>>
      %dma_start3A_79 = arith.constant 0 : i32
      %dma_start3A_80 = arith.constant 0 : i32
      %dma_start3A_81 = tpu.memref_slice %arg8[%dma_start3A_79, %dma_start3A_80] : memref<63x320xi32, #tpu.memory_space<vmem>> -> memref<62x320xi32, #tpu.memory_space<vmem>>
      %dma_start3A_82 = arith.constant 0 : i32
      %dma_start3A_83 = tpu.memref_slice %arg4[%add3A_31, %dma_start3A_82] : memref<1000x320xi32, #tpu.memory_space<hbm>> -> memref<62x320xi32, #tpu.memory_space<hbm>>
      %dma_start3A_84 = arith.constant 0 : i32
      %dma_start3A_85 = arith.constant 0 : i32
      %dma_start3A_86 = tpu.memref_slice %arg8[%dma_start3A_84, %dma_start3A_85] : memref<63x320xi32, #tpu.memory_space<vmem>> -> memref<62x320xi32, #tpu.memory_space<vmem>>
      %dma_start3A_87 = arith.constant 0 : i32
      %dma_start3A_88 = tpu.memref_slice %arg4[%add3A_31, %dma_start3A_87] : memref<1000x320xi32, #tpu.memory_space<hbm>> -> memref<62x320xi32, #tpu.memory_space<hbm>>
      tpu.enqueue_dma source(%dma_start3A_88 : memref<62x320xi32, #tpu.memory_space<hbm>>) target(%dma_start3A_86 : memref<62x320xi32, #tpu.memory_space<vmem>>) target_semaphore(%run_scoped3A : memref<!tpu.dma_semaphore, #tpu.memory_space<semaphore_mem>>)
      %dma_wait3A = arith.constant 0 : i32
      %dma_wait3A_89 = arith.constant 0 : i32
      %dma_wait3A_90 = tpu.memref_slice %arg8[%dma_wait3A, %dma_wait3A_89] : memref<63x320xi32, #tpu.memory_space<vmem>> -> memref<62x320xi32, #tpu.memory_space<vmem>>
      %dma_wait3A_91 = arith.constant 0 : i32
      %dma_wait3A_92 = tpu.memref_slice %arg4[%add3A_31, %dma_wait3A_91] : memref<1000x320xi32, #tpu.memory_space<hbm>> -> memref<62x320xi32, #tpu.memory_space<hbm>>
      %dma_wait3A_93 = arith.constant 0 : i32
      %dma_wait3A_94 = arith.constant 0 : i32
      %dma_wait3A_95 = tpu.memref_slice %arg8[%dma_wait3A_93, %dma_wait3A_94] : memref<63x320xi32, #tpu.memory_space<vmem>> -> memref<62x320xi32, #tpu.memory_space<vmem>>
      %dma_wait3A_96 = arith.constant 0 : i32
      %dma_wait3A_97 = tpu.memref_slice %arg4[%add3A_31, %dma_wait3A_96] : memref<1000x320xi32, #tpu.memory_space<hbm>> -> memref<62x320xi32, #tpu.memory_space<hbm>>
      tpu.wait_dma2 semaphore(%run_scoped3A : memref<!tpu.dma_semaphore, #tpu.memory_space<semaphore_mem>>) src(%dma_wait3A_97 : memref<62x320xi32, #tpu.memory_space<hbm>>) dst(%dma_wait3A_95 : memref<62x320xi32, #tpu.memory_space<vmem>>)
      tpu.yield
    }) : () -> ()
    %eq3A_32 = arith.constant 63 : i32
    %eq3A_33 = arith.cmpi eq, %add3A_27, %eq3A_32 : i32
    %convert_element_type3A_34 = arith.extui %eq3A_33 : i1 to i32
    %cond3A_35 = arith.constant 0 : i32
    %cond3A_36 = arith.cmpi ne, %convert_element_type3A_34, %cond3A_35 : i32
    scf.if %cond3A_36 {
      %add3A_79 = arith.constant 62 : i32
      %add3A_80 = arith.addi %add3A_31, %add3A_79 : i32
      "tpu.region"() ({
        %run_scoped3A = tpu.sem_alloc : memref<!tpu.dma_semaphore, #tpu.memory_space<semaphore_mem>>
        %dma_start3A_83 = arith.constant 62 : i32
        %dma_start3A_84 = arith.constant 0 : i32
        %dma_start3A_85 = tpu.memref_slice %arg7[%dma_start3A_83, %dma_start3A_84] : memref<63x320xi32, #tpu.memory_space<vmem>> -> memref<1x320xi32, #tpu.memory_space<vmem>>
        %dma_start3A_86 = arith.constant 0 : i32
        %dma_start3A_87 = arith.constant 0 : i32
        %dma_start3A_88 = tpu.memref_slice %arg3[%arg0, %dma_start3A_86, %dma_start3A_87] : memref<2x1000x320xi32, #tpu.memory_space<hbm>> -> memref<1x1000x320xi32, #tpu.memory_space<hbm>>
        %dma_start3A_89 = tpu.memref_squeeze %dma_start3A_88 : memref<1x1000x320xi32, #tpu.memory_space<hbm>> -> memref<1000x320xi32, #tpu.memory_space<hbm>>
        %dma_start3A_90 = arith.constant 0 : i32
        %dma_start3A_91 = tpu.memref_slice %dma_start3A_89[%add3A_80, %dma_start3A_90] : memref<1000x320xi32, #tpu.memory_space<hbm>> -> memref<1x320xi32, #tpu.memory_space<hbm>>
        %dma_start3A_92 = arith.constant 62 : i32
        %dma_start3A_93 = arith.constant 0 : i32
        %dma_start3A_94 = tpu.memref_slice %arg7[%dma_start3A_92, %dma_start3A_93] : memref<63x320xi32, #tpu.memory_space<vmem>> -> memref<1x320xi32, #tpu.memory_space<vmem>>
        %dma_start3A_95 = arith.constant 0 : i32
        %dma_start3A_96 = arith.constant 0 : i32
        %dma_start3A_97 = tpu.memref_slice %arg3[%arg0, %dma_start3A_95, %dma_start3A_96] : memref<2x1000x320xi32, #tpu.memory_space<hbm>> -> memref<1x1000x320xi32, #tpu.memory_space<hbm>>
        %dma_start3A_98 = tpu.memref_squeeze %dma_start3A_97 : memref<1x1000x320xi32, #tpu.memory_space<hbm>> -> memref<1000x320xi32, #tpu.memory_space<hbm>>
        %dma_start3A_99 = arith.constant 0 : i32
        %dma_start3A_100 = tpu.memref_slice %dma_start3A_98[%add3A_80, %dma_start3A_99] : memref<1000x320xi32, #tpu.memory_space<hbm>> -> memref<1x320xi32, #tpu.memory_space<hbm>>
        tpu.enqueue_dma source(%dma_start3A_100 : memref<1x320xi32, #tpu.memory_space<hbm>>) target(%dma_start3A_94 : memref<1x320xi32, #tpu.memory_space<vmem>>) target_semaphore(%run_scoped3A : memref<!tpu.dma_semaphore, #tpu.memory_space<semaphore_mem>>)
        %dma_wait3A = arith.constant 62 : i32
        %dma_wait3A_101 = arith.constant 0 : i32
        %dma_wait3A_102 = tpu.memref_slice %arg7[%dma_wait3A, %dma_wait3A_101] : memref<63x320xi32, #tpu.memory_space<vmem>> -> memref<1x320xi32, #tpu.memory_space<vmem>>
        %dma_wait3A_103 = arith.constant 0 : i32
        %dma_wait3A_104 = arith.constant 0 : i32
        %dma_wait3A_105 = tpu.memref_slice %arg3[%arg0, %dma_wait3A_103, %dma_wait3A_104] : memref<2x1000x320xi32, #tpu.memory_space<hbm>> -> memref<1x1000x320xi32, #tpu.memory_space<hbm>>
        %dma_wait3A_106 = tpu.memref_squeeze %dma_wait3A_105 : memref<1x1000x320xi32, #tpu.memory_space<hbm>> -> memref<1000x320xi32, #tpu.memory_space<hbm>>
        %dma_wait3A_107 = arith.constant 0 : i32
        %dma_wait3A_108 = tpu.memref_slice %dma_wait3A_106[%add3A_80, %dma_wait3A_107] : memref<1000x320xi32, #tpu.memory_space<hbm>> -> memref<1x320xi32, #tpu.memory_space<hbm>>
        %dma_wait3A_109 = arith.constant 62 : i32
        %dma_wait3A_110 = arith.constant 0 : i32
        %dma_wait3A_111 = tpu.memref_slice %arg7[%dma_wait3A_109, %dma_wait3A_110] : memref<63x320xi32, #tpu.memory_space<vmem>> -> memref<1x320xi32, #tpu.memory_space<vmem>>
        %dma_wait3A_112 = arith.constant 0 : i32
        %dma_wait3A_113 = arith.constant 0 : i32
        %dma_wait3A_114 = tpu.memref_slice %arg3[%arg0, %dma_wait3A_112, %dma_wait3A_113] : memref<2x1000x320xi32, #tpu.memory_space<hbm>> -> memref<1x1000x320xi32, #tpu.memory_space<hbm>>
        %dma_wait3A_115 = tpu.memref_squeeze %dma_wait3A_114 : memref<1x1000x320xi32, #tpu.memory_space<hbm>> -> memref<1000x320xi32, #tpu.memory_space<hbm>>
        %dma_wait3A_116 = arith.constant 0 : i32
        %dma_wait3A_117 = tpu.memref_slice %dma_wait3A_115[%add3A_80, %dma_wait3A_116] : memref<1000x320xi32, #tpu.memory_space<hbm>> -> memref<1x320xi32, #tpu.memory_space<hbm>>
        tpu.wait_dma2 semaphore(%run_scoped3A : memref<!tpu.dma_semaphore, #tpu.memory_space<semaphore_mem>>) src(%dma_wait3A_117 : memref<1x320xi32, #tpu.memory_space<hbm>>) dst(%dma_wait3A_111 : memref<1x320xi32, #tpu.memory_space<vmem>>)
        tpu.yield
      }) : () -> ()
      %add3A_81 = arith.constant 62 : i32
      %add3A_82 = arith.addi %add3A_31, %add3A_81 : i32
      "tpu.region"() ({
        %run_scoped3A = tpu.sem_alloc : memref<!tpu.dma_semaphore, #tpu.memory_space<semaphore_mem>>
        %dma_start3A_83 = arith.constant 62 : i32
        %dma_start3A_84 = arith.constant 0 : i32
        %dma_start3A_85 = tpu.memref_slice %arg8[%dma_start3A_83, %dma_start3A_84] : memref<63x320xi32, #tpu.memory_space<vmem>> -> memref<1x320xi32, #tpu.memory_space<vmem>>
        %dma_start3A_86 = arith.constant 0 : i32
        %dma_start3A_87 = tpu.memref_slice %arg4[%add3A_82, %dma_start3A_86] : memref<1000x320xi32, #tpu.memory_space<hbm>> -> memref<1x320xi32, #tpu.memory_space<hbm>>
        %dma_start3A_88 = arith.constant 62 : i32
        %dma_start3A_89 = arith.constant 0 : i32
        %dma_start3A_90 = tpu.memref_slice %arg8[%dma_start3A_88, %dma_start3A_89] : memref<63x320xi32, #tpu.memory_space<vmem>> -> memref<1x320xi32, #tpu.memory_space<vmem>>
        %dma_start3A_91 = arith.constant 0 : i32
        %dma_start3A_92 = tpu.memref_slice %arg4[%add3A_82, %dma_start3A_91] : memref<1000x320xi32, #tpu.memory_space<hbm>> -> memref<1x320xi32, #tpu.memory_space<hbm>>
        tpu.enqueue_dma source(%dma_start3A_92 : memref<1x320xi32, #tpu.memory_space<hbm>>) target(%dma_start3A_90 : memref<1x320xi32, #tpu.memory_space<vmem>>) target_semaphore(%run_scoped3A : memref<!tpu.dma_semaphore, #tpu.memory_space<semaphore_mem>>)
        %dma_wait3A = arith.constant 62 : i32
        %dma_wait3A_93 = arith.constant 0 : i32
        %dma_wait3A_94 = tpu.memref_slice %arg8[%dma_wait3A, %dma_wait3A_93] : memref<63x320xi32, #tpu.memory_space<vmem>> -> memref<1x320xi32, #tpu.memory_space<vmem>>
        %dma_wait3A_95 = arith.constant 0 : i32
        %dma_wait3A_96 = tpu.memref_slice %arg4[%add3A_82, %dma_wait3A_95] : memref<1000x320xi32, #tpu.memory_space<hbm>> -> memref<1x320xi32, #tpu.memory_space<hbm>>
        %dma_wait3A_97 = arith.constant 62 : i32
        %dma_wait3A_98 = arith.constant 0 : i32
        %dma_wait3A_99 = tpu.memref_slice %arg8[%dma_wait3A_97, %dma_wait3A_98] : memref<63x320xi32, #tpu.memory_space<vmem>> -> memref<1x320xi32, #tpu.memory_space<vmem>>
        %dma_wait3A_100 = arith.constant 0 : i32
        %dma_wait3A_101 = tpu.memref_slice %arg4[%add3A_82, %dma_wait3A_100] : memref<1000x320xi32, #tpu.memory_space<hbm>> -> memref<1x320xi32, #tpu.memory_space<hbm>>
        tpu.wait_dma2 semaphore(%run_scoped3A : memref<!tpu.dma_semaphore, #tpu.memory_space<semaphore_mem>>) src(%dma_wait3A_101 : memref<1x320xi32, #tpu.memory_space<hbm>>) dst(%dma_wait3A_99 : memref<1x320xi32, #tpu.memory_space<vmem>>)
        tpu.yield
      }) : () -> ()
    } else {
    }
    %barrier3A = arith.constant 0 : index
    tpu.barrier barrier_id(%barrier3A)
    %dma_start3A = arith.constant 0 : i32
    %dma_start3A_37 = arith.constant 0 : i32
    %dma_start3A_38 = tpu.memref_slice %arg7[%dma_start3A, %dma_start3A_37] : memref<63x320xi32, #tpu.memory_space<vmem>> -> memref<1x320xi32, #tpu.memory_space<vmem>>
    %dma_start3A_39 = tpu.memref_squeeze %dma_start3A_38 : memref<1x320xi32, #tpu.memory_space<vmem>> -> memref<320xi32, #tpu.memory_space<vmem>>
    %dma_start3A_40 = arith.constant 0 : i32
    %dma_start3A_41 = arith.constant 0 : i32
    %dma_start3A_42 = tpu.memref_slice %arg2[%dma_start3A_40, %dma_start3A_41] : memref<20000x32xf32, #tpu.memory_space<hbm>> -> memref<20000x32xf32, #tpu.memory_space<hbm>>
    tpu.enqueue_indirect_dma source(%dma_start3A_42 : memref<20000x32xf32, #tpu.memory_space<hbm>>) target(%arg9 : memref<320x32xf32, #tpu.memory_space<vmem>>) offsets(%dma_start3A_39 : memref<320xi32, #tpu.memory_space<vmem>>) semaphore(%arg13 : memref<!tpu.dma_semaphore, #tpu.memory_space<semaphore_mem>>)
    %scan3A = arith.constant 0 : i32
    %scan3A_43 = arith.constant 32 : i32
    %scan3A_44 = arith.addi %scan3A, %scan3A_43 : i32
    %scan3A_45 = arith.constant 1 : i32
    scf.for %scan3A_79 = %scan3A to %scan3A_44 step %scan3A_45  : i32 {
      %mul3A_80 = arith.constant 2 : i32
      %mul3A_81 = arith.muli %mul3A_80, %scan3A_79 : i32
      %add3A_82 = arith.constant 0 : i32
      %add3A_83 = arith.addi %mul3A_81, %add3A_82 : i32
      %lt3A_84 = arith.cmpi slt, %add3A_83, %add3A_27 : i32
      %convert_element_type3A_85 = arith.extui %lt3A_84 : i1 to i32
      %cond3A_86 = arith.constant 0 : i32
      %cond3A_87 = arith.cmpi ne, %convert_element_type3A_85, %cond3A_86 : i32
      scf.if %cond3A_87 {
        %dma_wait3A = arith.constant 0 : i32
        %dma_wait3A_122 = tpu.memref_slice %arg7[%add3A_83, %dma_wait3A] : memref<63x320xi32, #tpu.memory_space<vmem>> -> memref<1x320xi32, #tpu.memory_space<vmem>>
        %dma_wait3A_123 = tpu.memref_squeeze %dma_wait3A_122 : memref<1x320xi32, #tpu.memory_space<vmem>> -> memref<320xi32, #tpu.memory_space<vmem>>
        %dma_wait3A_124 = arith.constant 0 : i32
        %dma_wait3A_125 = arith.constant 0 : i32
        %dma_wait3A_126 = tpu.memref_slice %arg2[%dma_wait3A_124, %dma_wait3A_125] : memref<20000x32xf32, #tpu.memory_space<hbm>> -> memref<20000x32xf32, #tpu.memory_space<hbm>>
        tpu.wait_indirect_dma semaphore(%arg13 : memref<!tpu.dma_semaphore, #tpu.memory_space<semaphore_mem>>) src(%dma_wait3A_126 : memref<20000x32xf32, #tpu.memory_space<hbm>>) dst(%arg9 : memref<320x32xf32, #tpu.memory_space<vmem>>)
        %dma_start3A_127 = arith.constant 0 : i32
        %dma_start3A_128 = tpu.memref_slice %arg8[%add3A_83, %dma_start3A_127] : memref<63x320xi32, #tpu.memory_space<vmem>> -> memref<1x320xi32, #tpu.memory_space<vmem>>
        %dma_start3A_129 = tpu.memref_squeeze %dma_start3A_128 : memref<1x320xi32, #tpu.memory_space<vmem>> -> memref<320xi32, #tpu.memory_space<vmem>>
        %dma_start3A_130 = arith.constant 0 : i32
        %dma_start3A_131 = arith.constant 0 : i32
        %dma_start3A_132 = tpu.memref_slice %arg12[%dma_start3A_130, %dma_start3A_131] : memref<10000x32xf32, #tpu.memory_space<vmem_shared>> -> memref<10000x32xf32, #tpu.memory_space<vmem_shared>>
        tpu.enqueue_indirect_dma source(%arg9 : memref<320x32xf32, #tpu.memory_space<vmem>>) target(%dma_start3A_132 : memref<10000x32xf32, #tpu.memory_space<vmem_shared>>) offsets(%dma_start3A_129 : memref<320xi32, #tpu.memory_space<vmem>>) semaphore(%arg14 : memref<!tpu.dma_semaphore, #tpu.memory_space<semaphore_mem>>) {add = true}
      } else {
      }
      %ge3A = arith.constant 1 : i32
      %ge3A_88 = arith.cmpi sge, %add3A_83, %ge3A : i32
      %le3A = arith.cmpi sle, %add3A_83, %add3A_27 : i32
      %and3A = arith.andi %ge3A_88, %le3A : i1
      %convert_element_type3A_89 = arith.extui %and3A : i1 to i32
      %cond3A_90 = arith.constant 0 : i32
      %cond3A_91 = arith.cmpi ne, %convert_element_type3A_89, %cond3A_90 : i32
      scf.if %cond3A_91 {
        %sub3A_122 = arith.constant 1 : i32
        %sub3A_123 = arith.subi %add3A_83, %sub3A_122 : i32
        %dma_wait3A = arith.constant 0 : i32
        %dma_wait3A_124 = tpu.memref_slice %arg8[%sub3A_123, %dma_wait3A] : memref<63x320xi32, #tpu.memory_space<vmem>> -> memref<1x320xi32, #tpu.memory_space<vmem>>
        %dma_wait3A_125 = tpu.memref_squeeze %dma_wait3A_124 : memref<1x320xi32, #tpu.memory_space<vmem>> -> memref<320xi32, #tpu.memory_space<vmem>>
        %dma_wait3A_126 = arith.constant 0 : i32
        %dma_wait3A_127 = arith.constant 0 : i32
        %dma_wait3A_128 = tpu.memref_slice %arg12[%dma_wait3A_126, %dma_wait3A_127] : memref<10000x32xf32, #tpu.memory_space<vmem_shared>> -> memref<10000x32xf32, #tpu.memory_space<vmem_shared>>
        tpu.wait_indirect_dma semaphore(%arg14 : memref<!tpu.dma_semaphore, #tpu.memory_space<semaphore_mem>>) src(%arg10 : memref<320x32xf32, #tpu.memory_space<vmem>>) dst(%dma_wait3A_128 : memref<10000x32xf32, #tpu.memory_space<vmem_shared>>)
      } else {
      }
      %add3A_92 = arith.constant 2 : i32
      %add3A_93 = arith.addi %add3A_83, %add3A_92 : i32
      %sub3A = arith.constant 1 : i32
      %sub3A_94 = arith.subi %add3A_93, %sub3A : i32
      %lt3A_95 = arith.cmpi slt, %sub3A_94, %add3A_27 : i32
      %convert_element_type3A_96 = arith.extui %lt3A_95 : i1 to i32
      %cond3A_97 = arith.constant 0 : i32
      %cond3A_98 = arith.cmpi ne, %convert_element_type3A_96, %cond3A_97 : i32
      scf.if %cond3A_98 {
        %add3A_122 = arith.constant 2 : i32
        %add3A_123 = arith.addi %add3A_83, %add3A_122 : i32
        %sub3A_124 = arith.constant 1 : i32
        %sub3A_125 = arith.subi %add3A_123, %sub3A_124 : i32
        %dma_start3A_126 = arith.constant 0 : i32
        %dma_start3A_127 = tpu.memref_slice %arg7[%sub3A_125, %dma_start3A_126] : memref<63x320xi32, #tpu.memory_space<vmem>> -> memref<1x320xi32, #tpu.memory_space<vmem>>
        %dma_start3A_128 = tpu.memref_squeeze %dma_start3A_127 : memref<1x320xi32, #tpu.memory_space<vmem>> -> memref<320xi32, #tpu.memory_space<vmem>>
        %dma_start3A_129 = arith.constant 0 : i32
        %dma_start3A_130 = arith.constant 0 : i32
        %dma_start3A_131 = tpu.memref_slice %arg2[%dma_start3A_129, %dma_start3A_130] : memref<20000x32xf32, #tpu.memory_space<hbm>> -> memref<20000x32xf32, #tpu.memory_space<hbm>>
        tpu.enqueue_indirect_dma source(%dma_start3A_131 : memref<20000x32xf32, #tpu.memory_space<hbm>>) target(%arg10 : memref<320x32xf32, #tpu.memory_space<vmem>>) offsets(%dma_start3A_128 : memref<320xi32, #tpu.memory_space<vmem>>) semaphore(%arg13 : memref<!tpu.dma_semaphore, #tpu.memory_space<semaphore_mem>>)
      } else {
      }
      %mul3A_99 = arith.constant 2 : i32
      %mul3A_100 = arith.muli %mul3A_99, %scan3A_79 : i32
      %add3A_101 = arith.constant 1 : i32
      %add3A_102 = arith.addi %mul3A_100, %add3A_101 : i32
      %lt3A_103 = arith.cmpi slt, %add3A_102, %add3A_27 : i32
      %convert_element_type3A_104 = arith.extui %lt3A_103 : i1 to i32
      %cond3A_105 = arith.constant 0 : i32
      %cond3A_106 = arith.cmpi ne, %convert_element_type3A_104, %cond3A_105 : i32
      scf.if %cond3A_106 {
        %dma_wait3A = arith.constant 0 : i32
        %dma_wait3A_122 = tpu.memref_slice %arg7[%add3A_102, %dma_wait3A] : memref<63x320xi32, #tpu.memory_space<vmem>> -> memref<1x320xi32, #tpu.memory_space<vmem>>
        %dma_wait3A_123 = tpu.memref_squeeze %dma_wait3A_122 : memref<1x320xi32, #tpu.memory_space<vmem>> -> memref<320xi32, #tpu.memory_space<vmem>>
        %dma_wait3A_124 = arith.constant 0 : i32
        %dma_wait3A_125 = arith.constant 0 : i32
        %dma_wait3A_126 = tpu.memref_slice %arg2[%dma_wait3A_124, %dma_wait3A_125] : memref<20000x32xf32, #tpu.memory_space<hbm>> -> memref<20000x32xf32, #tpu.memory_space<hbm>>
        tpu.wait_indirect_dma semaphore(%arg13 : memref<!tpu.dma_semaphore, #tpu.memory_space<semaphore_mem>>) src(%dma_wait3A_126 : memref<20000x32xf32, #tpu.memory_space<hbm>>) dst(%arg10 : memref<320x32xf32, #tpu.memory_space<vmem>>)
        %dma_start3A_127 = arith.constant 0 : i32
        %dma_start3A_128 = tpu.memref_slice %arg8[%add3A_102, %dma_start3A_127] : memref<63x320xi32, #tpu.memory_space<vmem>> -> memref<1x320xi32, #tpu.memory_space<vmem>>
        %dma_start3A_129 = tpu.memref_squeeze %dma_start3A_128 : memref<1x320xi32, #tpu.memory_space<vmem>> -> memref<320xi32, #tpu.memory_space<vmem>>
        %dma_start3A_130 = arith.constant 0 : i32
        %dma_start3A_131 = arith.constant 0 : i32
        %dma_start3A_132 = tpu.memref_slice %arg12[%dma_start3A_130, %dma_start3A_131] : memref<10000x32xf32, #tpu.memory_space<vmem_shared>> -> memref<10000x32xf32, #tpu.memory_space<vmem_shared>>
        tpu.enqueue_indirect_dma source(%arg10 : memref<320x32xf32, #tpu.memory_space<vmem>>) target(%dma_start3A_132 : memref<10000x32xf32, #tpu.memory_space<vmem_shared>>) offsets(%dma_start3A_129 : memref<320xi32, #tpu.memory_space<vmem>>) semaphore(%arg14 : memref<!tpu.dma_semaphore, #tpu.memory_space<semaphore_mem>>) {add = true}
      } else {
      }
      %ge3A_107 = arith.constant 1 : i32
      %ge3A_108 = arith.cmpi sge, %add3A_102, %ge3A_107 : i32
      %le3A_109 = arith.cmpi sle, %add3A_102, %add3A_27 : i32
      %and3A_110 = arith.andi %ge3A_108, %le3A_109 : i1
      %convert_element_type3A_111 = arith.extui %and3A_110 : i1 to i32
      %cond3A_112 = arith.constant 0 : i32
      %cond3A_113 = arith.cmpi ne, %convert_element_type3A_111, %cond3A_112 : i32
      scf.if %cond3A_113 {
        %sub3A_122 = arith.constant 1 : i32
        %sub3A_123 = arith.subi %add3A_102, %sub3A_122 : i32
        %dma_wait3A = arith.constant 0 : i32
        %dma_wait3A_124 = tpu.memref_slice %arg8[%sub3A_123, %dma_wait3A] : memref<63x320xi32, #tpu.memory_space<vmem>> -> memref<1x320xi32, #tpu.memory_space<vmem>>
        %dma_wait3A_125 = tpu.memref_squeeze %dma_wait3A_124 : memref<1x320xi32, #tpu.memory_space<vmem>> -> memref<320xi32, #tpu.memory_space<vmem>>
        %dma_wait3A_126 = arith.constant 0 : i32
        %dma_wait3A_127 = arith.constant 0 : i32
        %dma_wait3A_128 = tpu.memref_slice %arg12[%dma_wait3A_126, %dma_wait3A_127] : memref<10000x32xf32, #tpu.memory_space<vmem_shared>> -> memref<10000x32xf32, #tpu.memory_space<vmem_shared>>
        tpu.wait_indirect_dma semaphore(%arg14 : memref<!tpu.dma_semaphore, #tpu.memory_space<semaphore_mem>>) src(%arg9 : memref<320x32xf32, #tpu.memory_space<vmem>>) dst(%dma_wait3A_128 : memref<10000x32xf32, #tpu.memory_space<vmem_shared>>)
      } else {
      }
      %add3A_114 = arith.constant 2 : i32
      %add3A_115 = arith.addi %add3A_102, %add3A_114 : i32
      %sub3A_116 = arith.constant 1 : i32
      %sub3A_117 = arith.subi %add3A_115, %sub3A_116 : i32
      %lt3A_118 = arith.cmpi slt, %sub3A_117, %add3A_27 : i32
      %convert_element_type3A_119 = arith.extui %lt3A_118 : i1 to i32
      %cond3A_120 = arith.constant 0 : i32
      %cond3A_121 = arith.cmpi ne, %convert_element_type3A_119, %cond3A_120 : i32
      scf.if %cond3A_121 {
        %add3A_122 = arith.constant 2 : i32
        %add3A_123 = arith.addi %add3A_102, %add3A_122 : i32
        %sub3A_124 = arith.constant 1 : i32
        %sub3A_125 = arith.subi %add3A_123, %sub3A_124 : i32
        %dma_start3A_126 = arith.constant 0 : i32
        %dma_start3A_127 = tpu.memref_slice %arg7[%sub3A_125, %dma_start3A_126] : memref<63x320xi32, #tpu.memory_space<vmem>> -> memref<1x320xi32, #tpu.memory_space<vmem>>
        %dma_start3A_128 = tpu.memref_squeeze %dma_start3A_127 : memref<1x320xi32, #tpu.memory_space<vmem>> -> memref<320xi32, #tpu.memory_space<vmem>>
        %dma_start3A_129 = arith.constant 0 : i32
        %dma_start3A_130 = arith.constant 0 : i32
        %dma_start3A_131 = tpu.memref_slice %arg2[%dma_start3A_129, %dma_start3A_130] : memref<20000x32xf32, #tpu.memory_space<hbm>> -> memref<20000x32xf32, #tpu.memory_space<hbm>>
        tpu.enqueue_indirect_dma source(%dma_start3A_131 : memref<20000x32xf32, #tpu.memory_space<hbm>>) target(%arg9 : memref<320x32xf32, #tpu.memory_space<vmem>>) offsets(%dma_start3A_128 : memref<320xi32, #tpu.memory_space<vmem>>) semaphore(%arg13 : memref<!tpu.dma_semaphore, #tpu.memory_space<semaphore_mem>>)
      } else {
      }
    }
    %scan3A_46 = arith.constant 32 : i32
    %barrier3A_47 = arith.constant 0 : index
    tpu.barrier barrier_id(%barrier3A_47)
    %mul3A_48 = arith.constant 32 : i32
    %mul3A_49 = arith.muli %arg0, %mul3A_48 : i32
    %mul3A_50 = arith.constant 624 : i32
    %mul3A_51 = arith.muli %arg1, %mul3A_50 : i32
    %add3A_52 = arith.constant 0 : i32
    %add3A_53 = arith.addi %mul3A_51, %add3A_52 : i32
    "tpu.region"() ({
      %run_scoped3A = tpu.sem_alloc : memref<!tpu.dma_semaphore, #tpu.memory_space<semaphore_mem>>
      %dma_start3A_79 = arith.constant 0 : i32
      %dma_start3A_80 = tpu.memref_slice %arg12[%add3A_53, %dma_start3A_79] : memref<10000x32xf32, #tpu.memory_space<vmem_shared>> -> memref<104x32xf32, #tpu.memory_space<vmem_shared>>
      %dma_start3A_81 = arith.constant 0 : i32
      %dma_start3A_82 = tpu.memref_slice %arg12[%add3A_53, %dma_start3A_81] : memref<10000x32xf32, #tpu.memory_space<vmem_shared>> -> memref<104x32xf32, #tpu.memory_space<vmem_shared>>
      tpu.enqueue_dma source(%dma_start3A_82 : memref<104x32xf32, #tpu.memory_space<vmem_shared>>) target(%arg11 : memref<104x32xf32, #tpu.memory_space<vmem>>) target_semaphore(%run_scoped3A : memref<!tpu.dma_semaphore, #tpu.memory_space<semaphore_mem>>)
      %dma_wait3A = arith.constant 0 : i32
      %dma_wait3A_83 = tpu.memref_slice %arg12[%add3A_53, %dma_wait3A] : memref<10000x32xf32, #tpu.memory_space<vmem_shared>> -> memref<104x32xf32, #tpu.memory_space<vmem_shared>>
      %dma_wait3A_84 = arith.constant 0 : i32
      %dma_wait3A_85 = tpu.memref_slice %arg12[%add3A_53, %dma_wait3A_84] : memref<10000x32xf32, #tpu.memory_space<vmem_shared>> -> memref<104x32xf32, #tpu.memory_space<vmem_shared>>
      tpu.wait_dma2 semaphore(%run_scoped3A : memref<!tpu.dma_semaphore, #tpu.memory_space<semaphore_mem>>) src(%dma_wait3A_85 : memref<104x32xf32, #tpu.memory_space<vmem_shared>>) dst(%arg11 : memref<104x32xf32, #tpu.memory_space<vmem>>)
      tpu.yield
    }) : () -> ()
    "tpu.region"() ({
      %run_scoped3A = tpu.sem_alloc : memref<!tpu.dma_semaphore, #tpu.memory_space<semaphore_mem>>
      %dma_start3A_79 = tpu.memref_slice %arg6[%add3A_53, %mul3A_49] : memref<10000x64xf32, #tpu.memory_space<hbm>> -> memref<104x32xf32, #tpu.memory_space<hbm>>
      %dma_start3A_80 = tpu.memref_slice %arg6[%add3A_53, %mul3A_49] : memref<10000x64xf32, #tpu.memory_space<hbm>> -> memref<104x32xf32, #tpu.memory_space<hbm>>
      tpu.enqueue_dma source(%arg11 : memref<104x32xf32, #tpu.memory_space<vmem>>) target(%dma_start3A_80 : memref<104x32xf32, #tpu.memory_space<hbm>>) target_semaphore(%run_scoped3A : memref<!tpu.dma_semaphore, #tpu.memory_space<semaphore_mem>>)
      %dma_wait3A = tpu.memref_slice %arg6[%add3A_53, %mul3A_49] : memref<10000x64xf32, #tpu.memory_space<hbm>> -> memref<104x32xf32, #tpu.memory_space<hbm>>
      %dma_wait3A_81 = tpu.memref_slice %arg6[%add3A_53, %mul3A_49] : memref<10000x64xf32, #tpu.memory_space<hbm>> -> memref<104x32xf32, #tpu.memory_space<hbm>>
      tpu.wait_dma2 semaphore(%run_scoped3A : memref<!tpu.dma_semaphore, #tpu.memory_space<semaphore_mem>>) src(%arg11 : memref<104x32xf32, #tpu.memory_space<vmem>>) dst(%dma_wait3A_81 : memref<104x32xf32, #tpu.memory_space<hbm>>)
      tpu.yield
    }) : () -> ()
    %mul3A_54 = arith.constant 624 : i32
    %mul3A_55 = arith.muli %arg1, %mul3A_54 : i32
    %add3A_56 = arith.constant 104 : i32
    %add3A_57 = arith.addi %mul3A_55, %add3A_56 : i32
    "tpu.region"() ({
      %run_scoped3A = tpu.sem_alloc : memref<!tpu.dma_semaphore, #tpu.memory_space<semaphore_mem>>
      %dma_start3A_79 = arith.constant 0 : i32
      %dma_start3A_80 = tpu.memref_slice %arg12[%add3A_57, %dma_start3A_79] : memref<10000x32xf32, #tpu.memory_space<vmem_shared>> -> memref<104x32xf32, #tpu.memory_space<vmem_shared>>
      %dma_start3A_81 = arith.constant 0 : i32
      %dma_start3A_82 = tpu.memref_slice %arg12[%add3A_57, %dma_start3A_81] : memref<10000x32xf32, #tpu.memory_space<vmem_shared>> -> memref<104x32xf32, #tpu.memory_space<vmem_shared>>
      tpu.enqueue_dma source(%dma_start3A_82 : memref<104x32xf32, #tpu.memory_space<vmem_shared>>) target(%arg11 : memref<104x32xf32, #tpu.memory_space<vmem>>) target_semaphore(%run_scoped3A : memref<!tpu.dma_semaphore, #tpu.memory_space<semaphore_mem>>)
      %dma_wait3A = arith.constant 0 : i32
      %dma_wait3A_83 = tpu.memref_slice %arg12[%add3A_57, %dma_wait3A] : memref<10000x32xf32, #tpu.memory_space<vmem_shared>> -> memref<104x32xf32, #tpu.memory_space<vmem_shared>>
      %dma_wait3A_84 = arith.constant 0 : i32
      %dma_wait3A_85 = tpu.memref_slice %arg12[%add3A_57, %dma_wait3A_84] : memref<10000x32xf32, #tpu.memory_space<vmem_shared>> -> memref<104x32xf32, #tpu.memory_space<vmem_shared>>
      tpu.wait_dma2 semaphore(%run_scoped3A : memref<!tpu.dma_semaphore, #tpu.memory_space<semaphore_mem>>) src(%dma_wait3A_85 : memref<104x32xf32, #tpu.memory_space<vmem_shared>>) dst(%arg11 : memref<104x32xf32, #tpu.memory_space<vmem>>)
      tpu.yield
    }) : () -> ()
    "tpu.region"() ({
      %run_scoped3A = tpu.sem_alloc : memref<!tpu.dma_semaphore, #tpu.memory_space<semaphore_mem>>
      %dma_start3A_79 = tpu.memref_slice %arg6[%add3A_57, %mul3A_49] : memref<10000x64xf32, #tpu.memory_space<hbm>> -> memref<104x32xf32, #tpu.memory_space<hbm>>
      %dma_start3A_80 = tpu.memref_slice %arg6[%add3A_57, %mul3A_49] : memref<10000x64xf32, #tpu.memory_space<hbm>> -> memref<104x32xf32, #tpu.memory_space<hbm>>
      tpu.enqueue_dma source(%arg11 : memref<104x32xf32, #tpu.memory_space<vmem>>) target(%dma_start3A_80 : memref<104x32xf32, #tpu.memory_space<hbm>>) target_semaphore(%run_scoped3A : memref<!tpu.dma_semaphore, #tpu.memory_space<semaphore_mem>>)
      %dma_wait3A = tpu.memref_slice %arg6[%add3A_57, %mul3A_49] : memref<10000x64xf32, #tpu.memory_space<hbm>> -> memref<104x32xf32, #tpu.memory_space<hbm>>
      %dma_wait3A_81 = tpu.memref_slice %arg6[%add3A_57, %mul3A_49] : memref<10000x64xf32, #tpu.memory_space<hbm>> -> memref<104x32xf32, #tpu.memory_space<hbm>>
      tpu.wait_dma2 semaphore(%run_scoped3A : memref<!tpu.dma_semaphore, #tpu.memory_space<semaphore_mem>>) src(%arg11 : memref<104x32xf32, #tpu.memory_space<vmem>>) dst(%dma_wait3A_81 : memref<104x32xf32, #tpu.memory_space<hbm>>)
      tpu.yield
    }) : () -> ()
    %mul3A_58 = arith.constant 624 : i32
    %mul3A_59 = arith.muli %arg1, %mul3A_58 : i32
    %add3A_60 = arith.constant 208 : i32
    %add3A_61 = arith.addi %mul3A_59, %add3A_60 : i32
    "tpu.region"() ({
      %run_scoped3A = tpu.sem_alloc : memref<!tpu.dma_semaphore, #tpu.memory_space<semaphore_mem>>
      %dma_start3A_79 = arith.constant 0 : i32
      %dma_start3A_80 = tpu.memref_slice %arg12[%add3A_61, %dma_start3A_79] : memref<10000x32xf32, #tpu.memory_space<vmem_shared>> -> memref<104x32xf32, #tpu.memory_space<vmem_shared>>
      %dma_start3A_81 = arith.constant 0 : i32
      %dma_start3A_82 = tpu.memref_slice %arg12[%add3A_61, %dma_start3A_81] : memref<10000x32xf32, #tpu.memory_space<vmem_shared>> -> memref<104x32xf32, #tpu.memory_space<vmem_shared>>
      tpu.enqueue_dma source(%dma_start3A_82 : memref<104x32xf32, #tpu.memory_space<vmem_shared>>) target(%arg11 : memref<104x32xf32, #tpu.memory_space<vmem>>) target_semaphore(%run_scoped3A : memref<!tpu.dma_semaphore, #tpu.memory_space<semaphore_mem>>)
      %dma_wait3A = arith.constant 0 : i32
      %dma_wait3A_83 = tpu.memref_slice %arg12[%add3A_61, %dma_wait3A] : memref<10000x32xf32, #tpu.memory_space<vmem_shared>> -> memref<104x32xf32, #tpu.memory_space<vmem_shared>>
      %dma_wait3A_84 = arith.constant 0 : i32
      %dma_wait3A_85 = tpu.memref_slice %arg12[%add3A_61, %dma_wait3A_84] : memref<10000x32xf32, #tpu.memory_space<vmem_shared>> -> memref<104x32xf32, #tpu.memory_space<vmem_shared>>
      tpu.wait_dma2 semaphore(%run_scoped3A : memref<!tpu.dma_semaphore, #tpu.memory_space<semaphore_mem>>) src(%dma_wait3A_85 : memref<104x32xf32, #tpu.memory_space<vmem_shared>>) dst(%arg11 : memref<104x32xf32, #tpu.memory_space<vmem>>)
      tpu.yield
    }) : () -> ()
    "tpu.region"() ({
      %run_scoped3A = tpu.sem_alloc : memref<!tpu.dma_semaphore, #tpu.memory_space<semaphore_mem>>
      %dma_start3A_79 = tpu.memref_slice %arg6[%add3A_61, %mul3A_49] : memref<10000x64xf32, #tpu.memory_space<hbm>> -> memref<104x32xf32, #tpu.memory_space<hbm>>
      %dma_start3A_80 = tpu.memref_slice %arg6[%add3A_61, %mul3A_49] : memref<10000x64xf32, #tpu.memory_space<hbm>> -> memref<104x32xf32, #tpu.memory_space<hbm>>
      tpu.enqueue_dma source(%arg11 : memref<104x32xf32, #tpu.memory_space<vmem>>) target(%dma_start3A_80 : memref<104x32xf32, #tpu.memory_space<hbm>>) target_semaphore(%run_scoped3A : memref<!tpu.dma_semaphore, #tpu.memory_space<semaphore_mem>>)
      %dma_wait3A = tpu.memref_slice %arg6[%add3A_61, %mul3A_49] : memref<10000x64xf32, #tpu.memory_space<hbm>> -> memref<104x32xf32, #tpu.memory_space<hbm>>
      %dma_wait3A_81 = tpu.memref_slice %arg6[%add3A_61, %mul3A_49] : memref<10000x64xf32, #tpu.memory_space<hbm>> -> memref<104x32xf32, #tpu.memory_space<hbm>>
      tpu.wait_dma2 semaphore(%run_scoped3A : memref<!tpu.dma_semaphore, #tpu.memory_space<semaphore_mem>>) src(%arg11 : memref<104x32xf32, #tpu.memory_space<vmem>>) dst(%dma_wait3A_81 : memref<104x32xf32, #tpu.memory_space<hbm>>)
      tpu.yield
    }) : () -> ()
    %mul3A_62 = arith.constant 624 : i32
    %mul3A_63 = arith.muli %arg1, %mul3A_62 : i32
    %add3A_64 = arith.constant 312 : i32
    %add3A_65 = arith.addi %mul3A_63, %add3A_64 : i32
    "tpu.region"() ({
      %run_scoped3A = tpu.sem_alloc : memref<!tpu.dma_semaphore, #tpu.memory_space<semaphore_mem>>
      %dma_start3A_79 = arith.constant 0 : i32
      %dma_start3A_80 = tpu.memref_slice %arg12[%add3A_65, %dma_start3A_79] : memref<10000x32xf32, #tpu.memory_space<vmem_shared>> -> memref<104x32xf32, #tpu.memory_space<vmem_shared>>
      %dma_start3A_81 = arith.constant 0 : i32
      %dma_start3A_82 = tpu.memref_slice %arg12[%add3A_65, %dma_start3A_81] : memref<10000x32xf32, #tpu.memory_space<vmem_shared>> -> memref<104x32xf32, #tpu.memory_space<vmem_shared>>
      tpu.enqueue_dma source(%dma_start3A_82 : memref<104x32xf32, #tpu.memory_space<vmem_shared>>) target(%arg11 : memref<104x32xf32, #tpu.memory_space<vmem>>) target_semaphore(%run_scoped3A : memref<!tpu.dma_semaphore, #tpu.memory_space<semaphore_mem>>)
      %dma_wait3A = arith.constant 0 : i32
      %dma_wait3A_83 = tpu.memref_slice %arg12[%add3A_65, %dma_wait3A] : memref<10000x32xf32, #tpu.memory_space<vmem_shared>> -> memref<104x32xf32, #tpu.memory_space<vmem_shared>>
      %dma_wait3A_84 = arith.constant 0 : i32
      %dma_wait3A_85 = tpu.memref_slice %arg12[%add3A_65, %dma_wait3A_84] : memref<10000x32xf32, #tpu.memory_space<vmem_shared>> -> memref<104x32xf32, #tpu.memory_space<vmem_shared>>
      tpu.wait_dma2 semaphore(%run_scoped3A : memref<!tpu.dma_semaphore, #tpu.memory_space<semaphore_mem>>) src(%dma_wait3A_85 : memref<104x32xf32, #tpu.memory_space<vmem_shared>>) dst(%arg11 : memref<104x32xf32, #tpu.memory_space<vmem>>)
      tpu.yield
    }) : () -> ()
    "tpu.region"() ({
      %run_scoped3A = tpu.sem_alloc : memref<!tpu.dma_semaphore, #tpu.memory_space<semaphore_mem>>
      %dma_start3A_79 = tpu.memref_slice %arg6[%add3A_65, %mul3A_49] : memref<10000x64xf32, #tpu.memory_space<hbm>> -> memref<104x32xf32, #tpu.memory_space<hbm>>
      %dma_start3A_80 = tpu.memref_slice %arg6[%add3A_65, %mul3A_49] : memref<10000x64xf32, #tpu.memory_space<hbm>> -> memref<104x32xf32, #tpu.memory_space<hbm>>
      tpu.enqueue_dma source(%arg11 : memref<104x32xf32, #tpu.memory_space<vmem>>) target(%dma_start3A_80 : memref<104x32xf32, #tpu.memory_space<hbm>>) target_semaphore(%run_scoped3A : memref<!tpu.dma_semaphore, #tpu.memory_space<semaphore_mem>>)
      %dma_wait3A = tpu.memref_slice %arg6[%add3A_65, %mul3A_49] : memref<10000x64xf32, #tpu.memory_space<hbm>> -> memref<104x32xf32, #tpu.memory_space<hbm>>
      %dma_wait3A_81 = tpu.memref_slice %arg6[%add3A_65, %mul3A_49] : memref<10000x64xf32, #tpu.memory_space<hbm>> -> memref<104x32xf32, #tpu.memory_space<hbm>>
      tpu.wait_dma2 semaphore(%run_scoped3A : memref<!tpu.dma_semaphore, #tpu.memory_space<semaphore_mem>>) src(%arg11 : memref<104x32xf32, #tpu.memory_space<vmem>>) dst(%dma_wait3A_81 : memref<104x32xf32, #tpu.memory_space<hbm>>)
      tpu.yield
    }) : () -> ()
    %mul3A_66 = arith.constant 624 : i32
    %mul3A_67 = arith.muli %arg1, %mul3A_66 : i32
    %add3A_68 = arith.constant 416 : i32
    %add3A_69 = arith.addi %mul3A_67, %add3A_68 : i32
    "tpu.region"() ({
      %run_scoped3A = tpu.sem_alloc : memref<!tpu.dma_semaphore, #tpu.memory_space<semaphore_mem>>
      %dma_start3A_79 = arith.constant 0 : i32
      %dma_start3A_80 = tpu.memref_slice %arg12[%add3A_69, %dma_start3A_79] : memref<10000x32xf32, #tpu.memory_space<vmem_shared>> -> memref<104x32xf32, #tpu.memory_space<vmem_shared>>
      %dma_start3A_81 = arith.constant 0 : i32
      %dma_start3A_82 = tpu.memref_slice %arg12[%add3A_69, %dma_start3A_81] : memref<10000x32xf32, #tpu.memory_space<vmem_shared>> -> memref<104x32xf32, #tpu.memory_space<vmem_shared>>
      tpu.enqueue_dma source(%dma_start3A_82 : memref<104x32xf32, #tpu.memory_space<vmem_shared>>) target(%arg11 : memref<104x32xf32, #tpu.memory_space<vmem>>) target_semaphore(%run_scoped3A : memref<!tpu.dma_semaphore, #tpu.memory_space<semaphore_mem>>)
      %dma_wait3A = arith.constant 0 : i32
      %dma_wait3A_83 = tpu.memref_slice %arg12[%add3A_69, %dma_wait3A] : memref<10000x32xf32, #tpu.memory_space<vmem_shared>> -> memref<104x32xf32, #tpu.memory_space<vmem_shared>>
      %dma_wait3A_84 = arith.constant 0 : i32
      %dma_wait3A_85 = tpu.memref_slice %arg12[%add3A_69, %dma_wait3A_84] : memref<10000x32xf32, #tpu.memory_space<vmem_shared>> -> memref<104x32xf32, #tpu.memory_space<vmem_shared>>
      tpu.wait_dma2 semaphore(%run_scoped3A : memref<!tpu.dma_semaphore, #tpu.memory_space<semaphore_mem>>) src(%dma_wait3A_85 : memref<104x32xf32, #tpu.memory_space<vmem_shared>>) dst(%arg11 : memref<104x32xf32, #tpu.memory_space<vmem>>)
      tpu.yield
    }) : () -> ()
    "tpu.region"() ({
      %run_scoped3A = tpu.sem_alloc : memref<!tpu.dma_semaphore, #tpu.memory_space<semaphore_mem>>
      %dma_start3A_79 = tpu.memref_slice %arg6[%add3A_69, %mul3A_49] : memref<10000x64xf32, #tpu.memory_space<hbm>> -> memref<104x32xf32, #tpu.memory_space<hbm>>
      %dma_start3A_80 = tpu.memref_slice %arg6[%add3A_69, %mul3A_49] : memref<10000x64xf32, #tpu.memory_space<hbm>> -> memref<104x32xf32, #tpu.memory_space<hbm>>
      tpu.enqueue_dma source(%arg11 : memref<104x32xf32, #tpu.memory_space<vmem>>) target(%dma_start3A_80 : memref<104x32xf32, #tpu.memory_space<hbm>>) target_semaphore(%run_scoped3A : memref<!tpu.dma_semaphore, #tpu.memory_space<semaphore_mem>>)
      %dma_wait3A = tpu.memref_slice %arg6[%add3A_69, %mul3A_49] : memref<10000x64xf32, #tpu.memory_space<hbm>> -> memref<104x32xf32, #tpu.memory_space<hbm>>
      %dma_wait3A_81 = tpu.memref_slice %arg6[%add3A_69, %mul3A_49] : memref<10000x64xf32, #tpu.memory_space<hbm>> -> memref<104x32xf32, #tpu.memory_space<hbm>>
      tpu.wait_dma2 semaphore(%run_scoped3A : memref<!tpu.dma_semaphore, #tpu.memory_space<semaphore_mem>>) src(%arg11 : memref<104x32xf32, #tpu.memory_space<vmem>>) dst(%dma_wait3A_81 : memref<104x32xf32, #tpu.memory_space<hbm>>)
      tpu.yield
    }) : () -> ()
    %mul3A_70 = arith.constant 624 : i32
    %mul3A_71 = arith.muli %arg1, %mul3A_70 : i32
    %add3A_72 = arith.constant 520 : i32
    %add3A_73 = arith.addi %mul3A_71, %add3A_72 : i32
    "tpu.region"() ({
      %run_scoped3A = tpu.sem_alloc : memref<!tpu.dma_semaphore, #tpu.memory_space<semaphore_mem>>
      %dma_start3A_79 = arith.constant 0 : i32
      %dma_start3A_80 = tpu.memref_slice %arg12[%add3A_73, %dma_start3A_79] : memref<10000x32xf32, #tpu.memory_space<vmem_shared>> -> memref<104x32xf32, #tpu.memory_space<vmem_shared>>
      %dma_start3A_81 = arith.constant 0 : i32
      %dma_start3A_82 = tpu.memref_slice %arg12[%add3A_73, %dma_start3A_81] : memref<10000x32xf32, #tpu.memory_space<vmem_shared>> -> memref<104x32xf32, #tpu.memory_space<vmem_shared>>
      tpu.enqueue_dma source(%dma_start3A_82 : memref<104x32xf32, #tpu.memory_space<vmem_shared>>) target(%arg11 : memref<104x32xf32, #tpu.memory_space<vmem>>) target_semaphore(%run_scoped3A : memref<!tpu.dma_semaphore, #tpu.memory_space<semaphore_mem>>)
      %dma_wait3A = arith.constant 0 : i32
      %dma_wait3A_83 = tpu.memref_slice %arg12[%add3A_73, %dma_wait3A] : memref<10000x32xf32, #tpu.memory_space<vmem_shared>> -> memref<104x32xf32, #tpu.memory_space<vmem_shared>>
      %dma_wait3A_84 = arith.constant 0 : i32
      %dma_wait3A_85 = tpu.memref_slice %arg12[%add3A_73, %dma_wait3A_84] : memref<10000x32xf32, #tpu.memory_space<vmem_shared>> -> memref<104x32xf32, #tpu.memory_space<vmem_shared>>
      tpu.wait_dma2 semaphore(%run_scoped3A : memref<!tpu.dma_semaphore, #tpu.memory_space<semaphore_mem>>) src(%dma_wait3A_85 : memref<104x32xf32, #tpu.memory_space<vmem_shared>>) dst(%arg11 : memref<104x32xf32, #tpu.memory_space<vmem>>)
      tpu.yield
    }) : () -> ()
    "tpu.region"() ({
      %run_scoped3A = tpu.sem_alloc : memref<!tpu.dma_semaphore, #tpu.memory_space<semaphore_mem>>
      %dma_start3A_79 = tpu.memref_slice %arg6[%add3A_73, %mul3A_49] : memref<10000x64xf32, #tpu.memory_space<hbm>> -> memref<104x32xf32, #tpu.memory_space<hbm>>
      %dma_start3A_80 = tpu.memref_slice %arg6[%add3A_73, %mul3A_49] : memref<10000x64xf32, #tpu.memory_space<hbm>> -> memref<104x32xf32, #tpu.memory_space<hbm>>
      tpu.enqueue_dma source(%arg11 : memref<104x32xf32, #tpu.memory_space<vmem>>) target(%dma_start3A_80 : memref<104x32xf32, #tpu.memory_space<hbm>>) target_semaphore(%run_scoped3A : memref<!tpu.dma_semaphore, #tpu.memory_space<semaphore_mem>>)
      %dma_wait3A = tpu.memref_slice %arg6[%add3A_73, %mul3A_49] : memref<10000x64xf32, #tpu.memory_space<hbm>> -> memref<104x32xf32, #tpu.memory_space<hbm>>
      %dma_wait3A_81 = tpu.memref_slice %arg6[%add3A_73, %mul3A_49] : memref<10000x64xf32, #tpu.memory_space<hbm>> -> memref<104x32xf32, #tpu.memory_space<hbm>>
      tpu.wait_dma2 semaphore(%run_scoped3A : memref<!tpu.dma_semaphore, #tpu.memory_space<semaphore_mem>>) src(%arg11 : memref<104x32xf32, #tpu.memory_space<vmem>>) dst(%dma_wait3A_81 : memref<104x32xf32, #tpu.memory_space<hbm>>)
      tpu.yield
    }) : () -> ()
    %eq3A_74 = arith.constant 15 : i32
    %eq3A_75 = arith.cmpi eq, %arg1, %eq3A_74 : i32
    %convert_element_type3A_76 = arith.extui %eq3A_75 : i1 to i32
    %cond3A_77 = arith.constant 0 : i32
    %cond3A_78 = arith.cmpi ne, %convert_element_type3A_76, %cond3A_77 : i32
    scf.if %cond3A_78 {
      "tpu.region"() ({
        %run_scoped3A = tpu.sem_alloc : memref<!tpu.dma_semaphore, #tpu.memory_space<semaphore_mem>>
        %dma_start3A_79 = arith.constant 0 : i32
        %dma_start3A_80 = arith.constant 0 : i32
        %dma_start3A_81 = tpu.memref_slice %arg9[%dma_start3A_79, %dma_start3A_80] : memref<320x32xf32, #tpu.memory_space<vmem>> -> memref<16x32xf32, #tpu.memory_space<vmem>>
        %dma_start3A_82 = arith.constant 9984 : i32
        %dma_start3A_83 = arith.constant 0 : i32
        %dma_start3A_84 = tpu.memref_slice %arg12[%dma_start3A_82, %dma_start3A_83] : memref<10000x32xf32, #tpu.memory_space<vmem_shared>> -> memref<16x32xf32, #tpu.memory_space<vmem_shared>>
        %dma_start3A_85 = arith.constant 0 : i32
        %dma_start3A_86 = arith.constant 0 : i32
        %dma_start3A_87 = tpu.memref_slice %arg9[%dma_start3A_85, %dma_start3A_86] : memref<320x32xf32, #tpu.memory_space<vmem>> -> memref<16x32xf32, #tpu.memory_space<vmem>>
        %dma_start3A_88 = arith.constant 9984 : i32
        %dma_start3A_89 = arith.constant 0 : i32
        %dma_start3A_90 = tpu.memref_slice %arg12[%dma_start3A_88, %dma_start3A_89] : memref<10000x32xf32, #tpu.memory_space<vmem_shared>> -> memref<16x32xf32, #tpu.memory_space<vmem_shared>>
        tpu.enqueue_dma source(%dma_start3A_90 : memref<16x32xf32, #tpu.memory_space<vmem_shared>>) target(%dma_start3A_87 : memref<16x32xf32, #tpu.memory_space<vmem>>) target_semaphore(%run_scoped3A : memref<!tpu.dma_semaphore, #tpu.memory_space<semaphore_mem>>)
        %dma_wait3A = arith.constant 0 : i32
        %dma_wait3A_91 = arith.constant 0 : i32
        %dma_wait3A_92 = tpu.memref_slice %arg9[%dma_wait3A, %dma_wait3A_91] : memref<320x32xf32, #tpu.memory_space<vmem>> -> memref<16x32xf32, #tpu.memory_space<vmem>>
        %dma_wait3A_93 = arith.constant 9984 : i32
        %dma_wait3A_94 = arith.constant 0 : i32
        %dma_wait3A_95 = tpu.memref_slice %arg12[%dma_wait3A_93, %dma_wait3A_94] : memref<10000x32xf32, #tpu.memory_space<vmem_shared>> -> memref<16x32xf32, #tpu.memory_space<vmem_shared>>
        %dma_wait3A_96 = arith.constant 0 : i32
        %dma_wait3A_97 = arith.constant 0 : i32
        %dma_wait3A_98 = tpu.memref_slice %arg9[%dma_wait3A_96, %dma_wait3A_97] : memref<320x32xf32, #tpu.memory_space<vmem>> -> memref<16x32xf32, #tpu.memory_space<vmem>>
        %dma_wait3A_99 = arith.constant 9984 : i32
        %dma_wait3A_100 = arith.constant 0 : i32
        %dma_wait3A_101 = tpu.memref_slice %arg12[%dma_wait3A_99, %dma_wait3A_100] : memref<10000x32xf32, #tpu.memory_space<vmem_shared>> -> memref<16x32xf32, #tpu.memory_space<vmem_shared>>
        tpu.wait_dma2 semaphore(%run_scoped3A : memref<!tpu.dma_semaphore, #tpu.memory_space<semaphore_mem>>) src(%dma_wait3A_101 : memref<16x32xf32, #tpu.memory_space<vmem_shared>>) dst(%dma_wait3A_98 : memref<16x32xf32, #tpu.memory_space<vmem>>)
        tpu.yield
      }) : () -> ()
      "tpu.region"() ({
        %run_scoped3A = tpu.sem_alloc : memref<!tpu.dma_semaphore, #tpu.memory_space<semaphore_mem>>
        %dma_start3A_79 = arith.constant 0 : i32
        %dma_start3A_80 = arith.constant 0 : i32
        %dma_start3A_81 = tpu.memref_slice %arg9[%dma_start3A_79, %dma_start3A_80] : memref<320x32xf32, #tpu.memory_space<vmem>> -> memref<16x32xf32, #tpu.memory_space<vmem>>
        %dma_start3A_82 = arith.constant 9984 : i32
        %dma_start3A_83 = tpu.memref_slice %arg6[%dma_start3A_82, %mul3A_49] : memref<10000x64xf32, #tpu.memory_space<hbm>> -> memref<16x32xf32, #tpu.memory_space<hbm>>
        %dma_start3A_84 = arith.constant 9984 : i32
        %dma_start3A_85 = tpu.memref_slice %arg6[%dma_start3A_84, %mul3A_49] : memref<10000x64xf32, #tpu.memory_space<hbm>> -> memref<16x32xf32, #tpu.memory_space<hbm>>
        %dma_start3A_86 = arith.constant 0 : i32
        %dma_start3A_87 = arith.constant 0 : i32
        %dma_start3A_88 = tpu.memref_slice %arg9[%dma_start3A_86, %dma_start3A_87] : memref<320x32xf32, #tpu.memory_space<vmem>> -> memref<16x32xf32, #tpu.memory_space<vmem>>
        tpu.enqueue_dma source(%dma_start3A_88 : memref<16x32xf32, #tpu.memory_space<vmem>>) target(%dma_start3A_85 : memref<16x32xf32, #tpu.memory_space<hbm>>) target_semaphore(%run_scoped3A : memref<!tpu.dma_semaphore, #tpu.memory_space<semaphore_mem>>)
        %dma_wait3A = arith.constant 0 : i32
        %dma_wait3A_89 = arith.constant 0 : i32
        %dma_wait3A_90 = tpu.memref_slice %arg9[%dma_wait3A, %dma_wait3A_89] : memref<320x32xf32, #tpu.memory_space<vmem>> -> memref<16x32xf32, #tpu.memory_space<vmem>>
        %dma_wait3A_91 = arith.constant 9984 : i32
        %dma_wait3A_92 = tpu.memref_slice %arg6[%dma_wait3A_91, %mul3A_49] : memref<10000x64xf32, #tpu.memory_space<hbm>> -> memref<16x32xf32, #tpu.memory_space<hbm>>
        %dma_wait3A_93 = arith.constant 9984 : i32
        %dma_wait3A_94 = tpu.memref_slice %arg6[%dma_wait3A_93, %mul3A_49] : memref<10000x64xf32, #tpu.memory_space<hbm>> -> memref<16x32xf32, #tpu.memory_space<hbm>>
        %dma_wait3A_95 = arith.constant 0 : i32
        %dma_wait3A_96 = arith.constant 0 : i32
        %dma_wait3A_97 = tpu.memref_slice %arg9[%dma_wait3A_95, %dma_wait3A_96] : memref<320x32xf32, #tpu.memory_space<vmem>> -> memref<16x32xf32, #tpu.memory_space<vmem>>
        tpu.wait_dma2 semaphore(%run_scoped3A : memref<!tpu.dma_semaphore, #tpu.memory_space<semaphore_mem>>) src(%dma_wait3A_97 : memref<16x32xf32, #tpu.memory_space<vmem>>) dst(%dma_wait3A_94 : memref<16x32xf32, #tpu.memory_space<hbm>>)
        tpu.yield
      }) : () -> ()
    } else {
    }
    return
  }
}

#map = affine_map<(d0, d1) -> (0, 0)>
#map1 = affine_map<(d0, d1) -> (0, 0, 0)>
module attributes {stable_mosaic.version = 14 : i64} {
  func.func @agg(%arg0: i32, %arg1: i32, %arg2: memref<20000x64xf32, #tpu.memory_space<hbm>>, %arg3: memref<2x1000x320xi32, #tpu.memory_space<hbm>>, %arg4: memref<1000x320xi32, #tpu.memory_space<hbm>>, %arg5: memref<10000x64xf32, #tpu.memory_space<hbm>>, %arg6: memref<10000x128xf32, #tpu.memory_space<hbm>>, %arg7: memref<63x320xi32, #tpu.memory_space<vmem>>, %arg8: memref<63x320xi32, #tpu.memory_space<vmem>>, %arg9: memref<320x64xf32, #tpu.memory_space<vmem>>, %arg10: memref<320x64xf32, #tpu.memory_space<vmem>>, %arg11: memref<104x64xf32, #tpu.memory_space<vmem>>, %arg12: memref<10000x64xf32, #tpu.memory_space<vmem_shared>>, %arg13: memref<!tpu.dma_semaphore, #tpu.memory_space<semaphore_mem>>, %arg14: memref<!tpu.dma_semaphore, #tpu.memory_space<semaphore_mem>>) attributes {dimension_semantics = [#tpu.dimension_semantics<core_parallel>, #tpu.dimension_semantics<subcore_parallel>], iteration_bounds = array<i64: 2, 16>, scalar_prefetch = 0 : i64, scratch_operands = 8 : i64, tpu.core_type = #tpu.core_type<sc_vector_subcore>, window_params = [{transform_indices = #map}, {transform_indices = #map1}, {transform_indices = #map}, {transform_indices = #map}, {transform_indices = #map}]} {
    "tpu.region"() ({
      %run_scoped3A = tpu.sem_alloc : memref<!tpu.dma_semaphore, #tpu.memory_space<semaphore_mem>>
      %dma_start3A_79 = arith.constant 0 : i32
      %dma_start3A_80 = arith.constant 0 : i32
      %dma_start3A_81 = tpu.memref_slice %arg5[%dma_start3A_79, %dma_start3A_80] : memref<10000x64xf32, #tpu.memory_space<hbm>> -> memref<104x64xf32, #tpu.memory_space<hbm>>
      %dma_start3A_82 = arith.constant 0 : i32
      %dma_start3A_83 = arith.constant 0 : i32
      %dma_start3A_84 = tpu.memref_slice %arg5[%dma_start3A_82, %dma_start3A_83] : memref<10000x64xf32, #tpu.memory_space<hbm>> -> memref<104x64xf32, #tpu.memory_space<hbm>>
      tpu.enqueue_dma source(%dma_start3A_84 : memref<104x64xf32, #tpu.memory_space<hbm>>) target(%arg11 : memref<104x64xf32, #tpu.memory_space<vmem>>) target_semaphore(%run_scoped3A : memref<!tpu.dma_semaphore, #tpu.memory_space<semaphore_mem>>)
      %dma_wait3A = arith.constant 0 : i32
      %dma_wait3A_85 = arith.constant 0 : i32
      %dma_wait3A_86 = tpu.memref_slice %arg5[%dma_wait3A, %dma_wait3A_85] : memref<10000x64xf32, #tpu.memory_space<hbm>> -> memref<104x64xf32, #tpu.memory_space<hbm>>
      %dma_wait3A_87 = arith.constant 0 : i32
      %dma_wait3A_88 = arith.constant 0 : i32
      %dma_wait3A_89 = tpu.memref_slice %arg5[%dma_wait3A_87, %dma_wait3A_88] : memref<10000x64xf32, #tpu.memory_space<hbm>> -> memref<104x64xf32, #tpu.memory_space<hbm>>
      tpu.wait_dma2 semaphore(%run_scoped3A : memref<!tpu.dma_semaphore, #tpu.memory_space<semaphore_mem>>) src(%dma_wait3A_89 : memref<104x64xf32, #tpu.memory_space<hbm>>) dst(%arg11 : memref<104x64xf32, #tpu.memory_space<vmem>>)
      tpu.yield
    }) : () -> ()
    %mul3A = arith.constant 624 : i32
    %mul3A_0 = arith.muli %arg1, %mul3A : i32
    %add3A = arith.constant 0 : i32
    %add3A_1 = arith.addi %mul3A_0, %add3A : i32
    "tpu.region"() ({
      %run_scoped3A = tpu.sem_alloc : memref<!tpu.dma_semaphore, #tpu.memory_space<semaphore_mem>>
      %dma_start3A_79 = arith.constant 0 : i32
      %dma_start3A_80 = tpu.memref_slice %arg12[%add3A_1, %dma_start3A_79] : memref<10000x64xf32, #tpu.memory_space<vmem_shared>> -> memref<104x64xf32, #tpu.memory_space<vmem_shared>>
      %dma_start3A_81 = arith.constant 0 : i32
      %dma_start3A_82 = tpu.memref_slice %arg12[%add3A_1, %dma_start3A_81] : memref<10000x64xf32, #tpu.memory_space<vmem_shared>> -> memref<104x64xf32, #tpu.memory_space<vmem_shared>>
      tpu.enqueue_dma source(%arg11 : memref<104x64xf32, #tpu.memory_space<vmem>>) target(%dma_start3A_82 : memref<104x64xf32, #tpu.memory_space<vmem_shared>>) target_semaphore(%run_scoped3A : memref<!tpu.dma_semaphore, #tpu.memory_space<semaphore_mem>>)
      %dma_wait3A = arith.constant 0 : i32
      %dma_wait3A_83 = tpu.memref_slice %arg12[%add3A_1, %dma_wait3A] : memref<10000x64xf32, #tpu.memory_space<vmem_shared>> -> memref<104x64xf32, #tpu.memory_space<vmem_shared>>
      %dma_wait3A_84 = arith.constant 0 : i32
      %dma_wait3A_85 = tpu.memref_slice %arg12[%add3A_1, %dma_wait3A_84] : memref<10000x64xf32, #tpu.memory_space<vmem_shared>> -> memref<104x64xf32, #tpu.memory_space<vmem_shared>>
      tpu.wait_dma2 semaphore(%run_scoped3A : memref<!tpu.dma_semaphore, #tpu.memory_space<semaphore_mem>>) src(%arg11 : memref<104x64xf32, #tpu.memory_space<vmem>>) dst(%dma_wait3A_85 : memref<104x64xf32, #tpu.memory_space<vmem_shared>>)
      tpu.yield
    }) : () -> ()
    %mul3A_2 = arith.constant 624 : i32
    %mul3A_3 = arith.muli %arg1, %mul3A_2 : i32
    %add3A_4 = arith.constant 104 : i32
    %add3A_5 = arith.addi %mul3A_3, %add3A_4 : i32
    "tpu.region"() ({
      %run_scoped3A = tpu.sem_alloc : memref<!tpu.dma_semaphore, #tpu.memory_space<semaphore_mem>>
      %dma_start3A_79 = arith.constant 0 : i32
      %dma_start3A_80 = tpu.memref_slice %arg12[%add3A_5, %dma_start3A_79] : memref<10000x64xf32, #tpu.memory_space<vmem_shared>> -> memref<104x64xf32, #tpu.memory_space<vmem_shared>>
      %dma_start3A_81 = arith.constant 0 : i32
      %dma_start3A_82 = tpu.memref_slice %arg12[%add3A_5, %dma_start3A_81] : memref<10000x64xf32, #tpu.memory_space<vmem_shared>> -> memref<104x64xf32, #tpu.memory_space<vmem_shared>>
      tpu.enqueue_dma source(%arg11 : memref<104x64xf32, #tpu.memory_space<vmem>>) target(%dma_start3A_82 : memref<104x64xf32, #tpu.memory_space<vmem_shared>>) target_semaphore(%run_scoped3A : memref<!tpu.dma_semaphore, #tpu.memory_space<semaphore_mem>>)
      %dma_wait3A = arith.constant 0 : i32
      %dma_wait3A_83 = tpu.memref_slice %arg12[%add3A_5, %dma_wait3A] : memref<10000x64xf32, #tpu.memory_space<vmem_shared>> -> memref<104x64xf32, #tpu.memory_space<vmem_shared>>
      %dma_wait3A_84 = arith.constant 0 : i32
      %dma_wait3A_85 = tpu.memref_slice %arg12[%add3A_5, %dma_wait3A_84] : memref<10000x64xf32, #tpu.memory_space<vmem_shared>> -> memref<104x64xf32, #tpu.memory_space<vmem_shared>>
      tpu.wait_dma2 semaphore(%run_scoped3A : memref<!tpu.dma_semaphore, #tpu.memory_space<semaphore_mem>>) src(%arg11 : memref<104x64xf32, #tpu.memory_space<vmem>>) dst(%dma_wait3A_85 : memref<104x64xf32, #tpu.memory_space<vmem_shared>>)
      tpu.yield
    }) : () -> ()
    %mul3A_6 = arith.constant 624 : i32
    %mul3A_7 = arith.muli %arg1, %mul3A_6 : i32
    %add3A_8 = arith.constant 208 : i32
    %add3A_9 = arith.addi %mul3A_7, %add3A_8 : i32
    "tpu.region"() ({
      %run_scoped3A = tpu.sem_alloc : memref<!tpu.dma_semaphore, #tpu.memory_space<semaphore_mem>>
      %dma_start3A_79 = arith.constant 0 : i32
      %dma_start3A_80 = tpu.memref_slice %arg12[%add3A_9, %dma_start3A_79] : memref<10000x64xf32, #tpu.memory_space<vmem_shared>> -> memref<104x64xf32, #tpu.memory_space<vmem_shared>>
      %dma_start3A_81 = arith.constant 0 : i32
      %dma_start3A_82 = tpu.memref_slice %arg12[%add3A_9, %dma_start3A_81] : memref<10000x64xf32, #tpu.memory_space<vmem_shared>> -> memref<104x64xf32, #tpu.memory_space<vmem_shared>>
      tpu.enqueue_dma source(%arg11 : memref<104x64xf32, #tpu.memory_space<vmem>>) target(%dma_start3A_82 : memref<104x64xf32, #tpu.memory_space<vmem_shared>>) target_semaphore(%run_scoped3A : memref<!tpu.dma_semaphore, #tpu.memory_space<semaphore_mem>>)
      %dma_wait3A = arith.constant 0 : i32
      %dma_wait3A_83 = tpu.memref_slice %arg12[%add3A_9, %dma_wait3A] : memref<10000x64xf32, #tpu.memory_space<vmem_shared>> -> memref<104x64xf32, #tpu.memory_space<vmem_shared>>
      %dma_wait3A_84 = arith.constant 0 : i32
      %dma_wait3A_85 = tpu.memref_slice %arg12[%add3A_9, %dma_wait3A_84] : memref<10000x64xf32, #tpu.memory_space<vmem_shared>> -> memref<104x64xf32, #tpu.memory_space<vmem_shared>>
      tpu.wait_dma2 semaphore(%run_scoped3A : memref<!tpu.dma_semaphore, #tpu.memory_space<semaphore_mem>>) src(%arg11 : memref<104x64xf32, #tpu.memory_space<vmem>>) dst(%dma_wait3A_85 : memref<104x64xf32, #tpu.memory_space<vmem_shared>>)
      tpu.yield
    }) : () -> ()
    %mul3A_10 = arith.constant 624 : i32
    %mul3A_11 = arith.muli %arg1, %mul3A_10 : i32
    %add3A_12 = arith.constant 312 : i32
    %add3A_13 = arith.addi %mul3A_11, %add3A_12 : i32
    "tpu.region"() ({
      %run_scoped3A = tpu.sem_alloc : memref<!tpu.dma_semaphore, #tpu.memory_space<semaphore_mem>>
      %dma_start3A_79 = arith.constant 0 : i32
      %dma_start3A_80 = tpu.memref_slice %arg12[%add3A_13, %dma_start3A_79] : memref<10000x64xf32, #tpu.memory_space<vmem_shared>> -> memref<104x64xf32, #tpu.memory_space<vmem_shared>>
      %dma_start3A_81 = arith.constant 0 : i32
      %dma_start3A_82 = tpu.memref_slice %arg12[%add3A_13, %dma_start3A_81] : memref<10000x64xf32, #tpu.memory_space<vmem_shared>> -> memref<104x64xf32, #tpu.memory_space<vmem_shared>>
      tpu.enqueue_dma source(%arg11 : memref<104x64xf32, #tpu.memory_space<vmem>>) target(%dma_start3A_82 : memref<104x64xf32, #tpu.memory_space<vmem_shared>>) target_semaphore(%run_scoped3A : memref<!tpu.dma_semaphore, #tpu.memory_space<semaphore_mem>>)
      %dma_wait3A = arith.constant 0 : i32
      %dma_wait3A_83 = tpu.memref_slice %arg12[%add3A_13, %dma_wait3A] : memref<10000x64xf32, #tpu.memory_space<vmem_shared>> -> memref<104x64xf32, #tpu.memory_space<vmem_shared>>
      %dma_wait3A_84 = arith.constant 0 : i32
      %dma_wait3A_85 = tpu.memref_slice %arg12[%add3A_13, %dma_wait3A_84] : memref<10000x64xf32, #tpu.memory_space<vmem_shared>> -> memref<104x64xf32, #tpu.memory_space<vmem_shared>>
      tpu.wait_dma2 semaphore(%run_scoped3A : memref<!tpu.dma_semaphore, #tpu.memory_space<semaphore_mem>>) src(%arg11 : memref<104x64xf32, #tpu.memory_space<vmem>>) dst(%dma_wait3A_85 : memref<104x64xf32, #tpu.memory_space<vmem_shared>>)
      tpu.yield
    }) : () -> ()
    %mul3A_14 = arith.constant 624 : i32
    %mul3A_15 = arith.muli %arg1, %mul3A_14 : i32
    %add3A_16 = arith.constant 416 : i32
    %add3A_17 = arith.addi %mul3A_15, %add3A_16 : i32
    "tpu.region"() ({
      %run_scoped3A = tpu.sem_alloc : memref<!tpu.dma_semaphore, #tpu.memory_space<semaphore_mem>>
      %dma_start3A_79 = arith.constant 0 : i32
      %dma_start3A_80 = tpu.memref_slice %arg12[%add3A_17, %dma_start3A_79] : memref<10000x64xf32, #tpu.memory_space<vmem_shared>> -> memref<104x64xf32, #tpu.memory_space<vmem_shared>>
      %dma_start3A_81 = arith.constant 0 : i32
      %dma_start3A_82 = tpu.memref_slice %arg12[%add3A_17, %dma_start3A_81] : memref<10000x64xf32, #tpu.memory_space<vmem_shared>> -> memref<104x64xf32, #tpu.memory_space<vmem_shared>>
      tpu.enqueue_dma source(%arg11 : memref<104x64xf32, #tpu.memory_space<vmem>>) target(%dma_start3A_82 : memref<104x64xf32, #tpu.memory_space<vmem_shared>>) target_semaphore(%run_scoped3A : memref<!tpu.dma_semaphore, #tpu.memory_space<semaphore_mem>>)
      %dma_wait3A = arith.constant 0 : i32
      %dma_wait3A_83 = tpu.memref_slice %arg12[%add3A_17, %dma_wait3A] : memref<10000x64xf32, #tpu.memory_space<vmem_shared>> -> memref<104x64xf32, #tpu.memory_space<vmem_shared>>
      %dma_wait3A_84 = arith.constant 0 : i32
      %dma_wait3A_85 = tpu.memref_slice %arg12[%add3A_17, %dma_wait3A_84] : memref<10000x64xf32, #tpu.memory_space<vmem_shared>> -> memref<104x64xf32, #tpu.memory_space<vmem_shared>>
      tpu.wait_dma2 semaphore(%run_scoped3A : memref<!tpu.dma_semaphore, #tpu.memory_space<semaphore_mem>>) src(%arg11 : memref<104x64xf32, #tpu.memory_space<vmem>>) dst(%dma_wait3A_85 : memref<104x64xf32, #tpu.memory_space<vmem_shared>>)
      tpu.yield
    }) : () -> ()
    %mul3A_18 = arith.constant 624 : i32
    %mul3A_19 = arith.muli %arg1, %mul3A_18 : i32
    %add3A_20 = arith.constant 520 : i32
    %add3A_21 = arith.addi %mul3A_19, %add3A_20 : i32
    "tpu.region"() ({
      %run_scoped3A = tpu.sem_alloc : memref<!tpu.dma_semaphore, #tpu.memory_space<semaphore_mem>>
      %dma_start3A_79 = arith.constant 0 : i32
      %dma_start3A_80 = tpu.memref_slice %arg12[%add3A_21, %dma_start3A_79] : memref<10000x64xf32, #tpu.memory_space<vmem_shared>> -> memref<104x64xf32, #tpu.memory_space<vmem_shared>>
      %dma_start3A_81 = arith.constant 0 : i32
      %dma_start3A_82 = tpu.memref_slice %arg12[%add3A_21, %dma_start3A_81] : memref<10000x64xf32, #tpu.memory_space<vmem_shared>> -> memref<104x64xf32, #tpu.memory_space<vmem_shared>>
      tpu.enqueue_dma source(%arg11 : memref<104x64xf32, #tpu.memory_space<vmem>>) target(%dma_start3A_82 : memref<104x64xf32, #tpu.memory_space<vmem_shared>>) target_semaphore(%run_scoped3A : memref<!tpu.dma_semaphore, #tpu.memory_space<semaphore_mem>>)
      %dma_wait3A = arith.constant 0 : i32
      %dma_wait3A_83 = tpu.memref_slice %arg12[%add3A_21, %dma_wait3A] : memref<10000x64xf32, #tpu.memory_space<vmem_shared>> -> memref<104x64xf32, #tpu.memory_space<vmem_shared>>
      %dma_wait3A_84 = arith.constant 0 : i32
      %dma_wait3A_85 = tpu.memref_slice %arg12[%add3A_21, %dma_wait3A_84] : memref<10000x64xf32, #tpu.memory_space<vmem_shared>> -> memref<104x64xf32, #tpu.memory_space<vmem_shared>>
      tpu.wait_dma2 semaphore(%run_scoped3A : memref<!tpu.dma_semaphore, #tpu.memory_space<semaphore_mem>>) src(%arg11 : memref<104x64xf32, #tpu.memory_space<vmem>>) dst(%dma_wait3A_85 : memref<104x64xf32, #tpu.memory_space<vmem_shared>>)
      tpu.yield
    }) : () -> ()
    %eq3A = arith.constant 15 : i32
    %eq3A_22 = arith.cmpi eq, %arg1, %eq3A : i32
    %convert_element_type3A = arith.extui %eq3A_22 : i1 to i32
    %cond3A = arith.constant 0 : i32
    %cond3A_23 = arith.cmpi ne, %convert_element_type3A, %cond3A : i32
    scf.if %cond3A_23 {
      "tpu.region"() ({
        %run_scoped3A = tpu.sem_alloc : memref<!tpu.dma_semaphore, #tpu.memory_space<semaphore_mem>>
        %dma_start3A_79 = arith.constant 0 : i32
        %dma_start3A_80 = arith.constant 0 : i32
        %dma_start3A_81 = tpu.memref_slice %arg11[%dma_start3A_79, %dma_start3A_80] : memref<104x64xf32, #tpu.memory_space<vmem>> -> memref<16x64xf32, #tpu.memory_space<vmem>>
        %dma_start3A_82 = arith.constant 9984 : i32
        %dma_start3A_83 = arith.constant 0 : i32
        %dma_start3A_84 = tpu.memref_slice %arg12[%dma_start3A_82, %dma_start3A_83] : memref<10000x64xf32, #tpu.memory_space<vmem_shared>> -> memref<16x64xf32, #tpu.memory_space<vmem_shared>>
        %dma_start3A_85 = arith.constant 9984 : i32
        %dma_start3A_86 = arith.constant 0 : i32
        %dma_start3A_87 = tpu.memref_slice %arg12[%dma_start3A_85, %dma_start3A_86] : memref<10000x64xf32, #tpu.memory_space<vmem_shared>> -> memref<16x64xf32, #tpu.memory_space<vmem_shared>>
        %dma_start3A_88 = arith.constant 0 : i32
        %dma_start3A_89 = arith.constant 0 : i32
        %dma_start3A_90 = tpu.memref_slice %arg11[%dma_start3A_88, %dma_start3A_89] : memref<104x64xf32, #tpu.memory_space<vmem>> -> memref<16x64xf32, #tpu.memory_space<vmem>>
        tpu.enqueue_dma source(%dma_start3A_90 : memref<16x64xf32, #tpu.memory_space<vmem>>) target(%dma_start3A_87 : memref<16x64xf32, #tpu.memory_space<vmem_shared>>) target_semaphore(%run_scoped3A : memref<!tpu.dma_semaphore, #tpu.memory_space<semaphore_mem>>)
        %dma_wait3A = arith.constant 0 : i32
        %dma_wait3A_91 = arith.constant 0 : i32
        %dma_wait3A_92 = tpu.memref_slice %arg11[%dma_wait3A, %dma_wait3A_91] : memref<104x64xf32, #tpu.memory_space<vmem>> -> memref<16x64xf32, #tpu.memory_space<vmem>>
        %dma_wait3A_93 = arith.constant 9984 : i32
        %dma_wait3A_94 = arith.constant 0 : i32
        %dma_wait3A_95 = tpu.memref_slice %arg12[%dma_wait3A_93, %dma_wait3A_94] : memref<10000x64xf32, #tpu.memory_space<vmem_shared>> -> memref<16x64xf32, #tpu.memory_space<vmem_shared>>
        %dma_wait3A_96 = arith.constant 9984 : i32
        %dma_wait3A_97 = arith.constant 0 : i32
        %dma_wait3A_98 = tpu.memref_slice %arg12[%dma_wait3A_96, %dma_wait3A_97] : memref<10000x64xf32, #tpu.memory_space<vmem_shared>> -> memref<16x64xf32, #tpu.memory_space<vmem_shared>>
        %dma_wait3A_99 = arith.constant 0 : i32
        %dma_wait3A_100 = arith.constant 0 : i32
        %dma_wait3A_101 = tpu.memref_slice %arg11[%dma_wait3A_99, %dma_wait3A_100] : memref<104x64xf32, #tpu.memory_space<vmem>> -> memref<16x64xf32, #tpu.memory_space<vmem>>
        tpu.wait_dma2 semaphore(%run_scoped3A : memref<!tpu.dma_semaphore, #tpu.memory_space<semaphore_mem>>) src(%dma_wait3A_101 : memref<16x64xf32, #tpu.memory_space<vmem>>) dst(%dma_wait3A_98 : memref<16x64xf32, #tpu.memory_space<vmem_shared>>)
        tpu.yield
      }) : () -> ()
    } else {
    }
    %lt3A = arith.constant 8 : i32
    %lt3A_24 = arith.cmpi slt, %arg1, %lt3A : i32
    %jit3A = arith.constant 1 : i32
    %jit3A_25 = arith.constant 0 : i32
    %select_n3A = arith.select %lt3A_24, %jit3A, %jit3A_25 : i32
    %add3A_26 = arith.constant 62 : i32
    %add3A_27 = arith.addi %add3A_26, %select_n3A : i32
    %mul3A_28 = arith.constant 62 : i32
    %mul3A_29 = arith.muli %arg1, %mul3A_28 : i32
    %min3A = arith.constant 8 : i32
    %min3A_30 = arith.minsi %arg1, %min3A : i32
    %add3A_31 = arith.addi %mul3A_29, %min3A_30 : i32
    "tpu.region"() ({
      %run_scoped3A = tpu.sem_alloc : memref<!tpu.dma_semaphore, #tpu.memory_space<semaphore_mem>>
      %dma_start3A_79 = arith.constant 0 : i32
      %dma_start3A_80 = arith.constant 0 : i32
      %dma_start3A_81 = tpu.memref_slice %arg7[%dma_start3A_79, %dma_start3A_80] : memref<63x320xi32, #tpu.memory_space<vmem>> -> memref<62x320xi32, #tpu.memory_space<vmem>>
      %dma_start3A_82 = arith.constant 0 : i32
      %dma_start3A_83 = arith.constant 0 : i32
      %dma_start3A_84 = tpu.memref_slice %arg3[%arg0, %dma_start3A_82, %dma_start3A_83] : memref<2x1000x320xi32, #tpu.memory_space<hbm>> -> memref<1x1000x320xi32, #tpu.memory_space<hbm>>
      %dma_start3A_85 = tpu.memref_squeeze %dma_start3A_84 : memref<1x1000x320xi32, #tpu.memory_space<hbm>> -> memref<1000x320xi32, #tpu.memory_space<hbm>>
      %dma_start3A_86 = arith.constant 0 : i32
      %dma_start3A_87 = tpu.memref_slice %dma_start3A_85[%add3A_31, %dma_start3A_86] : memref<1000x320xi32, #tpu.memory_space<hbm>> -> memref<62x320xi32, #tpu.memory_space<hbm>>
      %dma_start3A_88 = arith.constant 0 : i32
      %dma_start3A_89 = arith.constant 0 : i32
      %dma_start3A_90 = tpu.memref_slice %arg7[%dma_start3A_88, %dma_start3A_89] : memref<63x320xi32, #tpu.memory_space<vmem>> -> memref<62x320xi32, #tpu.memory_space<vmem>>
      %dma_start3A_91 = arith.constant 0 : i32
      %dma_start3A_92 = arith.constant 0 : i32
      %dma_start3A_93 = tpu.memref_slice %arg3[%arg0, %dma_start3A_91, %dma_start3A_92] : memref<2x1000x320xi32, #tpu.memory_space<hbm>> -> memref<1x1000x320xi32, #tpu.memory_space<hbm>>
      %dma_start3A_94 = tpu.memref_squeeze %dma_start3A_93 : memref<1x1000x320xi32, #tpu.memory_space<hbm>> -> memref<1000x320xi32, #tpu.memory_space<hbm>>
      %dma_start3A_95 = arith.constant 0 : i32
      %dma_start3A_96 = tpu.memref_slice %dma_start3A_94[%add3A_31, %dma_start3A_95] : memref<1000x320xi32, #tpu.memory_space<hbm>> -> memref<62x320xi32, #tpu.memory_space<hbm>>
      tpu.enqueue_dma source(%dma_start3A_96 : memref<62x320xi32, #tpu.memory_space<hbm>>) target(%dma_start3A_90 : memref<62x320xi32, #tpu.memory_space<vmem>>) target_semaphore(%run_scoped3A : memref<!tpu.dma_semaphore, #tpu.memory_space<semaphore_mem>>)
      %dma_wait3A = arith.constant 0 : i32
      %dma_wait3A_97 = arith.constant 0 : i32
      %dma_wait3A_98 = tpu.memref_slice %arg7[%dma_wait3A, %dma_wait3A_97] : memref<63x320xi32, #tpu.memory_space<vmem>> -> memref<62x320xi32, #tpu.memory_space<vmem>>
      %dma_wait3A_99 = arith.constant 0 : i32
      %dma_wait3A_100 = arith.constant 0 : i32
      %dma_wait3A_101 = tpu.memref_slice %arg3[%arg0, %dma_wait3A_99, %dma_wait3A_100] : memref<2x1000x320xi32, #tpu.memory_space<hbm>> -> memref<1x1000x320xi32, #tpu.memory_space<hbm>>
      %dma_wait3A_102 = tpu.memref_squeeze %dma_wait3A_101 : memref<1x1000x320xi32, #tpu.memory_space<hbm>> -> memref<1000x320xi32, #tpu.memory_space<hbm>>
      %dma_wait3A_103 = arith.constant 0 : i32
      %dma_wait3A_104 = tpu.memref_slice %dma_wait3A_102[%add3A_31, %dma_wait3A_103] : memref<1000x320xi32, #tpu.memory_space<hbm>> -> memref<62x320xi32, #tpu.memory_space<hbm>>
      %dma_wait3A_105 = arith.constant 0 : i32
      %dma_wait3A_106 = arith.constant 0 : i32
      %dma_wait3A_107 = tpu.memref_slice %arg7[%dma_wait3A_105, %dma_wait3A_106] : memref<63x320xi32, #tpu.memory_space<vmem>> -> memref<62x320xi32, #tpu.memory_space<vmem>>
      %dma_wait3A_108 = arith.constant 0 : i32
      %dma_wait3A_109 = arith.constant 0 : i32
      %dma_wait3A_110 = tpu.memref_slice %arg3[%arg0, %dma_wait3A_108, %dma_wait3A_109] : memref<2x1000x320xi32, #tpu.memory_space<hbm>> -> memref<1x1000x320xi32, #tpu.memory_space<hbm>>
      %dma_wait3A_111 = tpu.memref_squeeze %dma_wait3A_110 : memref<1x1000x320xi32, #tpu.memory_space<hbm>> -> memref<1000x320xi32, #tpu.memory_space<hbm>>
      %dma_wait3A_112 = arith.constant 0 : i32
      %dma_wait3A_113 = tpu.memref_slice %dma_wait3A_111[%add3A_31, %dma_wait3A_112] : memref<1000x320xi32, #tpu.memory_space<hbm>> -> memref<62x320xi32, #tpu.memory_space<hbm>>
      tpu.wait_dma2 semaphore(%run_scoped3A : memref<!tpu.dma_semaphore, #tpu.memory_space<semaphore_mem>>) src(%dma_wait3A_113 : memref<62x320xi32, #tpu.memory_space<hbm>>) dst(%dma_wait3A_107 : memref<62x320xi32, #tpu.memory_space<vmem>>)
      tpu.yield
    }) : () -> ()
    "tpu.region"() ({
      %run_scoped3A = tpu.sem_alloc : memref<!tpu.dma_semaphore, #tpu.memory_space<semaphore_mem>>
      %dma_start3A_79 = arith.constant 0 : i32
      %dma_start3A_80 = arith.constant 0 : i32
      %dma_start3A_81 = tpu.memref_slice %arg8[%dma_start3A_79, %dma_start3A_80] : memref<63x320xi32, #tpu.memory_space<vmem>> -> memref<62x320xi32, #tpu.memory_space<vmem>>
      %dma_start3A_82 = arith.constant 0 : i32
      %dma_start3A_83 = tpu.memref_slice %arg4[%add3A_31, %dma_start3A_82] : memref<1000x320xi32, #tpu.memory_space<hbm>> -> memref<62x320xi32, #tpu.memory_space<hbm>>
      %dma_start3A_84 = arith.constant 0 : i32
      %dma_start3A_85 = arith.constant 0 : i32
      %dma_start3A_86 = tpu.memref_slice %arg8[%dma_start3A_84, %dma_start3A_85] : memref<63x320xi32, #tpu.memory_space<vmem>> -> memref<62x320xi32, #tpu.memory_space<vmem>>
      %dma_start3A_87 = arith.constant 0 : i32
      %dma_start3A_88 = tpu.memref_slice %arg4[%add3A_31, %dma_start3A_87] : memref<1000x320xi32, #tpu.memory_space<hbm>> -> memref<62x320xi32, #tpu.memory_space<hbm>>
      tpu.enqueue_dma source(%dma_start3A_88 : memref<62x320xi32, #tpu.memory_space<hbm>>) target(%dma_start3A_86 : memref<62x320xi32, #tpu.memory_space<vmem>>) target_semaphore(%run_scoped3A : memref<!tpu.dma_semaphore, #tpu.memory_space<semaphore_mem>>)
      %dma_wait3A = arith.constant 0 : i32
      %dma_wait3A_89 = arith.constant 0 : i32
      %dma_wait3A_90 = tpu.memref_slice %arg8[%dma_wait3A, %dma_wait3A_89] : memref<63x320xi32, #tpu.memory_space<vmem>> -> memref<62x320xi32, #tpu.memory_space<vmem>>
      %dma_wait3A_91 = arith.constant 0 : i32
      %dma_wait3A_92 = tpu.memref_slice %arg4[%add3A_31, %dma_wait3A_91] : memref<1000x320xi32, #tpu.memory_space<hbm>> -> memref<62x320xi32, #tpu.memory_space<hbm>>
      %dma_wait3A_93 = arith.constant 0 : i32
      %dma_wait3A_94 = arith.constant 0 : i32
      %dma_wait3A_95 = tpu.memref_slice %arg8[%dma_wait3A_93, %dma_wait3A_94] : memref<63x320xi32, #tpu.memory_space<vmem>> -> memref<62x320xi32, #tpu.memory_space<vmem>>
      %dma_wait3A_96 = arith.constant 0 : i32
      %dma_wait3A_97 = tpu.memref_slice %arg4[%add3A_31, %dma_wait3A_96] : memref<1000x320xi32, #tpu.memory_space<hbm>> -> memref<62x320xi32, #tpu.memory_space<hbm>>
      tpu.wait_dma2 semaphore(%run_scoped3A : memref<!tpu.dma_semaphore, #tpu.memory_space<semaphore_mem>>) src(%dma_wait3A_97 : memref<62x320xi32, #tpu.memory_space<hbm>>) dst(%dma_wait3A_95 : memref<62x320xi32, #tpu.memory_space<vmem>>)
      tpu.yield
    }) : () -> ()
    %eq3A_32 = arith.constant 63 : i32
    %eq3A_33 = arith.cmpi eq, %add3A_27, %eq3A_32 : i32
    %convert_element_type3A_34 = arith.extui %eq3A_33 : i1 to i32
    %cond3A_35 = arith.constant 0 : i32
    %cond3A_36 = arith.cmpi ne, %convert_element_type3A_34, %cond3A_35 : i32
    scf.if %cond3A_36 {
      %add3A_79 = arith.constant 62 : i32
      %add3A_80 = arith.addi %add3A_31, %add3A_79 : i32
      "tpu.region"() ({
        %run_scoped3A = tpu.sem_alloc : memref<!tpu.dma_semaphore, #tpu.memory_space<semaphore_mem>>
        %dma_start3A_83 = arith.constant 62 : i32
        %dma_start3A_84 = arith.constant 0 : i32
        %dma_start3A_85 = tpu.memref_slice %arg7[%dma_start3A_83, %dma_start3A_84] : memref<63x320xi32, #tpu.memory_space<vmem>> -> memref<1x320xi32, #tpu.memory_space<vmem>>
        %dma_start3A_86 = arith.constant 0 : i32
        %dma_start3A_87 = arith.constant 0 : i32
        %dma_start3A_88 = tpu.memref_slice %arg3[%arg0, %dma_start3A_86, %dma_start3A_87] : memref<2x1000x320xi32, #tpu.memory_space<hbm>> -> memref<1x1000x320xi32, #tpu.memory_space<hbm>>
        %dma_start3A_89 = tpu.memref_squeeze %dma_start3A_88 : memref<1x1000x320xi32, #tpu.memory_space<hbm>> -> memref<1000x320xi32, #tpu.memory_space<hbm>>
        %dma_start3A_90 = arith.constant 0 : i32
        %dma_start3A_91 = tpu.memref_slice %dma_start3A_89[%add3A_80, %dma_start3A_90] : memref<1000x320xi32, #tpu.memory_space<hbm>> -> memref<1x320xi32, #tpu.memory_space<hbm>>
        %dma_start3A_92 = arith.constant 62 : i32
        %dma_start3A_93 = arith.constant 0 : i32
        %dma_start3A_94 = tpu.memref_slice %arg7[%dma_start3A_92, %dma_start3A_93] : memref<63x320xi32, #tpu.memory_space<vmem>> -> memref<1x320xi32, #tpu.memory_space<vmem>>
        %dma_start3A_95 = arith.constant 0 : i32
        %dma_start3A_96 = arith.constant 0 : i32
        %dma_start3A_97 = tpu.memref_slice %arg3[%arg0, %dma_start3A_95, %dma_start3A_96] : memref<2x1000x320xi32, #tpu.memory_space<hbm>> -> memref<1x1000x320xi32, #tpu.memory_space<hbm>>
        %dma_start3A_98 = tpu.memref_squeeze %dma_start3A_97 : memref<1x1000x320xi32, #tpu.memory_space<hbm>> -> memref<1000x320xi32, #tpu.memory_space<hbm>>
        %dma_start3A_99 = arith.constant 0 : i32
        %dma_start3A_100 = tpu.memref_slice %dma_start3A_98[%add3A_80, %dma_start3A_99] : memref<1000x320xi32, #tpu.memory_space<hbm>> -> memref<1x320xi32, #tpu.memory_space<hbm>>
        tpu.enqueue_dma source(%dma_start3A_100 : memref<1x320xi32, #tpu.memory_space<hbm>>) target(%dma_start3A_94 : memref<1x320xi32, #tpu.memory_space<vmem>>) target_semaphore(%run_scoped3A : memref<!tpu.dma_semaphore, #tpu.memory_space<semaphore_mem>>)
        %dma_wait3A = arith.constant 62 : i32
        %dma_wait3A_101 = arith.constant 0 : i32
        %dma_wait3A_102 = tpu.memref_slice %arg7[%dma_wait3A, %dma_wait3A_101] : memref<63x320xi32, #tpu.memory_space<vmem>> -> memref<1x320xi32, #tpu.memory_space<vmem>>
        %dma_wait3A_103 = arith.constant 0 : i32
        %dma_wait3A_104 = arith.constant 0 : i32
        %dma_wait3A_105 = tpu.memref_slice %arg3[%arg0, %dma_wait3A_103, %dma_wait3A_104] : memref<2x1000x320xi32, #tpu.memory_space<hbm>> -> memref<1x1000x320xi32, #tpu.memory_space<hbm>>
        %dma_wait3A_106 = tpu.memref_squeeze %dma_wait3A_105 : memref<1x1000x320xi32, #tpu.memory_space<hbm>> -> memref<1000x320xi32, #tpu.memory_space<hbm>>
        %dma_wait3A_107 = arith.constant 0 : i32
        %dma_wait3A_108 = tpu.memref_slice %dma_wait3A_106[%add3A_80, %dma_wait3A_107] : memref<1000x320xi32, #tpu.memory_space<hbm>> -> memref<1x320xi32, #tpu.memory_space<hbm>>
        %dma_wait3A_109 = arith.constant 62 : i32
        %dma_wait3A_110 = arith.constant 0 : i32
        %dma_wait3A_111 = tpu.memref_slice %arg7[%dma_wait3A_109, %dma_wait3A_110] : memref<63x320xi32, #tpu.memory_space<vmem>> -> memref<1x320xi32, #tpu.memory_space<vmem>>
        %dma_wait3A_112 = arith.constant 0 : i32
        %dma_wait3A_113 = arith.constant 0 : i32
        %dma_wait3A_114 = tpu.memref_slice %arg3[%arg0, %dma_wait3A_112, %dma_wait3A_113] : memref<2x1000x320xi32, #tpu.memory_space<hbm>> -> memref<1x1000x320xi32, #tpu.memory_space<hbm>>
        %dma_wait3A_115 = tpu.memref_squeeze %dma_wait3A_114 : memref<1x1000x320xi32, #tpu.memory_space<hbm>> -> memref<1000x320xi32, #tpu.memory_space<hbm>>
        %dma_wait3A_116 = arith.constant 0 : i32
        %dma_wait3A_117 = tpu.memref_slice %dma_wait3A_115[%add3A_80, %dma_wait3A_116] : memref<1000x320xi32, #tpu.memory_space<hbm>> -> memref<1x320xi32, #tpu.memory_space<hbm>>
        tpu.wait_dma2 semaphore(%run_scoped3A : memref<!tpu.dma_semaphore, #tpu.memory_space<semaphore_mem>>) src(%dma_wait3A_117 : memref<1x320xi32, #tpu.memory_space<hbm>>) dst(%dma_wait3A_111 : memref<1x320xi32, #tpu.memory_space<vmem>>)
        tpu.yield
      }) : () -> ()
      %add3A_81 = arith.constant 62 : i32
      %add3A_82 = arith.addi %add3A_31, %add3A_81 : i32
      "tpu.region"() ({
        %run_scoped3A = tpu.sem_alloc : memref<!tpu.dma_semaphore, #tpu.memory_space<semaphore_mem>>
        %dma_start3A_83 = arith.constant 62 : i32
        %dma_start3A_84 = arith.constant 0 : i32
        %dma_start3A_85 = tpu.memref_slice %arg8[%dma_start3A_83, %dma_start3A_84] : memref<63x320xi32, #tpu.memory_space<vmem>> -> memref<1x320xi32, #tpu.memory_space<vmem>>
        %dma_start3A_86 = arith.constant 0 : i32
        %dma_start3A_87 = tpu.memref_slice %arg4[%add3A_82, %dma_start3A_86] : memref<1000x320xi32, #tpu.memory_space<hbm>> -> memref<1x320xi32, #tpu.memory_space<hbm>>
        %dma_start3A_88 = arith.constant 62 : i32
        %dma_start3A_89 = arith.constant 0 : i32
        %dma_start3A_90 = tpu.memref_slice %arg8[%dma_start3A_88, %dma_start3A_89] : memref<63x320xi32, #tpu.memory_space<vmem>> -> memref<1x320xi32, #tpu.memory_space<vmem>>
        %dma_start3A_91 = arith.constant 0 : i32
        %dma_start3A_92 = tpu.memref_slice %arg4[%add3A_82, %dma_start3A_91] : memref<1000x320xi32, #tpu.memory_space<hbm>> -> memref<1x320xi32, #tpu.memory_space<hbm>>
        tpu.enqueue_dma source(%dma_start3A_92 : memref<1x320xi32, #tpu.memory_space<hbm>>) target(%dma_start3A_90 : memref<1x320xi32, #tpu.memory_space<vmem>>) target_semaphore(%run_scoped3A : memref<!tpu.dma_semaphore, #tpu.memory_space<semaphore_mem>>)
        %dma_wait3A = arith.constant 62 : i32
        %dma_wait3A_93 = arith.constant 0 : i32
        %dma_wait3A_94 = tpu.memref_slice %arg8[%dma_wait3A, %dma_wait3A_93] : memref<63x320xi32, #tpu.memory_space<vmem>> -> memref<1x320xi32, #tpu.memory_space<vmem>>
        %dma_wait3A_95 = arith.constant 0 : i32
        %dma_wait3A_96 = tpu.memref_slice %arg4[%add3A_82, %dma_wait3A_95] : memref<1000x320xi32, #tpu.memory_space<hbm>> -> memref<1x320xi32, #tpu.memory_space<hbm>>
        %dma_wait3A_97 = arith.constant 62 : i32
        %dma_wait3A_98 = arith.constant 0 : i32
        %dma_wait3A_99 = tpu.memref_slice %arg8[%dma_wait3A_97, %dma_wait3A_98] : memref<63x320xi32, #tpu.memory_space<vmem>> -> memref<1x320xi32, #tpu.memory_space<vmem>>
        %dma_wait3A_100 = arith.constant 0 : i32
        %dma_wait3A_101 = tpu.memref_slice %arg4[%add3A_82, %dma_wait3A_100] : memref<1000x320xi32, #tpu.memory_space<hbm>> -> memref<1x320xi32, #tpu.memory_space<hbm>>
        tpu.wait_dma2 semaphore(%run_scoped3A : memref<!tpu.dma_semaphore, #tpu.memory_space<semaphore_mem>>) src(%dma_wait3A_101 : memref<1x320xi32, #tpu.memory_space<hbm>>) dst(%dma_wait3A_99 : memref<1x320xi32, #tpu.memory_space<vmem>>)
        tpu.yield
      }) : () -> ()
    } else {
    }
    %barrier3A = arith.constant 0 : index
    tpu.barrier barrier_id(%barrier3A)
    %dma_start3A = arith.constant 0 : i32
    %dma_start3A_37 = arith.constant 0 : i32
    %dma_start3A_38 = tpu.memref_slice %arg7[%dma_start3A, %dma_start3A_37] : memref<63x320xi32, #tpu.memory_space<vmem>> -> memref<1x320xi32, #tpu.memory_space<vmem>>
    %dma_start3A_39 = tpu.memref_squeeze %dma_start3A_38 : memref<1x320xi32, #tpu.memory_space<vmem>> -> memref<320xi32, #tpu.memory_space<vmem>>
    %dma_start3A_40 = arith.constant 0 : i32
    %dma_start3A_41 = arith.constant 0 : i32
    %dma_start3A_42 = tpu.memref_slice %arg2[%dma_start3A_40, %dma_start3A_41] : memref<20000x64xf32, #tpu.memory_space<hbm>> -> memref<20000x64xf32, #tpu.memory_space<hbm>>
    tpu.enqueue_indirect_dma source(%dma_start3A_42 : memref<20000x64xf32, #tpu.memory_space<hbm>>) target(%arg9 : memref<320x64xf32, #tpu.memory_space<vmem>>) offsets(%dma_start3A_39 : memref<320xi32, #tpu.memory_space<vmem>>) semaphore(%arg13 : memref<!tpu.dma_semaphore, #tpu.memory_space<semaphore_mem>>)
    %scan3A = arith.constant 0 : i32
    %scan3A_43 = arith.constant 32 : i32
    %scan3A_44 = arith.addi %scan3A, %scan3A_43 : i32
    %scan3A_45 = arith.constant 1 : i32
    scf.for %scan3A_79 = %scan3A to %scan3A_44 step %scan3A_45  : i32 {
      %mul3A_80 = arith.constant 2 : i32
      %mul3A_81 = arith.muli %mul3A_80, %scan3A_79 : i32
      %add3A_82 = arith.constant 0 : i32
      %add3A_83 = arith.addi %mul3A_81, %add3A_82 : i32
      %lt3A_84 = arith.cmpi slt, %add3A_83, %add3A_27 : i32
      %convert_element_type3A_85 = arith.extui %lt3A_84 : i1 to i32
      %cond3A_86 = arith.constant 0 : i32
      %cond3A_87 = arith.cmpi ne, %convert_element_type3A_85, %cond3A_86 : i32
      scf.if %cond3A_87 {
        %dma_wait3A = arith.constant 0 : i32
        %dma_wait3A_122 = tpu.memref_slice %arg7[%add3A_83, %dma_wait3A] : memref<63x320xi32, #tpu.memory_space<vmem>> -> memref<1x320xi32, #tpu.memory_space<vmem>>
        %dma_wait3A_123 = tpu.memref_squeeze %dma_wait3A_122 : memref<1x320xi32, #tpu.memory_space<vmem>> -> memref<320xi32, #tpu.memory_space<vmem>>
        %dma_wait3A_124 = arith.constant 0 : i32
        %dma_wait3A_125 = arith.constant 0 : i32
        %dma_wait3A_126 = tpu.memref_slice %arg2[%dma_wait3A_124, %dma_wait3A_125] : memref<20000x64xf32, #tpu.memory_space<hbm>> -> memref<20000x64xf32, #tpu.memory_space<hbm>>
        tpu.wait_indirect_dma semaphore(%arg13 : memref<!tpu.dma_semaphore, #tpu.memory_space<semaphore_mem>>) src(%dma_wait3A_126 : memref<20000x64xf32, #tpu.memory_space<hbm>>) dst(%arg9 : memref<320x64xf32, #tpu.memory_space<vmem>>)
        %dma_start3A_127 = arith.constant 0 : i32
        %dma_start3A_128 = tpu.memref_slice %arg8[%add3A_83, %dma_start3A_127] : memref<63x320xi32, #tpu.memory_space<vmem>> -> memref<1x320xi32, #tpu.memory_space<vmem>>
        %dma_start3A_129 = tpu.memref_squeeze %dma_start3A_128 : memref<1x320xi32, #tpu.memory_space<vmem>> -> memref<320xi32, #tpu.memory_space<vmem>>
        %dma_start3A_130 = arith.constant 0 : i32
        %dma_start3A_131 = arith.constant 0 : i32
        %dma_start3A_132 = tpu.memref_slice %arg12[%dma_start3A_130, %dma_start3A_131] : memref<10000x64xf32, #tpu.memory_space<vmem_shared>> -> memref<10000x64xf32, #tpu.memory_space<vmem_shared>>
        tpu.enqueue_indirect_dma source(%arg9 : memref<320x64xf32, #tpu.memory_space<vmem>>) target(%dma_start3A_132 : memref<10000x64xf32, #tpu.memory_space<vmem_shared>>) offsets(%dma_start3A_129 : memref<320xi32, #tpu.memory_space<vmem>>) semaphore(%arg14 : memref<!tpu.dma_semaphore, #tpu.memory_space<semaphore_mem>>) {add = true}
      } else {
      }
      %ge3A = arith.constant 1 : i32
      %ge3A_88 = arith.cmpi sge, %add3A_83, %ge3A : i32
      %le3A = arith.cmpi sle, %add3A_83, %add3A_27 : i32
      %and3A = arith.andi %ge3A_88, %le3A : i1
      %convert_element_type3A_89 = arith.extui %and3A : i1 to i32
      %cond3A_90 = arith.constant 0 : i32
      %cond3A_91 = arith.cmpi ne, %convert_element_type3A_89, %cond3A_90 : i32
      scf.if %cond3A_91 {
        %sub3A_122 = arith.constant 1 : i32
        %sub3A_123 = arith.subi %add3A_83, %sub3A_122 : i32
        %dma_wait3A = arith.constant 0 : i32
        %dma_wait3A_124 = tpu.memref_slice %arg8[%sub3A_123, %dma_wait3A] : memref<63x320xi32, #tpu.memory_space<vmem>> -> memref<1x320xi32, #tpu.memory_space<vmem>>
        %dma_wait3A_125 = tpu.memref_squeeze %dma_wait3A_124 : memref<1x320xi32, #tpu.memory_space<vmem>> -> memref<320xi32, #tpu.memory_space<vmem>>
        %dma_wait3A_126 = arith.constant 0 : i32
        %dma_wait3A_127 = arith.constant 0 : i32
        %dma_wait3A_128 = tpu.memref_slice %arg12[%dma_wait3A_126, %dma_wait3A_127] : memref<10000x64xf32, #tpu.memory_space<vmem_shared>> -> memref<10000x64xf32, #tpu.memory_space<vmem_shared>>
        tpu.wait_indirect_dma semaphore(%arg14 : memref<!tpu.dma_semaphore, #tpu.memory_space<semaphore_mem>>) src(%arg10 : memref<320x64xf32, #tpu.memory_space<vmem>>) dst(%dma_wait3A_128 : memref<10000x64xf32, #tpu.memory_space<vmem_shared>>)
      } else {
      }
      %add3A_92 = arith.constant 2 : i32
      %add3A_93 = arith.addi %add3A_83, %add3A_92 : i32
      %sub3A = arith.constant 1 : i32
      %sub3A_94 = arith.subi %add3A_93, %sub3A : i32
      %lt3A_95 = arith.cmpi slt, %sub3A_94, %add3A_27 : i32
      %convert_element_type3A_96 = arith.extui %lt3A_95 : i1 to i32
      %cond3A_97 = arith.constant 0 : i32
      %cond3A_98 = arith.cmpi ne, %convert_element_type3A_96, %cond3A_97 : i32
      scf.if %cond3A_98 {
        %add3A_122 = arith.constant 2 : i32
        %add3A_123 = arith.addi %add3A_83, %add3A_122 : i32
        %sub3A_124 = arith.constant 1 : i32
        %sub3A_125 = arith.subi %add3A_123, %sub3A_124 : i32
        %dma_start3A_126 = arith.constant 0 : i32
        %dma_start3A_127 = tpu.memref_slice %arg7[%sub3A_125, %dma_start3A_126] : memref<63x320xi32, #tpu.memory_space<vmem>> -> memref<1x320xi32, #tpu.memory_space<vmem>>
        %dma_start3A_128 = tpu.memref_squeeze %dma_start3A_127 : memref<1x320xi32, #tpu.memory_space<vmem>> -> memref<320xi32, #tpu.memory_space<vmem>>
        %dma_start3A_129 = arith.constant 0 : i32
        %dma_start3A_130 = arith.constant 0 : i32
        %dma_start3A_131 = tpu.memref_slice %arg2[%dma_start3A_129, %dma_start3A_130] : memref<20000x64xf32, #tpu.memory_space<hbm>> -> memref<20000x64xf32, #tpu.memory_space<hbm>>
        tpu.enqueue_indirect_dma source(%dma_start3A_131 : memref<20000x64xf32, #tpu.memory_space<hbm>>) target(%arg10 : memref<320x64xf32, #tpu.memory_space<vmem>>) offsets(%dma_start3A_128 : memref<320xi32, #tpu.memory_space<vmem>>) semaphore(%arg13 : memref<!tpu.dma_semaphore, #tpu.memory_space<semaphore_mem>>)
      } else {
      }
      %mul3A_99 = arith.constant 2 : i32
      %mul3A_100 = arith.muli %mul3A_99, %scan3A_79 : i32
      %add3A_101 = arith.constant 1 : i32
      %add3A_102 = arith.addi %mul3A_100, %add3A_101 : i32
      %lt3A_103 = arith.cmpi slt, %add3A_102, %add3A_27 : i32
      %convert_element_type3A_104 = arith.extui %lt3A_103 : i1 to i32
      %cond3A_105 = arith.constant 0 : i32
      %cond3A_106 = arith.cmpi ne, %convert_element_type3A_104, %cond3A_105 : i32
      scf.if %cond3A_106 {
        %dma_wait3A = arith.constant 0 : i32
        %dma_wait3A_122 = tpu.memref_slice %arg7[%add3A_102, %dma_wait3A] : memref<63x320xi32, #tpu.memory_space<vmem>> -> memref<1x320xi32, #tpu.memory_space<vmem>>
        %dma_wait3A_123 = tpu.memref_squeeze %dma_wait3A_122 : memref<1x320xi32, #tpu.memory_space<vmem>> -> memref<320xi32, #tpu.memory_space<vmem>>
        %dma_wait3A_124 = arith.constant 0 : i32
        %dma_wait3A_125 = arith.constant 0 : i32
        %dma_wait3A_126 = tpu.memref_slice %arg2[%dma_wait3A_124, %dma_wait3A_125] : memref<20000x64xf32, #tpu.memory_space<hbm>> -> memref<20000x64xf32, #tpu.memory_space<hbm>>
        tpu.wait_indirect_dma semaphore(%arg13 : memref<!tpu.dma_semaphore, #tpu.memory_space<semaphore_mem>>) src(%dma_wait3A_126 : memref<20000x64xf32, #tpu.memory_space<hbm>>) dst(%arg10 : memref<320x64xf32, #tpu.memory_space<vmem>>)
        %dma_start3A_127 = arith.constant 0 : i32
        %dma_start3A_128 = tpu.memref_slice %arg8[%add3A_102, %dma_start3A_127] : memref<63x320xi32, #tpu.memory_space<vmem>> -> memref<1x320xi32, #tpu.memory_space<vmem>>
        %dma_start3A_129 = tpu.memref_squeeze %dma_start3A_128 : memref<1x320xi32, #tpu.memory_space<vmem>> -> memref<320xi32, #tpu.memory_space<vmem>>
        %dma_start3A_130 = arith.constant 0 : i32
        %dma_start3A_131 = arith.constant 0 : i32
        %dma_start3A_132 = tpu.memref_slice %arg12[%dma_start3A_130, %dma_start3A_131] : memref<10000x64xf32, #tpu.memory_space<vmem_shared>> -> memref<10000x64xf32, #tpu.memory_space<vmem_shared>>
        tpu.enqueue_indirect_dma source(%arg10 : memref<320x64xf32, #tpu.memory_space<vmem>>) target(%dma_start3A_132 : memref<10000x64xf32, #tpu.memory_space<vmem_shared>>) offsets(%dma_start3A_129 : memref<320xi32, #tpu.memory_space<vmem>>) semaphore(%arg14 : memref<!tpu.dma_semaphore, #tpu.memory_space<semaphore_mem>>) {add = true}
      } else {
      }
      %ge3A_107 = arith.constant 1 : i32
      %ge3A_108 = arith.cmpi sge, %add3A_102, %ge3A_107 : i32
      %le3A_109 = arith.cmpi sle, %add3A_102, %add3A_27 : i32
      %and3A_110 = arith.andi %ge3A_108, %le3A_109 : i1
      %convert_element_type3A_111 = arith.extui %and3A_110 : i1 to i32
      %cond3A_112 = arith.constant 0 : i32
      %cond3A_113 = arith.cmpi ne, %convert_element_type3A_111, %cond3A_112 : i32
      scf.if %cond3A_113 {
        %sub3A_122 = arith.constant 1 : i32
        %sub3A_123 = arith.subi %add3A_102, %sub3A_122 : i32
        %dma_wait3A = arith.constant 0 : i32
        %dma_wait3A_124 = tpu.memref_slice %arg8[%sub3A_123, %dma_wait3A] : memref<63x320xi32, #tpu.memory_space<vmem>> -> memref<1x320xi32, #tpu.memory_space<vmem>>
        %dma_wait3A_125 = tpu.memref_squeeze %dma_wait3A_124 : memref<1x320xi32, #tpu.memory_space<vmem>> -> memref<320xi32, #tpu.memory_space<vmem>>
        %dma_wait3A_126 = arith.constant 0 : i32
        %dma_wait3A_127 = arith.constant 0 : i32
        %dma_wait3A_128 = tpu.memref_slice %arg12[%dma_wait3A_126, %dma_wait3A_127] : memref<10000x64xf32, #tpu.memory_space<vmem_shared>> -> memref<10000x64xf32, #tpu.memory_space<vmem_shared>>
        tpu.wait_indirect_dma semaphore(%arg14 : memref<!tpu.dma_semaphore, #tpu.memory_space<semaphore_mem>>) src(%arg9 : memref<320x64xf32, #tpu.memory_space<vmem>>) dst(%dma_wait3A_128 : memref<10000x64xf32, #tpu.memory_space<vmem_shared>>)
      } else {
      }
      %add3A_114 = arith.constant 2 : i32
      %add3A_115 = arith.addi %add3A_102, %add3A_114 : i32
      %sub3A_116 = arith.constant 1 : i32
      %sub3A_117 = arith.subi %add3A_115, %sub3A_116 : i32
      %lt3A_118 = arith.cmpi slt, %sub3A_117, %add3A_27 : i32
      %convert_element_type3A_119 = arith.extui %lt3A_118 : i1 to i32
      %cond3A_120 = arith.constant 0 : i32
      %cond3A_121 = arith.cmpi ne, %convert_element_type3A_119, %cond3A_120 : i32
      scf.if %cond3A_121 {
        %add3A_122 = arith.constant 2 : i32
        %add3A_123 = arith.addi %add3A_102, %add3A_122 : i32
        %sub3A_124 = arith.constant 1 : i32
        %sub3A_125 = arith.subi %add3A_123, %sub3A_124 : i32
        %dma_start3A_126 = arith.constant 0 : i32
        %dma_start3A_127 = tpu.memref_slice %arg7[%sub3A_125, %dma_start3A_126] : memref<63x320xi32, #tpu.memory_space<vmem>> -> memref<1x320xi32, #tpu.memory_space<vmem>>
        %dma_start3A_128 = tpu.memref_squeeze %dma_start3A_127 : memref<1x320xi32, #tpu.memory_space<vmem>> -> memref<320xi32, #tpu.memory_space<vmem>>
        %dma_start3A_129 = arith.constant 0 : i32
        %dma_start3A_130 = arith.constant 0 : i32
        %dma_start3A_131 = tpu.memref_slice %arg2[%dma_start3A_129, %dma_start3A_130] : memref<20000x64xf32, #tpu.memory_space<hbm>> -> memref<20000x64xf32, #tpu.memory_space<hbm>>
        tpu.enqueue_indirect_dma source(%dma_start3A_131 : memref<20000x64xf32, #tpu.memory_space<hbm>>) target(%arg9 : memref<320x64xf32, #tpu.memory_space<vmem>>) offsets(%dma_start3A_128 : memref<320xi32, #tpu.memory_space<vmem>>) semaphore(%arg13 : memref<!tpu.dma_semaphore, #tpu.memory_space<semaphore_mem>>)
      } else {
      }
    }
    %scan3A_46 = arith.constant 32 : i32
    %barrier3A_47 = arith.constant 0 : index
    tpu.barrier barrier_id(%barrier3A_47)
    %mul3A_48 = arith.constant 64 : i32
    %mul3A_49 = arith.muli %arg0, %mul3A_48 : i32
    %mul3A_50 = arith.constant 624 : i32
    %mul3A_51 = arith.muli %arg1, %mul3A_50 : i32
    %add3A_52 = arith.constant 0 : i32
    %add3A_53 = arith.addi %mul3A_51, %add3A_52 : i32
    "tpu.region"() ({
      %run_scoped3A = tpu.sem_alloc : memref<!tpu.dma_semaphore, #tpu.memory_space<semaphore_mem>>
      %dma_start3A_79 = arith.constant 0 : i32
      %dma_start3A_80 = tpu.memref_slice %arg12[%add3A_53, %dma_start3A_79] : memref<10000x64xf32, #tpu.memory_space<vmem_shared>> -> memref<104x64xf32, #tpu.memory_space<vmem_shared>>
      %dma_start3A_81 = arith.constant 0 : i32
      %dma_start3A_82 = tpu.memref_slice %arg12[%add3A_53, %dma_start3A_81] : memref<10000x64xf32, #tpu.memory_space<vmem_shared>> -> memref<104x64xf32, #tpu.memory_space<vmem_shared>>
      tpu.enqueue_dma source(%dma_start3A_82 : memref<104x64xf32, #tpu.memory_space<vmem_shared>>) target(%arg11 : memref<104x64xf32, #tpu.memory_space<vmem>>) target_semaphore(%run_scoped3A : memref<!tpu.dma_semaphore, #tpu.memory_space<semaphore_mem>>)
      %dma_wait3A = arith.constant 0 : i32
      %dma_wait3A_83 = tpu.memref_slice %arg12[%add3A_53, %dma_wait3A] : memref<10000x64xf32, #tpu.memory_space<vmem_shared>> -> memref<104x64xf32, #tpu.memory_space<vmem_shared>>
      %dma_wait3A_84 = arith.constant 0 : i32
      %dma_wait3A_85 = tpu.memref_slice %arg12[%add3A_53, %dma_wait3A_84] : memref<10000x64xf32, #tpu.memory_space<vmem_shared>> -> memref<104x64xf32, #tpu.memory_space<vmem_shared>>
      tpu.wait_dma2 semaphore(%run_scoped3A : memref<!tpu.dma_semaphore, #tpu.memory_space<semaphore_mem>>) src(%dma_wait3A_85 : memref<104x64xf32, #tpu.memory_space<vmem_shared>>) dst(%arg11 : memref<104x64xf32, #tpu.memory_space<vmem>>)
      tpu.yield
    }) : () -> ()
    "tpu.region"() ({
      %run_scoped3A = tpu.sem_alloc : memref<!tpu.dma_semaphore, #tpu.memory_space<semaphore_mem>>
      %dma_start3A_79 = tpu.memref_slice %arg6[%add3A_53, %mul3A_49] : memref<10000x128xf32, #tpu.memory_space<hbm>> -> memref<104x64xf32, #tpu.memory_space<hbm>>
      %dma_start3A_80 = tpu.memref_slice %arg6[%add3A_53, %mul3A_49] : memref<10000x128xf32, #tpu.memory_space<hbm>> -> memref<104x64xf32, #tpu.memory_space<hbm>>
      tpu.enqueue_dma source(%arg11 : memref<104x64xf32, #tpu.memory_space<vmem>>) target(%dma_start3A_80 : memref<104x64xf32, #tpu.memory_space<hbm>>) target_semaphore(%run_scoped3A : memref<!tpu.dma_semaphore, #tpu.memory_space<semaphore_mem>>)
      %dma_wait3A = tpu.memref_slice %arg6[%add3A_53, %mul3A_49] : memref<10000x128xf32, #tpu.memory_space<hbm>> -> memref<104x64xf32, #tpu.memory_space<hbm>>
      %dma_wait3A_81 = tpu.memref_slice %arg6[%add3A_53, %mul3A_49] : memref<10000x128xf32, #tpu.memory_space<hbm>> -> memref<104x64xf32, #tpu.memory_space<hbm>>
      tpu.wait_dma2 semaphore(%run_scoped3A : memref<!tpu.dma_semaphore, #tpu.memory_space<semaphore_mem>>) src(%arg11 : memref<104x64xf32, #tpu.memory_space<vmem>>) dst(%dma_wait3A_81 : memref<104x64xf32, #tpu.memory_space<hbm>>)
      tpu.yield
    }) : () -> ()
    %mul3A_54 = arith.constant 624 : i32
    %mul3A_55 = arith.muli %arg1, %mul3A_54 : i32
    %add3A_56 = arith.constant 104 : i32
    %add3A_57 = arith.addi %mul3A_55, %add3A_56 : i32
    "tpu.region"() ({
      %run_scoped3A = tpu.sem_alloc : memref<!tpu.dma_semaphore, #tpu.memory_space<semaphore_mem>>
      %dma_start3A_79 = arith.constant 0 : i32
      %dma_start3A_80 = tpu.memref_slice %arg12[%add3A_57, %dma_start3A_79] : memref<10000x64xf32, #tpu.memory_space<vmem_shared>> -> memref<104x64xf32, #tpu.memory_space<vmem_shared>>
      %dma_start3A_81 = arith.constant 0 : i32
      %dma_start3A_82 = tpu.memref_slice %arg12[%add3A_57, %dma_start3A_81] : memref<10000x64xf32, #tpu.memory_space<vmem_shared>> -> memref<104x64xf32, #tpu.memory_space<vmem_shared>>
      tpu.enqueue_dma source(%dma_start3A_82 : memref<104x64xf32, #tpu.memory_space<vmem_shared>>) target(%arg11 : memref<104x64xf32, #tpu.memory_space<vmem>>) target_semaphore(%run_scoped3A : memref<!tpu.dma_semaphore, #tpu.memory_space<semaphore_mem>>)
      %dma_wait3A = arith.constant 0 : i32
      %dma_wait3A_83 = tpu.memref_slice %arg12[%add3A_57, %dma_wait3A] : memref<10000x64xf32, #tpu.memory_space<vmem_shared>> -> memref<104x64xf32, #tpu.memory_space<vmem_shared>>
      %dma_wait3A_84 = arith.constant 0 : i32
      %dma_wait3A_85 = tpu.memref_slice %arg12[%add3A_57, %dma_wait3A_84] : memref<10000x64xf32, #tpu.memory_space<vmem_shared>> -> memref<104x64xf32, #tpu.memory_space<vmem_shared>>
      tpu.wait_dma2 semaphore(%run_scoped3A : memref<!tpu.dma_semaphore, #tpu.memory_space<semaphore_mem>>) src(%dma_wait3A_85 : memref<104x64xf32, #tpu.memory_space<vmem_shared>>) dst(%arg11 : memref<104x64xf32, #tpu.memory_space<vmem>>)
      tpu.yield
    }) : () -> ()
    "tpu.region"() ({
      %run_scoped3A = tpu.sem_alloc : memref<!tpu.dma_semaphore, #tpu.memory_space<semaphore_mem>>
      %dma_start3A_79 = tpu.memref_slice %arg6[%add3A_57, %mul3A_49] : memref<10000x128xf32, #tpu.memory_space<hbm>> -> memref<104x64xf32, #tpu.memory_space<hbm>>
      %dma_start3A_80 = tpu.memref_slice %arg6[%add3A_57, %mul3A_49] : memref<10000x128xf32, #tpu.memory_space<hbm>> -> memref<104x64xf32, #tpu.memory_space<hbm>>
      tpu.enqueue_dma source(%arg11 : memref<104x64xf32, #tpu.memory_space<vmem>>) target(%dma_start3A_80 : memref<104x64xf32, #tpu.memory_space<hbm>>) target_semaphore(%run_scoped3A : memref<!tpu.dma_semaphore, #tpu.memory_space<semaphore_mem>>)
      %dma_wait3A = tpu.memref_slice %arg6[%add3A_57, %mul3A_49] : memref<10000x128xf32, #tpu.memory_space<hbm>> -> memref<104x64xf32, #tpu.memory_space<hbm>>
      %dma_wait3A_81 = tpu.memref_slice %arg6[%add3A_57, %mul3A_49] : memref<10000x128xf32, #tpu.memory_space<hbm>> -> memref<104x64xf32, #tpu.memory_space<hbm>>
      tpu.wait_dma2 semaphore(%run_scoped3A : memref<!tpu.dma_semaphore, #tpu.memory_space<semaphore_mem>>) src(%arg11 : memref<104x64xf32, #tpu.memory_space<vmem>>) dst(%dma_wait3A_81 : memref<104x64xf32, #tpu.memory_space<hbm>>)
      tpu.yield
    }) : () -> ()
    %mul3A_58 = arith.constant 624 : i32
    %mul3A_59 = arith.muli %arg1, %mul3A_58 : i32
    %add3A_60 = arith.constant 208 : i32
    %add3A_61 = arith.addi %mul3A_59, %add3A_60 : i32
    "tpu.region"() ({
      %run_scoped3A = tpu.sem_alloc : memref<!tpu.dma_semaphore, #tpu.memory_space<semaphore_mem>>
      %dma_start3A_79 = arith.constant 0 : i32
      %dma_start3A_80 = tpu.memref_slice %arg12[%add3A_61, %dma_start3A_79] : memref<10000x64xf32, #tpu.memory_space<vmem_shared>> -> memref<104x64xf32, #tpu.memory_space<vmem_shared>>
      %dma_start3A_81 = arith.constant 0 : i32
      %dma_start3A_82 = tpu.memref_slice %arg12[%add3A_61, %dma_start3A_81] : memref<10000x64xf32, #tpu.memory_space<vmem_shared>> -> memref<104x64xf32, #tpu.memory_space<vmem_shared>>
      tpu.enqueue_dma source(%dma_start3A_82 : memref<104x64xf32, #tpu.memory_space<vmem_shared>>) target(%arg11 : memref<104x64xf32, #tpu.memory_space<vmem>>) target_semaphore(%run_scoped3A : memref<!tpu.dma_semaphore, #tpu.memory_space<semaphore_mem>>)
      %dma_wait3A = arith.constant 0 : i32
      %dma_wait3A_83 = tpu.memref_slice %arg12[%add3A_61, %dma_wait3A] : memref<10000x64xf32, #tpu.memory_space<vmem_shared>> -> memref<104x64xf32, #tpu.memory_space<vmem_shared>>
      %dma_wait3A_84 = arith.constant 0 : i32
      %dma_wait3A_85 = tpu.memref_slice %arg12[%add3A_61, %dma_wait3A_84] : memref<10000x64xf32, #tpu.memory_space<vmem_shared>> -> memref<104x64xf32, #tpu.memory_space<vmem_shared>>
      tpu.wait_dma2 semaphore(%run_scoped3A : memref<!tpu.dma_semaphore, #tpu.memory_space<semaphore_mem>>) src(%dma_wait3A_85 : memref<104x64xf32, #tpu.memory_space<vmem_shared>>) dst(%arg11 : memref<104x64xf32, #tpu.memory_space<vmem>>)
      tpu.yield
    }) : () -> ()
    "tpu.region"() ({
      %run_scoped3A = tpu.sem_alloc : memref<!tpu.dma_semaphore, #tpu.memory_space<semaphore_mem>>
      %dma_start3A_79 = tpu.memref_slice %arg6[%add3A_61, %mul3A_49] : memref<10000x128xf32, #tpu.memory_space<hbm>> -> memref<104x64xf32, #tpu.memory_space<hbm>>
      %dma_start3A_80 = tpu.memref_slice %arg6[%add3A_61, %mul3A_49] : memref<10000x128xf32, #tpu.memory_space<hbm>> -> memref<104x64xf32, #tpu.memory_space<hbm>>
      tpu.enqueue_dma source(%arg11 : memref<104x64xf32, #tpu.memory_space<vmem>>) target(%dma_start3A_80 : memref<104x64xf32, #tpu.memory_space<hbm>>) target_semaphore(%run_scoped3A : memref<!tpu.dma_semaphore, #tpu.memory_space<semaphore_mem>>)
      %dma_wait3A = tpu.memref_slice %arg6[%add3A_61, %mul3A_49] : memref<10000x128xf32, #tpu.memory_space<hbm>> -> memref<104x64xf32, #tpu.memory_space<hbm>>
      %dma_wait3A_81 = tpu.memref_slice %arg6[%add3A_61, %mul3A_49] : memref<10000x128xf32, #tpu.memory_space<hbm>> -> memref<104x64xf32, #tpu.memory_space<hbm>>
      tpu.wait_dma2 semaphore(%run_scoped3A : memref<!tpu.dma_semaphore, #tpu.memory_space<semaphore_mem>>) src(%arg11 : memref<104x64xf32, #tpu.memory_space<vmem>>) dst(%dma_wait3A_81 : memref<104x64xf32, #tpu.memory_space<hbm>>)
      tpu.yield
    }) : () -> ()
    %mul3A_62 = arith.constant 624 : i32
    %mul3A_63 = arith.muli %arg1, %mul3A_62 : i32
    %add3A_64 = arith.constant 312 : i32
    %add3A_65 = arith.addi %mul3A_63, %add3A_64 : i32
    "tpu.region"() ({
      %run_scoped3A = tpu.sem_alloc : memref<!tpu.dma_semaphore, #tpu.memory_space<semaphore_mem>>
      %dma_start3A_79 = arith.constant 0 : i32
      %dma_start3A_80 = tpu.memref_slice %arg12[%add3A_65, %dma_start3A_79] : memref<10000x64xf32, #tpu.memory_space<vmem_shared>> -> memref<104x64xf32, #tpu.memory_space<vmem_shared>>
      %dma_start3A_81 = arith.constant 0 : i32
      %dma_start3A_82 = tpu.memref_slice %arg12[%add3A_65, %dma_start3A_81] : memref<10000x64xf32, #tpu.memory_space<vmem_shared>> -> memref<104x64xf32, #tpu.memory_space<vmem_shared>>
      tpu.enqueue_dma source(%dma_start3A_82 : memref<104x64xf32, #tpu.memory_space<vmem_shared>>) target(%arg11 : memref<104x64xf32, #tpu.memory_space<vmem>>) target_semaphore(%run_scoped3A : memref<!tpu.dma_semaphore, #tpu.memory_space<semaphore_mem>>)
      %dma_wait3A = arith.constant 0 : i32
      %dma_wait3A_83 = tpu.memref_slice %arg12[%add3A_65, %dma_wait3A] : memref<10000x64xf32, #tpu.memory_space<vmem_shared>> -> memref<104x64xf32, #tpu.memory_space<vmem_shared>>
      %dma_wait3A_84 = arith.constant 0 : i32
      %dma_wait3A_85 = tpu.memref_slice %arg12[%add3A_65, %dma_wait3A_84] : memref<10000x64xf32, #tpu.memory_space<vmem_shared>> -> memref<104x64xf32, #tpu.memory_space<vmem_shared>>
      tpu.wait_dma2 semaphore(%run_scoped3A : memref<!tpu.dma_semaphore, #tpu.memory_space<semaphore_mem>>) src(%dma_wait3A_85 : memref<104x64xf32, #tpu.memory_space<vmem_shared>>) dst(%arg11 : memref<104x64xf32, #tpu.memory_space<vmem>>)
      tpu.yield
    }) : () -> ()
    "tpu.region"() ({
      %run_scoped3A = tpu.sem_alloc : memref<!tpu.dma_semaphore, #tpu.memory_space<semaphore_mem>>
      %dma_start3A_79 = tpu.memref_slice %arg6[%add3A_65, %mul3A_49] : memref<10000x128xf32, #tpu.memory_space<hbm>> -> memref<104x64xf32, #tpu.memory_space<hbm>>
      %dma_start3A_80 = tpu.memref_slice %arg6[%add3A_65, %mul3A_49] : memref<10000x128xf32, #tpu.memory_space<hbm>> -> memref<104x64xf32, #tpu.memory_space<hbm>>
      tpu.enqueue_dma source(%arg11 : memref<104x64xf32, #tpu.memory_space<vmem>>) target(%dma_start3A_80 : memref<104x64xf32, #tpu.memory_space<hbm>>) target_semaphore(%run_scoped3A : memref<!tpu.dma_semaphore, #tpu.memory_space<semaphore_mem>>)
      %dma_wait3A = tpu.memref_slice %arg6[%add3A_65, %mul3A_49] : memref<10000x128xf32, #tpu.memory_space<hbm>> -> memref<104x64xf32, #tpu.memory_space<hbm>>
      %dma_wait3A_81 = tpu.memref_slice %arg6[%add3A_65, %mul3A_49] : memref<10000x128xf32, #tpu.memory_space<hbm>> -> memref<104x64xf32, #tpu.memory_space<hbm>>
      tpu.wait_dma2 semaphore(%run_scoped3A : memref<!tpu.dma_semaphore, #tpu.memory_space<semaphore_mem>>) src(%arg11 : memref<104x64xf32, #tpu.memory_space<vmem>>) dst(%dma_wait3A_81 : memref<104x64xf32, #tpu.memory_space<hbm>>)
      tpu.yield
    }) : () -> ()
    %mul3A_66 = arith.constant 624 : i32
    %mul3A_67 = arith.muli %arg1, %mul3A_66 : i32
    %add3A_68 = arith.constant 416 : i32
    %add3A_69 = arith.addi %mul3A_67, %add3A_68 : i32
    "tpu.region"() ({
      %run_scoped3A = tpu.sem_alloc : memref<!tpu.dma_semaphore, #tpu.memory_space<semaphore_mem>>
      %dma_start3A_79 = arith.constant 0 : i32
      %dma_start3A_80 = tpu.memref_slice %arg12[%add3A_69, %dma_start3A_79] : memref<10000x64xf32, #tpu.memory_space<vmem_shared>> -> memref<104x64xf32, #tpu.memory_space<vmem_shared>>
      %dma_start3A_81 = arith.constant 0 : i32
      %dma_start3A_82 = tpu.memref_slice %arg12[%add3A_69, %dma_start3A_81] : memref<10000x64xf32, #tpu.memory_space<vmem_shared>> -> memref<104x64xf32, #tpu.memory_space<vmem_shared>>
      tpu.enqueue_dma source(%dma_start3A_82 : memref<104x64xf32, #tpu.memory_space<vmem_shared>>) target(%arg11 : memref<104x64xf32, #tpu.memory_space<vmem>>) target_semaphore(%run_scoped3A : memref<!tpu.dma_semaphore, #tpu.memory_space<semaphore_mem>>)
      %dma_wait3A = arith.constant 0 : i32
      %dma_wait3A_83 = tpu.memref_slice %arg12[%add3A_69, %dma_wait3A] : memref<10000x64xf32, #tpu.memory_space<vmem_shared>> -> memref<104x64xf32, #tpu.memory_space<vmem_shared>>
      %dma_wait3A_84 = arith.constant 0 : i32
      %dma_wait3A_85 = tpu.memref_slice %arg12[%add3A_69, %dma_wait3A_84] : memref<10000x64xf32, #tpu.memory_space<vmem_shared>> -> memref<104x64xf32, #tpu.memory_space<vmem_shared>>
      tpu.wait_dma2 semaphore(%run_scoped3A : memref<!tpu.dma_semaphore, #tpu.memory_space<semaphore_mem>>) src(%dma_wait3A_85 : memref<104x64xf32, #tpu.memory_space<vmem_shared>>) dst(%arg11 : memref<104x64xf32, #tpu.memory_space<vmem>>)
      tpu.yield
    }) : () -> ()
    "tpu.region"() ({
      %run_scoped3A = tpu.sem_alloc : memref<!tpu.dma_semaphore, #tpu.memory_space<semaphore_mem>>
      %dma_start3A_79 = tpu.memref_slice %arg6[%add3A_69, %mul3A_49] : memref<10000x128xf32, #tpu.memory_space<hbm>> -> memref<104x64xf32, #tpu.memory_space<hbm>>
      %dma_start3A_80 = tpu.memref_slice %arg6[%add3A_69, %mul3A_49] : memref<10000x128xf32, #tpu.memory_space<hbm>> -> memref<104x64xf32, #tpu.memory_space<hbm>>
      tpu.enqueue_dma source(%arg11 : memref<104x64xf32, #tpu.memory_space<vmem>>) target(%dma_start3A_80 : memref<104x64xf32, #tpu.memory_space<hbm>>) target_semaphore(%run_scoped3A : memref<!tpu.dma_semaphore, #tpu.memory_space<semaphore_mem>>)
      %dma_wait3A = tpu.memref_slice %arg6[%add3A_69, %mul3A_49] : memref<10000x128xf32, #tpu.memory_space<hbm>> -> memref<104x64xf32, #tpu.memory_space<hbm>>
      %dma_wait3A_81 = tpu.memref_slice %arg6[%add3A_69, %mul3A_49] : memref<10000x128xf32, #tpu.memory_space<hbm>> -> memref<104x64xf32, #tpu.memory_space<hbm>>
      tpu.wait_dma2 semaphore(%run_scoped3A : memref<!tpu.dma_semaphore, #tpu.memory_space<semaphore_mem>>) src(%arg11 : memref<104x64xf32, #tpu.memory_space<vmem>>) dst(%dma_wait3A_81 : memref<104x64xf32, #tpu.memory_space<hbm>>)
      tpu.yield
    }) : () -> ()
    %mul3A_70 = arith.constant 624 : i32
    %mul3A_71 = arith.muli %arg1, %mul3A_70 : i32
    %add3A_72 = arith.constant 520 : i32
    %add3A_73 = arith.addi %mul3A_71, %add3A_72 : i32
    "tpu.region"() ({
      %run_scoped3A = tpu.sem_alloc : memref<!tpu.dma_semaphore, #tpu.memory_space<semaphore_mem>>
      %dma_start3A_79 = arith.constant 0 : i32
      %dma_start3A_80 = tpu.memref_slice %arg12[%add3A_73, %dma_start3A_79] : memref<10000x64xf32, #tpu.memory_space<vmem_shared>> -> memref<104x64xf32, #tpu.memory_space<vmem_shared>>
      %dma_start3A_81 = arith.constant 0 : i32
      %dma_start3A_82 = tpu.memref_slice %arg12[%add3A_73, %dma_start3A_81] : memref<10000x64xf32, #tpu.memory_space<vmem_shared>> -> memref<104x64xf32, #tpu.memory_space<vmem_shared>>
      tpu.enqueue_dma source(%dma_start3A_82 : memref<104x64xf32, #tpu.memory_space<vmem_shared>>) target(%arg11 : memref<104x64xf32, #tpu.memory_space<vmem>>) target_semaphore(%run_scoped3A : memref<!tpu.dma_semaphore, #tpu.memory_space<semaphore_mem>>)
      %dma_wait3A = arith.constant 0 : i32
      %dma_wait3A_83 = tpu.memref_slice %arg12[%add3A_73, %dma_wait3A] : memref<10000x64xf32, #tpu.memory_space<vmem_shared>> -> memref<104x64xf32, #tpu.memory_space<vmem_shared>>
      %dma_wait3A_84 = arith.constant 0 : i32
      %dma_wait3A_85 = tpu.memref_slice %arg12[%add3A_73, %dma_wait3A_84] : memref<10000x64xf32, #tpu.memory_space<vmem_shared>> -> memref<104x64xf32, #tpu.memory_space<vmem_shared>>
      tpu.wait_dma2 semaphore(%run_scoped3A : memref<!tpu.dma_semaphore, #tpu.memory_space<semaphore_mem>>) src(%dma_wait3A_85 : memref<104x64xf32, #tpu.memory_space<vmem_shared>>) dst(%arg11 : memref<104x64xf32, #tpu.memory_space<vmem>>)
      tpu.yield
    }) : () -> ()
    "tpu.region"() ({
      %run_scoped3A = tpu.sem_alloc : memref<!tpu.dma_semaphore, #tpu.memory_space<semaphore_mem>>
      %dma_start3A_79 = tpu.memref_slice %arg6[%add3A_73, %mul3A_49] : memref<10000x128xf32, #tpu.memory_space<hbm>> -> memref<104x64xf32, #tpu.memory_space<hbm>>
      %dma_start3A_80 = tpu.memref_slice %arg6[%add3A_73, %mul3A_49] : memref<10000x128xf32, #tpu.memory_space<hbm>> -> memref<104x64xf32, #tpu.memory_space<hbm>>
      tpu.enqueue_dma source(%arg11 : memref<104x64xf32, #tpu.memory_space<vmem>>) target(%dma_start3A_80 : memref<104x64xf32, #tpu.memory_space<hbm>>) target_semaphore(%run_scoped3A : memref<!tpu.dma_semaphore, #tpu.memory_space<semaphore_mem>>)
      %dma_wait3A = tpu.memref_slice %arg6[%add3A_73, %mul3A_49] : memref<10000x128xf32, #tpu.memory_space<hbm>> -> memref<104x64xf32, #tpu.memory_space<hbm>>
      %dma_wait3A_81 = tpu.memref_slice %arg6[%add3A_73, %mul3A_49] : memref<10000x128xf32, #tpu.memory_space<hbm>> -> memref<104x64xf32, #tpu.memory_space<hbm>>
      tpu.wait_dma2 semaphore(%run_scoped3A : memref<!tpu.dma_semaphore, #tpu.memory_space<semaphore_mem>>) src(%arg11 : memref<104x64xf32, #tpu.memory_space<vmem>>) dst(%dma_wait3A_81 : memref<104x64xf32, #tpu.memory_space<hbm>>)
      tpu.yield
    }) : () -> ()
    %eq3A_74 = arith.constant 15 : i32
    %eq3A_75 = arith.cmpi eq, %arg1, %eq3A_74 : i32
    %convert_element_type3A_76 = arith.extui %eq3A_75 : i1 to i32
    %cond3A_77 = arith.constant 0 : i32
    %cond3A_78 = arith.cmpi ne, %convert_element_type3A_76, %cond3A_77 : i32
    scf.if %cond3A_78 {
      "tpu.region"() ({
        %run_scoped3A = tpu.sem_alloc : memref<!tpu.dma_semaphore, #tpu.memory_space<semaphore_mem>>
        %dma_start3A_79 = arith.constant 0 : i32
        %dma_start3A_80 = arith.constant 0 : i32
        %dma_start3A_81 = tpu.memref_slice %arg9[%dma_start3A_79, %dma_start3A_80] : memref<320x64xf32, #tpu.memory_space<vmem>> -> memref<16x64xf32, #tpu.memory_space<vmem>>
        %dma_start3A_82 = arith.constant 9984 : i32
        %dma_start3A_83 = arith.constant 0 : i32
        %dma_start3A_84 = tpu.memref_slice %arg12[%dma_start3A_82, %dma_start3A_83] : memref<10000x64xf32, #tpu.memory_space<vmem_shared>> -> memref<16x64xf32, #tpu.memory_space<vmem_shared>>
        %dma_start3A_85 = arith.constant 0 : i32
        %dma_start3A_86 = arith.constant 0 : i32
        %dma_start3A_87 = tpu.memref_slice %arg9[%dma_start3A_85, %dma_start3A_86] : memref<320x64xf32, #tpu.memory_space<vmem>> -> memref<16x64xf32, #tpu.memory_space<vmem>>
        %dma_start3A_88 = arith.constant 9984 : i32
        %dma_start3A_89 = arith.constant 0 : i32
        %dma_start3A_90 = tpu.memref_slice %arg12[%dma_start3A_88, %dma_start3A_89] : memref<10000x64xf32, #tpu.memory_space<vmem_shared>> -> memref<16x64xf32, #tpu.memory_space<vmem_shared>>
        tpu.enqueue_dma source(%dma_start3A_90 : memref<16x64xf32, #tpu.memory_space<vmem_shared>>) target(%dma_start3A_87 : memref<16x64xf32, #tpu.memory_space<vmem>>) target_semaphore(%run_scoped3A : memref<!tpu.dma_semaphore, #tpu.memory_space<semaphore_mem>>)
        %dma_wait3A = arith.constant 0 : i32
        %dma_wait3A_91 = arith.constant 0 : i32
        %dma_wait3A_92 = tpu.memref_slice %arg9[%dma_wait3A, %dma_wait3A_91] : memref<320x64xf32, #tpu.memory_space<vmem>> -> memref<16x64xf32, #tpu.memory_space<vmem>>
        %dma_wait3A_93 = arith.constant 9984 : i32
        %dma_wait3A_94 = arith.constant 0 : i32
        %dma_wait3A_95 = tpu.memref_slice %arg12[%dma_wait3A_93, %dma_wait3A_94] : memref<10000x64xf32, #tpu.memory_space<vmem_shared>> -> memref<16x64xf32, #tpu.memory_space<vmem_shared>>
        %dma_wait3A_96 = arith.constant 0 : i32
        %dma_wait3A_97 = arith.constant 0 : i32
        %dma_wait3A_98 = tpu.memref_slice %arg9[%dma_wait3A_96, %dma_wait3A_97] : memref<320x64xf32, #tpu.memory_space<vmem>> -> memref<16x64xf32, #tpu.memory_space<vmem>>
        %dma_wait3A_99 = arith.constant 9984 : i32
        %dma_wait3A_100 = arith.constant 0 : i32
        %dma_wait3A_101 = tpu.memref_slice %arg12[%dma_wait3A_99, %dma_wait3A_100] : memref<10000x64xf32, #tpu.memory_space<vmem_shared>> -> memref<16x64xf32, #tpu.memory_space<vmem_shared>>
        tpu.wait_dma2 semaphore(%run_scoped3A : memref<!tpu.dma_semaphore, #tpu.memory_space<semaphore_mem>>) src(%dma_wait3A_101 : memref<16x64xf32, #tpu.memory_space<vmem_shared>>) dst(%dma_wait3A_98 : memref<16x64xf32, #tpu.memory_space<vmem>>)
        tpu.yield
      }) : () -> ()
      "tpu.region"() ({
        %run_scoped3A = tpu.sem_alloc : memref<!tpu.dma_semaphore, #tpu.memory_space<semaphore_mem>>
        %dma_start3A_79 = arith.constant 0 : i32
        %dma_start3A_80 = arith.constant 0 : i32
        %dma_start3A_81 = tpu.memref_slice %arg9[%dma_start3A_79, %dma_start3A_80] : memref<320x64xf32, #tpu.memory_space<vmem>> -> memref<16x64xf32, #tpu.memory_space<vmem>>
        %dma_start3A_82 = arith.constant 9984 : i32
        %dma_start3A_83 = tpu.memref_slice %arg6[%dma_start3A_82, %mul3A_49] : memref<10000x128xf32, #tpu.memory_space<hbm>> -> memref<16x64xf32, #tpu.memory_space<hbm>>
        %dma_start3A_84 = arith.constant 9984 : i32
        %dma_start3A_85 = tpu.memref_slice %arg6[%dma_start3A_84, %mul3A_49] : memref<10000x128xf32, #tpu.memory_space<hbm>> -> memref<16x64xf32, #tpu.memory_space<hbm>>
        %dma_start3A_86 = arith.constant 0 : i32
        %dma_start3A_87 = arith.constant 0 : i32
        %dma_start3A_88 = tpu.memref_slice %arg9[%dma_start3A_86, %dma_start3A_87] : memref<320x64xf32, #tpu.memory_space<vmem>> -> memref<16x64xf32, #tpu.memory_space<vmem>>
        tpu.enqueue_dma source(%dma_start3A_88 : memref<16x64xf32, #tpu.memory_space<vmem>>) target(%dma_start3A_85 : memref<16x64xf32, #tpu.memory_space<hbm>>) target_semaphore(%run_scoped3A : memref<!tpu.dma_semaphore, #tpu.memory_space<semaphore_mem>>)
        %dma_wait3A = arith.constant 0 : i32
        %dma_wait3A_89 = arith.constant 0 : i32
        %dma_wait3A_90 = tpu.memref_slice %arg9[%dma_wait3A, %dma_wait3A_89] : memref<320x64xf32, #tpu.memory_space<vmem>> -> memref<16x64xf32, #tpu.memory_space<vmem>>
        %dma_wait3A_91 = arith.constant 9984 : i32
        %dma_wait3A_92 = tpu.memref_slice %arg6[%dma_wait3A_91, %mul3A_49] : memref<10000x128xf32, #tpu.memory_space<hbm>> -> memref<16x64xf32, #tpu.memory_space<hbm>>
        %dma_wait3A_93 = arith.constant 9984 : i32
        %dma_wait3A_94 = tpu.memref_slice %arg6[%dma_wait3A_93, %mul3A_49] : memref<10000x128xf32, #tpu.memory_space<hbm>> -> memref<16x64xf32, #tpu.memory_space<hbm>>
        %dma_wait3A_95 = arith.constant 0 : i32
        %dma_wait3A_96 = arith.constant 0 : i32
        %dma_wait3A_97 = tpu.memref_slice %arg9[%dma_wait3A_95, %dma_wait3A_96] : memref<320x64xf32, #tpu.memory_space<vmem>> -> memref<16x64xf32, #tpu.memory_space<vmem>>
        tpu.wait_dma2 semaphore(%run_scoped3A : memref<!tpu.dma_semaphore, #tpu.memory_space<semaphore_mem>>) src(%dma_wait3A_97 : memref<16x64xf32, #tpu.memory_space<vmem>>) dst(%dma_wait3A_94 : memref<16x64xf32, #tpu.memory_space<hbm>>)
        tpu.yield
      }) : () -> ()
    } else {
    }
    return
  }
}

module attributes {stable_mosaic.version = 14 : i64} {
  func.func @_tc_first_body(%arg0: memref<10000x128xf32, #tpu.memory_space<vmem>>, %arg1: memref<128x128xf32, #tpu.memory_space<vmem>>, %arg2: memref<10000xf32, #tpu.memory_space<vmem>>, %arg3: memref<10000x128xf32, #tpu.memory_space<vmem>>) attributes {dimension_semantics = [], scalar_prefetch = 0 : i64, scratch_operands = 0 : i64, tpu.core_type = #tpu.core_type<tc>} {
    %get3A = arith.constant 0 : index
    %get3A_0 = vector.load %arg2[%get3A] : memref<10000xf32, #tpu.memory_space<vmem>>, vector<10000xf32>
    %max3A = arith.constant 1.000000e+00 : f32
    %max3A_1 = vector.broadcast %max3A : f32 to vector<10000xf32>
    %max3A_2 = arith.maximumf %get3A_0, %max3A_1 : vector<10000xf32>
    %rsqrt3A = math.rsqrt %max3A_2 : vector<10000xf32>
    %reshape3A = vector.shape_cast %rsqrt3A : vector<10000xf32> to vector<10000x1xf32>
    %get3A_3 = arith.constant 0 : index
    %get3A_4 = arith.constant 0 : index
    %get3A_5 = vector.load %arg0[%get3A_3, %get3A_4] : memref<10000x128xf32, #tpu.memory_space<vmem>>, vector<10000x128xf32>
    %get3A_6 = arith.constant 0 : index
    %get3A_7 = arith.constant 0 : index
    %get3A_8 = vector.load %arg1[%get3A_6, %get3A_7] : memref<128x128xf32, #tpu.memory_space<vmem>>, vector<128x128xf32>
    %dot_general3A = arith.constant dense<0.000000e+00> : vector<10000x128xf32>
    %dot_general3A_9 = tpu.matmul %get3A_5, %get3A_8, %dot_general3A {dimension_numbers = #tpu.dot_dimension_numbers<[1], [0], [0], [1], [0, 0, 1, 1], [], []>, transpose_lhs_hint = false} : vector<10000x128xf32>, vector<128x128xf32>, vector<10000x128xf32> -> vector<10000x128xf32>
    %mul3A = vector.broadcast %reshape3A : vector<10000x1xf32> to vector<10000x128xf32>
    %mul3A_10 = arith.mulf %dot_general3A_9, %mul3A : vector<10000x128xf32>
    %swap3A = arith.constant 0 : index
    %swap3A_11 = arith.constant 0 : index
    %swap3A_12 = vector.load %arg3[%swap3A, %swap3A_11] : memref<10000x128xf32, #tpu.memory_space<vmem>>, vector<10000x128xf32>
    tpu.vector_store %arg3[%swap3A, %swap3A_11], %mul3A_10 {strides = array<i32>} : memref<10000x128xf32, #tpu.memory_space<vmem>>, vector<10000x128xf32>,
    return
  }
}

module attributes {stable_mosaic.version = 14 : i64} {
  func.func @_tc_mid_body(%arg0: memref<10000x128xf32, #tpu.memory_space<vmem>>, %arg1: memref<10000xf32, #tpu.memory_space<vmem>>, %arg2: memref<10000xf32, #tpu.memory_space<vmem>>, %arg3: memref<128xf32, #tpu.memory_space<vmem>>, %arg4: memref<128xf32, #tpu.memory_space<vmem>>, %arg5: memref<128x128xf32, #tpu.memory_space<vmem>>, %arg6: memref<10000x128xf32, #tpu.memory_space<vmem>>) attributes {dimension_semantics = [], scalar_prefetch = 0 : i64, scratch_operands = 0 : i64, tpu.core_type = #tpu.core_type<tc>} {
    %get3A = arith.constant 0 : index
    %get3A_0 = vector.load %arg2[%get3A] : memref<10000xf32, #tpu.memory_space<vmem>>, vector<10000xf32>
    %max3A = arith.constant 1.000000e+00 : f32
    %max3A_1 = vector.broadcast %max3A : f32 to vector<10000xf32>
    %max3A_2 = arith.maximumf %get3A_0, %max3A_1 : vector<10000xf32>
    %rsqrt3A = math.rsqrt %max3A_2 : vector<10000xf32>
    %reshape3A = vector.shape_cast %rsqrt3A : vector<10000xf32> to vector<10000x1xf32>
    %get3A_3 = arith.constant 0 : index
    %get3A_4 = vector.load %arg1[%get3A_3] : memref<10000xf32, #tpu.memory_space<vmem>>, vector<10000xf32>
    %max3A_5 = arith.constant 1.000000e+00 : f32
    %max3A_6 = vector.broadcast %max3A_5 : f32 to vector<10000xf32>
    %max3A_7 = arith.maximumf %get3A_4, %max3A_6 : vector<10000xf32>
    %rsqrt3A_8 = math.rsqrt %max3A_7 : vector<10000xf32>
    %reshape3A_9 = vector.shape_cast %rsqrt3A_8 : vector<10000xf32> to vector<10000x1xf32>
    %get3A_10 = arith.constant 0 : index
    %get3A_11 = arith.constant 0 : index
    %get3A_12 = vector.load %arg0[%get3A_10, %get3A_11] : memref<10000x128xf32, #tpu.memory_space<vmem>>, vector<10000x128xf32>
    %mul3A = vector.broadcast %reshape3A : vector<10000x1xf32> to vector<10000x128xf32>
    %mul3A_13 = arith.mulf %get3A_12, %mul3A : vector<10000x128xf32>
    %reduce_sum3A = arith.constant dense<0.000000e+00> : vector<128xf32>
    %reduce_sum3A_14 = vector.multi_reduction <add>, %mul3A_13, %reduce_sum3A [0] : vector<10000x128xf32> to vector<128xf32>
    %broadcast_in_dim3A = vector.shape_cast %reduce_sum3A_14 : vector<128xf32> to vector<1x128xf32>
    %div3A = arith.constant 1.000000e+04 : f32
    %div3A_15 = vector.broadcast %div3A : f32 to vector<1x128xf32>
    %div3A_16 = arith.divf %broadcast_in_dim3A, %div3A_15 : vector<1x128xf32>
    %sub3A = vector.broadcast %div3A_16 : vector<1x128xf32> to vector<10000x128xf32>
    %sub3A_17 = arith.subf %mul3A_13, %sub3A : vector<10000x128xf32>
    %mul3A_18 = arith.mulf %sub3A_17, %sub3A_17 : vector<10000x128xf32>
    %reduce_sum3A_19 = arith.constant dense<0.000000e+00> : vector<128xf32>
    %reduce_sum3A_20 = vector.multi_reduction <add>, %mul3A_18, %reduce_sum3A_19 [0] : vector<10000x128xf32> to vector<128xf32>
    %broadcast_in_dim3A_21 = vector.shape_cast %reduce_sum3A_20 : vector<128xf32> to vector<1x128xf32>
    %div3A_22 = arith.constant 1.000000e+04 : f32
    %div3A_23 = vector.broadcast %div3A_22 : f32 to vector<1x128xf32>
    %div3A_24 = arith.divf %broadcast_in_dim3A_21, %div3A_23 : vector<1x128xf32>
    %add3A = arith.constant 9.99999974E-6 : f32
    %add3A_25 = vector.broadcast %add3A : f32 to vector<1x128xf32>
    %add3A_26 = arith.addf %div3A_24, %add3A_25 : vector<1x128xf32>
    %rsqrt3A_27 = math.rsqrt %add3A_26 : vector<1x128xf32>
    %mul3A_28 = vector.broadcast %rsqrt3A_27 : vector<1x128xf32> to vector<10000x128xf32>
    %mul3A_29 = arith.mulf %sub3A_17, %mul3A_28 : vector<10000x128xf32>
    %get3A_30 = arith.constant 0 : index
    %get3A_31 = vector.load %arg3[%get3A_30] : memref<128xf32, #tpu.memory_space<vmem>>, vector<128xf32>
    %broadcast_in_dim3A_32 = vector.shape_cast %get3A_31 : vector<128xf32> to vector<1x128xf32>
    %mul3A_33 = vector.broadcast %broadcast_in_dim3A_32 : vector<1x128xf32> to vector<10000x128xf32>
    %mul3A_34 = arith.mulf %mul3A_29, %mul3A_33 : vector<10000x128xf32>
    %get3A_35 = arith.constant 0 : index
    %get3A_36 = vector.load %arg4[%get3A_35] : memref<128xf32, #tpu.memory_space<vmem>>, vector<128xf32>
    %broadcast_in_dim3A_37 = vector.shape_cast %get3A_36 : vector<128xf32> to vector<1x128xf32>
    %add3A_38 = vector.broadcast %broadcast_in_dim3A_37 : vector<1x128xf32> to vector<10000x128xf32>
    %add3A_39 = arith.addf %mul3A_34, %add3A_38 : vector<10000x128xf32>
    %max3A_40 = arith.constant 0.000000e+00 : f32
    %max3A_41 = vector.broadcast %max3A_40 : f32 to vector<10000x128xf32>
    %max3A_42 = arith.maximumf %add3A_39, %max3A_41 : vector<10000x128xf32>
    %get3A_43 = arith.constant 0 : index
    %get3A_44 = arith.constant 0 : index
    %get3A_45 = vector.load %arg5[%get3A_43, %get3A_44] : memref<128x128xf32, #tpu.memory_space<vmem>>, vector<128x128xf32>
    %dot_general3A = arith.constant dense<0.000000e+00> : vector<10000x128xf32>
    %dot_general3A_46 = tpu.matmul %max3A_42, %get3A_45, %dot_general3A {dimension_numbers = #tpu.dot_dimension_numbers<[1], [0], [0], [1], [0, 0, 1, 1], [], []>, transpose_lhs_hint = false} : vector<10000x128xf32>, vector<128x128xf32>, vector<10000x128xf32> -> vector<10000x128xf32>
    %mul3A_47 = vector.broadcast %reshape3A_9 : vector<10000x1xf32> to vector<10000x128xf32>
    %mul3A_48 = arith.mulf %dot_general3A_46, %mul3A_47 : vector<10000x128xf32>
    %swap3A = arith.constant 0 : index
    %swap3A_49 = arith.constant 0 : index
    %swap3A_50 = vector.load %arg6[%swap3A, %swap3A_49] : memref<10000x128xf32, #tpu.memory_space<vmem>>, vector<10000x128xf32>
    tpu.vector_store %arg6[%swap3A, %swap3A_49], %mul3A_48 {strides = array<i32>} : memref<10000x128xf32, #tpu.memory_space<vmem>>, vector<10000x128xf32>,
    return
  }
}

module attributes {stable_mosaic.version = 14 : i64} {
  func.func @_tc_mid_body(%arg0: memref<10000x128xf32, #tpu.memory_space<vmem>>, %arg1: memref<10000xf32, #tpu.memory_space<vmem>>, %arg2: memref<10000xf32, #tpu.memory_space<vmem>>, %arg3: memref<128xf32, #tpu.memory_space<vmem>>, %arg4: memref<128xf32, #tpu.memory_space<vmem>>, %arg5: memref<128x64xf32, #tpu.memory_space<vmem>>, %arg6: memref<10000x64xf32, #tpu.memory_space<vmem>>) attributes {dimension_semantics = [], scalar_prefetch = 0 : i64, scratch_operands = 0 : i64, tpu.core_type = #tpu.core_type<tc>} {
    %get3A = arith.constant 0 : index
    %get3A_0 = vector.load %arg2[%get3A] : memref<10000xf32, #tpu.memory_space<vmem>>, vector<10000xf32>
    %max3A = arith.constant 1.000000e+00 : f32
    %max3A_1 = vector.broadcast %max3A : f32 to vector<10000xf32>
    %max3A_2 = arith.maximumf %get3A_0, %max3A_1 : vector<10000xf32>
    %rsqrt3A = math.rsqrt %max3A_2 : vector<10000xf32>
    %reshape3A = vector.shape_cast %rsqrt3A : vector<10000xf32> to vector<10000x1xf32>
    %get3A_3 = arith.constant 0 : index
    %get3A_4 = vector.load %arg1[%get3A_3] : memref<10000xf32, #tpu.memory_space<vmem>>, vector<10000xf32>
    %max3A_5 = arith.constant 1.000000e+00 : f32
    %max3A_6 = vector.broadcast %max3A_5 : f32 to vector<10000xf32>
    %max3A_7 = arith.maximumf %get3A_4, %max3A_6 : vector<10000xf32>
    %rsqrt3A_8 = math.rsqrt %max3A_7 : vector<10000xf32>
    %reshape3A_9 = vector.shape_cast %rsqrt3A_8 : vector<10000xf32> to vector<10000x1xf32>
    %get3A_10 = arith.constant 0 : index
    %get3A_11 = arith.constant 0 : index
    %get3A_12 = vector.load %arg0[%get3A_10, %get3A_11] : memref<10000x128xf32, #tpu.memory_space<vmem>>, vector<10000x128xf32>
    %mul3A = vector.broadcast %reshape3A : vector<10000x1xf32> to vector<10000x128xf32>
    %mul3A_13 = arith.mulf %get3A_12, %mul3A : vector<10000x128xf32>
    %reduce_sum3A = arith.constant dense<0.000000e+00> : vector<128xf32>
    %reduce_sum3A_14 = vector.multi_reduction <add>, %mul3A_13, %reduce_sum3A [0] : vector<10000x128xf32> to vector<128xf32>
    %broadcast_in_dim3A = vector.shape_cast %reduce_sum3A_14 : vector<128xf32> to vector<1x128xf32>
    %div3A = arith.constant 1.000000e+04 : f32
    %div3A_15 = vector.broadcast %div3A : f32 to vector<1x128xf32>
    %div3A_16 = arith.divf %broadcast_in_dim3A, %div3A_15 : vector<1x128xf32>
    %sub3A = vector.broadcast %div3A_16 : vector<1x128xf32> to vector<10000x128xf32>
    %sub3A_17 = arith.subf %mul3A_13, %sub3A : vector<10000x128xf32>
    %mul3A_18 = arith.mulf %sub3A_17, %sub3A_17 : vector<10000x128xf32>
    %reduce_sum3A_19 = arith.constant dense<0.000000e+00> : vector<128xf32>
    %reduce_sum3A_20 = vector.multi_reduction <add>, %mul3A_18, %reduce_sum3A_19 [0] : vector<10000x128xf32> to vector<128xf32>
    %broadcast_in_dim3A_21 = vector.shape_cast %reduce_sum3A_20 : vector<128xf32> to vector<1x128xf32>
    %div3A_22 = arith.constant 1.000000e+04 : f32
    %div3A_23 = vector.broadcast %div3A_22 : f32 to vector<1x128xf32>
    %div3A_24 = arith.divf %broadcast_in_dim3A_21, %div3A_23 : vector<1x128xf32>
    %add3A = arith.constant 9.99999974E-6 : f32
    %add3A_25 = vector.broadcast %add3A : f32 to vector<1x128xf32>
    %add3A_26 = arith.addf %div3A_24, %add3A_25 : vector<1x128xf32>
    %rsqrt3A_27 = math.rsqrt %add3A_26 : vector<1x128xf32>
    %mul3A_28 = vector.broadcast %rsqrt3A_27 : vector<1x128xf32> to vector<10000x128xf32>
    %mul3A_29 = arith.mulf %sub3A_17, %mul3A_28 : vector<10000x128xf32>
    %get3A_30 = arith.constant 0 : index
    %get3A_31 = vector.load %arg3[%get3A_30] : memref<128xf32, #tpu.memory_space<vmem>>, vector<128xf32>
    %broadcast_in_dim3A_32 = vector.shape_cast %get3A_31 : vector<128xf32> to vector<1x128xf32>
    %mul3A_33 = vector.broadcast %broadcast_in_dim3A_32 : vector<1x128xf32> to vector<10000x128xf32>
    %mul3A_34 = arith.mulf %mul3A_29, %mul3A_33 : vector<10000x128xf32>
    %get3A_35 = arith.constant 0 : index
    %get3A_36 = vector.load %arg4[%get3A_35] : memref<128xf32, #tpu.memory_space<vmem>>, vector<128xf32>
    %broadcast_in_dim3A_37 = vector.shape_cast %get3A_36 : vector<128xf32> to vector<1x128xf32>
    %add3A_38 = vector.broadcast %broadcast_in_dim3A_37 : vector<1x128xf32> to vector<10000x128xf32>
    %add3A_39 = arith.addf %mul3A_34, %add3A_38 : vector<10000x128xf32>
    %max3A_40 = arith.constant 0.000000e+00 : f32
    %max3A_41 = vector.broadcast %max3A_40 : f32 to vector<10000x128xf32>
    %max3A_42 = arith.maximumf %add3A_39, %max3A_41 : vector<10000x128xf32>
    %get3A_43 = arith.constant 0 : index
    %get3A_44 = arith.constant 0 : index
    %get3A_45 = vector.load %arg5[%get3A_43, %get3A_44] : memref<128x64xf32, #tpu.memory_space<vmem>>, vector<128x64xf32>
    %dot_general3A = arith.constant dense<0.000000e+00> : vector<10000x64xf32>
    %dot_general3A_46 = tpu.matmul %max3A_42, %get3A_45, %dot_general3A {dimension_numbers = #tpu.dot_dimension_numbers<[1], [0], [0], [1], [0, 0, 1, 1], [], []>, transpose_lhs_hint = false} : vector<10000x128xf32>, vector<128x64xf32>, vector<10000x64xf32> -> vector<10000x64xf32>
    %mul3A_47 = vector.broadcast %reshape3A_9 : vector<10000x1xf32> to vector<10000x64xf32>
    %mul3A_48 = arith.mulf %dot_general3A_46, %mul3A_47 : vector<10000x64xf32>
    %swap3A = arith.constant 0 : index
    %swap3A_49 = arith.constant 0 : index
    %swap3A_50 = vector.load %arg6[%swap3A, %swap3A_49] : memref<10000x64xf32, #tpu.memory_space<vmem>>, vector<10000x64xf32>
    tpu.vector_store %arg6[%swap3A, %swap3A_49], %mul3A_48 {strides = array<i32>} : memref<10000x64xf32, #tpu.memory_space<vmem>>, vector<10000x64xf32>,
    return
  }
}

module attributes {stable_mosaic.version = 14 : i64} {
  func.func @_tc_last_body(%arg0: memref<10000x64xf32, #tpu.memory_space<vmem>>, %arg1: memref<10000xf32, #tpu.memory_space<vmem>>, %arg2: memref<40xf32, #tpu.memory_space<vmem>>, %arg3: memref<10000x40xf32, #tpu.memory_space<vmem>>) attributes {dimension_semantics = [], scalar_prefetch = 0 : i64, scratch_operands = 0 : i64, tpu.core_type = #tpu.core_type<tc>} {
    %get3A = arith.constant 0 : index
    %get3A_0 = vector.load %arg1[%get3A] : memref<10000xf32, #tpu.memory_space<vmem>>, vector<10000xf32>
    %max3A = arith.constant 1.000000e+00 : f32
    %max3A_1 = vector.broadcast %max3A : f32 to vector<10000xf32>
    %max3A_2 = arith.maximumf %get3A_0, %max3A_1 : vector<10000xf32>
    %rsqrt3A = math.rsqrt %max3A_2 : vector<10000xf32>
    %reshape3A = vector.shape_cast %rsqrt3A : vector<10000xf32> to vector<10000x1xf32>
    %get3A_3 = arith.constant 0 : index
    %get3A_4 = arith.constant 0 : index
    %get3A_5 = vector.load %arg0[%get3A_3, %get3A_4] : memref<10000x64xf32, #tpu.memory_space<vmem>>, vector<10000x64xf32>
    %mul3A = vector.broadcast %reshape3A : vector<10000x1xf32> to vector<10000x64xf32>
    %mul3A_6 = arith.mulf %get3A_5, %mul3A : vector<10000x64xf32>
    %slice3A = vector.extract_strided_slice %mul3A_6 {offsets = [0, 0], sizes = [10000, 40], strides = [1, 1]} : vector<10000x64xf32> to vector<10000x40xf32>
    %get3A_7 = arith.constant 0 : index
    %get3A_8 = vector.load %arg2[%get3A_7] : memref<40xf32, #tpu.memory_space<vmem>>, vector<40xf32>
    %broadcast_in_dim3A = vector.shape_cast %get3A_8 : vector<40xf32> to vector<1x40xf32>
    %add3A = vector.broadcast %broadcast_in_dim3A : vector<1x40xf32> to vector<10000x40xf32>
    %add3A_9 = arith.addf %slice3A, %add3A : vector<10000x40xf32>
    %swap3A = arith.constant 0 : index
    %swap3A_10 = arith.constant 0 : index
    %swap3A_11 = vector.load %arg3[%swap3A, %swap3A_10] : memref<10000x40xf32, #tpu.memory_space<vmem>>, vector<10000x40xf32>
    tpu.vector_store %arg3[%swap3A, %swap3A_10], %add3A_9 {strides = array<i32>} : memref<10000x40xf32, #tpu.memory_space<vmem>>, vector<10000x40xf32>,
    return
  }
}

</mosaic_0001>

<sc_bundles>
// kernel: kernel.10.cloned.1.call-start
scs
__scs_entry_jumppad:
0x0: {  	(pc) =	sbr.rel $0x88, $3  }
0x1: {  	(tag) =	ssettag $0x0;
	lr =	simm.s32 $0x1  }
0x2: {  	[smem:$0x3F97] =	sst lr;
	_ =	strace $0xD0000000  }
0x3: {  	_ = 	snop  }
0x4: {  	_ = 	snop  }
0x5: {  	_ = 	snop  }
0x6: {  	_ = 	snop  }
0x7: {  	_ = 	snop  }
__scs_overlays_trampoline_lowered:
0x8: {  	[smem:$0x3FA6] =	sst s0  }
0x9: {  	[smem:$0x3FA7] =	sst s1  }
0xa: {  	[smem:$0x3FA8] =	sst s2  }
0xb: {  	[smem:$0x3FA9] =	sst s3  }
0xc: {  	[smem:$0x3FAA] =	sst s4  }
0xd: {  	[smem:$0x3FAB] =	sst s5  }
0xe: {  	[smem:$0x3FAC] =	sst s6  }
0xf: {  	[smem:$0x3FAD] =	sst s7  }
0x10: {  	[smem:$0x3FAE] =	sst s8  }
0x11: {  	[smem:$0x3FAF] =	sst s9;
	s0 =	simm.s32 @!p0 $0x0  }
0x12: {  	s1 =	sld [smem:$0x3F95];
	s0 =	simm.s32 @p0 $0x1  }
0x13: {  	[smem:$0x3FB0] =	sst s0;
	s0 =	simm.s32 @!p1 $0x0  }
0x14: {  	s2 =	sld [smem:$0x3F94];
	s0 =	simm.s32 @p1 $0x1  }
0x15: {  	[smem:$0x3FB1] =	sst s0;
	s0 =	simm.s32 @!p2 $0x0  }
0x16: {  	s3 =	sld [smem:$0x3FDB];
	s0 =	simm.s32 @p2 $0x1  }
0x17: {  	s4 =	simm.s32 $0x1BF5;
	[smem:$0x3FB3] =	sst s0  }
0x18: {  	s0 =	sld [smem:$0x3F96];
	_ =	swait.ge [sflag:s4], $0x0  }
0x19: {  	s7 =	sld [smem:$0x3F97]  }
0x1a: {  	s8 =	sadd.s32 $0xFFFFE003, lr  }
0x1b: {  	s9 =	sadd.s32 $0xFFFFFEF7, lr;
	s5 =	simm.s32 $0xFFFFFFFF;
	p2 =	slt.u32 s8, $0xFFFFF086  }
0x1c: {  	p1 =	slt.u32 s9, $0xF7A;
	s5 =	simm.s32 @!p2 $0x0  }
0x1d: {  	s5 =	simm.s32 @p1 $0x1;
	p0 =	seq.s32 s7, s2  }
0x1e: {  	s7 =	smul.u32 @!p0 $0xF7A, s2;
	p2 =	seq.s32 @!p0 s5, $0x0  }
0x1f: {  	s9 =	smul.u32 $0xF7A, s1;
	s8 =	simm.s32 @!p0 $0x1BF5;
	p2 =	por !p2, p0  }
0x20: {  	[sflag:s8] =	ssyncset.s32 @!p0 $0xFFFFF086;
	s6 =	sadd.s32 @!p0 s3, s7;
	s7 =	simm.s32 @!p0 $0x108  }
0x21: {  	s3 =	sadd.s32 s3, s9;
	s6 =	sadd.s32 @!p0 $0x88, s6;
	s7 =	simm.s32 @p2 $0x1082  }
0x22: {  	[simem:s7], [sflag:s8] =	dma.local @!p0 [hbm:s6], $0xF7A  }
0x23: {  	s9 =	sor.u32 $0xD0000000, s2;
	s6 =	simm.s32 $0x108;
	_ =	swait.ge @!p0 [sflag:s8], $0x0  }
0x24: {  	s3 =	sadd.s32 $0x88, s3;
	s6 =	simm.s32 @!p1 $0x1082;
	[sflag:s4] =	ssyncset.s32 $0xFFFFF086  }
0x25: {  	[simem:s6], [sflag:s4] =	dma.local [hbm:s3], $0xF7A  }
0x26: {  	[smem:$0x3F97] =	sst s1;
	(tag) =	ssettag s2;
	_ =	strace s9  }
0x27: {  	s1 =	sld [smem:$0x3FA7]  }
0x28: {  	s2 =	sld [smem:$0x3FA8]  }
0x29: {  	s4 =	sld [smem:$0x3FAA]  }
0x2a: {  	p0 =	seq.s32 s5, $0x0;
	s5 =	sld [smem:$0x3FAB]  }
0x2b: {  	s6 =	sld [smem:$0x3FAC]  }
0x2c: {  	s7 =	sld [smem:$0x3FAD]  }
0x2d: {  	s3 =	simm.s32 $0x108;
	s8 =	sld [smem:$0x3FAE]  }
0x2e: {  	s3 =	simm.s32 @!p0 $0x1082;
	s9 =	sld [smem:$0x3FAF]  }
0x2f: {  	lr =	sadd.s32 s0, s3;
	s0 =	sld [smem:$0x3FA6]  }
0x30: {  	s3 =	sld [smem:$0x3FA9]  }
0x31: {  	[smem:$0x3FB2] =	sst s10  }
0x32: {  	s10 =	sld [smem:$0x3FB0];
	_ =	sdelay $0x3  }
0x33: {  	p0 =	seq.s32 s10, $0x1;
	s10 =	sld [smem:$0x3FB2];
	_ =	sdelay $0x3  }
0x34: {  	[smem:$0x3FB2] =	sst s10  }
0x35: {  	s10 =	sld [smem:$0x3FB1];
	_ =	sdelay $0x3  }
0x36: {  	p1 =	seq.s32 s10, $0x1;
	s10 =	sld [smem:$0x3FB2];
	_ =	sdelay $0x3  }
0x37: {  	[smem:$0x3FB2] =	sst s10  }
0x38: {  	s10 =	sld [smem:$0x3FB3]  }
0x39: {  	_ = 	snop;
	(pc) =	sbr.ind lr, $3  }
0x3a: {  	_ = 	snop  }
0x3b: {  	_ = 	snop  }
0x3c: {  	p2 =	seq.s32 s10, $0x1;
	s10 =	sld [smem:$0x3FB2]  }
0x3d: {  	_ =	shalt  }
0x3e: {  	_ =	shalt  }
0x3f: {  	_ =	shalt  }
0x40: {  	_ =	shalt  }
0x41: {  	_ =	shalt  }
0x42: {  	_ =	shalt  }
0x43: {  	_ =	shalt  }
0x44: {  	_ =	shalt  }
0x45: {  	_ =	shalt  }
0x46: {  	_ =	shalt  }
0x47: {  	_ =	shalt  }
0x48: {  	_ =	shalt  }
0x49: {  	_ =	shalt  }
0x4a: {  	_ =	shalt  }
0x4b: {  	_ =	shalt  }
0x4c: {  	_ =	shalt  }
0x4d: {  	_ =	shalt  }
0x4e: {  	_ =	shalt  }
0x4f: {  	_ =	shalt  }
0x50: {  	_ =	shalt  }
0x51: {  	_ =	shalt  }
0x52: {  	_ =	shalt  }
0x53: {  	_ =	shalt  }
0x54: {  	_ =	shalt  }
0x55: {  	_ =	shalt  }
0x56: {  	_ =	shalt  }
0x57: {  	_ =	shalt  }
0x58: {  	_ =	shalt  }
0x59: {  	_ =	shalt  }
0x5a: {  	_ =	shalt  }
0x5b: {  	_ =	shalt  }
0x5c: {  	_ =	shalt  }
0x5d: {  	_ =	shalt  }
0x5e: {  	_ =	shalt  }
0x5f: {  	_ =	shalt  }
0x60: {  	_ =	shalt  }
0x61: {  	_ =	shalt  }
0x62: {  	_ =	shalt  }
0x63: {  	_ =	shalt  }
0x64: {  	_ =	shalt  }
0x65: {  	_ =	shalt  }
0x66: {  	_ =	shalt  }
0x67: {  	_ =	shalt  }
0x68: {  	_ =	shalt  }
0x69: {  	_ =	shalt  }
0x6a: {  	_ =	shalt  }
0x6b: {  	_ =	shalt  }
0x6c: {  	_ =	shalt  }
0x6d: {  	_ =	shalt  }
0x6e: {  	_ =	shalt  }
0x6f: {  	_ =	shalt  }
0x70: {  	_ =	shalt  }
0x71: {  	_ =	shalt  }
0x72: {  	_ =	shalt  }
0x73: {  	_ =	shalt  }
0x74: {  	_ =	shalt  }
0x75: {  	_ =	shalt  }
0x76: {  	_ =	shalt  }
0x77: {  	_ =	shalt  }
0x78: {  	_ =	shalt  }
0x79: {  	_ =	shalt  }
0x7a: {  	_ =	shalt  }
0x7b: {  	_ =	shalt  }
0x7c: {  	_ =	shalt  }
0x7d: {  	_ =	shalt  }
0x7e: {  	_ =	shalt  }
0x7f: {  	_ =	shalt  }
0x80: {  	_ =	shalt  }
0x81: {  	_ =	shalt  }
0x82: {  	_ =	shalt  }
0x83: {  	_ =	shalt  }
0x84: {  	_ =	shalt  }
0x85: {  	_ =	shalt  }
0x86: {  	_ =	shalt  }
0x87: {  	_ =	shalt  }
.Lfunc_end0:
.L_simem_size_0:
called_computation_lowered:
.L_overlay_start_0:
0x88: {  	s2 =	sld [smem:$0x3FD9]  }
0x89: {  	s3 =	sld [smem:$0x3FFE];
	_ =	sdelay $0x1  }
0x8a: {  	s1 =	srdreg.scid  }
0x8b: {  	s0 =	sand.u32 $0x1, s1  }
0x8c: {  	s16 =	sshll.u32 s0, $0xA;
	s2 =	sadd.s32 s3, s2  }
0x8d: {  	s2 =	sadd.s32 s2, s16  }
0x8e: {  	[smem:$0x3FBE] =	sst s2  }
0x8f: {  	_ = 	snop  }
0x90: {  	(tm) =	ssettm $0x1  }
0x91: {  	s17 =	sld [smem:$0x3FFB];
	_ =	sdelay $0x3  }
0x92: {  	_ =	strace s17  }
0x93: {  	s2 =	sld [smem:$0x3FFC];
	_ =	sdelay $0x3  }
0x94: {  	_ =	strace s2  }
0x95: {  	s2 =	sld [smem:$0x3FFD];
	_ =	sdelay $0x3  }
0x96: {  	_ =	strace s2  }
0x97: {  	_ =	strace $0x8FFFFFFF  }
0x98: {  	s18 =	sld [smem:$0x3FDB];
	_ =	sdelay $0x1  }
0x99: {  	s19 =	simm.s32 $_scs_section_size  }
0x9a: {  	s4 =	simm.s32 $_size__tile_overlayer_lowered;
	s5 =	simm.s32 $_tile_overlayer_lowered  }
0x9b: {  	s22 =	simm.s32 $0x1BFF;
	s21 =	sshll.u32 s5, $0x1;
	s2 =	sadd.s32 s19, s18  }
0x9c: {  	s6 =	simm.s32 $0x0;
	s20 =	sshll.u32 s4, $0x1;
	s4 =	sadd.s32 s21, s2  }
0x9d: {  	[timem:s6], [sflag:s22] =	dma.local [hbm:s4], s20  }
0x9e: {  	_ =	swait.ge [sflag:s22], s20  }
0x9f: {  	s3 =	ssub.s32 $0x0, s20;
	[sflag:s22] =	ssyncset.done $0x0  }
0xa0: {  	[sflag:s22] =	ssyncadd.s32 s3;
	_ =	sdelay $0x1  }
0xa1: {  	s23 =	simm.s32 $0x1B8B  }
0xa2: {  	_ =	swait.ge [sflag:s23], $0x1  }
0xa3: {  	[sflag:s23] =	ssyncset.done $0x0  }
0xa4: {  	s25 =	simm.s32 $0x1B8E;
	s24 =	sld [smem:$0x3FFE];
	[sflag:s23] =	ssyncadd.s32 $0xFFFFFFFF  }
0xa5: {  	s26 =	simm.s32 $execute0_lowered;
	[smem:$0x3FD2] =	sst s25  }
0xa6: {  	s4 =	sshll.u32 s26, $0x1;
	_ =	strace $0x80000046;
	[dreg:$0x1] =	wrdreg $0xFFFFFFFF  }
0xa7: {  	s28 =	simm.s32 $_size_execute0_lowered;
	s2 =	sadd.s32 s2, s4;
	[dreg:$0x0] =	wrdreg $0x0  }
0xa8: {  	s4 =	sshll.u32 s28, $0x1;
	[dreg:$0x2] =	wrdreg s2  }
0xa9: {  	[dreg:$0x3] =	wrdreg s4  }
0xaa: {  	[dreg:$0x4] =	wrdreg $0xC0  }
0xab: {  	_ =	task [dreg:s6], $0x5FFFF  }
0xac: {  	[dreg:$0x1] =	wrdreg $0xFFFFFFFF  }
0xad: {  	[dreg:$0x0] =	wrdreg $0x60  }
0xae: {  	[dreg:$0x2] =	wrdreg s24  }
0xaf: {  	[dreg:$0x3] =	wrdreg $0x50F00  }
0xb0: {  	[dreg:$0x4] =	wrdreg $0x9  }
0xb1: {  	_ =	task.clear_ibuf [dreg:s6], $0x5FFFF;
	_ =	strace $0x90000046  }
0xb2: {  	s29 =	simm.s32 $0x9;
	_ =	strace $0x80000048  }
0xb3: {  	_ =	swait.ge [sflag:s29], $0x1  }
0xb4: {  	[sflag:s29] =	ssyncadd.s32 $0xFFFFFFFF  }
0xb5: {  	_ =	strace $0x90000048  }
0xb6: {  	_ =	sfence  }
0xb7: {  	s30 =	sld [smem:$0x0];
	_ =	sdelay $0x2  }
0xb8: {  	s31 =	sshll.u32 s1, $0xD;
	s1 =	sshrl.u32 s1, $0x2  }
0xb9: {  	s3 =	sand.u32 $0x4000, s31;
	s1 =	sadd.s32 s1, s30  }
0xba: {  	s0 =	sor.u32 s3, s0;
	s1 =	sshll.u32 s1, $0x11  }
0xbb: {  	s0 =	sor.u32 s1, s0  }
0xbc: {  	s0 =	sadd.s32 $0x8F2B, s0  }
0xbd: {  	[sflag:s0] =	ssyncadd.remote.s32 $0x1  }
0xbe: {  	_ =	sfence.sel $0xFFFF  }
0xbf: {  	[dreg:$0x0] =	wrdreg $0xFFFFFFFF;
	(pc) =	sbr.abs _section_cstart, $3  }
0xc0: {  	[dreg:$0x1] =	wrdreg $0xFFFFFFFF  }
0xc1: {  	_ =	task.clear_ibuf [dreg:s6], $0x2FFFF;
	_ =	strace $0x9FFFFFFF  }
0xc2: {  	(tm) =	ssettm $0x7FFFFFFF  }
0xc3: {  	_ =	shalt  }
tec
execute0_lowered:
.L_overlay_start_1:
0x0: {  	(tag) =	ssettag $0x1  }
0x1: {  	s8 =	rddreg [dreg:$0x0]  }
0x2: {  	s2 =	rddreg [dreg:$0x1]  }
0x3: {  	s0 =	rddreg [dreg:$0x2];
	s4 =	srdreg.scid  }
0x4: {  	s1 =	stileid.u32;
	s3 =	simm.s32 $0x0;
	s14 =	simm.s32 $0x2  }
0x5: {  	s17 =	simm.s32 $0x4E20;
	s18 =	simm.s32 $0x1;
	s19 =	simm.s32 $0x50E0  }
0x6: {  	s20 =	simm.s32 $0x0;
	s10 =	sand.u32 $0x1, s4;
	s7 =	smul.u32 $0x270, s1  }
0x7: {  	[smem:$0x7FF] =	sst s3;
	s5 =	sadd.s32 $0x17200, s8;
	s16 =	smul.u32 $0x9C4, s1  }
0x8: {  	p1 =	sne.s32 s1, $0xF;
	p2 =	seq.s32 s1, $0xF;
	s4 =	smul.u32 $0x9C40, s10  }
0x9: {  	_ =	strace $0x80000047;
	s9 =	ssub.s32 $0x2, s10;
	p0 =	seq.s32 s10, $0x1  }
0xa: {  	s11 =	sshrl.u32 s7, $0x3;
	s13 =	sshrl.u32 s9, $0x1;
	s7 =	sadd.s32 s7, s2  }
.Ltmp0:
0xb: {  	s12 =	sadd.s32 s4, s8;
	s6 =	sadd.s32 s11, s8;
	(pc) =	sbr.rel .LBB2_1-.Ltmp0, $4  }
0xc: {  	s4 =	sadd.s32 $0x16C00, s8;
	s13 =	ssub.s32 s9, s13;
	s8 =	sadd.s32 $0x16AE0, s8  }
0xd: {  	s9 =	sadd.s32 $0x2700, s2;
	s6 =	sadd.s32 $0x16600, s6;
	s15 =	sadd.s32 $0x2C00, s12  }
0xe: {  	s10 =	sadd.s32 s4, s11;
	s11 =	sadd.s32 s5, s11;
	s12 =	smax.u32 s13, $0x1  }
0xf: {  	v0 =	vimm.f32 $1.000000000e+00;
	s13 =	simm.s32 $0x4E70;
	s15 =	sadd.s32 s16, s15;
	s16 =	simm.s32 $0x50  }
.LBB2_6:
0x10: {  	[tilespmem:s19], [sflag:$0x2] =	stream.linear.gather [spmem:s9], $0x10, $0x38;
	[tilespmem:$0x5368] =	vst v63  }
0x11: {  	_ =	swait.ge [sflag:s14], $0x10  }
0x12: {  	[sflag:s14] =	ssyncset.done $0x0  }
0x13: {  	s21 =	sadd.s32 $0x4E0, s21;
	[sflag:s14] =	ssyncadd.s32 $0xFFFFFFF0  }
0x14: {  	[hbm4b:s21+s3] =	stream.linear.scatter [tilespmem:s19], [sflag:$0x2], $0x10, $0x38;
	[tilespmem:$0x5368] =	vst v63  }
0x15: {  	_ =	swait.ge [sflag:s14], $0x10  }
0x16: {  	[sflag:s14] =	ssyncset.done $0x0  }
0x17: {  	[sflag:s14] =	ssyncadd.s32 $0xFFFFFFF0  }
.LBB2_7:
0x18: {  	s20 =	sadd.s32 $0x1, s20  }
0x19: {  	p3 =	sne.s32 s20, s12  }
.Ltmp1:
0x1a: {  	_ = 	snop;
	(pc) =	sbr.rel @!p3 .LBB2_8-.Ltmp1, $1  }
0x1b: {  	_ =	sdelay $0x3  }
.LBB2_1:
0x1c: {  	[tilespmem:s13], [sflag:$0x2] =	stream.linear.gather [hbm4b:s6+s3], $0x270, $0x38;
	[tilespmem:$0x5368] =	vst v63  }
0x1d: {  	_ =	swait.ge [sflag:s14], $0x270  }
0x1e: {  	[sflag:s14] =	ssyncset.done $0x0  }
0x1f: {  	[sflag:s14] =	ssyncadd.s32 $0xFFFFFD90  }
0x20: {  	[spmem:s7] =	stream.linear.scatter [tilespmem:s13], [sflag:$0x2], $0x270, $0x38;
	[tilespmem:$0x5368] =	vst v63  }
0x21: {  	_ =	swait.ge [sflag:s14], $0x270  }
0x22: {  	[sflag:s14] =	ssyncset.done $0x0  }
0x23: {  	s21 =	simm.s32 @!p1 $0x0;
	s22 =	simm.s32 @!p1 $0x50E0;
	[sflag:s14] =	ssyncadd.s32 $0xFFFFFD90  }
0x24: {  	[tilespmem:s22], [sflag:$0x2] =	stream.linear.gather @!p1 [hbm4b:s8+s21], $0x10, $0x38;
	[tilespmem:$0x5368] =	vst v63  }
0x25: {  	s21 =	simm.s32 @!p1 $0x2  }
0x26: {  	_ =	swait.ge @!p1 [sflag:s21], $0x10  }
0x27: {  	[sflag:s21] =	ssyncset.done @!p1 $0x0  }
0x28: {  	[sflag:s21] =	ssyncadd.s32 @!p1 $0xFFFFFFF0  }
0x29: {  	[spmem:s9] =	stream.linear.scatter @!p1 [tilespmem:s22], [sflag:$0x2], $0x10, $0x38;
	[tilespmem:$0x5368] =	vst v63  }
0x2a: {  	_ =	swait.ge @!p1 [sflag:s21], $0x10  }
0x2b: {  	[sflag:s21] =	ssyncset.done @!p1 $0x0  }
0x2c: {  	[sflag:s21] =	ssyncadd.s32 @!p1 $0xFFFFFFF0  }
0x2d: {  	[tilespmem:$0x4E20] =	vst v0  }
0x2e: {  	[tilespmem:$0x4E30] =	vst v0  }
0x2f: {  	[tilespmem:$0x4E40] =	vst v0  }
0x30: {  	[tilespmem:$0x4E50] =	vst v0  }
0x31: {  	[tilespmem:$0x4E60] =	vst v0  }
0x32: {  	[tilespmem:s3], [sflag:$0x2] =	stream.linear.gather [hbm4b:s15+s3], $0x4E20, $0x38;
	[tilespmem:$0x5368] =	vst v63  }
0x33: {  	_ =	swait.ge [sflag:s14], $0x4E20  }
0x34: {  	[sflag:s14] =	ssyncset.done $0x0  }
0x35: {  	[sflag:s14] =	ssyncadd.s32 $0xFFFFB1E0  }
0x36: {  	s31 =	simm.s32 $0x0;
	[bflag:$0x0] =	sbarrier.arrive $0xFFFF  }
0x37: {  	[spmem:s2] =	stream.indirect.scatter.add.f32 [tilespmem:s17], [sflag:$0x1], $0x1, s31, s16, $0xb8;
	[tilespmem:$0x5368] =	vst v63  }
0x38: {  	s22 =	simm.s32 $0x50  }
0x39: {  	[spmem:s2] =	stream.indirect.scatter.add.f32 [tilespmem:s17], [sflag:$0x1], $0x1, s22, s16, $0xb8;
	[tilespmem:$0x5368] =	vst v63  }
0x3a: {  	s23 =	simm.s32 $0xA0  }
0x3b: {  	[spmem:s2] =	stream.indirect.scatter.add.f32 [tilespmem:s17], [sflag:$0x1], $0x1, s23, s16, $0xb8;
	[tilespmem:$0x5368] =	vst v63  }
0x3c: {  	s24 =	simm.s32 $0xF0  }
0x3d: {  	[spmem:s2] =	stream.indirect.scatter.add.f32 [tilespmem:s17], [sflag:$0x1], $0x1, s24, s16, $0xb8;
	[tilespmem:$0x5368] =	vst v63  }
0x3e: {  	s25 =	simm.s32 $0x140  }
0x3f: {  	[spmem:s2] =	stream.indirect.scatter.add.f32 [tilespmem:s17], [sflag:$0x1], $0x1, s25, s16, $0xb8;
	[tilespmem:$0x5368] =	vst v63  }
0x40: {  	s26 =	simm.s32 $0x190  }
0x41: {  	[spmem:s2] =	stream.indirect.scatter.add.f32 [tilespmem:s17], [sflag:$0x1], $0x1, s26, s16, $0xb8;
	[tilespmem:$0x5368] =	vst v63  }
0x42: {  	s28 =	simm.s32 $0x1E0  }
0x43: {  	[spmem:s2] =	stream.indirect.scatter.add.f32 [tilespmem:s17], [sflag:$0x1], $0x1, s28, s16, $0xb8;
	[tilespmem:$0x5368] =	vst v63  }
0x44: {  	s29 =	simm.s32 $0x230  }
0x45: {  	[spmem:s2] =	stream.indirect.scatter.add.f32 [tilespmem:s17], [sflag:$0x1], $0x1, s29, s16, $0xb8;
	[tilespmem:$0x5368] =	vst v63  }
0x46: {  	s30 =	simm.s32 $0x280  }
0x47: {  	[spmem:s2] =	stream.indirect.scatter.add.f32 [tilespmem:s17], [sflag:$0x1], $0x1, s30, s16, $0xb8;
	[tilespmem:$0x5368] =	vst v63  }
0x48: {  	s31 =	simm.s32 $0x2D0  }
0x49: {  	[spmem:s2] =	stream.indirect.scatter.add.f32 [tilespmem:s17], [sflag:$0x1], $0x1, s31, s16, $0xb8;
	[tilespmem:$0x5368] =	vst v63  }
0x4a: {  	_ =	swait.ge [sflag:s18], $0x50  }
0x4b: {  	[sflag:s18] =	ssyncset.done $0x0  }
0x4c: {  	[sflag:s18] =	ssyncadd.s32 $0xFFFFFFB0  }
0x4d: {  	_ =	swait.ge [sflag:s18], $0x50  }
0x4e: {  	[sflag:s18] =	ssyncset.done $0x0  }
0x4f: {  	[sflag:s18] =	ssyncadd.s32 $0xFFFFFFB0  }
0x50: {  	_ =	swait.ge [sflag:s18], $0x50  }
0x51: {  	[sflag:s18] =	ssyncset.done $0x0  }
0x52: {  	[sflag:s18] =	ssyncadd.s32 $0xFFFFFFB0  }
0x53: {  	_ =	swait.ge [sflag:s18], $0x50  }
0x54: {  	[sflag:s18] =	ssyncset.done $0x0  }
0x55: {  	[sflag:s18] =	ssyncadd.s32 $0xFFFFFFB0  }
0x56: {  	_ =	swait.ge [sflag:s18], $0x50  }
0x57: {  	[sflag:s18] =	ssyncset.done $0x0  }
0x58: {  	[sflag:s18] =	ssyncadd.s32 $0xFFFFFFB0  }
0x59: {  	_ =	swait.ge [sflag:s18], $0x50  }
0x5a: {  	[sflag:s18] =	ssyncset.done $0x0  }
0x5b: {  	[sflag:s18] =	ssyncadd.s32 $0xFFFFFFB0  }
0x5c: {  	_ =	swait.ge [sflag:s18], $0x50  }
0x5d: {  	[sflag:s18] =	ssyncset.done $0x0  }
0x5e: {  	[sflag:s18] =	ssyncadd.s32 $0xFFFFFFB0  }
0x5f: {  	_ =	swait.ge [sflag:s18], $0x50  }
0x60: {  	[sflag:s18] =	ssyncset.done $0x0  }
0x61: {  	[sflag:s18] =	ssyncadd.s32 $0xFFFFFFB0  }
0x62: {  	_ =	swait.ge [sflag:s18], $0x50  }
0x63: {  	[sflag:s18] =	ssyncset.done $0x0  }
0x64: {  	[sflag:s18] =	ssyncadd.s32 $0xFFFFFFB0  }
0x65: {  	_ =	swait.ge [sflag:s18], $0x50  }
0x66: {  	s21 =	simm.s32 $0xC80;
	s23 =	simm.s32 $0x1900;
	[sflag:s18] =	ssyncset.done $0x0  }
.LBB2_2:
0x67: {  	s24 =	sshra.s32 s21, $0x2  }
0x68: {  	[sflag:s18] =	ssyncadd.s32 $0xFFFFFFB0;
	s21 =	smov.u32 s23;
	s22 =	sadd.s32 $0xC80, s23  }
0x69: {  	[spmem:s2] =	stream.indirect.scatter.add.f32 [tilespmem:s17], [sflag:$0x1], $0x1, s24, s16, $0xb8;
	[tilespmem:$0x5368] =	vst v63  }
0x6a: {  	p3 =	sne.s32 s23, $0x12C00;
	s23 =	sadd.s32 $0x50, s24  }
0x6b: {  	[spmem:s2] =	stream.indirect.scatter.add.f32 [tilespmem:s17], [sflag:$0x1], $0x1, s23, s16, $0xb8;
	[tilespmem:$0x5368] =	vst v63  }
0x6c: {  	s23 =	sadd.s32 $0xA0, s24  }
0x6d: {  	[spmem:s2] =	stream.indirect.scatter.add.f32 [tilespmem:s17], [sflag:$0x1], $0x1, s23, s16, $0xb8;
	[tilespmem:$0x5368] =	vst v63  }
0x6e: {  	s23 =	sadd.s32 $0xF0, s24  }
0x6f: {  	[spmem:s2] =	stream.indirect.scatter.add.f32 [tilespmem:s17], [sflag:$0x1], $0x1, s23, s16, $0xb8;
	[tilespmem:$0x5368] =	vst v63  }
0x70: {  	s23 =	sadd.s32 $0x140, s24  }
0x71: {  	[spmem:s2] =	stream.indirect.scatter.add.f32 [tilespmem:s17], [sflag:$0x1], $0x1, s23, s16, $0xb8;
	[tilespmem:$0x5368] =	vst v63  }
0x72: {  	s23 =	sadd.s32 $0x190, s24  }
0x73: {  	[spmem:s2] =	stream.indirect.scatter.add.f32 [tilespmem:s17], [sflag:$0x1], $0x1, s23, s16, $0xb8;
	[tilespmem:$0x5368] =	vst v63  }
0x74: {  	s23 =	sadd.s32 $0x1E0, s24  }
0x75: {  	[spmem:s2] =	stream.indirect.scatter.add.f32 [tilespmem:s17], [sflag:$0x1], $0x1, s23, s16, $0xb8;
	[tilespmem:$0x5368] =	vst v63  }
0x76: {  	s23 =	sadd.s32 $0x230, s24  }
0x77: {  	[spmem:s2] =	stream.indirect.scatter.add.f32 [tilespmem:s17], [sflag:$0x1], $0x1, s23, s16, $0xb8;
	[tilespmem:$0x5368] =	vst v63  }
0x78: {  	s23 =	sadd.s32 $0x280, s24  }
0x79: {  	[spmem:s2] =	stream.indirect.scatter.add.f32 [tilespmem:s17], [sflag:$0x1], $0x1, s23, s16, $0xb8;
	[tilespmem:$0x5368] =	vst v63  }
0x7a: {  	s23 =	sadd.s32 $0x2D0, s24  }
0x7b: {  	[spmem:s2] =	stream.indirect.scatter.add.f32 [tilespmem:s17], [sflag:$0x1], $0x1, s23, s16, $0xb8;
	[tilespmem:$0x5368] =	vst v63  }
0x7c: {  	_ =	swait.ge [sflag:s18], $0x50  }
0x7d: {  	[sflag:s18] =	ssyncset.done $0x0  }
0x7e: {  	[sflag:s18] =	ssyncadd.s32 $0xFFFFFFB0  }
0x7f: {  	_ =	swait.ge [sflag:s18], $0x50  }
0x80: {  	[sflag:s18] =	ssyncset.done $0x0  }
0x81: {  	[sflag:s18] =	ssyncadd.s32 $0xFFFFFFB0  }
0x82: {  	_ =	swait.ge [sflag:s18], $0x50  }
0x83: {  	[sflag:s18] =	ssyncset.done $0x0  }
0x84: {  	[sflag:s18] =	ssyncadd.s32 $0xFFFFFFB0  }
0x85: {  	_ =	swait.ge [sflag:s18], $0x50  }
0x86: {  	[sflag:s18] =	ssyncset.done $0x0  }
0x87: {  	[sflag:s18] =	ssyncadd.s32 $0xFFFFFFB0  }
0x88: {  	_ =	swait.ge [sflag:s18], $0x50  }
0x89: {  	[sflag:s18] =	ssyncset.done $0x0  }
0x8a: {  	[sflag:s18] =	ssyncadd.s32 $0xFFFFFFB0  }
0x8b: {  	_ =	swait.ge [sflag:s18], $0x50  }
0x8c: {  	[sflag:s18] =	ssyncset.done $0x0  }
0x8d: {  	[sflag:s18] =	ssyncadd.s32 $0xFFFFFFB0  }
0x8e: {  	_ =	swait.ge [sflag:s18], $0x50  }
0x8f: {  	[sflag:s18] =	ssyncset.done $0x0  }
0x90: {  	[sflag:s18] =	ssyncadd.s32 $0xFFFFFFB0  }
0x91: {  	_ =	swait.ge [sflag:s18], $0x50  }
0x92: {  	[sflag:s18] =	ssyncset.done $0x0  }
0x93: {  	[sflag:s18] =	ssyncadd.s32 $0xFFFFFFB0  }
.Ltmp2:
0x94: {  	_ =	swait.ge [sflag:s18], $0x50;
	(pc) =	sbr.rel @p3 .LBB2_2-.Ltmp2, $4  }
0x95: {  	[sflag:s18] =	ssyncset.done $0x0  }
0x96: {  	[sflag:s18] =	ssyncadd.s32 $0xFFFFFFB0  }
0x97: {  	_ =	swait.ge [sflag:s18], $0x50  }
0x98: {  	s23 =	smov.u32 s22;
	[sflag:s18] =	ssyncset.done $0x0  }
0x99: {  	s21 =	sshra.s32 s21, $0x2;
	[sflag:s18] =	ssyncadd.s32 $0xFFFFFFB0  }
0x9a: {  	[spmem:s2] =	stream.indirect.scatter.add.f32 [tilespmem:s17], [sflag:$0x1], $0x1, s21, s16, $0xb8;
	[tilespmem:$0x5368] =	vst v63  }
0x9b: {  	s22 =	sadd.s32 $0x50, s21  }
0x9c: {  	[spmem:s2] =	stream.indirect.scatter.add.f32 [tilespmem:s17], [sflag:$0x1], $0x1, s22, s16, $0xb8;
	[tilespmem:$0x5368] =	vst v63  }
0x9d: {  	s24 =	sadd.s32 $0xA0, s21  }
0x9e: {  	[spmem:s2] =	stream.indirect.scatter.add.f32 [tilespmem:s17], [sflag:$0x1], $0x1, s24, s16, $0xb8;
	[tilespmem:$0x5368] =	vst v63  }
0x9f: {  	s25 =	sadd.s32 $0xF0, s21  }
0xa0: {  	[spmem:s2] =	stream.indirect.scatter.add.f32 [tilespmem:s17], [sflag:$0x1], $0x1, s25, s16, $0xb8;
	[tilespmem:$0x5368] =	vst v63  }
0xa1: {  	s26 =	sadd.s32 $0x140, s21  }
0xa2: {  	[spmem:s2] =	stream.indirect.scatter.add.f32 [tilespmem:s17], [sflag:$0x1], $0x1, s26, s16, $0xb8;
	[tilespmem:$0x5368] =	vst v63  }
0xa3: {  	s28 =	sadd.s32 $0x190, s21  }
0xa4: {  	[spmem:s2] =	stream.indirect.scatter.add.f32 [tilespmem:s17], [sflag:$0x1], $0x1, s28, s16, $0xb8;
	[tilespmem:$0x5368] =	vst v63  }
0xa5: {  	s29 =	sadd.s32 $0x1E0, s21  }
0xa6: {  	[spmem:s2] =	stream.indirect.scatter.add.f32 [tilespmem:s17], [sflag:$0x1], $0x1, s29, s16, $0xb8;
	[tilespmem:$0x5368] =	vst v63  }
0xa7: {  	s30 =	sadd.s32 $0x230, s21  }
0xa8: {  	[spmem:s2] =	stream.indirect.scatter.add.f32 [tilespmem:s17], [sflag:$0x1], $0x1, s30, s16, $0xb8;
	[tilespmem:$0x5368] =	vst v63  }
0xa9: {  	s31 =	sadd.s32 $0x280, s21  }
0xaa: {  	[spmem:s2] =	stream.indirect.scatter.add.f32 [tilespmem:s17], [sflag:$0x1], $0x1, s31, s16, $0xb8;
	[tilespmem:$0x5368] =	vst v63  }
0xab: {  	s21 =	sadd.s32 $0x2D0, s21  }
0xac: {  	[spmem:s2] =	stream.indirect.scatter.add.f32 [tilespmem:s17], [sflag:$0x1], $0x1, s21, s16, $0xb8;
	[tilespmem:$0x5368] =	vst v63  }
0xad: {  	_ =	swait.ge [sflag:s18], $0x50  }
0xae: {  	[sflag:s18] =	ssyncset.done $0x0  }
0xaf: {  	[sflag:s18] =	ssyncadd.s32 $0xFFFFFFB0  }
0xb0: {  	_ =	swait.ge [sflag:s18], $0x50  }
0xb1: {  	[sflag:s18] =	ssyncset.done $0x0  }
0xb2: {  	[sflag:s18] =	ssyncadd.s32 $0xFFFFFFB0  }
0xb3: {  	_ =	swait.ge [sflag:s18], $0x50  }
0xb4: {  	[sflag:s18] =	ssyncset.done $0x0  }
0xb5: {  	[sflag:s18] =	ssyncadd.s32 $0xFFFFFFB0  }
0xb6: {  	_ =	swait.ge [sflag:s18], $0x50  }
0xb7: {  	[sflag:s18] =	ssyncset.done $0x0  }
0xb8: {  	[sflag:s18] =	ssyncadd.s32 $0xFFFFFFB0  }
0xb9: {  	_ =	swait.ge [sflag:s18], $0x50  }
0xba: {  	[sflag:s18] =	ssyncset.done $0x0  }
0xbb: {  	[sflag:s18] =	ssyncadd.s32 $0xFFFFFFB0  }
0xbc: {  	_ =	swait.ge [sflag:s18], $0x50  }
0xbd: {  	[sflag:s18] =	ssyncset.done $0x0  }
0xbe: {  	[sflag:s18] =	ssyncadd.s32 $0xFFFFFFB0  }
0xbf: {  	_ =	swait.ge [sflag:s18], $0x50  }
0xc0: {  	[sflag:s18] =	ssyncset.done $0x0  }
0xc1: {  	[sflag:s18] =	ssyncadd.s32 $0xFFFFFFB0  }
0xc2: {  	_ =	swait.ge [sflag:s18], $0x50  }
0xc3: {  	[sflag:s18] =	ssyncset.done $0x0  }
0xc4: {  	[sflag:s18] =	ssyncadd.s32 $0xFFFFFFB0  }
0xc5: {  	_ =	swait.ge [sflag:s18], $0x50  }
0xc6: {  	[sflag:s18] =	ssyncset.done $0x0  }
0xc7: {  	[sflag:s18] =	ssyncadd.s32 $0xFFFFFFB0  }
0xc8: {  	_ =	swait.ge [sflag:s18], $0x50  }
0xc9: {  	[sflag:s18] =	ssyncset.done $0x0  }
0xca: {  	[sflag:s18] =	ssyncadd.s32 $0xFFFFFFB0  }
.Ltmp3:
0xcb: {  	[bflag:$0x0] =	sbarrier.arrive $0xFFFF;
	(pc) =	sbr.rel @!p0 .LBB2_4-.Ltmp3, $4  }
0xcc: {  	[tilespmem:s13], [sflag:$0x2] =	stream.linear.gather [spmem:s7], $0x270, $0x38;
	[tilespmem:$0x5368] =	vst v63  }
0xcd: {  	_ =	swait.ge [sflag:s14], $0x270  }
0xce: {  	[sflag:s14] =	ssyncset.done $0x0  }
0xcf: {  	[sflag:s14] =	ssyncadd.s32 $0xFFFFFD90  }
0xd0: {  	[hbm4b:s11+s3] =	stream.linear.scatter [tilespmem:s13], [sflag:$0x2], $0x270, $0x38;
	[tilespmem:$0x5368] =	vst v63  }
.Ltmp4:
0xd1: {  	_ = 	snop;
	(pc) =	sbr.rel @p1 .LBB2_7-.Ltmp4, $4  }
.Ltmp5:
0xd2: {  	_ = 	snop;
	(pc) =	sbr.rel @!p1 .LBB2_6-.Ltmp5, $4  }
0xd3: {  	_ =	swait.ge [sflag:s14], $0x270  }
0xd4: {  	[sflag:s14] =	ssyncset.done $0x0  }
0xd5: {  	s21 =	smov.u32 s5;
	[sflag:s14] =	ssyncadd.s32 $0xFFFFFD90  }
0xd6: {  	_ = 	snop  }
.LBB2_4:
0xd7: {  	[hbm4b:s10+s3] =	stream.linear.scatter [tilespmem:s13], [sflag:$0x2], $0x270, $0x38;
	[tilespmem:$0x5368] =	vst v63  }
.Ltmp6:
0xd8: {  	_ = 	snop;
	(pc) =	sbr.rel @p2 .LBB2_6-.Ltmp6, $4  }
.Ltmp7:
0xd9: {  	_ = 	snop;
	(pc) =	sbr.rel @!p2 .LBB2_7-.Ltmp7, $4  }
0xda: {  	_ =	swait.ge [sflag:s14], $0x270  }
0xdb: {  	[sflag:s14] =	ssyncset.done $0x0  }
0xdc: {  	s21 =	smov.u32 s4;
	[sflag:s14] =	ssyncadd.s32 $0xFFFFFD90  }
0xdd: {  	_ = 	snop  }
.LBB2_8:
0xde: {  	_ =	sfence.sel $0x180000  }
0xdf: {  	[bflag:$0x0] =	sbarrier.arrive $0xFFFF  }
0xe0: {  	p0 =	sne.s32 s1, $0x0;
	_ =	strace $0x90000047  }
0xe1: {  	s0 =	sadd.s32 @!p0 $0x100000, s0;
	[bflag:$0x2] =	sbarrier.arrive $0xFFFF  }
0xe2: {  	[sflag:s0] =	ssyncadd.tile.s32 @!p0 $0x1;
	_ =	shalt  }
.Lfunc_end2:
_tile_overlayer_lowered:
.L_overlay_start_2:
0xe3: {  	(tag) =	ssettag $0x2  }
0xe4: {  	s0 =	rddreg [dreg:$0x0];
	s2 =	stileid.u32  }
0xe5: {  	s1 =	rddreg [dreg:$0x1];
	p0 =	sne.s32 s2, $0x0  }
0xe6: {  	s3 =	rddreg [dreg:$0x2];
	[bflag:$0x3] =	sbarrier.arrive $0xFFFF;
	s2 =	simm.s32 @!p0 $0x1C02  }
0xe7: {  	[timem:s3], [sflag:s2] =	dma.local @!p0 [hbm:s0], s1  }
0xe8: {  	s0 =	simm.s32 @!p0 $0x2  }
0xe9: {  	_ =	swait.ge @!p0 [sflag:s0], s1  }
0xea: {  	s1 =	ssub.s32 @!p0 $0x0, s1;
	[sflag:s0] =	ssyncset.done @!p0 $0x0  }
0xeb: {  	[sflag:s0] =	ssyncadd.s32 @!p0 s1  }
0xec: {  	[bflag:$0x3] =	sbarrier.arrive $0xFFFF  }
0xed: {  	_ =	shalt  }

// kernel: kernel.13.cloned.1.call-start
scs
__scs_entry_jumppad:
0x0: {  	(pc) =	sbr.rel $0x88, $3  }
0x1: {  	(tag) =	ssettag $0x0;
	lr =	simm.s32 $0x1  }
0x2: {  	[smem:$0x3F97] =	sst lr;
	_ =	strace $0xD0000000  }
0x3: {  	_ = 	snop  }
0x4: {  	_ = 	snop  }
0x5: {  	_ = 	snop  }
0x6: {  	_ = 	snop  }
0x7: {  	_ = 	snop  }
__scs_overlays_trampoline_lowered:
0x8: {  	[smem:$0x3FA6] =	sst s0  }
0x9: {  	[smem:$0x3FA7] =	sst s1  }
0xa: {  	[smem:$0x3FA8] =	sst s2  }
0xb: {  	[smem:$0x3FA9] =	sst s3  }
0xc: {  	[smem:$0x3FAA] =	sst s4  }
0xd: {  	[smem:$0x3FAB] =	sst s5  }
0xe: {  	[smem:$0x3FAC] =	sst s6  }
0xf: {  	[smem:$0x3FAD] =	sst s7  }
0x10: {  	[smem:$0x3FAE] =	sst s8  }
0x11: {  	[smem:$0x3FAF] =	sst s9;
	s0 =	simm.s32 @!p0 $0x0  }
0x12: {  	s1 =	sld [smem:$0x3F95];
	s0 =	simm.s32 @p0 $0x1  }
0x13: {  	[smem:$0x3FB0] =	sst s0;
	s0 =	simm.s32 @!p1 $0x0  }
0x14: {  	s2 =	sld [smem:$0x3F94];
	s0 =	simm.s32 @p1 $0x1  }
0x15: {  	[smem:$0x3FB1] =	sst s0;
	s0 =	simm.s32 @!p2 $0x0  }
0x16: {  	s3 =	sld [smem:$0x3FDB];
	s0 =	simm.s32 @p2 $0x1  }
0x17: {  	s4 =	simm.s32 $0x1BF5;
	[smem:$0x3FB3] =	sst s0  }
0x18: {  	s0 =	sld [smem:$0x3F96];
	_ =	swait.ge [sflag:s4], $0x0  }
0x19: {  	s7 =	sld [smem:$0x3F97]  }
0x1a: {  	s8 =	sadd.s32 $0xFFFFE003, lr  }
0x1b: {  	s9 =	sadd.s32 $0xFFFFFEF7, lr;
	s5 =	simm.s32 $0xFFFFFFFF;
	p2 =	slt.u32 s8, $0xFFFFF086  }
0x1c: {  	p1 =	slt.u32 s9, $0xF7A;
	s5 =	simm.s32 @!p2 $0x0  }
0x1d: {  	s5 =	simm.s32 @p1 $0x1;
	p0 =	seq.s32 s7, s2  }
0x1e: {  	s7 =	smul.u32 @!p0 $0xF7A, s2;
	p2 =	seq.s32 @!p0 s5, $0x0  }
0x1f: {  	s9 =	smul.u32 $0xF7A, s1;
	s8 =	simm.s32 @!p0 $0x1BF5;
	p2 =	por !p2, p0  }
0x20: {  	[sflag:s8] =	ssyncset.s32 @!p0 $0xFFFFF086;
	s6 =	sadd.s32 @!p0 s3, s7;
	s7 =	simm.s32 @!p0 $0x108  }
0x21: {  	s3 =	sadd.s32 s3, s9;
	s6 =	sadd.s32 @!p0 $0x88, s6;
	s7 =	simm.s32 @p2 $0x1082  }
0x22: {  	[simem:s7], [sflag:s8] =	dma.local @!p0 [hbm:s6], $0xF7A  }
0x23: {  	s9 =	sor.u32 $0xD0000000, s2;
	s6 =	simm.s32 $0x108;
	_ =	swait.ge @!p0 [sflag:s8], $0x0  }
0x24: {  	s3 =	sadd.s32 $0x88, s3;
	s6 =	simm.s32 @!p1 $0x1082;
	[sflag:s4] =	ssyncset.s32 $0xFFFFF086  }
0x25: {  	[simem:s6], [sflag:s4] =	dma.local [hbm:s3], $0xF7A  }
0x26: {  	[smem:$0x3F97] =	sst s1;
	(tag) =	ssettag s2;
	_ =	strace s9  }
0x27: {  	s1 =	sld [smem:$0x3FA7]  }
0x28: {  	s2 =	sld [smem:$0x3FA8]  }
0x29: {  	s4 =	sld [smem:$0x3FAA]  }
0x2a: {  	p0 =	seq.s32 s5, $0x0;
	s5 =	sld [smem:$0x3FAB]  }
0x2b: {  	s6 =	sld [smem:$0x3FAC]  }
0x2c: {  	s7 =	sld [smem:$0x3FAD]  }
0x2d: {  	s3 =	simm.s32 $0x108;
	s8 =	sld [smem:$0x3FAE]  }
0x2e: {  	s3 =	simm.s32 @!p0 $0x1082;
	s9 =	sld [smem:$0x3FAF]  }
0x2f: {  	lr =	sadd.s32 s0, s3;
	s0 =	sld [smem:$0x3FA6]  }
0x30: {  	s3 =	sld [smem:$0x3FA9]  }
0x31: {  	[smem:$0x3FB2] =	sst s10  }
0x32: {  	s10 =	sld [smem:$0x3FB0];
	_ =	sdelay $0x3  }
0x33: {  	p0 =	seq.s32 s10, $0x1;
	s10 =	sld [smem:$0x3FB2];
	_ =	sdelay $0x3  }
0x34: {  	[smem:$0x3FB2] =	sst s10  }
0x35: {  	s10 =	sld [smem:$0x3FB1];
	_ =	sdelay $0x3  }
0x36: {  	p1 =	seq.s32 s10, $0x1;
	s10 =	sld [smem:$0x3FB2];
	_ =	sdelay $0x3  }
0x37: {  	[smem:$0x3FB2] =	sst s10  }
0x38: {  	s10 =	sld [smem:$0x3FB3]  }
0x39: {  	_ = 	snop;
	(pc) =	sbr.ind lr, $3  }
0x3a: {  	_ = 	snop  }
0x3b: {  	_ = 	snop  }
0x3c: {  	p2 =	seq.s32 s10, $0x1;
	s10 =	sld [smem:$0x3FB2]  }
0x3d: {  	_ =	shalt  }
0x3e: {  	_ =	shalt  }
0x3f: {  	_ =	shalt  }
0x40: {  	_ =	shalt  }
0x41: {  	_ =	shalt  }
0x42: {  	_ =	shalt  }
0x43: {  	_ =	shalt  }
0x44: {  	_ =	shalt  }
0x45: {  	_ =	shalt  }
0x46: {  	_ =	shalt  }
0x47: {  	_ =	shalt  }
0x48: {  	_ =	shalt  }
0x49: {  	_ =	shalt  }
0x4a: {  	_ =	shalt  }
0x4b: {  	_ =	shalt  }
0x4c: {  	_ =	shalt  }
0x4d: {  	_ =	shalt  }
0x4e: {  	_ =	shalt  }
0x4f: {  	_ =	shalt  }
0x50: {  	_ =	shalt  }
0x51: {  	_ =	shalt  }
0x52: {  	_ =	shalt  }
0x53: {  	_ =	shalt  }
0x54: {  	_ =	shalt  }
0x55: {  	_ =	shalt  }
0x56: {  	_ =	shalt  }
0x57: {  	_ =	shalt  }
0x58: {  	_ =	shalt  }
0x59: {  	_ =	shalt  }
0x5a: {  	_ =	shalt  }
0x5b: {  	_ =	shalt  }
0x5c: {  	_ =	shalt  }
0x5d: {  	_ =	shalt  }
0x5e: {  	_ =	shalt  }
0x5f: {  	_ =	shalt  }
0x60: {  	_ =	shalt  }
0x61: {  	_ =	shalt  }
0x62: {  	_ =	shalt  }
0x63: {  	_ =	shalt  }
0x64: {  	_ =	shalt  }
0x65: {  	_ =	shalt  }
0x66: {  	_ =	shalt  }
0x67: {  	_ =	shalt  }
0x68: {  	_ =	shalt  }
0x69: {  	_ =	shalt  }
0x6a: {  	_ =	shalt  }
0x6b: {  	_ =	shalt  }
0x6c: {  	_ =	shalt  }
0x6d: {  	_ =	shalt  }
0x6e: {  	_ =	shalt  }
0x6f: {  	_ =	shalt  }
0x70: {  	_ =	shalt  }
0x71: {  	_ =	shalt  }
0x72: {  	_ =	shalt  }
0x73: {  	_ =	shalt  }
0x74: {  	_ =	shalt  }
0x75: {  	_ =	shalt  }
0x76: {  	_ =	shalt  }
0x77: {  	_ =	shalt  }
0x78: {  	_ =	shalt  }
0x79: {  	_ =	shalt  }
0x7a: {  	_ =	shalt  }
0x7b: {  	_ =	shalt  }
0x7c: {  	_ =	shalt  }
0x7d: {  	_ =	shalt  }
0x7e: {  	_ =	shalt  }
0x7f: {  	_ =	shalt  }
0x80: {  	_ =	shalt  }
0x81: {  	_ =	shalt  }
0x82: {  	_ =	shalt  }
0x83: {  	_ =	shalt  }
0x84: {  	_ =	shalt  }
0x85: {  	_ =	shalt  }
0x86: {  	_ =	shalt  }
0x87: {  	_ =	shalt  }
.Lfunc_end0:
.L_simem_size_0:
called_computation.1_lowered:
.L_overlay_start_0:
0x88: {  	s2 =	sld [smem:$0x3FD9]  }
0x89: {  	s3 =	sld [smem:$0x3FFE];
	_ =	sdelay $0x1  }
0x8a: {  	s1 =	srdreg.scid  }
0x8b: {  	s0 =	sand.u32 $0x1, s1  }
0x8c: {  	s17 =	sshll.u32 s0, $0xA;
	s2 =	sadd.s32 s3, s2  }
0x8d: {  	s2 =	sadd.s32 s2, s17  }
0x8e: {  	[smem:$0x3FBE] =	sst s2  }
0x8f: {  	_ = 	snop  }
0x90: {  	s2 =	sld [smem:$0x3FD0];
	(tm) =	ssettm $0x1  }
0x91: {  	s18 =	sld [smem:$0x3FFB];
	_ =	sdelay $0x3  }
0x92: {  	_ =	strace s18  }
0x93: {  	s3 =	sld [smem:$0x3FFC];
	_ =	sdelay $0x3  }
0x94: {  	_ =	strace s3  }
0x95: {  	s3 =	sld [smem:$0x3FFD];
	_ =	sdelay $0x3  }
0x96: {  	_ =	strace s3  }
0x97: {  	_ =	strace $0x8FFFFFFF  }
0x98: {  	s19 =	sld [smem:$0x3FDB];
	_ =	sdelay $0x1  }
0x99: {  	s4 =	simm.s32 $_scs_section_size  }
0x9a: {  	s5 =	simm.s32 $_size__tile_overlayer_lowered;
	s6 =	simm.s32 $_tile_overlayer_lowered  }
0x9b: {  	s22 =	simm.s32 $0x1BFF;
	s21 =	sshll.u32 s6, $0x1;
	s3 =	sadd.s32 s4, s19  }
0x9c: {  	s7 =	simm.s32 $0x0;
	s20 =	sshll.u32 s5, $0x1;
	s5 =	sadd.s32 s21, s3  }
0x9d: {  	[timem:s7], [sflag:s22] =	dma.local [hbm:s5], s20  }
0x9e: {  	_ =	swait.ge [sflag:s22], s20  }
0x9f: {  	s4 =	ssub.s32 $0x0, s20;
	[sflag:s22] =	ssyncset.done $0x0  }
0xa0: {  	[sflag:s22] =	ssyncadd.s32 s4;
	_ =	sdelay $0x1  }
0xa1: {  	s23 =	simm.s32 $0x1B8B  }
0xa2: {  	_ =	swait.ge [sflag:s23], $0x1  }
0xa3: {  	[sflag:s23] =	ssyncset.done $0x0  }
0xa4: {  	s25 =	simm.s32 $0x1B8E;
	s24 =	sld [smem:$0x3FFE];
	[sflag:s23] =	ssyncadd.s32 $0xFFFFFFFF  }
0xa5: {  	s26 =	simm.s32 $execute0_lowered;
	[smem:$0x3FD2] =	sst s25  }
0xa6: {  	s5 =	sshll.u32 s26, $0x1;
	_ =	strace $0x80000049;
	[dreg:$0x1] =	wrdreg $0xFFFFFFFF  }
0xa7: {  	s28 =	simm.s32 $_size_execute0_lowered;
	s3 =	sadd.s32 s3, s5;
	[dreg:$0x0] =	wrdreg $0x0  }
0xa8: {  	s5 =	sshll.u32 s28, $0x1;
	[dreg:$0x2] =	wrdreg s3  }
0xa9: {  	[dreg:$0x3] =	wrdreg s5  }
0xaa: {  	[dreg:$0x4] =	wrdreg $0xC0  }
0xab: {  	_ =	task [dreg:s7], $0x5FFFF  }
0xac: {  	[dreg:$0x1] =	wrdreg $0xFFFFFFFF  }
0xad: {  	[dreg:$0x0] =	wrdreg $0x60  }
0xae: {  	[dreg:$0x2] =	wrdreg s24  }
0xaf: {  	[dreg:$0x3] =	wrdreg s2  }
0xb0: {  	[dreg:$0x4] =	wrdreg $0x157800  }
0xb1: {  	[dreg:$0x5] =	wrdreg $0x9  }
0xb2: {  	_ =	task.clear_ibuf [dreg:s7], $0x6FFFF;
	_ =	strace $0x90000049  }
0xb3: {  	s29 =	simm.s32 $0x9;
	_ =	strace $0x8000004B  }
0xb4: {  	_ =	swait.ge [sflag:s29], $0x1  }
0xb5: {  	[sflag:s29] =	ssyncadd.s32 $0xFFFFFFFF  }
0xb6: {  	_ =	strace $0x9000004B  }
0xb7: {  	_ =	sfence  }
0xb8: {  	s30 =	sld [smem:$0x0];
	_ =	sdelay $0x2  }
0xb9: {  	s31 =	sshll.u32 s1, $0xD;
	s1 =	sshrl.u32 s1, $0x2  }
0xba: {  	s3 =	sand.u32 $0x4000, s31;
	s1 =	sadd.s32 s1, s30  }
0xbb: {  	s0 =	sor.u32 s3, s0;
	s1 =	sshll.u32 s1, $0x11  }
0xbc: {  	s0 =	sor.u32 s1, s0  }
0xbd: {  	s0 =	sadd.s32 $0x8F2B, s0  }
0xbe: {  	[sflag:s0] =	ssyncadd.remote.s32 $0x1  }
0xbf: {  	_ =	sfence.sel $0xFFFF  }
0xc0: {  	[dreg:$0x0] =	wrdreg $0xFFFFFFFF;
	(pc) =	sbr.abs _section_cstart, $3  }
0xc1: {  	[dreg:$0x1] =	wrdreg $0xFFFFFFFF  }
0xc2: {  	_ =	task.clear_ibuf [dreg:s7], $0x2FFFF;
	_ =	strace $0x9FFFFFFF  }
0xc3: {  	(tm) =	ssettm $0x7FFFFFFF  }
tec
execute0_lowered:
.L_overlay_start_1:
0x0: {  	(tag) =	ssettag $0x1  }
0x1: {  	s5 =	rddreg [dreg:$0x0]  }
0x2: {  	s0 =	rddreg [dreg:$0x1]  }
0x3: {  	s1 =	rddreg [dreg:$0x2];
	s3 =	srdreg.scid;
	s2 =	simm.s32 $0x0  }
0x4: {  	s28 =	simm.s32 $0x13D80;
	s3 =	sand.u32 $0x1, s3;
	[smem:$0x7FF] =	sst s2  }
0x5: {  	s29 =	simm.s32 $0x3;
	s2 =	stileid.u32;
	s6 =	smul.u32 $0x9C40, s3  }
0x6: {  	s31 =	simm.s32 $0x140;
	s4 =	sadd.s32 $0x2B200, s5;
	s22 =	smul.u32 $0x27000, s2  }
0x7: {  	s7 =	sadd.s32 $0x2C00, s5;
	_ =	strace $0x8000004A;
	s10 =	smul.u32 $0x270, s2  }
0x8: {  	[dreg:$0x4] =	wrdreg s7;
	s23 =	ssub.s32 $0x2, s3;
	s19 =	smul.u32 $0x3E, s2  }
0x9: {  	s20 =	smin.u32 s2, $0x8;
	s30 =	smul.u32 $0x13800, s2;
	p0 =	slt.u32 s2, $0x8  }
0xa: {  	p1 =	sgt.u32 s2, $0x7;
	s8 =	sshrl.u32 s23, $0x1;
	s13 =	sadd.s32 s6, s5  }
0xb: {  	s5 =	sadd.s32 $0x52400, s5;
	s6 =	sshrl.u32 s22, $0x2;
	s14 =	ssub.s32 s23, s8  }
0xc: {  	s12 =	sadd.s32 $0x68, s10;
	s15 =	sadd.s32 $0xD0, s10;
	s16 =	sadd.s32 $0x138, s10  }
0xd: {  	s17 =	sadd.s32 $0x1A0, s10;
	s18 =	sadd.s32 $0x208, s10;
	s19 =	sadd.s32 s20, s19  }
0xe: {  	s22 =	sshll.u32 s3, $0x6;
	s3 =	sshll.u32 s3, $0x3;
	s6 =	sadd.s32 s6, s1  }
0xf: {  	s24 =	sshll.u32 s12, $0x6;
	s25 =	sshll.u32 s15, $0x6;
	s9 =	sshll.u32 s16, $0x6  }
0x10: {  	s11 =	sshll.u32 s17, $0x6;
	s26 =	sshll.u32 s18, $0x6;
	s21 =	smul.u32 $0x140, s19  }
0x11: {  	s20 =	sor.u32 s22, s30;
	s12 =	sshll.u32 s12, $0x7;
	s15 =	sshll.u32 s15, $0x7  }
0x12: {  	s16 =	sshll.u32 s16, $0x7;
	s17 =	sshll.u32 s17, $0x7;
	s18 =	sshll.u32 s18, $0x7  }
0x13: {  	s13 =	sadd.s32 $0x17800, s13;
	s3 =	sadd.s32 s3, s5;
	s7 =	sadd.s32 s24, s1  }
0x14: {  	s8 =	sadd.s32 s25, s1;
	s9 =	sadd.s32 s9, s1;
	s10 =	sadd.s32 s11, s1  }
0x15: {  	s11 =	sadd.s32 s26, s1;
	s23 =	sor.u32 s22, s12;
	s15 =	sor.u32 s22, s15  }
0x16: {  	s16 =	sor.u32 s22, s16;
	s24 =	sor.u32 s22, s17;
	s17 =	sor.u32 s22, s18  }
0x17: {  	s12 =	simm.s32 $0x3F;
	s25 =	smul.u32 $0x28, s19;
	s26 =	sshrl.u32 s20, $0x3  }
0x18: {  	s18 =	simm.s32 $0x80;
	s12 =	simm.s32 @!p0 $0x3E;
	s19 =	sadd.s32 s5, s26  }
0x19: {  	s21 =	sshrl.u32 s21, $0x3;
	s30 =	sshrl.u32 s23, $0x3;
	[dreg:$0x7] =	wrdreg s19  }
0x1a: {  	s15 =	sshrl.u32 s15, $0x3;
	s26 =	sadd.s32 $0x27000, s3;
	[dreg:$0x5] =	wrdreg s25  }
0x1b: {  	s20 =	sshrl.u32 s24, $0x3;
	s19 =	sadd.s32 s5, s30;
	[dreg:$0xf] =	wrdreg s26  }
0x1c: {  	s23 =	sshrl.u32 s17, $0x3;
	s15 =	sadd.s32 s5, s15;
	[dreg:$0x8] =	wrdreg s19  }
0x1d: {  	p0 =	sne.s32 s2, $0xF;
	s24 =	sadd.s32 s5, s23;
	[dreg:$0x9] =	wrdreg s15  }
0x1e: {  	s3 =	simm.s32 $0x1;
	s25 =	sadd.s32 s0, s25;
	[dreg:$0xc] =	wrdreg s24  }
0x1f: {  	s17 =	simm.s32 $0x40;
	s21 =	sadd.s32 $0x9B0, s21;
	[dreg:$0xd] =	wrdreg s25  }
0x20: {  	s30 =	smax.u32 s14, $0x1;
	s26 =	sadd.s32 $0x9C000, s1;
	[dreg:$0x6] =	wrdreg s21  }
0x21: {  	s19 =	sshrl.u32 s16, $0x3;
	s0 =	sadd.s32 s0, s21;
	[dreg:$0x10] =	wrdreg s30  }
0x22: {  	s14 =	simm.s32 $0x0;
	s15 =	sadd.s32 s5, s19;
	[dreg:$0xe] =	wrdreg s0  }
0x23: {  	s16 =	simm.s32 $0x2;
	[dreg:$0xa] =	wrdreg s15;
	s15 =	sadd.s32 s5, s20  }
0x24: {  	s0 =	simm.s32 $0x9D80;
	s5 =	simm.s32 $0xED80;
	[dreg:$0xb] =	wrdreg s15  }
.LBB2_1:
0x25: {  	s2 =	simm.s32 $0x0;
	s15 =	rddreg [dreg:$0x4]  }
0x26: {  	[tilespmem:s28], [sflag:$0x3] =	stream.linear.gather [hbm4b:s15+s2], $0x1A00, $0x38;
	[tilespmem:$0x1F3C0] =	vst v63  }
0x27: {  	_ =	swait.ge [sflag:s29], $0x1A00  }
0x28: {  	[sflag:s29] =	ssyncset.done $0x0  }
0x29: {  	[sflag:s29] =	ssyncadd.s32 $0xFFFFE600  }
0x2a: {  	[spmem:s6] =	stream.linear.scatter [tilespmem:s28], [sflag:$0x3], $0x1A00, $0x38;
	[tilespmem:$0x1F3C0] =	vst v63  }
0x2b: {  	_ =	swait.ge [sflag:s29], $0x1A00  }
0x2c: {  	[sflag:s29] =	ssyncset.done $0x0  }
0x2d: {  	[sflag:s29] =	ssyncadd.s32 $0xFFFFE600  }
0x2e: {  	[spmem:s7] =	stream.linear.scatter [tilespmem:s28], [sflag:$0x3], $0x1A00, $0x38;
	[tilespmem:$0x1F3C0] =	vst v63  }
0x2f: {  	_ =	swait.ge [sflag:s29], $0x1A00  }
0x30: {  	[sflag:s29] =	ssyncset.done $0x0  }
0x31: {  	[sflag:s29] =	ssyncadd.s32 $0xFFFFE600  }
0x32: {  	[spmem:s8] =	stream.linear.scatter [tilespmem:s28], [sflag:$0x3], $0x1A00, $0x38;
	[tilespmem:$0x1F3C0] =	vst v63  }
0x33: {  	_ =	swait.ge [sflag:s29], $0x1A00  }
0x34: {  	[sflag:s29] =	ssyncset.done $0x0  }
0x35: {  	[sflag:s29] =	ssyncadd.s32 $0xFFFFE600  }
0x36: {  	[spmem:s9] =	stream.linear.scatter [tilespmem:s28], [sflag:$0x3], $0x1A00, $0x38;
	[tilespmem:$0x1F3C0] =	vst v63  }
0x37: {  	_ =	swait.ge [sflag:s29], $0x1A00  }
0x38: {  	[sflag:s29] =	ssyncset.done $0x0  }
0x39: {  	[sflag:s29] =	ssyncadd.s32 $0xFFFFE600  }
0x3a: {  	[spmem:s10] =	stream.linear.scatter [tilespmem:s28], [sflag:$0x3], $0x1A00, $0x38;
	[tilespmem:$0x1F3C0] =	vst v63  }
0x3b: {  	_ =	swait.ge [sflag:s29], $0x1A00  }
0x3c: {  	[sflag:s29] =	ssyncset.done $0x0  }
0x3d: {  	[sflag:s29] =	ssyncadd.s32 $0xFFFFE600  }
0x3e: {  	[spmem:s11] =	stream.linear.scatter [tilespmem:s28], [sflag:$0x3], $0x1A00, $0x38;
	[tilespmem:$0x1F3C0] =	vst v63  }
0x3f: {  	_ =	swait.ge [sflag:s29], $0x1A00  }
0x40: {  	[sflag:s29] =	ssyncset.done $0x0  }
0x41: {  	s15 =	simm.s32 @!p0 $0x13D80;
	[sflag:s29] =	ssyncadd.s32 $0xFFFFE600  }
0x42: {  	[spmem:s26] =	stream.linear.scatter @!p0 [tilespmem:s15], [sflag:$0x3], $0x400, $0x38;
	[tilespmem:$0x1F3C0] =	vst v63  }
0x43: {  	s15 =	simm.s32 @!p0 $0x3  }
0x44: {  	_ =	swait.ge @!p0 [sflag:s15], $0x400  }
0x45: {  	[sflag:s15] =	ssyncset.done @!p0 $0x0;
	s20 =	rddreg [dreg:$0x5]  }
0x46: {  	[sflag:s15] =	ssyncadd.s32 @!p0 $0xFFFFFC00;
	s15 =	sadd.s32 s20, s13  }
0x47: {  	[tilespmem:s2], [sflag:$0x3] =	stream.linear.gather [hbm4b:s15+s2], $0x4D80, $0x38;
	[tilespmem:$0x1F3C0] =	vst v63  }
0x48: {  	_ =	swait.ge [sflag:s29], $0x4D80  }
0x49: {  	[sflag:s29] =	ssyncset.done $0x0  }
0x4a: {  	s22 =	simm.s32 $0x4EC0;
	s21 =	rddreg [dreg:$0xd];
	[sflag:s29] =	ssyncadd.s32 $0xFFFFB280  }
0x4b: {  	[tilespmem:s22], [sflag:$0x3] =	stream.linear.gather [hbm4b:s21+s2], $0x4D80, $0x38;
	[tilespmem:$0x1F3C0] =	vst v63  }
0x4c: {  	_ =	swait.ge [sflag:s29], $0x4D80  }
0x4d: {  	s19 =	simm.s32 @!p1 $0x0;
	[sflag:s29] =	ssyncset.done $0x0;
	s15 =	rddreg [dreg:$0x6]  }
0x4e: {  	s20 =	simm.s32 @!p1 $0x4D80;
	[sflag:s29] =	ssyncadd.s32 $0xFFFFB280;
	s15 =	sadd.s32 @!p1 s15, s13  }
0x4f: {  	[tilespmem:s20], [sflag:$0x3] =	stream.linear.gather @!p1 [hbm4b:s15+s19], $0x140, $0x38;
	[tilespmem:$0x1F3C0] =	vst v63  }
0x50: {  	s15 =	simm.s32 @!p1 $0x3  }
0x51: {  	_ =	swait.ge @!p1 [sflag:s15], $0x140  }
0x52: {  	[sflag:s15] =	ssyncset.done @!p1 $0x0  }
0x53: {  	s20 =	simm.s32 @!p1 $0x9C40;
	s21 =	rddreg [dreg:$0xe];
	[sflag:s15] =	ssyncadd.s32 @!p1 $0xFFFFFEC0  }
0x54: {  	[tilespmem:s20], [sflag:$0x3] =	stream.linear.gather @!p1 [hbm4b:s21+s19], $0x140, $0x38;
	[tilespmem:$0x1F3C0] =	vst v63  }
0x55: {  	_ =	swait.ge @!p1 [sflag:s15], $0x140  }
0x56: {  	[sflag:s15] =	ssyncset.done @!p1 $0x0  }
0x57: {  	[sflag:s15] =	ssyncadd.s32 @!p1 $0xFFFFFEC0  }
0x58: {  	[bflag:$0x0] =	sbarrier.arrive $0xFFFF  }
0x59: {  	[tilespmem:s0], [sflag:$0x1] =	stream.indirect.gather [hbm4b:s4+s31], $0x40, s2, s31, $0xb8;
	[tilespmem:$0x1F3C0] =	vst v63  }
0x5a: {  	_ =	swait.ge [sflag:s3], $0x5000  }
0x5b: {  	[sflag:s3] =	ssyncset.done $0x0  }
0x5c: {  	[sflag:s3] =	ssyncadd.s32 $0xFFFFB000  }
0x5d: {  	[spmem:s1] =	stream.indirect.scatter.add.f32 [tilespmem:s0], [sflag:$0x2], $0x40, s22, s31, $0xb8;
	[tilespmem:$0x1F3C0] =	vst v63  }
0x5e: {  	_ = 	snop  }
0x5f: {  	[tilespmem:s5], [sflag:$0x1] =	stream.indirect.gather [hbm4b:s4+s31], $0x40, s31, s31, $0xb8;
	[tilespmem:$0x1F3C0] =	vst v63  }
0x60: {  	_ =	swait.ge [sflag:s3], $0x5000  }
0x61: {  	[sflag:s3] =	ssyncset.done $0x0  }
0x62: {  	s22 =	simm.s32 $0x5000;
	[sflag:s3] =	ssyncadd.s32 $0xFFFFB000  }
0x63: {  	[spmem:s1] =	stream.indirect.scatter.add.f32 [tilespmem:s5], [sflag:$0x2], $0x40, s22, s31, $0xb8;
	[tilespmem:$0x1F3C0] =	vst v63  }
0x64: {  	_ =	swait.ge [sflag:s16], $0x5000  }
0x65: {  	[sflag:s16] =	ssyncset.done $0x0  }
0x66: {  	s23 =	simm.s32 $0x280;
	[sflag:s16] =	ssyncadd.s32 $0xFFFFB000  }
0x67: {  	[tilespmem:s0], [sflag:$0x1] =	stream.indirect.gather [hbm4b:s4+s31], $0x40, s23, s31, $0xb8;
	[tilespmem:$0x1F3C0] =	vst v63  }
0x68: {  	_ =	swait.ge [sflag:s3], $0x5000  }
0x69: {  	[sflag:s3] =	ssyncset.done $0x0  }
0x6a: {  	s24 =	simm.s32 $0x5140;
	[sflag:s3] =	ssyncadd.s32 $0xFFFFB000  }
0x6b: {  	[spmem:s1] =	stream.indirect.scatter.add.f32 [tilespmem:s0], [sflag:$0x2], $0x40, s24, s31, $0xb8;
	[tilespmem:$0x1F3C0] =	vst v63  }
0x6c: {  	_ =	swait.ge [sflag:s16], $0x5000  }
0x6d: {  	[sflag:s16] =	ssyncset.done $0x0  }
0x6e: {  	s25 =	simm.s32 $0x3C0;
	[sflag:s16] =	ssyncadd.s32 $0xFFFFB000  }
0x6f: {  	[tilespmem:s5], [sflag:$0x1] =	stream.indirect.gather [hbm4b:s4+s31], $0x40, s25, s31, $0xb8;
	[tilespmem:$0x1F3C0] =	vst v63  }
0x70: {  	_ =	swait.ge [sflag:s3], $0x5000  }
0x71: {  	s30 =	simm.s32 $0x5280;
	[sflag:s3] =	ssyncset.done $0x0  }
0x72: {  	p3 =	sle.u32 s12, $0x4;
	s19 =	simm.s32 $0x5500;
	[sflag:s3] =	ssyncadd.s32 $0xFFFFB000  }
0x73: {  	[spmem:s1] =	stream.indirect.scatter.add.f32 [tilespmem:s5], [sflag:$0x2], $0x40, s30, s31, $0xb8;
	[tilespmem:$0x1F3C0] =	vst v63  }
0x74: {  	s21 =	simm.s32 $0x640;
	s15 =	simm.s32 $0x6;
	_ =	swait.ge [sflag:s16], $0x5000  }
0x75: {  	s22 =	simm.s32 @!p3 $0x500;
	s23 =	simm.s32 @!p3 $0x140;
	[sflag:s16] =	ssyncset.done $0x0  }
.LBB2_2:
0x76: {  	s20 =	smov.u32 s19  }
0x77: {  	s24 =	simm.s32 @!p3 $0x9D80;
	s25 =	smov.u32 s15;
	s15 =	sadd.s32 $0x2, s15  }
0x78: {  	s30 =	smov.u32 s19;
	s2 =	smov.u32 s21;
	[sflag:s16] =	ssyncadd.s32 $0xFFFFB000  }
0x79: {  	[tilespmem:s24], [sflag:$0x1] =	stream.indirect.gather @!p3 [hbm4b:s4+s23], $0x40, s22, s23, $0xb8;
	[tilespmem:$0x1F3C0] =	vst v63  }
0x7a: {  	p2 =	sne.s32 s15, $0x40;
	_ =	swait.ge [sflag:s3], $0x5000  }
0x7b: {  	s22 =	sadd.s32 $0xFFFFFEC0, s19;
	[sflag:s3] =	ssyncset.done $0x0  }
0x7c: {  	[sflag:s3] =	ssyncadd.s32 $0xFFFFB000  }
0x7d: {  	[spmem:s1] =	stream.indirect.scatter.add.f32 [tilespmem:s0], [sflag:$0x2], $0x40, s22, s31, $0xb8;
	[tilespmem:$0x1F3C0] =	vst v63  }
0x7e: {  	_ =	swait.ge [sflag:s16], $0x5000  }
0x7f: {  	[sflag:s16] =	ssyncset.done $0x0  }
0x80: {  	[sflag:s16] =	ssyncadd.s32 $0xFFFFB000  }
0x81: {  	[tilespmem:s5], [sflag:$0x1] =	stream.indirect.gather [hbm4b:s4+s31], $0x40, s21, s31, $0xb8;
	[tilespmem:$0x1F3C0] =	vst v63  }
0x82: {  	_ =	swait.ge [sflag:s3], $0x5000  }
.Ltmp0:
0x83: {  	[sflag:s3] =	ssyncset.done $0x0;
	(pc) =	sbr.rel @p2 .LBB2_2-.Ltmp0, $4  }
0x84: {  	s19 =	sadd.s32 $0x280, s19;
	[sflag:s3] =	ssyncadd.s32 $0xFFFFB000  }
0x85: {  	[spmem:s1] =	stream.indirect.scatter.add.f32 [tilespmem:s5], [sflag:$0x2], $0x40, s30, s31, $0xb8;
	[tilespmem:$0x1F3C0] =	vst v63  }
0x86: {  	p3 =	sge.u32 s25, s12;
	s21 =	sadd.s32 $0x280, s21;
	_ =	swait.ge [sflag:s16], $0x5000  }
0x87: {  	s23 =	simm.s32 @!p3 $0x140;
	s22 =	sadd.s32 @!p3 $0x140, s2;
	[sflag:s16] =	ssyncset.done $0x0  }
0x88: {  	[sflag:s16] =	ssyncadd.s32 $0xFFFFB000;
	s2 =	simm.s32 @!p3 $0x9D80  }
0x89: {  	[tilespmem:s2], [sflag:$0x1] =	stream.indirect.gather @!p3 [hbm4b:s4+s23], $0x40, s22, s23, $0xb8;
	[tilespmem:$0x1F3C0] =	vst v63  }
0x8a: {  	s2 =	simm.s32 @p1 $0x2  }
0x8b: {  	_ =	swait.ge @p1 [sflag:s2], $0x5000  }
0x8c: {  	[sflag:s2] =	ssyncset.done @p1 $0x0  }
0x8d: {  	[sflag:s2] =	ssyncadd.s32 @p1 $0xFFFFB000;
	s2 =	simm.s32 @!p1 $0x1  }
0x8e: {  	_ =	swait.ge @!p1 [sflag:s2], $0x5000  }
0x8f: {  	s15 =	simm.s32 @!p1 $0x140;
	[sflag:s2] =	ssyncset.done @!p1 $0x0  }
0x90: {  	s19 =	simm.s32 @!p1 $0x9D80;
	[sflag:s2] =	ssyncadd.s32 @!p1 $0xFFFFB000;
	s2 =	sadd.s32 @!p1 $0x140, s20  }
0x91: {  	[spmem:s1] =	stream.indirect.scatter.add.f32 @!p1 [tilespmem:s19], [sflag:$0x2], $0x40, s2, s15, $0xb8;
	[tilespmem:$0x1F3C0] =	vst v63  }
0x92: {  	s2 =	simm.s32 @!p1 $0x2  }
0x93: {  	_ =	swait.ge @!p1 [sflag:s2], $0x5000  }
0x94: {  	[sflag:s2] =	ssyncset.done @!p1 $0x0  }
0x95: {  	[sflag:s2] =	ssyncadd.s32 @!p1 $0xFFFFB000  }
0x96: {  	_ =	swait.ge @!p1 [sflag:s2], $0x5000  }
0x97: {  	[sflag:s2] =	ssyncset.done @!p1 $0x0  }
0x98: {  	[sflag:s2] =	ssyncadd.s32 @!p1 $0xFFFFB000  }
0x99: {  	[bflag:$0x0] =	sbarrier.arrive $0xFFFF  }
0x9a: {  	[tilespmem:s28], [sflag:$0x3] =	stream.linear.gather [spmem:s6], $0x1A00, $0x38;
	[tilespmem:$0x1F3C0] =	vst v63  }
0x9b: {  	_ =	swait.ge [sflag:s29], $0x1A00  }
0x9c: {  	[sflag:s29] =	ssyncset.done $0x0  }
0x9d: {  	s20 =	rddreg [dreg:$0x7];
	[sflag:s29] =	ssyncadd.s32 $0xFFFFE600  }
0x9e: {  	[hbm4b:s20+s17] =	stream.strided.scatter [tilespmem:s28], [sflag:$0x3], $0x1A00, s18, s17, $0x38;
	[tilespmem:$0x1F3C0] =	vst v63  }
0x9f: {  	_ =	swait.ge [sflag:s29], $0x1A00  }
0xa0: {  	[sflag:s29] =	ssyncset.done $0x0  }
0xa1: {  	[sflag:s29] =	ssyncadd.s32 $0xFFFFE600  }
0xa2: {  	[tilespmem:s28], [sflag:$0x3] =	stream.linear.gather [spmem:s7], $0x1A00, $0x38;
	[tilespmem:$0x1F3C0] =	vst v63  }
0xa3: {  	_ =	swait.ge [sflag:s29], $0x1A00  }
0xa4: {  	[sflag:s29] =	ssyncset.done $0x0  }
0xa5: {  	s21 =	rddreg [dreg:$0x8];
	[sflag:s29] =	ssyncadd.s32 $0xFFFFE600  }
0xa6: {  	[hbm4b:s21+s17] =	stream.strided.scatter [tilespmem:s28], [sflag:$0x3], $0x1A00, s18, s17, $0x38;
	[tilespmem:$0x1F3C0] =	vst v63  }
0xa7: {  	_ =	swait.ge [sflag:s29], $0x1A00  }
0xa8: {  	[sflag:s29] =	ssyncset.done $0x0  }
0xa9: {  	[sflag:s29] =	ssyncadd.s32 $0xFFFFE600  }
0xaa: {  	[tilespmem:s28], [sflag:$0x3] =	stream.linear.gather [spmem:s8], $0x1A00, $0x38;
	[tilespmem:$0x1F3C0] =	vst v63  }
0xab: {  	_ =	swait.ge [sflag:s29], $0x1A00  }
0xac: {  	[sflag:s29] =	ssyncset.done $0x0  }
0xad: {  	s22 =	rddreg [dreg:$0x9];
	[sflag:s29] =	ssyncadd.s32 $0xFFFFE600  }
0xae: {  	[hbm4b:s22+s17] =	stream.strided.scatter [tilespmem:s28], [sflag:$0x3], $0x1A00, s18, s17, $0x38;
	[tilespmem:$0x1F3C0] =	vst v63  }
0xaf: {  	_ =	swait.ge [sflag:s29], $0x1A00  }
0xb0: {  	[sflag:s29] =	ssyncset.done $0x0  }
0xb1: {  	[sflag:s29] =	ssyncadd.s32 $0xFFFFE600  }
0xb2: {  	[tilespmem:s28], [sflag:$0x3] =	stream.linear.gather [spmem:s9], $0x1A00, $0x38;
	[tilespmem:$0x1F3C0] =	vst v63  }
0xb3: {  	_ =	swait.ge [sflag:s29], $0x1A00  }
0xb4: {  	[sflag:s29] =	ssyncset.done $0x0  }
0xb5: {  	s23 =	rddreg [dreg:$0xa];
	[sflag:s29] =	ssyncadd.s32 $0xFFFFE600  }
0xb6: {  	[hbm4b:s23+s17] =	stream.strided.scatter [tilespmem:s28], [sflag:$0x3], $0x1A00, s18, s17, $0x38;
	[tilespmem:$0x1F3C0] =	vst v63  }
0xb7: {  	_ =	swait.ge [sflag:s29], $0x1A00  }
0xb8: {  	[sflag:s29] =	ssyncset.done $0x0  }
0xb9: {  	[sflag:s29] =	ssyncadd.s32 $0xFFFFE600  }
0xba: {  	[tilespmem:s28], [sflag:$0x3] =	stream.linear.gather [spmem:s10], $0x1A00, $0x38;
	[tilespmem:$0x1F3C0] =	vst v63  }
0xbb: {  	_ =	swait.ge [sflag:s29], $0x1A00  }
0xbc: {  	[sflag:s29] =	ssyncset.done $0x0  }
0xbd: {  	s24 =	rddreg [dreg:$0xb];
	[sflag:s29] =	ssyncadd.s32 $0xFFFFE600  }
0xbe: {  	[hbm4b:s24+s17] =	stream.strided.scatter [tilespmem:s28], [sflag:$0x3], $0x1A00, s18, s17, $0x38;
	[tilespmem:$0x1F3C0] =	vst v63  }
0xbf: {  	_ =	swait.ge [sflag:s29], $0x1A00  }
0xc0: {  	[sflag:s29] =	ssyncset.done $0x0  }
0xc1: {  	[sflag:s29] =	ssyncadd.s32 $0xFFFFE600  }
0xc2: {  	[tilespmem:s28], [sflag:$0x3] =	stream.linear.gather [spmem:s11], $0x1A00, $0x38;
	[tilespmem:$0x1F3C0] =	vst v63  }
0xc3: {  	_ =	swait.ge [sflag:s29], $0x1A00  }
0xc4: {  	[sflag:s29] =	ssyncset.done $0x0  }
0xc5: {  	s25 =	rddreg [dreg:$0xc];
	[sflag:s29] =	ssyncadd.s32 $0xFFFFE600  }
0xc6: {  	[hbm4b:s25+s17] =	stream.strided.scatter [tilespmem:s28], [sflag:$0x3], $0x1A00, s18, s17, $0x38;
	[tilespmem:$0x1F3C0] =	vst v63  }
0xc7: {  	_ =	swait.ge [sflag:s29], $0x1A00  }
0xc8: {  	[sflag:s29] =	ssyncset.done $0x0  }
0xc9: {  	s15 =	simm.s32 @!p0 $0x3;
	s2 =	simm.s32 @!p0 $0x9D80;
	[sflag:s29] =	ssyncadd.s32 $0xFFFFE600  }
0xca: {  	[tilespmem:s2], [sflag:$0x3] =	stream.linear.gather @!p0 [spmem:s26], $0x400, $0x38;
	[tilespmem:$0x1F3C0] =	vst v63  }
0xcb: {  	_ =	swait.ge @!p0 [sflag:s15], $0x400  }
0xcc: {  	s19 =	simm.s32 @!p0 $0x40;
	[sflag:s15] =	ssyncset.done @!p0 $0x0  }
0xcd: {  	s20 =	simm.s32 @!p0 $0x80;
	s21 =	rddreg [dreg:$0xf];
	[sflag:s15] =	ssyncadd.s32 @!p0 $0xFFFFFC00  }
0xce: {  	[hbm4b:s21+s19] =	stream.strided.scatter @!p0 [tilespmem:s2], [sflag:$0x3], $0x400, s20, s19, $0x38;
	[tilespmem:$0x1F3C0] =	vst v63  }
0xcf: {  	_ =	swait.ge @!p0 [sflag:s15], $0x400  }
0xd0: {  	s14 =	sadd.s32 $0x1, s14;
	s30 =	rddreg [dreg:$0x10]  }
0xd1: {  	p2 =	sne.s32 s14, s30  }
.Ltmp1:
0xd2: {  	_ = 	snop;
	(pc) =	sbr.rel @p2 .LBB2_1-.Ltmp1, $3  }
0xd3: {  	_ =	sdelay $0x1  }
0xd4: {  	[sflag:s15] =	ssyncset.done @!p0 $0x0  }
0xd5: {  	[sflag:s15] =	ssyncadd.s32 @!p0 $0xFFFFFC00  }
0xd6: {  	_ =	sfence.sel $0x180000  }
0xd7: {  	[bflag:$0x0] =	sbarrier.arrive $0xFFFF  }
0xd8: {  	_ =	strace $0x9000004A  }
0xd9: {  	s0 =	stileid.u32;
	[bflag:$0x2] =	sbarrier.arrive $0xFFFF  }
0xda: {  	p0 =	sne.s32 s0, $0x0;
	s0 =	rddreg [dreg:$0x3]  }
0xdb: {  	s0 =	sadd.s32 @!p0 $0x100000, s0  }
0xdc: {  	[sflag:s0] =	ssyncadd.tile.s32 @!p0 $0x1;
	_ =	shalt  }
.Lfunc_end2:
_tile_overlayer_lowered:
.L_overlay_start_2:
0xdd: {  	(tag) =	ssettag $0x2  }
0xde: {  	s0 =	rddreg [dreg:$0x0];
	s2 =	stileid.u32  }
0xdf: {  	s1 =	rddreg [dreg:$0x1];
	p0 =	sne.s32 s2, $0x0  }
0xe0: {  	s3 =	rddreg [dreg:$0x2];
	[bflag:$0x3] =	sbarrier.arrive $0xFFFF;
	s2 =	simm.s32 @!p0 $0x1C03  }
0xe1: {  	[timem:s3], [sflag:s2] =	dma.local @!p0 [hbm:s0], s1  }
0xe2: {  	s0 =	simm.s32 @!p0 $0x3  }
0xe3: {  	_ =	swait.ge @!p0 [sflag:s0], s1  }
0xe4: {  	s1 =	ssub.s32 @!p0 $0x0, s1;
	[sflag:s0] =	ssyncset.done @!p0 $0x0  }
0xe5: {  	[sflag:s0] =	ssyncadd.s32 @!p0 s1  }
0xe6: {  	[bflag:$0x3] =	sbarrier.arrive $0xFFFF  }
0xe7: {  	_ =	shalt  }

// kernel: kernel.16.cloned.1.call-start
scs
__scs_entry_jumppad:
0x0: {  	(pc) =	sbr.rel $0x88, $3  }
0x1: {  	(tag) =	ssettag $0x0;
	lr =	simm.s32 $0x1  }
0x2: {  	[smem:$0x3F97] =	sst lr;
	_ =	strace $0xD0000000  }
0x3: {  	_ = 	snop  }
0x4: {  	_ = 	snop  }
0x5: {  	_ = 	snop  }
0x6: {  	_ = 	snop  }
0x7: {  	_ = 	snop  }
__scs_overlays_trampoline_lowered:
0x8: {  	[smem:$0x3FA6] =	sst s0  }
0x9: {  	[smem:$0x3FA7] =	sst s1  }
0xa: {  	[smem:$0x3FA8] =	sst s2  }
0xb: {  	[smem:$0x3FA9] =	sst s3  }
0xc: {  	[smem:$0x3FAA] =	sst s4  }
0xd: {  	[smem:$0x3FAB] =	sst s5  }
0xe: {  	[smem:$0x3FAC] =	sst s6  }
0xf: {  	[smem:$0x3FAD] =	sst s7  }
0x10: {  	[smem:$0x3FAE] =	sst s8  }
0x11: {  	[smem:$0x3FAF] =	sst s9;
	s0 =	simm.s32 @!p0 $0x0  }
0x12: {  	s1 =	sld [smem:$0x3F95];
	s0 =	simm.s32 @p0 $0x1  }
0x13: {  	[smem:$0x3FB0] =	sst s0;
	s0 =	simm.s32 @!p1 $0x0  }
0x14: {  	s2 =	sld [smem:$0x3F94];
	s0 =	simm.s32 @p1 $0x1  }
0x15: {  	[smem:$0x3FB1] =	sst s0;
	s0 =	simm.s32 @!p2 $0x0  }
0x16: {  	s3 =	sld [smem:$0x3FDB];
	s0 =	simm.s32 @p2 $0x1  }
0x17: {  	s4 =	simm.s32 $0x1BF5;
	[smem:$0x3FB3] =	sst s0  }
0x18: {  	s0 =	sld [smem:$0x3F96];
	_ =	swait.ge [sflag:s4], $0x0  }
0x19: {  	s7 =	sld [smem:$0x3F97]  }
0x1a: {  	s8 =	sadd.s32 $0xFFFFE003, lr  }
0x1b: {  	s9 =	sadd.s32 $0xFFFFFEF7, lr;
	s5 =	simm.s32 $0xFFFFFFFF;
	p2 =	slt.u32 s8, $0xFFFFF086  }
0x1c: {  	p1 =	slt.u32 s9, $0xF7A;
	s5 =	simm.s32 @!p2 $0x0  }
0x1d: {  	s5 =	simm.s32 @p1 $0x1;
	p0 =	seq.s32 s7, s2  }
0x1e: {  	s7 =	smul.u32 @!p0 $0xF7A, s2;
	p2 =	seq.s32 @!p0 s5, $0x0  }
0x1f: {  	s9 =	smul.u32 $0xF7A, s1;
	s8 =	simm.s32 @!p0 $0x1BF5;
	p2 =	por !p2, p0  }
0x20: {  	[sflag:s8] =	ssyncset.s32 @!p0 $0xFFFFF086;
	s6 =	sadd.s32 @!p0 s3, s7;
	s7 =	simm.s32 @!p0 $0x108  }
0x21: {  	s3 =	sadd.s32 s3, s9;
	s6 =	sadd.s32 @!p0 $0x88, s6;
	s7 =	simm.s32 @p2 $0x1082  }
0x22: {  	[simem:s7], [sflag:s8] =	dma.local @!p0 [hbm:s6], $0xF7A  }
0x23: {  	s9 =	sor.u32 $0xD0000000, s2;
	s6 =	simm.s32 $0x108;
	_ =	swait.ge @!p0 [sflag:s8], $0x0  }
0x24: {  	s3 =	sadd.s32 $0x88, s3;
	s6 =	simm.s32 @!p1 $0x1082;
	[sflag:s4] =	ssyncset.s32 $0xFFFFF086  }
0x25: {  	[simem:s6], [sflag:s4] =	dma.local [hbm:s3], $0xF7A  }
0x26: {  	[smem:$0x3F97] =	sst s1;
	(tag) =	ssettag s2;
	_ =	strace s9  }
0x27: {  	s1 =	sld [smem:$0x3FA7]  }
0x28: {  	s2 =	sld [smem:$0x3FA8]  }
0x29: {  	s4 =	sld [smem:$0x3FAA]  }
0x2a: {  	p0 =	seq.s32 s5, $0x0;
	s5 =	sld [smem:$0x3FAB]  }
0x2b: {  	s6 =	sld [smem:$0x3FAC]  }
0x2c: {  	s7 =	sld [smem:$0x3FAD]  }
0x2d: {  	s3 =	simm.s32 $0x108;
	s8 =	sld [smem:$0x3FAE]  }
0x2e: {  	s3 =	simm.s32 @!p0 $0x1082;
	s9 =	sld [smem:$0x3FAF]  }
0x2f: {  	lr =	sadd.s32 s0, s3;
	s0 =	sld [smem:$0x3FA6]  }
0x30: {  	s3 =	sld [smem:$0x3FA9]  }
0x31: {  	[smem:$0x3FB2] =	sst s10  }
0x32: {  	s10 =	sld [smem:$0x3FB0];
	_ =	sdelay $0x3  }
0x33: {  	p0 =	seq.s32 s10, $0x1;
	s10 =	sld [smem:$0x3FB2];
	_ =	sdelay $0x3  }
0x34: {  	[smem:$0x3FB2] =	sst s10  }
0x35: {  	s10 =	sld [smem:$0x3FB1];
	_ =	sdelay $0x3  }
0x36: {  	p1 =	seq.s32 s10, $0x1;
	s10 =	sld [smem:$0x3FB2];
	_ =	sdelay $0x3  }
0x37: {  	[smem:$0x3FB2] =	sst s10  }
0x38: {  	s10 =	sld [smem:$0x3FB3]  }
0x39: {  	_ = 	snop;
	(pc) =	sbr.ind lr, $3  }
0x3a: {  	_ = 	snop  }
0x3b: {  	_ = 	snop  }
0x3c: {  	p2 =	seq.s32 s10, $0x1;
	s10 =	sld [smem:$0x3FB2]  }
0x3d: {  	_ =	shalt  }
0x3e: {  	_ =	shalt  }
0x3f: {  	_ =	shalt  }
0x40: {  	_ =	shalt  }
0x41: {  	_ =	shalt  }
0x42: {  	_ =	shalt  }
0x43: {  	_ =	shalt  }
0x44: {  	_ =	shalt  }
0x45: {  	_ =	shalt  }
0x46: {  	_ =	shalt  }
0x47: {  	_ =	shalt  }
0x48: {  	_ =	shalt  }
0x49: {  	_ =	shalt  }
0x4a: {  	_ =	shalt  }
0x4b: {  	_ =	shalt  }
0x4c: {  	_ =	shalt  }
0x4d: {  	_ =	shalt  }
0x4e: {  	_ =	shalt  }
0x4f: {  	_ =	shalt  }
0x50: {  	_ =	shalt  }
0x51: {  	_ =	shalt  }
0x52: {  	_ =	shalt  }
0x53: {  	_ =	shalt  }
0x54: {  	_ =	shalt  }
0x55: {  	_ =	shalt  }
0x56: {  	_ =	shalt  }
0x57: {  	_ =	shalt  }
0x58: {  	_ =	shalt  }
0x59: {  	_ =	shalt  }
0x5a: {  	_ =	shalt  }
0x5b: {  	_ =	shalt  }
0x5c: {  	_ =	shalt  }
0x5d: {  	_ =	shalt  }
0x5e: {  	_ =	shalt  }
0x5f: {  	_ =	shalt  }
0x60: {  	_ =	shalt  }
0x61: {  	_ =	shalt  }
0x62: {  	_ =	shalt  }
0x63: {  	_ =	shalt  }
0x64: {  	_ =	shalt  }
0x65: {  	_ =	shalt  }
0x66: {  	_ =	shalt  }
0x67: {  	_ =	shalt  }
0x68: {  	_ =	shalt  }
0x69: {  	_ =	shalt  }
0x6a: {  	_ =	shalt  }
0x6b: {  	_ =	shalt  }
0x6c: {  	_ =	shalt  }
0x6d: {  	_ =	shalt  }
0x6e: {  	_ =	shalt  }
0x6f: {  	_ =	shalt  }
0x70: {  	_ =	shalt  }
0x71: {  	_ =	shalt  }
0x72: {  	_ =	shalt  }
0x73: {  	_ =	shalt  }
0x74: {  	_ =	shalt  }
0x75: {  	_ =	shalt  }
0x76: {  	_ =	shalt  }
0x77: {  	_ =	shalt  }
0x78: {  	_ =	shalt  }
0x79: {  	_ =	shalt  }
0x7a: {  	_ =	shalt  }
0x7b: {  	_ =	shalt  }
0x7c: {  	_ =	shalt  }
0x7d: {  	_ =	shalt  }
0x7e: {  	_ =	shalt  }
0x7f: {  	_ =	shalt  }
0x80: {  	_ =	shalt  }
0x81: {  	_ =	shalt  }
0x82: {  	_ =	shalt  }
0x83: {  	_ =	shalt  }
0x84: {  	_ =	shalt  }
0x85: {  	_ =	shalt  }
0x86: {  	_ =	shalt  }
0x87: {  	_ =	shalt  }
.Lfunc_end0:
.L_simem_size_0:
called_computation.2_lowered:
.L_overlay_start_0:
0x88: {  	s2 =	sld [smem:$0x3FD9]  }
0x89: {  	s3 =	sld [smem:$0x3FFE];
	_ =	sdelay $0x1  }
0x8a: {  	s1 =	srdreg.scid  }
0x8b: {  	s0 =	sand.u32 $0x1, s1  }
0x8c: {  	s17 =	sshll.u32 s0, $0xA;
	s2 =	sadd.s32 s3, s2  }
0x8d: {  	s2 =	sadd.s32 s2, s17  }
0x8e: {  	[smem:$0x3FBE] =	sst s2  }
0x8f: {  	_ = 	snop  }
0x90: {  	s2 =	sld [smem:$0x3FD0];
	(tm) =	ssettm $0x1  }
0x91: {  	s18 =	sld [smem:$0x3FFB];
	_ =	sdelay $0x3  }
0x92: {  	_ =	strace s18  }
0x93: {  	s3 =	sld [smem:$0x3FFC];
	_ =	sdelay $0x3  }
0x94: {  	_ =	strace s3  }
0x95: {  	s3 =	sld [smem:$0x3FFD];
	_ =	sdelay $0x3  }
0x96: {  	_ =	strace s3  }
0x97: {  	_ =	strace $0x8FFFFFFF  }
0x98: {  	s19 =	sld [smem:$0x3FDB];
	_ =	sdelay $0x1  }
0x99: {  	s4 =	simm.s32 $_scs_section_size  }
0x9a: {  	s5 =	simm.s32 $_size__tile_overlayer_lowered;
	s6 =	simm.s32 $_tile_overlayer_lowered  }
0x9b: {  	s22 =	simm.s32 $0x1BFF;
	s21 =	sshll.u32 s6, $0x1;
	s3 =	sadd.s32 s4, s19  }
0x9c: {  	s7 =	simm.s32 $0x0;
	s20 =	sshll.u32 s5, $0x1;
	s5 =	sadd.s32 s21, s3  }
0x9d: {  	[timem:s7], [sflag:s22] =	dma.local [hbm:s5], s20  }
0x9e: {  	_ =	swait.ge [sflag:s22], s20  }
0x9f: {  	s4 =	ssub.s32 $0x0, s20;
	[sflag:s22] =	ssyncset.done $0x0  }
0xa0: {  	[sflag:s22] =	ssyncadd.s32 s4;
	_ =	sdelay $0x1  }
0xa1: {  	s23 =	simm.s32 $0x1B8B  }
0xa2: {  	_ =	swait.ge [sflag:s23], $0x1  }
0xa3: {  	[sflag:s23] =	ssyncset.done $0x0  }
0xa4: {  	s25 =	simm.s32 $0x1B8E;
	s24 =	sld [smem:$0x3FFE];
	[sflag:s23] =	ssyncadd.s32 $0xFFFFFFFF  }
0xa5: {  	s26 =	simm.s32 $execute0_lowered;
	[smem:$0x3FD2] =	sst s25  }
0xa6: {  	s5 =	sshll.u32 s26, $0x1;
	_ =	strace $0x8000004C;
	[dreg:$0x1] =	wrdreg $0xFFFFFFFF  }
0xa7: {  	s28 =	simm.s32 $_size_execute0_lowered;
	s3 =	sadd.s32 s3, s5;
	[dreg:$0x0] =	wrdreg $0x0  }
0xa8: {  	s5 =	sshll.u32 s28, $0x1;
	[dreg:$0x2] =	wrdreg s3  }
0xa9: {  	[dreg:$0x3] =	wrdreg s5  }
0xaa: {  	[dreg:$0x4] =	wrdreg $0xC0  }
0xab: {  	_ =	task [dreg:s7], $0x5FFFF  }
0xac: {  	[dreg:$0x1] =	wrdreg $0xFFFFFFFF  }
0xad: {  	[dreg:$0x0] =	wrdreg $0x60  }
0xae: {  	[dreg:$0x2] =	wrdreg s24  }
0xaf: {  	[dreg:$0x3] =	wrdreg s2  }
0xb0: {  	[dreg:$0x4] =	wrdreg $0x157800  }
0xb1: {  	[dreg:$0x5] =	wrdreg $0x9  }
0xb2: {  	_ =	task.clear_ibuf [dreg:s7], $0x6FFFF;
	_ =	strace $0x9000004C  }
0xb3: {  	s29 =	simm.s32 $0x9;
	_ =	strace $0x8000004E  }
0xb4: {  	_ =	swait.ge [sflag:s29], $0x1  }
0xb5: {  	[sflag:s29] =	ssyncadd.s32 $0xFFFFFFFF  }
0xb6: {  	_ =	strace $0x9000004E  }
0xb7: {  	_ =	sfence  }
0xb8: {  	s30 =	sld [smem:$0x0];
	_ =	sdelay $0x2  }
0xb9: {  	s31 =	sshll.u32 s1, $0xD;
	s1 =	sshrl.u32 s1, $0x2  }
0xba: {  	s3 =	sand.u32 $0x4000, s31;
	s1 =	sadd.s32 s1, s30  }
0xbb: {  	s0 =	sor.u32 s3, s0;
	s1 =	sshll.u32 s1, $0x11  }
0xbc: {  	s0 =	sor.u32 s1, s0  }
0xbd: {  	s0 =	sadd.s32 $0x8F2B, s0  }
0xbe: {  	[sflag:s0] =	ssyncadd.remote.s32 $0x1  }
0xbf: {  	_ =	sfence.sel $0xFFFF  }
0xc0: {  	[dreg:$0x0] =	wrdreg $0xFFFFFFFF;
	(pc) =	sbr.abs _section_cstart, $3  }
0xc1: {  	[dreg:$0x1] =	wrdreg $0xFFFFFFFF  }
0xc2: {  	_ =	task.clear_ibuf [dreg:s7], $0x2FFFF;
	_ =	strace $0x9FFFFFFF  }
0xc3: {  	(tm) =	ssettm $0x7FFFFFFF  }
tec
execute0_lowered:
.L_overlay_start_1:
0x0: {  	(tag) =	ssettag $0x1  }
0x1: {  	s5 =	rddreg [dreg:$0x0]  }
0x2: {  	s0 =	rddreg [dreg:$0x1]  }
0x3: {  	s1 =	rddreg [dreg:$0x2];
	s3 =	srdreg.scid;
	s2 =	simm.s32 $0x0  }
0x4: {  	s28 =	simm.s32 $0x13D80;
	s3 =	sand.u32 $0x1, s3;
	[smem:$0x7FF] =	sst s2  }
0x5: {  	s29 =	simm.s32 $0x3;
	s2 =	stileid.u32;
	s6 =	smul.u32 $0x9C40, s3  }
0x6: {  	s31 =	simm.s32 $0x140;
	s4 =	sadd.s32 $0x2B200, s5;
	s22 =	smul.u32 $0x27000, s2  }
0x7: {  	s7 =	sadd.s32 $0x2C00, s5;
	_ =	strace $0x8000004D;
	s10 =	smul.u32 $0x270, s2  }
0x8: {  	[dreg:$0x4] =	wrdreg s7;
	s23 =	ssub.s32 $0x2, s3;
	s19 =	smul.u32 $0x3E, s2  }
0x9: {  	s20 =	smin.u32 s2, $0x8;
	s30 =	smul.u32 $0x13800, s2;
	p0 =	slt.u32 s2, $0x8  }
0xa: {  	p1 =	sgt.u32 s2, $0x7;
	s8 =	sshrl.u32 s23, $0x1;
	s13 =	sadd.s32 s6, s5  }
0xb: {  	s5 =	sadd.s32 $0x52400, s5;
	s6 =	sshrl.u32 s22, $0x2;
	s14 =	ssub.s32 s23, s8  }
0xc: {  	s12 =	sadd.s32 $0x68, s10;
	s15 =	sadd.s32 $0xD0, s10;
	s16 =	sadd.s32 $0x138, s10  }
0xd: {  	s17 =	sadd.s32 $0x1A0, s10;
	s18 =	sadd.s32 $0x208, s10;
	s19 =	sadd.s32 s20, s19  }
0xe: {  	s22 =	sshll.u32 s3, $0x6;
	s3 =	sshll.u32 s3, $0x3;
	s6 =	sadd.s32 s6, s1  }
0xf: {  	s24 =	sshll.u32 s12, $0x6;
	s25 =	sshll.u32 s15, $0x6;
	s9 =	sshll.u32 s16, $0x6  }
0x10: {  	s11 =	sshll.u32 s17, $0x6;
	s26 =	sshll.u32 s18, $0x6;
	s21 =	smul.u32 $0x140, s19  }
0x11: {  	s20 =	sor.u32 s22, s30;
	s12 =	sshll.u32 s12, $0x7;
	s15 =	sshll.u32 s15, $0x7  }
0x12: {  	s16 =	sshll.u32 s16, $0x7;
	s17 =	sshll.u32 s17, $0x7;
	s18 =	sshll.u32 s18, $0x7  }
0x13: {  	s13 =	sadd.s32 $0x17800, s13;
	s3 =	sadd.s32 s3, s5;
	s7 =	sadd.s32 s24, s1  }
0x14: {  	s8 =	sadd.s32 s25, s1;
	s9 =	sadd.s32 s9, s1;
	s10 =	sadd.s32 s11, s1  }
0x15: {  	s11 =	sadd.s32 s26, s1;
	s23 =	sor.u32 s22, s12;
	s15 =	sor.u32 s22, s15  }
0x16: {  	s16 =	sor.u32 s22, s16;
	s24 =	sor.u32 s22, s17;
	s17 =	sor.u32 s22, s18  }
0x17: {  	s12 =	simm.s32 $0x3F;
	s25 =	smul.u32 $0x28, s19;
	s26 =	sshrl.u32 s20, $0x3  }
0x18: {  	s18 =	simm.s32 $0x80;
	s12 =	simm.s32 @!p0 $0x3E;
	s19 =	sadd.s32 s5, s26  }
0x19: {  	s21 =	sshrl.u32 s21, $0x3;
	s30 =	sshrl.u32 s23, $0x3;
	[dreg:$0x7] =	wrdreg s19  }
0x1a: {  	s15 =	sshrl.u32 s15, $0x3;
	s26 =	sadd.s32 $0x27000, s3;
	[dreg:$0x5] =	wrdreg s25  }
0x1b: {  	s20 =	sshrl.u32 s24, $0x3;
	s19 =	sadd.s32 s5, s30;
	[dreg:$0xf] =	wrdreg s26  }
0x1c: {  	s23 =	sshrl.u32 s17, $0x3;
	s15 =	sadd.s32 s5, s15;
	[dreg:$0x8] =	wrdreg s19  }
0x1d: {  	p0 =	sne.s32 s2, $0xF;
	s24 =	sadd.s32 s5, s23;
	[dreg:$0x9] =	wrdreg s15  }
0x1e: {  	s3 =	simm.s32 $0x1;
	s25 =	sadd.s32 s0, s25;
	[dreg:$0xc] =	wrdreg s24  }
0x1f: {  	s17 =	simm.s32 $0x40;
	s21 =	sadd.s32 $0x9B0, s21;
	[dreg:$0xd] =	wrdreg s25  }
0x20: {  	s30 =	smax.u32 s14, $0x1;
	s26 =	sadd.s32 $0x9C000, s1;
	[dreg:$0x6] =	wrdreg s21  }
0x21: {  	s19 =	sshrl.u32 s16, $0x3;
	s0 =	sadd.s32 s0, s21;
	[dreg:$0x10] =	wrdreg s30  }
0x22: {  	s14 =	simm.s32 $0x0;
	s15 =	sadd.s32 s5, s19;
	[dreg:$0xe] =	wrdreg s0  }
0x23: {  	s16 =	simm.s32 $0x2;
	[dreg:$0xa] =	wrdreg s15;
	s15 =	sadd.s32 s5, s20  }
0x24: {  	s0 =	simm.s32 $0x9D80;
	s5 =	simm.s32 $0xED80;
	[dreg:$0xb] =	wrdreg s15  }
.LBB2_1:
0x25: {  	s2 =	simm.s32 $0x0;
	s15 =	rddreg [dreg:$0x4]  }
0x26: {  	[tilespmem:s28], [sflag:$0x3] =	stream.linear.gather [hbm4b:s15+s2], $0x1A00, $0x38;
	[tilespmem:$0x1F3C0] =	vst v63  }
0x27: {  	_ =	swait.ge [sflag:s29], $0x1A00  }
0x28: {  	[sflag:s29] =	ssyncset.done $0x0  }
0x29: {  	[sflag:s29] =	ssyncadd.s32 $0xFFFFE600  }
0x2a: {  	[spmem:s6] =	stream.linear.scatter [tilespmem:s28], [sflag:$0x3], $0x1A00, $0x38;
	[tilespmem:$0x1F3C0] =	vst v63  }
0x2b: {  	_ =	swait.ge [sflag:s29], $0x1A00  }
0x2c: {  	[sflag:s29] =	ssyncset.done $0x0  }
0x2d: {  	[sflag:s29] =	ssyncadd.s32 $0xFFFFE600  }
0x2e: {  	[spmem:s7] =	stream.linear.scatter [tilespmem:s28], [sflag:$0x3], $0x1A00, $0x38;
	[tilespmem:$0x1F3C0] =	vst v63  }
0x2f: {  	_ =	swait.ge [sflag:s29], $0x1A00  }
0x30: {  	[sflag:s29] =	ssyncset.done $0x0  }
0x31: {  	[sflag:s29] =	ssyncadd.s32 $0xFFFFE600  }
0x32: {  	[spmem:s8] =	stream.linear.scatter [tilespmem:s28], [sflag:$0x3], $0x1A00, $0x38;
	[tilespmem:$0x1F3C0] =	vst v63  }
0x33: {  	_ =	swait.ge [sflag:s29], $0x1A00  }
0x34: {  	[sflag:s29] =	ssyncset.done $0x0  }
0x35: {  	[sflag:s29] =	ssyncadd.s32 $0xFFFFE600  }
0x36: {  	[spmem:s9] =	stream.linear.scatter [tilespmem:s28], [sflag:$0x3], $0x1A00, $0x38;
	[tilespmem:$0x1F3C0] =	vst v63  }
0x37: {  	_ =	swait.ge [sflag:s29], $0x1A00  }
0x38: {  	[sflag:s29] =	ssyncset.done $0x0  }
0x39: {  	[sflag:s29] =	ssyncadd.s32 $0xFFFFE600  }
0x3a: {  	[spmem:s10] =	stream.linear.scatter [tilespmem:s28], [sflag:$0x3], $0x1A00, $0x38;
	[tilespmem:$0x1F3C0] =	vst v63  }
0x3b: {  	_ =	swait.ge [sflag:s29], $0x1A00  }
0x3c: {  	[sflag:s29] =	ssyncset.done $0x0  }
0x3d: {  	[sflag:s29] =	ssyncadd.s32 $0xFFFFE600  }
0x3e: {  	[spmem:s11] =	stream.linear.scatter [tilespmem:s28], [sflag:$0x3], $0x1A00, $0x38;
	[tilespmem:$0x1F3C0] =	vst v63  }
0x3f: {  	_ =	swait.ge [sflag:s29], $0x1A00  }
0x40: {  	[sflag:s29] =	ssyncset.done $0x0  }
0x41: {  	s15 =	simm.s32 @!p0 $0x13D80;
	[sflag:s29] =	ssyncadd.s32 $0xFFFFE600  }
0x42: {  	[spmem:s26] =	stream.linear.scatter @!p0 [tilespmem:s15], [sflag:$0x3], $0x400, $0x38;
	[tilespmem:$0x1F3C0] =	vst v63  }
0x43: {  	s15 =	simm.s32 @!p0 $0x3  }
0x44: {  	_ =	swait.ge @!p0 [sflag:s15], $0x400  }
0x45: {  	[sflag:s15] =	ssyncset.done @!p0 $0x0;
	s20 =	rddreg [dreg:$0x5]  }
0x46: {  	[sflag:s15] =	ssyncadd.s32 @!p0 $0xFFFFFC00;
	s15 =	sadd.s32 s20, s13  }
0x47: {  	[tilespmem:s2], [sflag:$0x3] =	stream.linear.gather [hbm4b:s15+s2], $0x4D80, $0x38;
	[tilespmem:$0x1F3C0] =	vst v63  }
0x48: {  	_ =	swait.ge [sflag:s29], $0x4D80  }
0x49: {  	[sflag:s29] =	ssyncset.done $0x0  }
0x4a: {  	s22 =	simm.s32 $0x4EC0;
	s21 =	rddreg [dreg:$0xd];
	[sflag:s29] =	ssyncadd.s32 $0xFFFFB280  }
0x4b: {  	[tilespmem:s22], [sflag:$0x3] =	stream.linear.gather [hbm4b:s21+s2], $0x4D80, $0x38;
	[tilespmem:$0x1F3C0] =	vst v63  }
0x4c: {  	_ =	swait.ge [sflag:s29], $0x4D80  }
0x4d: {  	s19 =	simm.s32 @!p1 $0x0;
	[sflag:s29] =	ssyncset.done $0x0;
	s15 =	rddreg [dreg:$0x6]  }
0x4e: {  	s20 =	simm.s32 @!p1 $0x4D80;
	[sflag:s29] =	ssyncadd.s32 $0xFFFFB280;
	s15 =	sadd.s32 @!p1 s15, s13  }
0x4f: {  	[tilespmem:s20], [sflag:$0x3] =	stream.linear.gather @!p1 [hbm4b:s15+s19], $0x140, $0x38;
	[tilespmem:$0x1F3C0] =	vst v63  }
0x50: {  	s15 =	simm.s32 @!p1 $0x3  }
0x51: {  	_ =	swait.ge @!p1 [sflag:s15], $0x140  }
0x52: {  	[sflag:s15] =	ssyncset.done @!p1 $0x0  }
0x53: {  	s20 =	simm.s32 @!p1 $0x9C40;
	s21 =	rddreg [dreg:$0xe];
	[sflag:s15] =	ssyncadd.s32 @!p1 $0xFFFFFEC0  }
0x54: {  	[tilespmem:s20], [sflag:$0x3] =	stream.linear.gather @!p1 [hbm4b:s21+s19], $0x140, $0x38;
	[tilespmem:$0x1F3C0] =	vst v63  }
0x55: {  	_ =	swait.ge @!p1 [sflag:s15], $0x140  }
0x56: {  	[sflag:s15] =	ssyncset.done @!p1 $0x0  }
0x57: {  	[sflag:s15] =	ssyncadd.s32 @!p1 $0xFFFFFEC0  }
0x58: {  	[bflag:$0x0] =	sbarrier.arrive $0xFFFF  }
0x59: {  	[tilespmem:s0], [sflag:$0x1] =	stream.indirect.gather [hbm4b:s4+s31], $0x40, s2, s31, $0xb8;
	[tilespmem:$0x1F3C0] =	vst v63  }
0x5a: {  	_ =	swait.ge [sflag:s3], $0x5000  }
0x5b: {  	[sflag:s3] =	ssyncset.done $0x0  }
0x5c: {  	[sflag:s3] =	ssyncadd.s32 $0xFFFFB000  }
0x5d: {  	[spmem:s1] =	stream.indirect.scatter.add.f32 [tilespmem:s0], [sflag:$0x2], $0x40, s22, s31, $0xb8;
	[tilespmem:$0x1F3C0] =	vst v63  }
0x5e: {  	_ = 	snop  }
0x5f: {  	[tilespmem:s5], [sflag:$0x1] =	stream.indirect.gather [hbm4b:s4+s31], $0x40, s31, s31, $0xb8;
	[tilespmem:$0x1F3C0] =	vst v63  }
0x60: {  	_ =	swait.ge [sflag:s3], $0x5000  }
0x61: {  	[sflag:s3] =	ssyncset.done $0x0  }
0x62: {  	s22 =	simm.s32 $0x5000;
	[sflag:s3] =	ssyncadd.s32 $0xFFFFB000  }
0x63: {  	[spmem:s1] =	stream.indirect.scatter.add.f32 [tilespmem:s5], [sflag:$0x2], $0x40, s22, s31, $0xb8;
	[tilespmem:$0x1F3C0] =	vst v63  }
0x64: {  	_ =	swait.ge [sflag:s16], $0x5000  }
0x65: {  	[sflag:s16] =	ssyncset.done $0x0  }
0x66: {  	s23 =	simm.s32 $0x280;
	[sflag:s16] =	ssyncadd.s32 $0xFFFFB000  }
0x67: {  	[tilespmem:s0], [sflag:$0x1] =	stream.indirect.gather [hbm4b:s4+s31], $0x40, s23, s31, $0xb8;
	[tilespmem:$0x1F3C0] =	vst v63  }
0x68: {  	_ =	swait.ge [sflag:s3], $0x5000  }
0x69: {  	[sflag:s3] =	ssyncset.done $0x0  }
0x6a: {  	s24 =	simm.s32 $0x5140;
	[sflag:s3] =	ssyncadd.s32 $0xFFFFB000  }
0x6b: {  	[spmem:s1] =	stream.indirect.scatter.add.f32 [tilespmem:s0], [sflag:$0x2], $0x40, s24, s31, $0xb8;
	[tilespmem:$0x1F3C0] =	vst v63  }
0x6c: {  	_ =	swait.ge [sflag:s16], $0x5000  }
0x6d: {  	[sflag:s16] =	ssyncset.done $0x0  }
0x6e: {  	s25 =	simm.s32 $0x3C0;
	[sflag:s16] =	ssyncadd.s32 $0xFFFFB000  }
0x6f: {  	[tilespmem:s5], [sflag:$0x1] =	stream.indirect.gather [hbm4b:s4+s31], $0x40, s25, s31, $0xb8;
	[tilespmem:$0x1F3C0] =	vst v63  }
0x70: {  	_ =	swait.ge [sflag:s3], $0x5000  }
0x71: {  	s30 =	simm.s32 $0x5280;
	[sflag:s3] =	ssyncset.done $0x0  }
0x72: {  	p3 =	sle.u32 s12, $0x4;
	s19 =	simm.s32 $0x5500;
	[sflag:s3] =	ssyncadd.s32 $0xFFFFB000  }
0x73: {  	[spmem:s1] =	stream.indirect.scatter.add.f32 [tilespmem:s5], [sflag:$0x2], $0x40, s30, s31, $0xb8;
	[tilespmem:$0x1F3C0] =	vst v63  }
0x74: {  	s21 =	simm.s32 $0x640;
	s15 =	simm.s32 $0x6;
	_ =	swait.ge [sflag:s16], $0x5000  }
0x75: {  	s22 =	simm.s32 @!p3 $0x500;
	s23 =	simm.s32 @!p3 $0x140;
	[sflag:s16] =	ssyncset.done $0x0  }
.LBB2_2:
0x76: {  	s20 =	smov.u32 s19  }
0x77: {  	s24 =	simm.s32 @!p3 $0x9D80;
	s25 =	smov.u32 s15;
	s15 =	sadd.s32 $0x2, s15  }
0x78: {  	s30 =	smov.u32 s19;
	s2 =	smov.u32 s21;
	[sflag:s16] =	ssyncadd.s32 $0xFFFFB000  }
0x79: {  	[tilespmem:s24], [sflag:$0x1] =	stream.indirect.gather @!p3 [hbm4b:s4+s23], $0x40, s22, s23, $0xb8;
	[tilespmem:$0x1F3C0] =	vst v63  }
0x7a: {  	p2 =	sne.s32 s15, $0x40;
	_ =	swait.ge [sflag:s3], $0x5000  }
0x7b: {  	s22 =	sadd.s32 $0xFFFFFEC0, s19;
	[sflag:s3] =	ssyncset.done $0x0  }
0x7c: {  	[sflag:s3] =	ssyncadd.s32 $0xFFFFB000  }
0x7d: {  	[spmem:s1] =	stream.indirect.scatter.add.f32 [tilespmem:s0], [sflag:$0x2], $0x40, s22, s31, $0xb8;
	[tilespmem:$0x1F3C0] =	vst v63  }
0x7e: {  	_ =	swait.ge [sflag:s16], $0x5000  }
0x7f: {  	[sflag:s16] =	ssyncset.done $0x0  }
0x80: {  	[sflag:s16] =	ssyncadd.s32 $0xFFFFB000  }
0x81: {  	[tilespmem:s5], [sflag:$0x1] =	stream.indirect.gather [hbm4b:s4+s31], $0x40, s21, s31, $0xb8;
	[tilespmem:$0x1F3C0] =	vst v63  }
0x82: {  	_ =	swait.ge [sflag:s3], $0x5000  }
.Ltmp0:
0x83: {  	[sflag:s3] =	ssyncset.done $0x0;
	(pc) =	sbr.rel @p2 .LBB2_2-.Ltmp0, $4  }
0x84: {  	s19 =	sadd.s32 $0x280, s19;
	[sflag:s3] =	ssyncadd.s32 $0xFFFFB000  }
0x85: {  	[spmem:s1] =	stream.indirect.scatter.add.f32 [tilespmem:s5], [sflag:$0x2], $0x40, s30, s31, $0xb8;
	[tilespmem:$0x1F3C0] =	vst v63  }
0x86: {  	p3 =	sge.u32 s25, s12;
	s21 =	sadd.s32 $0x280, s21;
	_ =	swait.ge [sflag:s16], $0x5000  }
0x87: {  	s23 =	simm.s32 @!p3 $0x140;
	s22 =	sadd.s32 @!p3 $0x140, s2;
	[sflag:s16] =	ssyncset.done $0x0  }
0x88: {  	[sflag:s16] =	ssyncadd.s32 $0xFFFFB000;
	s2 =	simm.s32 @!p3 $0x9D80  }
0x89: {  	[tilespmem:s2], [sflag:$0x1] =	stream.indirect.gather @!p3 [hbm4b:s4+s23], $0x40, s22, s23, $0xb8;
	[tilespmem:$0x1F3C0] =	vst v63  }
0x8a: {  	s2 =	simm.s32 @p1 $0x2  }
0x8b: {  	_ =	swait.ge @p1 [sflag:s2], $0x5000  }
0x8c: {  	[sflag:s2] =	ssyncset.done @p1 $0x0  }
0x8d: {  	[sflag:s2] =	ssyncadd.s32 @p1 $0xFFFFB000;
	s2 =	simm.s32 @!p1 $0x1  }
0x8e: {  	_ =	swait.ge @!p1 [sflag:s2], $0x5000  }
0x8f: {  	s15 =	simm.s32 @!p1 $0x140;
	[sflag:s2] =	ssyncset.done @!p1 $0x0  }
0x90: {  	s19 =	simm.s32 @!p1 $0x9D80;
	[sflag:s2] =	ssyncadd.s32 @!p1 $0xFFFFB000;
	s2 =	sadd.s32 @!p1 $0x140, s20  }
0x91: {  	[spmem:s1] =	stream.indirect.scatter.add.f32 @!p1 [tilespmem:s19], [sflag:$0x2], $0x40, s2, s15, $0xb8;
	[tilespmem:$0x1F3C0] =	vst v63  }
0x92: {  	s2 =	simm.s32 @!p1 $0x2  }
0x93: {  	_ =	swait.ge @!p1 [sflag:s2], $0x5000  }
0x94: {  	[sflag:s2] =	ssyncset.done @!p1 $0x0  }
0x95: {  	[sflag:s2] =	ssyncadd.s32 @!p1 $0xFFFFB000  }
0x96: {  	_ =	swait.ge @!p1 [sflag:s2], $0x5000  }
0x97: {  	[sflag:s2] =	ssyncset.done @!p1 $0x0  }
0x98: {  	[sflag:s2] =	ssyncadd.s32 @!p1 $0xFFFFB000  }
0x99: {  	[bflag:$0x0] =	sbarrier.arrive $0xFFFF  }
0x9a: {  	[tilespmem:s28], [sflag:$0x3] =	stream.linear.gather [spmem:s6], $0x1A00, $0x38;
	[tilespmem:$0x1F3C0] =	vst v63  }
0x9b: {  	_ =	swait.ge [sflag:s29], $0x1A00  }
0x9c: {  	[sflag:s29] =	ssyncset.done $0x0  }
0x9d: {  	s20 =	rddreg [dreg:$0x7];
	[sflag:s29] =	ssyncadd.s32 $0xFFFFE600  }
0x9e: {  	[hbm4b:s20+s17] =	stream.strided.scatter [tilespmem:s28], [sflag:$0x3], $0x1A00, s18, s17, $0x38;
	[tilespmem:$0x1F3C0] =	vst v63  }
0x9f: {  	_ =	swait.ge [sflag:s29], $0x1A00  }
0xa0: {  	[sflag:s29] =	ssyncset.done $0x0  }
0xa1: {  	[sflag:s29] =	ssyncadd.s32 $0xFFFFE600  }
0xa2: {  	[tilespmem:s28], [sflag:$0x3] =	stream.linear.gather [spmem:s7], $0x1A00, $0x38;
	[tilespmem:$0x1F3C0] =	vst v63  }
0xa3: {  	_ =	swait.ge [sflag:s29], $0x1A00  }
0xa4: {  	[sflag:s29] =	ssyncset.done $0x0  }
0xa5: {  	s21 =	rddreg [dreg:$0x8];
	[sflag:s29] =	ssyncadd.s32 $0xFFFFE600  }
0xa6: {  	[hbm4b:s21+s17] =	stream.strided.scatter [tilespmem:s28], [sflag:$0x3], $0x1A00, s18, s17, $0x38;
	[tilespmem:$0x1F3C0] =	vst v63  }
0xa7: {  	_ =	swait.ge [sflag:s29], $0x1A00  }
0xa8: {  	[sflag:s29] =	ssyncset.done $0x0  }
0xa9: {  	[sflag:s29] =	ssyncadd.s32 $0xFFFFE600  }
0xaa: {  	[tilespmem:s28], [sflag:$0x3] =	stream.linear.gather [spmem:s8], $0x1A00, $0x38;
	[tilespmem:$0x1F3C0] =	vst v63  }
0xab: {  	_ =	swait.ge [sflag:s29], $0x1A00  }
0xac: {  	[sflag:s29] =	ssyncset.done $0x0  }
0xad: {  	s22 =	rddreg [dreg:$0x9];
	[sflag:s29] =	ssyncadd.s32 $0xFFFFE600  }
0xae: {  	[hbm4b:s22+s17] =	stream.strided.scatter [tilespmem:s28], [sflag:$0x3], $0x1A00, s18, s17, $0x38;
	[tilespmem:$0x1F3C0] =	vst v63  }
0xaf: {  	_ =	swait.ge [sflag:s29], $0x1A00  }
0xb0: {  	[sflag:s29] =	ssyncset.done $0x0  }
0xb1: {  	[sflag:s29] =	ssyncadd.s32 $0xFFFFE600  }
0xb2: {  	[tilespmem:s28], [sflag:$0x3] =	stream.linear.gather [spmem:s9], $0x1A00, $0x38;
	[tilespmem:$0x1F3C0] =	vst v63  }
0xb3: {  	_ =	swait.ge [sflag:s29], $0x1A00  }
0xb4: {  	[sflag:s29] =	ssyncset.done $0x0  }
0xb5: {  	s23 =	rddreg [dreg:$0xa];
	[sflag:s29] =	ssyncadd.s32 $0xFFFFE600  }
0xb6: {  	[hbm4b:s23+s17] =	stream.strided.scatter [tilespmem:s28], [sflag:$0x3], $0x1A00, s18, s17, $0x38;
	[tilespmem:$0x1F3C0] =	vst v63  }
0xb7: {  	_ =	swait.ge [sflag:s29], $0x1A00  }
0xb8: {  	[sflag:s29] =	ssyncset.done $0x0  }
0xb9: {  	[sflag:s29] =	ssyncadd.s32 $0xFFFFE600  }
0xba: {  	[tilespmem:s28], [sflag:$0x3] =	stream.linear.gather [spmem:s10], $0x1A00, $0x38;
	[tilespmem:$0x1F3C0] =	vst v63  }
0xbb: {  	_ =	swait.ge [sflag:s29], $0x1A00  }
0xbc: {  	[sflag:s29] =	ssyncset.done $0x0  }
0xbd: {  	s24 =	rddreg [dreg:$0xb];
	[sflag:s29] =	ssyncadd.s32 $0xFFFFE600  }
0xbe: {  	[hbm4b:s24+s17] =	stream.strided.scatter [tilespmem:s28], [sflag:$0x3], $0x1A00, s18, s17, $0x38;
	[tilespmem:$0x1F3C0] =	vst v63  }
0xbf: {  	_ =	swait.ge [sflag:s29], $0x1A00  }
0xc0: {  	[sflag:s29] =	ssyncset.done $0x0  }
0xc1: {  	[sflag:s29] =	ssyncadd.s32 $0xFFFFE600  }
0xc2: {  	[tilespmem:s28], [sflag:$0x3] =	stream.linear.gather [spmem:s11], $0x1A00, $0x38;
	[tilespmem:$0x1F3C0] =	vst v63  }
0xc3: {  	_ =	swait.ge [sflag:s29], $0x1A00  }
0xc4: {  	[sflag:s29] =	ssyncset.done $0x0  }
0xc5: {  	s25 =	rddreg [dreg:$0xc];
	[sflag:s29] =	ssyncadd.s32 $0xFFFFE600  }
0xc6: {  	[hbm4b:s25+s17] =	stream.strided.scatter [tilespmem:s28], [sflag:$0x3], $0x1A00, s18, s17, $0x38;
	[tilespmem:$0x1F3C0] =	vst v63  }
0xc7: {  	_ =	swait.ge [sflag:s29], $0x1A00  }
0xc8: {  	[sflag:s29] =	ssyncset.done $0x0  }
0xc9: {  	s15 =	simm.s32 @!p0 $0x3;
	s2 =	simm.s32 @!p0 $0x9D80;
	[sflag:s29] =	ssyncadd.s32 $0xFFFFE600  }
0xca: {  	[tilespmem:s2], [sflag:$0x3] =	stream.linear.gather @!p0 [spmem:s26], $0x400, $0x38;
	[tilespmem:$0x1F3C0] =	vst v63  }
0xcb: {  	_ =	swait.ge @!p0 [sflag:s15], $0x400  }
0xcc: {  	s19 =	simm.s32 @!p0 $0x40;
	[sflag:s15] =	ssyncset.done @!p0 $0x0  }
0xcd: {  	s20 =	simm.s32 @!p0 $0x80;
	s21 =	rddreg [dreg:$0xf];
	[sflag:s15] =	ssyncadd.s32 @!p0 $0xFFFFFC00  }
0xce: {  	[hbm4b:s21+s19] =	stream.strided.scatter @!p0 [tilespmem:s2], [sflag:$0x3], $0x400, s20, s19, $0x38;
	[tilespmem:$0x1F3C0] =	vst v63  }
0xcf: {  	_ =	swait.ge @!p0 [sflag:s15], $0x400  }
0xd0: {  	s14 =	sadd.s32 $0x1, s14;
	s30 =	rddreg [dreg:$0x10]  }
0xd1: {  	p2 =	sne.s32 s14, s30  }
.Ltmp1:
0xd2: {  	_ = 	snop;
	(pc) =	sbr.rel @p2 .LBB2_1-.Ltmp1, $3  }
0xd3: {  	_ =	sdelay $0x1  }
0xd4: {  	[sflag:s15] =	ssyncset.done @!p0 $0x0  }
0xd5: {  	[sflag:s15] =	ssyncadd.s32 @!p0 $0xFFFFFC00  }
0xd6: {  	_ =	sfence.sel $0x180000  }
0xd7: {  	[bflag:$0x0] =	sbarrier.arrive $0xFFFF  }
0xd8: {  	_ =	strace $0x9000004D  }
0xd9: {  	s0 =	stileid.u32;
	[bflag:$0x2] =	sbarrier.arrive $0xFFFF  }
0xda: {  	p0 =	sne.s32 s0, $0x0;
	s0 =	rddreg [dreg:$0x3]  }
0xdb: {  	s0 =	sadd.s32 @!p0 $0x100000, s0  }
0xdc: {  	[sflag:s0] =	ssyncadd.tile.s32 @!p0 $0x1;
	_ =	shalt  }
.Lfunc_end2:
_tile_overlayer_lowered:
.L_overlay_start_2:
0xdd: {  	(tag) =	ssettag $0x2  }
0xde: {  	s0 =	rddreg [dreg:$0x0];
	s2 =	stileid.u32  }
0xdf: {  	s1 =	rddreg [dreg:$0x1];
	p0 =	sne.s32 s2, $0x0  }
0xe0: {  	s3 =	rddreg [dreg:$0x2];
	[bflag:$0x3] =	sbarrier.arrive $0xFFFF;
	s2 =	simm.s32 @!p0 $0x1C03  }
0xe1: {  	[timem:s3], [sflag:s2] =	dma.local @!p0 [hbm:s0], s1  }
0xe2: {  	s0 =	simm.s32 @!p0 $0x3  }
0xe3: {  	_ =	swait.ge @!p0 [sflag:s0], s1  }
0xe4: {  	s1 =	ssub.s32 @!p0 $0x0, s1;
	[sflag:s0] =	ssyncset.done @!p0 $0x0  }
0xe5: {  	[sflag:s0] =	ssyncadd.s32 @!p0 s1  }
0xe6: {  	[bflag:$0x3] =	sbarrier.arrive $0xFFFF  }
0xe7: {  	_ =	shalt  }

// kernel: kernel.19.cloned.1.call-start
scs
__scs_entry_jumppad:
0x0: {  	(pc) =	sbr.rel $0x88, $3  }
0x1: {  	(tag) =	ssettag $0x0;
	lr =	simm.s32 $0x1  }
0x2: {  	[smem:$0x3F97] =	sst lr;
	_ =	strace $0xD0000000  }
0x3: {  	_ = 	snop  }
0x4: {  	_ = 	snop  }
0x5: {  	_ = 	snop  }
0x6: {  	_ = 	snop  }
0x7: {  	_ = 	snop  }
__scs_overlays_trampoline_lowered:
0x8: {  	[smem:$0x3FA6] =	sst s0  }
0x9: {  	[smem:$0x3FA7] =	sst s1  }
0xa: {  	[smem:$0x3FA8] =	sst s2  }
0xb: {  	[smem:$0x3FA9] =	sst s3  }
0xc: {  	[smem:$0x3FAA] =	sst s4  }
0xd: {  	[smem:$0x3FAB] =	sst s5  }
0xe: {  	[smem:$0x3FAC] =	sst s6  }
0xf: {  	[smem:$0x3FAD] =	sst s7  }
0x10: {  	[smem:$0x3FAE] =	sst s8  }
0x11: {  	[smem:$0x3FAF] =	sst s9;
	s0 =	simm.s32 @!p0 $0x0  }
0x12: {  	s1 =	sld [smem:$0x3F95];
	s0 =	simm.s32 @p0 $0x1  }
0x13: {  	[smem:$0x3FB0] =	sst s0;
	s0 =	simm.s32 @!p1 $0x0  }
0x14: {  	s2 =	sld [smem:$0x3F94];
	s0 =	simm.s32 @p1 $0x1  }
0x15: {  	[smem:$0x3FB1] =	sst s0;
	s0 =	simm.s32 @!p2 $0x0  }
0x16: {  	s3 =	sld [smem:$0x3FDB];
	s0 =	simm.s32 @p2 $0x1  }
0x17: {  	s4 =	simm.s32 $0x1BF5;
	[smem:$0x3FB3] =	sst s0  }
0x18: {  	s0 =	sld [smem:$0x3F96];
	_ =	swait.ge [sflag:s4], $0x0  }
0x19: {  	s7 =	sld [smem:$0x3F97]  }
0x1a: {  	s8 =	sadd.s32 $0xFFFFE003, lr  }
0x1b: {  	s9 =	sadd.s32 $0xFFFFFEF7, lr;
	s5 =	simm.s32 $0xFFFFFFFF;
	p2 =	slt.u32 s8, $0xFFFFF086  }
0x1c: {  	p1 =	slt.u32 s9, $0xF7A;
	s5 =	simm.s32 @!p2 $0x0  }
0x1d: {  	s5 =	simm.s32 @p1 $0x1;
	p0 =	seq.s32 s7, s2  }
0x1e: {  	s7 =	smul.u32 @!p0 $0xF7A, s2;
	p2 =	seq.s32 @!p0 s5, $0x0  }
0x1f: {  	s9 =	smul.u32 $0xF7A, s1;
	s8 =	simm.s32 @!p0 $0x1BF5;
	p2 =	por !p2, p0  }
0x20: {  	[sflag:s8] =	ssyncset.s32 @!p0 $0xFFFFF086;
	s6 =	sadd.s32 @!p0 s3, s7;
	s7 =	simm.s32 @!p0 $0x108  }
0x21: {  	s3 =	sadd.s32 s3, s9;
	s6 =	sadd.s32 @!p0 $0x88, s6;
	s7 =	simm.s32 @p2 $0x1082  }
0x22: {  	[simem:s7], [sflag:s8] =	dma.local @!p0 [hbm:s6], $0xF7A  }
0x23: {  	s9 =	sor.u32 $0xD0000000, s2;
	s6 =	simm.s32 $0x108;
	_ =	swait.ge @!p0 [sflag:s8], $0x0  }
0x24: {  	s3 =	sadd.s32 $0x88, s3;
	s6 =	simm.s32 @!p1 $0x1082;
	[sflag:s4] =	ssyncset.s32 $0xFFFFF086  }
0x25: {  	[simem:s6], [sflag:s4] =	dma.local [hbm:s3], $0xF7A  }
0x26: {  	[smem:$0x3F97] =	sst s1;
	(tag) =	ssettag s2;
	_ =	strace s9  }
0x27: {  	s1 =	sld [smem:$0x3FA7]  }
0x28: {  	s2 =	sld [smem:$0x3FA8]  }
0x29: {  	s4 =	sld [smem:$0x3FAA]  }
0x2a: {  	p0 =	seq.s32 s5, $0x0;
	s5 =	sld [smem:$0x3FAB]  }
0x2b: {  	s6 =	sld [smem:$0x3FAC]  }
0x2c: {  	s7 =	sld [smem:$0x3FAD]  }
0x2d: {  	s3 =	simm.s32 $0x108;
	s8 =	sld [smem:$0x3FAE]  }
0x2e: {  	s3 =	simm.s32 @!p0 $0x1082;
	s9 =	sld [smem:$0x3FAF]  }
0x2f: {  	lr =	sadd.s32 s0, s3;
	s0 =	sld [smem:$0x3FA6]  }
0x30: {  	s3 =	sld [smem:$0x3FA9]  }
0x31: {  	[smem:$0x3FB2] =	sst s10  }
0x32: {  	s10 =	sld [smem:$0x3FB0];
	_ =	sdelay $0x3  }
0x33: {  	p0 =	seq.s32 s10, $0x1;
	s10 =	sld [smem:$0x3FB2];
	_ =	sdelay $0x3  }
0x34: {  	[smem:$0x3FB2] =	sst s10  }
0x35: {  	s10 =	sld [smem:$0x3FB1];
	_ =	sdelay $0x3  }
0x36: {  	p1 =	seq.s32 s10, $0x1;
	s10 =	sld [smem:$0x3FB2];
	_ =	sdelay $0x3  }
0x37: {  	[smem:$0x3FB2] =	sst s10  }
0x38: {  	s10 =	sld [smem:$0x3FB3]  }
0x39: {  	_ = 	snop;
	(pc) =	sbr.ind lr, $3  }
0x3a: {  	_ = 	snop  }
0x3b: {  	_ = 	snop  }
0x3c: {  	p2 =	seq.s32 s10, $0x1;
	s10 =	sld [smem:$0x3FB2]  }
0x3d: {  	_ =	shalt  }
0x3e: {  	_ =	shalt  }
0x3f: {  	_ =	shalt  }
0x40: {  	_ =	shalt  }
0x41: {  	_ =	shalt  }
0x42: {  	_ =	shalt  }
0x43: {  	_ =	shalt  }
0x44: {  	_ =	shalt  }
0x45: {  	_ =	shalt  }
0x46: {  	_ =	shalt  }
0x47: {  	_ =	shalt  }
0x48: {  	_ =	shalt  }
0x49: {  	_ =	shalt  }
0x4a: {  	_ =	shalt  }
0x4b: {  	_ =	shalt  }
0x4c: {  	_ =	shalt  }
0x4d: {  	_ =	shalt  }
0x4e: {  	_ =	shalt  }
0x4f: {  	_ =	shalt  }
0x50: {  	_ =	shalt  }
0x51: {  	_ =	shalt  }
0x52: {  	_ =	shalt  }
0x53: {  	_ =	shalt  }
0x54: {  	_ =	shalt  }
0x55: {  	_ =	shalt  }
0x56: {  	_ =	shalt  }
0x57: {  	_ =	shalt  }
0x58: {  	_ =	shalt  }
0x59: {  	_ =	shalt  }
0x5a: {  	_ =	shalt  }
0x5b: {  	_ =	shalt  }
0x5c: {  	_ =	shalt  }
0x5d: {  	_ =	shalt  }
0x5e: {  	_ =	shalt  }
0x5f: {  	_ =	shalt  }
0x60: {  	_ =	shalt  }
0x61: {  	_ =	shalt  }
0x62: {  	_ =	shalt  }
0x63: {  	_ =	shalt  }
0x64: {  	_ =	shalt  }
0x65: {  	_ =	shalt  }
0x66: {  	_ =	shalt  }
0x67: {  	_ =	shalt  }
0x68: {  	_ =	shalt  }
0x69: {  	_ =	shalt  }
0x6a: {  	_ =	shalt  }
0x6b: {  	_ =	shalt  }
0x6c: {  	_ =	shalt  }
0x6d: {  	_ =	shalt  }
0x6e: {  	_ =	shalt  }
0x6f: {  	_ =	shalt  }
0x70: {  	_ =	shalt  }
0x71: {  	_ =	shalt  }
0x72: {  	_ =	shalt  }
0x73: {  	_ =	shalt  }
0x74: {  	_ =	shalt  }
0x75: {  	_ =	shalt  }
0x76: {  	_ =	shalt  }
0x77: {  	_ =	shalt  }
0x78: {  	_ =	shalt  }
0x79: {  	_ =	shalt  }
0x7a: {  	_ =	shalt  }
0x7b: {  	_ =	shalt  }
0x7c: {  	_ =	shalt  }
0x7d: {  	_ =	shalt  }
0x7e: {  	_ =	shalt  }
0x7f: {  	_ =	shalt  }
0x80: {  	_ =	shalt  }
0x81: {  	_ =	shalt  }
0x82: {  	_ =	shalt  }
0x83: {  	_ =	shalt  }
0x84: {  	_ =	shalt  }
0x85: {  	_ =	shalt  }
0x86: {  	_ =	shalt  }
0x87: {  	_ =	shalt  }
.Lfunc_end0:
.L_simem_size_0:
called_computation.3_lowered:
.L_overlay_start_0:
0x88: {  	s2 =	sld [smem:$0x3FD9]  }
0x89: {  	s3 =	sld [smem:$0x3FFE];
	_ =	sdelay $0x1  }
0x8a: {  	s1 =	srdreg.scid  }
0x8b: {  	s0 =	sand.u32 $0x1, s1  }
0x8c: {  	s17 =	sshll.u32 s0, $0xA;
	s2 =	sadd.s32 s3, s2  }
0x8d: {  	s2 =	sadd.s32 s2, s17  }
0x8e: {  	[smem:$0x3FBE] =	sst s2  }
0x8f: {  	_ = 	snop  }
0x90: {  	s2 =	sld [smem:$0x3FD0];
	(tm) =	ssettm $0x1  }
0x91: {  	s18 =	sld [smem:$0x3FFB];
	_ =	sdelay $0x3  }
0x92: {  	_ =	strace s18  }
0x93: {  	s3 =	sld [smem:$0x3FFC];
	_ =	sdelay $0x3  }
0x94: {  	_ =	strace s3  }
0x95: {  	s3 =	sld [smem:$0x3FFD];
	_ =	sdelay $0x3  }
0x96: {  	_ =	strace s3  }
0x97: {  	_ =	strace $0x8FFFFFFF  }
0x98: {  	s19 =	sld [smem:$0x3FDB];
	_ =	sdelay $0x1  }
0x99: {  	s4 =	simm.s32 $_scs_section_size  }
0x9a: {  	s5 =	simm.s32 $_size__tile_overlayer_lowered;
	s6 =	simm.s32 $_tile_overlayer_lowered  }
0x9b: {  	s22 =	simm.s32 $0x1BFF;
	s21 =	sshll.u32 s6, $0x1;
	s3 =	sadd.s32 s4, s19  }
0x9c: {  	s7 =	simm.s32 $0x0;
	s20 =	sshll.u32 s5, $0x1;
	s5 =	sadd.s32 s21, s3  }
0x9d: {  	[timem:s7], [sflag:s22] =	dma.local [hbm:s5], s20  }
0x9e: {  	_ =	swait.ge [sflag:s22], s20  }
0x9f: {  	s4 =	ssub.s32 $0x0, s20;
	[sflag:s22] =	ssyncset.done $0x0  }
0xa0: {  	[sflag:s22] =	ssyncadd.s32 s4;
	_ =	sdelay $0x1  }
0xa1: {  	s23 =	simm.s32 $0x1B8B  }
0xa2: {  	_ =	swait.ge [sflag:s23], $0x1  }
0xa3: {  	[sflag:s23] =	ssyncset.done $0x0  }
0xa4: {  	s25 =	simm.s32 $0x1B8E;
	s24 =	sld [smem:$0x3FFE];
	[sflag:s23] =	ssyncadd.s32 $0xFFFFFFFF  }
0xa5: {  	s26 =	simm.s32 $execute0_lowered;
	[smem:$0x3FD2] =	sst s25  }
0xa6: {  	s5 =	sshll.u32 s26, $0x1;
	_ =	strace $0x8000004F;
	[dreg:$0x1] =	wrdreg $0xFFFFFFFF  }
0xa7: {  	s28 =	simm.s32 $_size_execute0_lowered;
	s3 =	sadd.s32 s3, s5;
	[dreg:$0x0] =	wrdreg $0x0  }
0xa8: {  	s5 =	sshll.u32 s28, $0x1;
	[dreg:$0x2] =	wrdreg s3  }
0xa9: {  	[dreg:$0x3] =	wrdreg s5  }
0xaa: {  	[dreg:$0x4] =	wrdreg $0xC0  }
0xab: {  	_ =	task [dreg:s7], $0x5FFFF  }
0xac: {  	[dreg:$0x1] =	wrdreg $0xFFFFFFFF  }
0xad: {  	[dreg:$0x0] =	wrdreg $0x60  }
0xae: {  	[dreg:$0x2] =	wrdreg s24  }
0xaf: {  	[dreg:$0x3] =	wrdreg s2  }
0xb0: {  	[dreg:$0x4] =	wrdreg $0xFA800  }
0xb1: {  	[dreg:$0x5] =	wrdreg $0x9  }
0xb2: {  	_ =	task.clear_ibuf [dreg:s7], $0x6FFFF;
	_ =	strace $0x9000004F  }
0xb3: {  	s29 =	simm.s32 $0x9;
	_ =	strace $0x80000051  }
0xb4: {  	_ =	swait.ge [sflag:s29], $0x1  }
0xb5: {  	[sflag:s29] =	ssyncadd.s32 $0xFFFFFFFF  }
0xb6: {  	_ =	strace $0x90000051  }
0xb7: {  	_ =	sfence  }
0xb8: {  	s30 =	sld [smem:$0x0];
	_ =	sdelay $0x2  }
0xb9: {  	s31 =	sshll.u32 s1, $0xD;
	s1 =	sshrl.u32 s1, $0x2  }
0xba: {  	s3 =	sand.u32 $0x4000, s31;
	s1 =	sadd.s32 s1, s30  }
0xbb: {  	s0 =	sor.u32 s3, s0;
	s1 =	sshll.u32 s1, $0x11  }
0xbc: {  	s0 =	sor.u32 s1, s0  }
0xbd: {  	s0 =	sadd.s32 $0x8F2B, s0  }
0xbe: {  	[sflag:s0] =	ssyncadd.remote.s32 $0x1  }
0xbf: {  	_ =	sfence.sel $0xFFFF  }
0xc0: {  	[dreg:$0x0] =	wrdreg $0xFFFFFFFF;
	(pc) =	sbr.abs _section_cstart, $3  }
0xc1: {  	[dreg:$0x1] =	wrdreg $0xFFFFFFFF  }
0xc2: {  	_ =	task.clear_ibuf [dreg:s7], $0x2FFFF;
	_ =	strace $0x9FFFFFFF  }
0xc3: {  	(tm) =	ssettm $0x7FFFFFFF  }
tec
execute0_lowered:
.L_overlay_start_1:
0x0: {  	(tag) =	ssettag $0x1  }
0x1: {  	s5 =	rddreg [dreg:$0x0]  }
0x2: {  	s0 =	rddreg [dreg:$0x1]  }
0x3: {  	s1 =	rddreg [dreg:$0x2];
	s3 =	srdreg.scid;
	s2 =	simm.s32 $0x0  }
0x4: {  	s28 =	simm.s32 $0xED80;
	s3 =	sand.u32 $0x1, s3;
	[smem:$0x7FF] =	sst s2  }
0x5: {  	s29 =	simm.s32 $0x3;
	s2 =	stileid.u32;
	s6 =	smul.u32 $0x9C40, s3  }
0x6: {  	s31 =	simm.s32 $0x140;
	s4 =	sadd.s32 $0x2C00, s5;
	s22 =	smul.u32 $0x13800, s2  }
0x7: {  	s7 =	sadd.s32 $0x2B200, s5;
	_ =	strace $0x80000050;
	s10 =	smul.u32 $0x270, s2  }
0x8: {  	[dreg:$0x4] =	wrdreg s7;
	s23 =	ssub.s32 $0x2, s3;
	s19 =	smul.u32 $0x3E, s2  }
0x9: {  	s20 =	smin.u32 s2, $0x8;
	s30 =	smul.u32 $0x9C00, s2;
	p0 =	slt.u32 s2, $0x8  }
0xa: {  	p1 =	sgt.u32 s2, $0x7;
	s8 =	sshrl.u32 s23, $0x1;
	s13 =	sadd.s32 s6, s5  }
0xb: {  	s5 =	sadd.s32 $0x35000, s5;
	s6 =	sshrl.u32 s22, $0x2;
	s14 =	ssub.s32 s23, s8  }
0xc: {  	s12 =	sadd.s32 $0x68, s10;
	s15 =	sadd.s32 $0xD0, s10;
	s16 =	sadd.s32 $0x138, s10  }
0xd: {  	s17 =	sadd.s32 $0x1A0, s10;
	s18 =	sadd.s32 $0x208, s10;
	s19 =	sadd.s32 s20, s19  }
0xe: {  	s22 =	sshll.u32 s3, $0x5;
	s3 =	sshll.u32 s3, $0x2;
	s6 =	sadd.s32 s6, s1  }
0xf: {  	s24 =	sshll.u32 s12, $0x5;
	s25 =	sshll.u32 s15, $0x5;
	s9 =	sshll.u32 s16, $0x5  }
0x10: {  	s11 =	sshll.u32 s17, $0x5;
	s26 =	sshll.u32 s18, $0x5;
	s21 =	smul.u32 $0x140, s19  }
0x11: {  	s20 =	sor.u32 s22, s30;
	s12 =	sshll.u32 s12, $0x6;
	s15 =	sshll.u32 s15, $0x6  }
0x12: {  	s16 =	sshll.u32 s16, $0x6;
	s17 =	sshll.u32 s17, $0x6;
	s18 =	sshll.u32 s18, $0x6  }
0x13: {  	s13 =	sadd.s32 $0x17800, s13;
	s3 =	sadd.s32 s3, s5;
	s7 =	sadd.s32 s24, s1  }
0x14: {  	s8 =	sadd.s32 s25, s1;
	s9 =	sadd.s32 s9, s1;
	s10 =	sadd.s32 s11, s1  }
0x15: {  	s11 =	sadd.s32 s26, s1;
	s23 =	sor.u32 s22, s12;
	s15 =	sor.u32 s22, s15  }
0x16: {  	s16 =	sor.u32 s22, s16;
	s24 =	sor.u32 s22, s17;
	s17 =	sor.u32 s22, s18  }
0x17: {  	s12 =	simm.s32 $0x3F;
	s25 =	smul.u32 $0x28, s19;
	s26 =	sshrl.u32 s20, $0x3  }
0x18: {  	s18 =	simm.s32 $0x40;
	s12 =	simm.s32 @!p0 $0x3E;
	s19 =	sadd.s32 s5, s26  }
0x19: {  	s21 =	sshrl.u32 s21, $0x3;
	s30 =	sshrl.u32 s23, $0x3;
	[dreg:$0x7] =	wrdreg s19  }
0x1a: {  	s15 =	sshrl.u32 s15, $0x3;
	s26 =	sadd.s32 $0x13800, s3;
	[dreg:$0x5] =	wrdreg s25  }
0x1b: {  	s20 =	sshrl.u32 s24, $0x3;
	s19 =	sadd.s32 s5, s30;
	[dreg:$0xf] =	wrdreg s26  }
0x1c: {  	s23 =	sshrl.u32 s17, $0x3;
	s15 =	sadd.s32 s5, s15;
	[dreg:$0x8] =	wrdreg s19  }
0x1d: {  	p0 =	sne.s32 s2, $0xF;
	s24 =	sadd.s32 s5, s23;
	[dreg:$0x9] =	wrdreg s15  }
0x1e: {  	s3 =	simm.s32 $0x1;
	s25 =	sadd.s32 s0, s25;
	[dreg:$0xc] =	wrdreg s24  }
0x1f: {  	s17 =	simm.s32 $0x20;
	s21 =	sadd.s32 $0x9B0, s21;
	[dreg:$0xd] =	wrdreg s25  }
0x20: {  	s30 =	smax.u32 s14, $0x1;
	s26 =	sadd.s32 $0x4E000, s1;
	[dreg:$0x6] =	wrdreg s21  }
0x21: {  	s19 =	sshrl.u32 s16, $0x3;
	s0 =	sadd.s32 s0, s21;
	[dreg:$0x10] =	wrdreg s30  }
0x22: {  	s14 =	simm.s32 $0x0;
	s15 =	sadd.s32 s5, s19;
	[dreg:$0xe] =	wrdreg s0  }
0x23: {  	s16 =	simm.s32 $0x2;
	[dreg:$0xa] =	wrdreg s15;
	s15 =	sadd.s32 s5, s20  }
0x24: {  	s0 =	simm.s32 $0x9D80;
	s5 =	simm.s32 $0xC580;
	[dreg:$0xb] =	wrdreg s15  }
.LBB2_1:
0x25: {  	s2 =	simm.s32 $0x0;
	s15 =	rddreg [dreg:$0x4]  }
0x26: {  	[tilespmem:s28], [sflag:$0x3] =	stream.linear.gather [hbm4b:s15+s2], $0xD00, $0x38;
	[tilespmem:$0x148A0] =	vst v63  }
0x27: {  	_ =	swait.ge [sflag:s29], $0xD00  }
0x28: {  	[sflag:s29] =	ssyncset.done $0x0  }
0x29: {  	[sflag:s29] =	ssyncadd.s32 $0xFFFFF300  }
0x2a: {  	[spmem:s6] =	stream.linear.scatter [tilespmem:s28], [sflag:$0x3], $0xD00, $0x38;
	[tilespmem:$0x148A0] =	vst v63  }
0x2b: {  	_ =	swait.ge [sflag:s29], $0xD00  }
0x2c: {  	[sflag:s29] =	ssyncset.done $0x0  }
0x2d: {  	[sflag:s29] =	ssyncadd.s32 $0xFFFFF300  }
0x2e: {  	[spmem:s7] =	stream.linear.scatter [tilespmem:s28], [sflag:$0x3], $0xD00, $0x38;
	[tilespmem:$0x148A0] =	vst v63  }
0x2f: {  	_ =	swait.ge [sflag:s29], $0xD00  }
0x30: {  	[sflag:s29] =	ssyncset.done $0x0  }
0x31: {  	[sflag:s29] =	ssyncadd.s32 $0xFFFFF300  }
0x32: {  	[spmem:s8] =	stream.linear.scatter [tilespmem:s28], [sflag:$0x3], $0xD00, $0x38;
	[tilespmem:$0x148A0] =	vst v63  }
0x33: {  	_ =	swait.ge [sflag:s29], $0xD00  }
0x34: {  	[sflag:s29] =	ssyncset.done $0x0  }
0x35: {  	[sflag:s29] =	ssyncadd.s32 $0xFFFFF300  }
0x36: {  	[spmem:s9] =	stream.linear.scatter [tilespmem:s28], [sflag:$0x3], $0xD00, $0x38;
	[tilespmem:$0x148A0] =	vst v63  }
0x37: {  	_ =	swait.ge [sflag:s29], $0xD00  }
0x38: {  	[sflag:s29] =	ssyncset.done $0x0  }
0x39: {  	[sflag:s29] =	ssyncadd.s32 $0xFFFFF300  }
0x3a: {  	[spmem:s10] =	stream.linear.scatter [tilespmem:s28], [sflag:$0x3], $0xD00, $0x38;
	[tilespmem:$0x148A0] =	vst v63  }
0x3b: {  	_ =	swait.ge [sflag:s29], $0xD00  }
0x3c: {  	[sflag:s29] =	ssyncset.done $0x0  }
0x3d: {  	[sflag:s29] =	ssyncadd.s32 $0xFFFFF300  }
0x3e: {  	[spmem:s11] =	stream.linear.scatter [tilespmem:s28], [sflag:$0x3], $0xD00, $0x38;
	[tilespmem:$0x148A0] =	vst v63  }
0x3f: {  	_ =	swait.ge [sflag:s29], $0xD00  }
0x40: {  	[sflag:s29] =	ssyncset.done $0x0  }
0x41: {  	s15 =	simm.s32 @!p0 $0xED80;
	[sflag:s29] =	ssyncadd.s32 $0xFFFFF300  }
0x42: {  	[spmem:s26] =	stream.linear.scatter @!p0 [tilespmem:s15], [sflag:$0x3], $0x200, $0x38;
	[tilespmem:$0x148A0] =	vst v63  }
0x43: {  	s15 =	simm.s32 @!p0 $0x3  }
0x44: {  	_ =	swait.ge @!p0 [sflag:s15], $0x200  }
0x45: {  	[sflag:s15] =	ssyncset.done @!p0 $0x0;
	s20 =	rddreg [dreg:$0x5]  }
0x46: {  	[sflag:s15] =	ssyncadd.s32 @!p0 $0xFFFFFE00;
	s15 =	sadd.s32 s20, s13  }
0x47: {  	[tilespmem:s2], [sflag:$0x3] =	stream.linear.gather [hbm4b:s15+s2], $0x4D80, $0x38;
	[tilespmem:$0x148A0] =	vst v63  }
0x48: {  	_ =	swait.ge [sflag:s29], $0x4D80  }
0x49: {  	[sflag:s29] =	ssyncset.done $0x0  }
0x4a: {  	s22 =	simm.s32 $0x4EC0;
	s21 =	rddreg [dreg:$0xd];
	[sflag:s29] =	ssyncadd.s32 $0xFFFFB280  }
0x4b: {  	[tilespmem:s22], [sflag:$0x3] =	stream.linear.gather [hbm4b:s21+s2], $0x4D80, $0x38;
	[tilespmem:$0x148A0] =	vst v63  }
0x4c: {  	_ =	swait.ge [sflag:s29], $0x4D80  }
0x4d: {  	s19 =	simm.s32 @!p1 $0x0;
	[sflag:s29] =	ssyncset.done $0x0;
	s15 =	rddreg [dreg:$0x6]  }
0x4e: {  	s20 =	simm.s32 @!p1 $0x4D80;
	[sflag:s29] =	ssyncadd.s32 $0xFFFFB280;
	s15 =	sadd.s32 @!p1 s15, s13  }
0x4f: {  	[tilespmem:s20], [sflag:$0x3] =	stream.linear.gather @!p1 [hbm4b:s15+s19], $0x140, $0x38;
	[tilespmem:$0x148A0] =	vst v63  }
0x50: {  	s15 =	simm.s32 @!p1 $0x3  }
0x51: {  	_ =	swait.ge @!p1 [sflag:s15], $0x140  }
0x52: {  	[sflag:s15] =	ssyncset.done @!p1 $0x0  }
0x53: {  	s20 =	simm.s32 @!p1 $0x9C40;
	s21 =	rddreg [dreg:$0xe];
	[sflag:s15] =	ssyncadd.s32 @!p1 $0xFFFFFEC0  }
0x54: {  	[tilespmem:s20], [sflag:$0x3] =	stream.linear.gather @!p1 [hbm4b:s21+s19], $0x140, $0x38;
	[tilespmem:$0x148A0] =	vst v63  }
0x55: {  	_ =	swait.ge @!p1 [sflag:s15], $0x140  }
0x56: {  	[sflag:s15] =	ssyncset.done @!p1 $0x0  }
0x57: {  	[sflag:s15] =	ssyncadd.s32 @!p1 $0xFFFFFEC0  }
0x58: {  	[bflag:$0x0] =	sbarrier.arrive $0xFFFF  }
0x59: {  	[tilespmem:s0], [sflag:$0x1] =	stream.indirect.gather [hbm4b:s4+s31], $0x20, s2, s31, $0xb8;
	[tilespmem:$0x148A0] =	vst v63  }
0x5a: {  	_ =	swait.ge [sflag:s3], $0x2800  }
0x5b: {  	[sflag:s3] =	ssyncset.done $0x0  }
0x5c: {  	[sflag:s3] =	ssyncadd.s32 $0xFFFFD800  }
0x5d: {  	[spmem:s1] =	stream.indirect.scatter.add.f32 [tilespmem:s0], [sflag:$0x2], $0x20, s22, s31, $0xb8;
	[tilespmem:$0x148A0] =	vst v63  }
0x5e: {  	_ = 	snop  }
0x5f: {  	[tilespmem:s5], [sflag:$0x1] =	stream.indirect.gather [hbm4b:s4+s31], $0x20, s31, s31, $0xb8;
	[tilespmem:$0x148A0] =	vst v63  }
0x60: {  	_ =	swait.ge [sflag:s3], $0x2800  }
0x61: {  	[sflag:s3] =	ssyncset.done $0x0  }
0x62: {  	s22 =	simm.s32 $0x5000;
	[sflag:s3] =	ssyncadd.s32 $0xFFFFD800  }
0x63: {  	[spmem:s1] =	stream.indirect.scatter.add.f32 [tilespmem:s5], [sflag:$0x2], $0x20, s22, s31, $0xb8;
	[tilespmem:$0x148A0] =	vst v63  }
0x64: {  	_ =	swait.ge [sflag:s16], $0x2800  }
0x65: {  	[sflag:s16] =	ssyncset.done $0x0  }
0x66: {  	s23 =	simm.s32 $0x280;
	[sflag:s16] =	ssyncadd.s32 $0xFFFFD800  }
0x67: {  	[tilespmem:s0], [sflag:$0x1] =	stream.indirect.gather [hbm4b:s4+s31], $0x20, s23, s31, $0xb8;
	[tilespmem:$0x148A0] =	vst v63  }
0x68: {  	_ =	swait.ge [sflag:s3], $0x2800  }
0x69: {  	[sflag:s3] =	ssyncset.done $0x0  }
0x6a: {  	s24 =	simm.s32 $0x5140;
	[sflag:s3] =	ssyncadd.s32 $0xFFFFD800  }
0x6b: {  	[spmem:s1] =	stream.indirect.scatter.add.f32 [tilespmem:s0], [sflag:$0x2], $0x20, s24, s31, $0xb8;
	[tilespmem:$0x148A0] =	vst v63  }
0x6c: {  	_ =	swait.ge [sflag:s16], $0x2800  }
0x6d: {  	[sflag:s16] =	ssyncset.done $0x0  }
0x6e: {  	s25 =	simm.s32 $0x3C0;
	[sflag:s16] =	ssyncadd.s32 $0xFFFFD800  }
0x6f: {  	[tilespmem:s5], [sflag:$0x1] =	stream.indirect.gather [hbm4b:s4+s31], $0x20, s25, s31, $0xb8;
	[tilespmem:$0x148A0] =	vst v63  }
0x70: {  	_ =	swait.ge [sflag:s3], $0x2800  }
0x71: {  	s30 =	simm.s32 $0x5280;
	[sflag:s3] =	ssyncset.done $0x0  }
0x72: {  	p3 =	sle.u32 s12, $0x4;
	s19 =	simm.s32 $0x5500;
	[sflag:s3] =	ssyncadd.s32 $0xFFFFD800  }
0x73: {  	[spmem:s1] =	stream.indirect.scatter.add.f32 [tilespmem:s5], [sflag:$0x2], $0x20, s30, s31, $0xb8;
	[tilespmem:$0x148A0] =	vst v63  }
0x74: {  	s21 =	simm.s32 $0x640;
	s15 =	simm.s32 $0x6;
	_ =	swait.ge [sflag:s16], $0x2800  }
0x75: {  	s22 =	simm.s32 @!p3 $0x500;
	s23 =	simm.s32 @!p3 $0x140;
	[sflag:s16] =	ssyncset.done $0x0  }
.LBB2_2:
0x76: {  	s20 =	smov.u32 s19  }
0x77: {  	s24 =	simm.s32 @!p3 $0x9D80;
	s25 =	smov.u32 s15;
	s15 =	sadd.s32 $0x2, s15  }
0x78: {  	s30 =	smov.u32 s19;
	s2 =	smov.u32 s21;
	[sflag:s16] =	ssyncadd.s32 $0xFFFFD800  }
0x79: {  	[tilespmem:s24], [sflag:$0x1] =	stream.indirect.gather @!p3 [hbm4b:s4+s23], $0x20, s22, s23, $0xb8;
	[tilespmem:$0x148A0] =	vst v63  }
0x7a: {  	p2 =	sne.s32 s15, $0x40;
	_ =	swait.ge [sflag:s3], $0x2800  }
0x7b: {  	s22 =	sadd.s32 $0xFFFFFEC0, s19;
	[sflag:s3] =	ssyncset.done $0x0  }
0x7c: {  	[sflag:s3] =	ssyncadd.s32 $0xFFFFD800  }
0x7d: {  	[spmem:s1] =	stream.indirect.scatter.add.f32 [tilespmem:s0], [sflag:$0x2], $0x20, s22, s31, $0xb8;
	[tilespmem:$0x148A0] =	vst v63  }
0x7e: {  	_ =	swait.ge [sflag:s16], $0x2800  }
0x7f: {  	[sflag:s16] =	ssyncset.done $0x0  }
0x80: {  	[sflag:s16] =	ssyncadd.s32 $0xFFFFD800  }
0x81: {  	[tilespmem:s5], [sflag:$0x1] =	stream.indirect.gather [hbm4b:s4+s31], $0x20, s21, s31, $0xb8;
	[tilespmem:$0x148A0] =	vst v63  }
0x82: {  	_ =	swait.ge [sflag:s3], $0x2800  }
.Ltmp0:
0x83: {  	[sflag:s3] =	ssyncset.done $0x0;
	(pc) =	sbr.rel @p2 .LBB2_2-.Ltmp0, $4  }
0x84: {  	s19 =	sadd.s32 $0x280, s19;
	[sflag:s3] =	ssyncadd.s32 $0xFFFFD800  }
0x85: {  	[spmem:s1] =	stream.indirect.scatter.add.f32 [tilespmem:s5], [sflag:$0x2], $0x20, s30, s31, $0xb8;
	[tilespmem:$0x148A0] =	vst v63  }
0x86: {  	p3 =	sge.u32 s25, s12;
	s21 =	sadd.s32 $0x280, s21;
	_ =	swait.ge [sflag:s16], $0x2800  }
0x87: {  	s23 =	simm.s32 @!p3 $0x140;
	s22 =	sadd.s32 @!p3 $0x140, s2;
	[sflag:s16] =	ssyncset.done $0x0  }
0x88: {  	[sflag:s16] =	ssyncadd.s32 $0xFFFFD800;
	s2 =	simm.s32 @!p3 $0x9D80  }
0x89: {  	[tilespmem:s2], [sflag:$0x1] =	stream.indirect.gather @!p3 [hbm4b:s4+s23], $0x20, s22, s23, $0xb8;
	[tilespmem:$0x148A0] =	vst v63  }
0x8a: {  	s2 =	simm.s32 @p1 $0x2  }
0x8b: {  	_ =	swait.ge @p1 [sflag:s2], $0x2800  }
0x8c: {  	[sflag:s2] =	ssyncset.done @p1 $0x0  }
0x8d: {  	[sflag:s2] =	ssyncadd.s32 @p1 $0xFFFFD800;
	s2 =	simm.s32 @!p1 $0x1  }
0x8e: {  	_ =	swait.ge @!p1 [sflag:s2], $0x2800  }
0x8f: {  	s15 =	simm.s32 @!p1 $0x140;
	[sflag:s2] =	ssyncset.done @!p1 $0x0  }
0x90: {  	s19 =	simm.s32 @!p1 $0x9D80;
	[sflag:s2] =	ssyncadd.s32 @!p1 $0xFFFFD800;
	s2 =	sadd.s32 @!p1 $0x140, s20  }
0x91: {  	[spmem:s1] =	stream.indirect.scatter.add.f32 @!p1 [tilespmem:s19], [sflag:$0x2], $0x20, s2, s15, $0xb8;
	[tilespmem:$0x148A0] =	vst v63  }
0x92: {  	s2 =	simm.s32 @!p1 $0x2  }
0x93: {  	_ =	swait.ge @!p1 [sflag:s2], $0x2800  }
0x94: {  	[sflag:s2] =	ssyncset.done @!p1 $0x0  }
0x95: {  	[sflag:s2] =	ssyncadd.s32 @!p1 $0xFFFFD800  }
0x96: {  	_ =	swait.ge @!p1 [sflag:s2], $0x2800  }
0x97: {  	[sflag:s2] =	ssyncset.done @!p1 $0x0  }
0x98: {  	[sflag:s2] =	ssyncadd.s32 @!p1 $0xFFFFD800  }
0x99: {  	[bflag:$0x0] =	sbarrier.arrive $0xFFFF  }
0x9a: {  	[tilespmem:s28], [sflag:$0x3] =	stream.linear.gather [spmem:s6], $0xD00, $0x38;
	[tilespmem:$0x148A0] =	vst v63  }
0x9b: {  	_ =	swait.ge [sflag:s29], $0xD00  }
0x9c: {  	[sflag:s29] =	ssyncset.done $0x0  }
0x9d: {  	s20 =	rddreg [dreg:$0x7];
	[sflag:s29] =	ssyncadd.s32 $0xFFFFF300  }
0x9e: {  	[hbm4b:s20+s17] =	stream.strided.scatter [tilespmem:s28], [sflag:$0x3], $0xD00, s18, s17, $0x38;
	[tilespmem:$0x148A0] =	vst v63  }
0x9f: {  	_ =	swait.ge [sflag:s29], $0xD00  }
0xa0: {  	[sflag:s29] =	ssyncset.done $0x0  }
0xa1: {  	[sflag:s29] =	ssyncadd.s32 $0xFFFFF300  }
0xa2: {  	[tilespmem:s28], [sflag:$0x3] =	stream.linear.gather [spmem:s7], $0xD00, $0x38;
	[tilespmem:$0x148A0] =	vst v63  }
0xa3: {  	_ =	swait.ge [sflag:s29], $0xD00  }
0xa4: {  	[sflag:s29] =	ssyncset.done $0x0  }
0xa5: {  	s21 =	rddreg [dreg:$0x8];
	[sflag:s29] =	ssyncadd.s32 $0xFFFFF300  }
0xa6: {  	[hbm4b:s21+s17] =	stream.strided.scatter [tilespmem:s28], [sflag:$0x3], $0xD00, s18, s17, $0x38;
	[tilespmem:$0x148A0] =	vst v63  }
0xa7: {  	_ =	swait.ge [sflag:s29], $0xD00  }
0xa8: {  	[sflag:s29] =	ssyncset.done $0x0  }
0xa9: {  	[sflag:s29] =	ssyncadd.s32 $0xFFFFF300  }
0xaa: {  	[tilespmem:s28], [sflag:$0x3] =	stream.linear.gather [spmem:s8], $0xD00, $0x38;
	[tilespmem:$0x148A0] =	vst v63  }
0xab: {  	_ =	swait.ge [sflag:s29], $0xD00  }
0xac: {  	[sflag:s29] =	ssyncset.done $0x0  }
0xad: {  	s22 =	rddreg [dreg:$0x9];
	[sflag:s29] =	ssyncadd.s32 $0xFFFFF300  }
0xae: {  	[hbm4b:s22+s17] =	stream.strided.scatter [tilespmem:s28], [sflag:$0x3], $0xD00, s18, s17, $0x38;
	[tilespmem:$0x148A0] =	vst v63  }
0xaf: {  	_ =	swait.ge [sflag:s29], $0xD00  }
0xb0: {  	[sflag:s29] =	ssyncset.done $0x0  }
0xb1: {  	[sflag:s29] =	ssyncadd.s32 $0xFFFFF300  }
0xb2: {  	[tilespmem:s28], [sflag:$0x3] =	stream.linear.gather [spmem:s9], $0xD00, $0x38;
	[tilespmem:$0x148A0] =	vst v63  }
0xb3: {  	_ =	swait.ge [sflag:s29], $0xD00  }
0xb4: {  	[sflag:s29] =	ssyncset.done $0x0  }
0xb5: {  	s23 =	rddreg [dreg:$0xa];
	[sflag:s29] =	ssyncadd.s32 $0xFFFFF300  }
0xb6: {  	[hbm4b:s23+s17] =	stream.strided.scatter [tilespmem:s28], [sflag:$0x3], $0xD00, s18, s17, $0x38;
	[tilespmem:$0x148A0] =	vst v63  }
0xb7: {  	_ =	swait.ge [sflag:s29], $0xD00  }
0xb8: {  	[sflag:s29] =	ssyncset.done $0x0  }
0xb9: {  	[sflag:s29] =	ssyncadd.s32 $0xFFFFF300  }
0xba: {  	[tilespmem:s28], [sflag:$0x3] =	stream.linear.gather [spmem:s10], $0xD00, $0x38;
	[tilespmem:$0x148A0] =	vst v63  }
0xbb: {  	_ =	swait.ge [sflag:s29], $0xD00  }
0xbc: {  	[sflag:s29] =	ssyncset.done $0x0  }
0xbd: {  	s24 =	rddreg [dreg:$0xb];
	[sflag:s29] =	ssyncadd.s32 $0xFFFFF300  }
0xbe: {  	[hbm4b:s24+s17] =	stream.strided.scatter [tilespmem:s28], [sflag:$0x3], $0xD00, s18, s17, $0x38;
	[tilespmem:$0x148A0] =	vst v63  }
0xbf: {  	_ =	swait.ge [sflag:s29], $0xD00  }
0xc0: {  	[sflag:s29] =	ssyncset.done $0x0  }
0xc1: {  	[sflag:s29] =	ssyncadd.s32 $0xFFFFF300  }
0xc2: {  	[tilespmem:s28], [sflag:$0x3] =	stream.linear.gather [spmem:s11], $0xD00, $0x38;
	[tilespmem:$0x148A0] =	vst v63  }
0xc3: {  	_ =	swait.ge [sflag:s29], $0xD00  }
0xc4: {  	[sflag:s29] =	ssyncset.done $0x0  }
0xc5: {  	s25 =	rddreg [dreg:$0xc];
	[sflag:s29] =	ssyncadd.s32 $0xFFFFF300  }
0xc6: {  	[hbm4b:s25+s17] =	stream.strided.scatter [tilespmem:s28], [sflag:$0x3], $0xD00, s18, s17, $0x38;
	[tilespmem:$0x148A0] =	vst v63  }
0xc7: {  	_ =	swait.ge [sflag:s29], $0xD00  }
0xc8: {  	[sflag:s29] =	ssyncset.done $0x0  }
0xc9: {  	s15 =	simm.s32 @!p0 $0x3;
	s2 =	simm.s32 @!p0 $0x9D80;
	[sflag:s29] =	ssyncadd.s32 $0xFFFFF300  }
0xca: {  	[tilespmem:s2], [sflag:$0x3] =	stream.linear.gather @!p0 [spmem:s26], $0x200, $0x38;
	[tilespmem:$0x148A0] =	vst v63  }
0xcb: {  	_ =	swait.ge @!p0 [sflag:s15], $0x200  }
0xcc: {  	s19 =	simm.s32 @!p0 $0x20;
	[sflag:s15] =	ssyncset.done @!p0 $0x0  }
0xcd: {  	s20 =	simm.s32 @!p0 $0x40;
	s21 =	rddreg [dreg:$0xf];
	[sflag:s15] =	ssyncadd.s32 @!p0 $0xFFFFFE00  }
0xce: {  	[hbm4b:s21+s19] =	stream.strided.scatter @!p0 [tilespmem:s2], [sflag:$0x3], $0x200, s20, s19, $0x38;
	[tilespmem:$0x148A0] =	vst v63  }
0xcf: {  	_ =	swait.ge @!p0 [sflag:s15], $0x200  }
0xd0: {  	s14 =	sadd.s32 $0x1, s14;
	s30 =	rddreg [dreg:$0x10]  }
0xd1: {  	p2 =	sne.s32 s14, s30  }
.Ltmp1:
0xd2: {  	_ = 	snop;
	(pc) =	sbr.rel @p2 .LBB2_1-.Ltmp1, $3  }
0xd3: {  	_ =	sdelay $0x1  }
0xd4: {  	[sflag:s15] =	ssyncset.done @!p0 $0x0  }
0xd5: {  	[sflag:s15] =	ssyncadd.s32 @!p0 $0xFFFFFE00  }
0xd6: {  	_ =	sfence.sel $0x180000  }
0xd7: {  	[bflag:$0x0] =	sbarrier.arrive $0xFFFF  }
0xd8: {  	_ =	strace $0x90000050  }
0xd9: {  	s0 =	stileid.u32;
	[bflag:$0x2] =	sbarrier.arrive $0xFFFF  }
0xda: {  	p0 =	sne.s32 s0, $0x0;
	s0 =	rddreg [dreg:$0x3]  }
0xdb: {  	s0 =	sadd.s32 @!p0 $0x100000, s0  }
0xdc: {  	[sflag:s0] =	ssyncadd.tile.s32 @!p0 $0x1;
	_ =	shalt  }
.Lfunc_end2:
_tile_overlayer_lowered:
.L_overlay_start_2:
0xdd: {  	(tag) =	ssettag $0x2  }
0xde: {  	s0 =	rddreg [dreg:$0x0];
	s2 =	stileid.u32  }
0xdf: {  	s1 =	rddreg [dreg:$0x1];
	p0 =	sne.s32 s2, $0x0  }
0xe0: {  	s3 =	rddreg [dreg:$0x2];
	[bflag:$0x3] =	sbarrier.arrive $0xFFFF;
	s2 =	simm.s32 @!p0 $0x1C03  }
0xe1: {  	[timem:s3], [sflag:s2] =	dma.local @!p0 [hbm:s0], s1  }
0xe2: {  	s0 =	simm.s32 @!p0 $0x3  }
0xe3: {  	_ =	swait.ge @!p0 [sflag:s0], s1  }
0xe4: {  	s1 =	ssub.s32 @!p0 $0x0, s1;
	[sflag:s0] =	ssyncset.done @!p0 $0x0  }
0xe5: {  	[sflag:s0] =	ssyncadd.s32 @!p0 s1  }
0xe6: {  	[bflag:$0x3] =	sbarrier.arrive $0xFFFF  }
0xe7: {  	_ =	shalt  }

</sc_bundles>
